<compile_context>
chip_gen: v7x
topology: tpu7x:2x2x1
jax: 0.10.2.dev20260603
libtpu: 0.0.44.dev20260713+nightly
codegen_flags: <defaults>
</compile_context>

<pallas_src>
import functools

import jax
import jax.numpy as jnp
from jax import lax
from jax.experimental import pallas as pl
from jax.experimental.pallas import tpu as pltpu
from jax.experimental.pallas import tpu_sc as plsc

VOCAB = 1000000
DIM = 32
BATCH = 16384

_NUM_CORES = 2
_NUM_SUBCORES = 16
_NW = _NUM_CORES * _NUM_SUBCORES
_TCOLS = 245
_WIN = _TCOLS * 128
_CW = 768
_NCHUNK = 42
_MAX_S = 999296
_NVEC = BATCH // 16


def _build_gather():
    mesh = plsc.VectorSubcoreMesh(core_axis_name="c", subcore_axis_name="s")

    @functools.partial(
        pl.kernel,
        mesh=mesh,
        out_type=jax.ShapeDtypeStruct((BATCH, 128), jnp.float32),
        scratch_types=[
            pltpu.VMEM((BATCH,), jnp.int32),
            pltpu.VMEM((BATCH,), jnp.int32),
            pltpu.VMEM((BATCH,), jnp.int32),
            pltpu.VMEM((DIM, _CW), jnp.float32),
            pltpu.VMEM((DIM, _CW), jnp.float32),
            pltpu.VMEM((DIM, _CW), jnp.float32),
            pltpu.VMEM((16, 128), jnp.float32),
            pltpu.VMEM((16, 128), jnp.float32),
            pltpu.VMEM((16,), jnp.int32),
            pltpu.VMEM((16,), jnp.int32),
            pltpu.SemaphoreType.DMA,
            pltpu.SemaphoreType.DMA,
            pltpu.SemaphoreType.DMA,
            pltpu.SemaphoreType.DMA,
            pltpu.SemaphoreType.DMA,
        ],
        compiler_params=pltpu.CompilerParams(
            needs_layout_passes=False, skip_device_barrier=True
        ),
    )
    def gather_kernel(tbl, idx_hbm, out_hbm, idx_v, dense, chits,
                      ch_a, ch_b, ch_c, rb_a, rb_b, bv_a, bv_b,
                      sa, sb, sc, wa, wb):
        w = lax.axis_index("s") * _NUM_CORES + lax.axis_index("c")
        lo = w * _WIN
        hi = jnp.minimum(lo + _WIN, VOCAB)
        iota = lax.iota(jnp.int32, 16)

        def chunk_start(k):
            return jnp.minimum(lo + k * _CW, _MAX_S)

        def enq_chunk(buf, k, sem):
            coff = pl.multiple_of(chunk_start(k), 128)
            pltpu.async_copy(tbl.at[:, pl.ds(coff, _CW)], buf, sem)

        def drain_chunk(buf, sem):
            pltpu.make_async_copy(tbl.at[:, pl.ds(0, _CW)], buf, sem).wait()

        pltpu.sync_copy(idx_hbm, idx_v)
        enq_chunk(ch_a, 0, sa)
        enq_chunk(ch_b, 1, sb)
        enq_chunk(ch_c, 2, sc)

        def scan_body(g, cur):
            iv = idx_v[pl.ds(pl.multiple_of(g * 16, 16), 16)]
            m = (iv >= lo) & (iv < hi)
            mi = m.astype(jnp.int32)
            cs = plsc.cumsum(mi)
            packed = (iv - lo) * BATCH + g * 16 + iota
            plsc.store_scatter(dense, [cur + cs - mi], packed, mask=m)
            return cur + cs[15]

        m_total = lax.fori_loop(0, _NVEC, scan_body, 0)
        n_dvec = (m_total + 15) >> 4

        def do_group(h0, m_k, s_rel, buf, rb, bv, sem, flag):
            guard = h0 < m_k

            @pl.when(guard)
            def _():
                hv = chits[pl.ds(pl.multiple_of(h0, 16), 16)]
                valid = (h0 + iota) < m_k
                hv2 = jnp.where(valid, hv, jnp.broadcast_to(hv[0], (16,)))
                jc = (hv2 >> 14) - s_rel
                b = hv2 & (BATCH - 1)

                @pl.when(flag > 0)
                def _():
                    pltpu.make_async_copy(rb, out_hbm.at[bv], sem).wait()

                for f in range(DIM):
                    fv = jnp.broadcast_to(jnp.int32(f), (16,))
                    vals = plsc.load_gather(buf, [fv, jc])
                    plsc.store_scatter(rb, [iota, fv], vals)
                bv[...] = b
                pltpu.async_copy(rb, out_hbm.at[bv], sem)

            return jnp.where(guard, jnp.int32(1), flag)

        def process_chunk(k, buf, sem, fa, fb):
            drain_chunk(buf, sem)
            s_rel = chunk_start(k) - lo

            def cc_body(v, cur):
                dv = dense[pl.ds(pl.multiple_of(v * 16, 16), 16)]
                rel = dv >> 14
                mm = ((v * 16 + iota) < m_total) \
                    & (rel >= k * _CW) & (rel < (k + 1) * _CW)
                mi = mm.astype(jnp.int32)
                cs = plsc.cumsum(mi)
                plsc.store_scatter(chits, [cur + cs - mi], dv, mask=mm)
                return cur + cs[15]

            m_k = lax.fori_loop(0, n_dvec, cc_body, 0)

            def ex_body(t, fs):
                f1 = do_group(t * 32, m_k, s_rel, buf, rb_a, bv_a, wa, fs[0])
                f2 = do_group(t * 32 + 16, m_k, s_rel, buf, rb_b, bv_b, wb,
                              fs[1])
                return (f1, f2)

            return lax.fori_loop(0, (m_k + 31) >> 5, ex_body, (fa, fb))

        def chunk_triple(j, fs):
            k = j * 3
            fa, fb = fs

            for off, buf, sem in ((0, ch_a, sa), (1, ch_b, sb), (2, ch_c, sc)):
                fa, fb = process_chunk(k + off, buf, sem, fa, fb)

                @pl.when(k + off + 3 < _NCHUNK)
                def _(buf=buf, sem=sem, off=off):
                    enq_chunk(buf, k + off + 3, sem)

            return (fa, fb)

        fa, fb = lax.fori_loop(0, _NCHUNK // 3, chunk_triple,
                               (jnp.int32(0), jnp.int32(0)))

        @pl.when(fa > 0)
        def _():
            pltpu.make_async_copy(rb_a, out_hbm.at[bv_a], wa).wait()

        @pl.when(fb > 0)
        def _():
            pltpu.make_async_copy(rb_b, out_hbm.at[bv_b], wb).wait()

    return gather_kernel


_gather = _build_gather()


def kernel(table, feedid):
    out_pad = _gather(table.T, feedid)
    return out_pad[:, :DIM]

# --- scband reference (transcript-rebuilt; emitter-appended) ---
"""Pipeline reference for scband-side-information-layer-8821862826071 (READ-ONLY COPY).

The authoritative reference and input builder live on the scoring server;
editing this copy changes nothing except your own understanding.
"""

import jax, jax.numpy as jnp
import numpy as np

VOCAB = 1000000
DIM = 32
BATCH = 16384


def setup_inputs(seed: int = 0) -> dict:
    key = jax.random.key(seed)
    k1, k2 = jax.random.split(key)
    # Side-information table for the selected feature (e.g. 'manual_tag_list'),
    # stored as a dense [vocab, dim] buffer exactly like the torch module's
    # ModuleDict entry side_info_layers[feature].
    table = jax.random.normal(k1, (VOCAB, DIM), dtype=jnp.float32)
    feedid = jax.random.randint(k2, (BATCH,), 0, VOCAB, dtype=jnp.int32)
    return {"table": table, "feedid": feedid}


def reference(table, feedid):
    # forward: self.side_info_layers[feature][feedid]
    # 'feature' selects which table; here it is closed over as the single
    # materialized table. The lookup itself is a pure row gather.
    return jnp.take(table, feedid, axis=0)

if __name__ == "__main__":
    import jax
    _d = setup_inputs()
    print(jax.jit(kernel)(*tuple(_d.values())))

</pallas_src>

<mosaic_0001>
#map = affine_map<(d0, d1) -> (0, 0)>
#map1 = affine_map<(d0, d1) -> (0)>
module attributes {stable_mosaic.version = 14 : i64} {
  func.func @gather_kernel(%arg0: i32, %arg1: i32, %arg2: memref<32x1000000xf32, #tpu.memory_space<hbm>>, %arg3: memref<16384xi32, #tpu.memory_space<hbm>>, %arg4: memref<16384x128xf32, #tpu.memory_space<hbm>>, %arg5: memref<16384xi32, #tpu.memory_space<vmem>>, %arg6: memref<16384xi32, #tpu.memory_space<vmem>>, %arg7: memref<16384xi32, #tpu.memory_space<vmem>>, %arg8: memref<32x768xf32, #tpu.memory_space<vmem>>, %arg9: memref<32x768xf32, #tpu.memory_space<vmem>>, %arg10: memref<32x768xf32, #tpu.memory_space<vmem>>, %arg11: memref<16x128xf32, #tpu.memory_space<vmem>>, %arg12: memref<16x128xf32, #tpu.memory_space<vmem>>, %arg13: memref<16xi32, #tpu.memory_space<vmem>>, %arg14: memref<16xi32, #tpu.memory_space<vmem>>, %arg15: memref<!tpu.dma_semaphore, #tpu.memory_space<semaphore_mem>>, %arg16: memref<!tpu.dma_semaphore, #tpu.memory_space<semaphore_mem>>, %arg17: memref<!tpu.dma_semaphore, #tpu.memory_space<semaphore_mem>>, %arg18: memref<!tpu.dma_semaphore, #tpu.memory_space<semaphore_mem>>, %arg19: memref<!tpu.dma_semaphore, #tpu.memory_space<semaphore_mem>>) attributes {dimension_semantics = [#tpu.dimension_semantics<core_parallel>, #tpu.dimension_semantics<subcore_parallel>], iteration_bounds = array<i64: 2, 16>, scalar_prefetch = 0 : i64, scratch_operands = 15 : i64, tpu.core_type = #tpu.core_type<sc_vector_subcore>, window_params = [{transform_indices = #map}, {transform_indices = #map1}, {transform_indices = #map}]} {
    %mul3A = arith.constant 2 : i32
    %mul3A_0 = arith.muli %arg1, %mul3A : i32
    %add3A = arith.addi %mul3A_0, %arg0 : i32
    %mul3A_1 = arith.constant 31360 : i32
    %mul3A_2 = arith.muli %add3A, %mul3A_1 : i32
    %add3A_3 = arith.constant 31360 : i32
    %add3A_4 = arith.addi %mul3A_2, %add3A_3 : i32
    %min3A = arith.constant 1000000 : i32
    %min3A_5 = arith.minsi %add3A_4, %min3A : i32
    %iota3A = tpu.iota {dimensions = array<i32: 0>} : vector<16xi32>
    "tpu.region"() ({
      %run_scoped3A = tpu.sem_alloc : memref<!tpu.dma_semaphore, #tpu.memory_space<semaphore_mem>>
      tpu.enqueue_dma source(%arg3 : memref<16384xi32, #tpu.memory_space<hbm>>) target(%arg5 : memref<16384xi32, #tpu.memory_space<vmem>>) target_semaphore(%run_scoped3A : memref<!tpu.dma_semaphore, #tpu.memory_space<semaphore_mem>>)
      tpu.wait_dma2 semaphore(%run_scoped3A : memref<!tpu.dma_semaphore, #tpu.memory_space<semaphore_mem>>) src(%arg3 : memref<16384xi32, #tpu.memory_space<hbm>>) dst(%arg5 : memref<16384xi32, #tpu.memory_space<vmem>>)
      tpu.yield
    }) : () -> ()
    %add3A_6 = arith.constant 0 : i32
    %add3A_7 = arith.addi %mul3A_2, %add3A_6 : i32
    %min3A_8 = arith.constant 999296 : i32
    %min3A_9 = arith.minsi %add3A_7, %min3A_8 : i32
    %multiple_of3A = tpu.assume_multiple %min3A_9, 128 : i32
    %dma_start3A = arith.constant 0 : i32
    %dma_start3A_10 = tpu.memref_slice %arg2[%dma_start3A, %multiple_of3A] : memref<32x1000000xf32, #tpu.memory_space<hbm>> -> memref<32x768xf32, #tpu.memory_space<hbm>>
    %dma_start3A_11 = arith.constant 0 : i32
    %dma_start3A_12 = tpu.memref_slice %arg2[%dma_start3A_11, %multiple_of3A] : memref<32x1000000xf32, #tpu.memory_space<hbm>> -> memref<32x768xf32, #tpu.memory_space<hbm>>
    tpu.enqueue_dma source(%dma_start3A_12 : memref<32x768xf32, #tpu.memory_space<hbm>>) target(%arg8 : memref<32x768xf32, #tpu.memory_space<vmem>>) target_semaphore(%arg15 : memref<!tpu.dma_semaphore, #tpu.memory_space<semaphore_mem>>)
    %add3A_13 = arith.constant 768 : i32
    %add3A_14 = arith.addi %mul3A_2, %add3A_13 : i32
    %min3A_15 = arith.constant 999296 : i32
    %min3A_16 = arith.minsi %add3A_14, %min3A_15 : i32
    %multiple_of3A_17 = tpu.assume_multiple %min3A_16, 128 : i32
    %dma_start3A_18 = arith.constant 0 : i32
    %dma_start3A_19 = tpu.memref_slice %arg2[%dma_start3A_18, %multiple_of3A_17] : memref<32x1000000xf32, #tpu.memory_space<hbm>> -> memref<32x768xf32, #tpu.memory_space<hbm>>
    %dma_start3A_20 = arith.constant 0 : i32
    %dma_start3A_21 = tpu.memref_slice %arg2[%dma_start3A_20, %multiple_of3A_17] : memref<32x1000000xf32, #tpu.memory_space<hbm>> -> memref<32x768xf32, #tpu.memory_space<hbm>>
    tpu.enqueue_dma source(%dma_start3A_21 : memref<32x768xf32, #tpu.memory_space<hbm>>) target(%arg9 : memref<32x768xf32, #tpu.memory_space<vmem>>) target_semaphore(%arg16 : memref<!tpu.dma_semaphore, #tpu.memory_space<semaphore_mem>>)
    %add3A_22 = arith.constant 1536 : i32
    %add3A_23 = arith.addi %mul3A_2, %add3A_22 : i32
    %min3A_24 = arith.constant 999296 : i32
    %min3A_25 = arith.minsi %add3A_23, %min3A_24 : i32
    %multiple_of3A_26 = tpu.assume_multiple %min3A_25, 128 : i32
    %dma_start3A_27 = arith.constant 0 : i32
    %dma_start3A_28 = tpu.memref_slice %arg2[%dma_start3A_27, %multiple_of3A_26] : memref<32x1000000xf32, #tpu.memory_space<hbm>> -> memref<32x768xf32, #tpu.memory_space<hbm>>
    %dma_start3A_29 = arith.constant 0 : i32
    %dma_start3A_30 = tpu.memref_slice %arg2[%dma_start3A_29, %multiple_of3A_26] : memref<32x1000000xf32, #tpu.memory_space<hbm>> -> memref<32x768xf32, #tpu.memory_space<hbm>>
    tpu.enqueue_dma source(%dma_start3A_30 : memref<32x768xf32, #tpu.memory_space<hbm>>) target(%arg10 : memref<32x768xf32, #tpu.memory_space<vmem>>) target_semaphore(%arg17 : memref<!tpu.dma_semaphore, #tpu.memory_space<semaphore_mem>>)
    %scan3A = arith.constant 0 : i32
    %scan3A_31 = arith.constant 0 : i32
    %scan3A_32 = arith.constant 1024 : i32
    %scan3A_33 = arith.addi %scan3A_31, %scan3A_32 : i32
    %scan3A_34 = arith.constant 1 : i32
    %scan3A_35 = scf.for %scan3A_55 = %scan3A_31 to %scan3A_33 step %scan3A_34 iter_args(%scan3A_56 = %scan3A) -> (i32)  : i32 {
      %mul3A_57 = arith.constant 16 : i32
      %mul3A_58 = arith.muli %scan3A_55, %mul3A_57 : i32
      %multiple_of3A_59 = tpu.assume_multiple %mul3A_58, 16 : i32
      %get3A = arith.index_cast %multiple_of3A_59 : i32 to index
      %get3A_60 = tpu.vector_load %arg5[%get3A] {strides = array<i32>} : memref<16384xi32, #tpu.memory_space<vmem>>, vector<16xi32>,
      %ge3A = vector.broadcast %mul3A_2 : i32 to vector<16xi32>
      %ge3A_61 = arith.cmpi sge, %get3A_60, %ge3A : vector<16xi32>
      %lt3A = vector.broadcast %min3A_5 : i32 to vector<16xi32>
      %lt3A_62 = arith.cmpi slt, %get3A_60, %lt3A : vector<16xi32>
      %and3A = arith.andi %ge3A_61, %lt3A_62 : vector<16xi1>
      %convert_element_type3A_63 = arith.extui %and3A : vector<16xi1> to vector<16xi32>
      %broadcast_in_dim3A = arith.constant true
      %broadcast_in_dim3A_64 = vector.broadcast %broadcast_in_dim3A : i1 to vector<16xi1>
      %masked_cumsum3A = tpu.scan <sum>, %convert_element_type3A_63 masked %broadcast_in_dim3A_64 : vector<16xi32>, vector<16xi1> -> vector<16xi32>
      %sub3A = vector.broadcast %mul3A_2 : i32 to vector<16xi32>
      %sub3A_65 = arith.subi %get3A_60, %sub3A : vector<16xi32>
      %mul3A_66 = arith.constant 16384 : i32
      %mul3A_67 = vector.broadcast %mul3A_66 : i32 to vector<16xi32>
      %mul3A_68 = arith.muli %sub3A_65, %mul3A_67 : vector<16xi32>
      %mul3A_69 = arith.constant 16 : i32
      %mul3A_70 = arith.muli %scan3A_55, %mul3A_69 : i32
      %add3A_71 = vector.broadcast %mul3A_70 : i32 to vector<16xi32>
      %add3A_72 = arith.addi %mul3A_68, %add3A_71 : vector<16xi32>
      %add3A_73 = arith.addi %add3A_72, %iota3A : vector<16xi32>
      %add3A_74 = vector.broadcast %scan3A_56 : i32 to vector<16xi32>
      %add3A_75 = arith.addi %add3A_74, %masked_cumsum3A : vector<16xi32>
      %sub3A_76 = arith.subi %add3A_75, %convert_element_type3A_63 : vector<16xi32>
      tpu.vector_store_idx %arg6[%sub3A_76], %add3A_73 masked %and3A : memref<16384xi32, #tpu.memory_space<vmem>>[vector<16xi32>], vector<16xi32>, vector<16xi1>
      %slice3A = vector.extract_strided_slice %masked_cumsum3A {offsets = [15], sizes = [1], strides = [1]} : vector<16xi32> to vector<1xi32>
      %squeeze3A = vector.extract %slice3A[0] : i32 from vector<1xi32>
      %add3A_77 = arith.addi %scan3A_56, %squeeze3A : i32
      scf.yield %add3A_77 : i32
    }
    %scan3A_36 = arith.constant 1024 : i32
    %add3A_37 = arith.constant 15 : i32
    %add3A_38 = arith.addi %scan3A_35, %add3A_37 : i32
    %shift_right_arithmetic3A = arith.constant 4 : i32
    %shift_right_arithmetic3A_39 = arith.shrsi %add3A_38, %shift_right_arithmetic3A : i32
    %scan3A_40 = arith.constant 0 : i32
    %scan3A_41 = arith.constant 0 : i32
    %scan3A_42 = arith.constant 0 : i32
    %scan3A_43 = arith.constant 14 : i32
    %scan3A_44 = arith.addi %scan3A_42, %scan3A_43 : i32
    %scan3A_45 = arith.constant 1 : i32
    %scan3A_46:2 = scf.for %scan3A_55 = %scan3A_42 to %scan3A_44 step %scan3A_45 iter_args(%scan3A_56 = %scan3A_40, %scan3A_57 = %scan3A_41) -> (i32, i32)  : i32 {
      %mul3A_58 = arith.constant 3 : i32
      %mul3A_59 = arith.muli %scan3A_55, %mul3A_58 : i32
      %add3A_60 = arith.constant 0 : i32
      %add3A_61 = arith.addi %mul3A_59, %add3A_60 : i32
      %dma_wait3A = arith.constant 0 : i32
      %dma_wait3A_62 = arith.constant 0 : i32
      %dma_wait3A_63 = tpu.memref_slice %arg2[%dma_wait3A, %dma_wait3A_62] : memref<32x1000000xf32, #tpu.memory_space<hbm>> -> memref<32x768xf32, #tpu.memory_space<hbm>>
      %dma_wait3A_64 = arith.constant 0 : i32
      %dma_wait3A_65 = arith.constant 0 : i32
      %dma_wait3A_66 = tpu.memref_slice %arg2[%dma_wait3A_64, %dma_wait3A_65] : memref<32x1000000xf32, #tpu.memory_space<hbm>> -> memref<32x768xf32, #tpu.memory_space<hbm>>
      tpu.wait_dma2 semaphore(%arg15 : memref<!tpu.dma_semaphore, #tpu.memory_space<semaphore_mem>>) src(%dma_wait3A_66 : memref<32x768xf32, #tpu.memory_space<hbm>>) dst(%arg8 : memref<32x768xf32, #tpu.memory_space<vmem>>)
      %mul3A_67 = arith.constant 768 : i32
      %mul3A_68 = arith.muli %add3A_61, %mul3A_67 : i32
      %add3A_69 = arith.addi %mul3A_2, %mul3A_68 : i32
      %min3A_70 = arith.constant 999296 : i32
      %min3A_71 = arith.minsi %add3A_69, %min3A_70 : i32
      %sub3A = arith.subi %min3A_71, %mul3A_2 : i32
      %while3A = arith.constant 0 : i32
      %while3A_72 = arith.constant 0 : i32
      %while3A_73 = arith.subi %shift_right_arithmetic3A_39, %while3A : i32
      %while3A_74 = arith.addi %while3A, %while3A_73 : i32
      %while3A_75 = arith.constant 1 : i32
      %while3A_76 = arith.divsi %while3A_73, %while3A_75 : i32
      %while3A_77 = arith.muli %while3A_76, %while3A_75 : i32
      %while3A_78 = arith.addi %while3A, %while3A_77 : i32
      %while3A_79 = arith.constant 1 : i32
      %while3A_80 = scf.for %while3A_206 = %while3A to %while3A_78 step %while3A_79 iter_args(%while3A_207 = %while3A_72) -> (i32)  : i32 {
        %mul3A_208 = arith.constant 16 : i32
        %mul3A_209 = arith.muli %while3A_206, %mul3A_208 : i32
        %multiple_of3A_210 = tpu.assume_multiple %mul3A_209, 16 : i32
        %get3A = arith.index_cast %multiple_of3A_210 : i32 to index
        %get3A_211 = tpu.vector_load %arg6[%get3A] {strides = array<i32>} : memref<16384xi32, #tpu.memory_space<vmem>>, vector<16xi32>,
        %shift_right_arithmetic3A_212 = arith.constant 14 : i32
        %shift_right_arithmetic3A_213 = vector.broadcast %shift_right_arithmetic3A_212 : i32 to vector<16xi32>
        %shift_right_arithmetic3A_214 = arith.shrsi %get3A_211, %shift_right_arithmetic3A_213 : vector<16xi32>
        %mul3A_215 = arith.constant 16 : i32
        %mul3A_216 = arith.muli %while3A_206, %mul3A_215 : i32
        %add3A_217 = vector.broadcast %mul3A_216 : i32 to vector<16xi32>
        %add3A_218 = arith.addi %add3A_217, %iota3A : vector<16xi32>
        %lt3A_219 = vector.broadcast %scan3A_35 : i32 to vector<16xi32>
        %lt3A_220 = arith.cmpi slt, %add3A_218, %lt3A_219 : vector<16xi32>
        %mul3A_221 = arith.constant 768 : i32
        %mul3A_222 = arith.muli %add3A_61, %mul3A_221 : i32
        %ge3A = vector.broadcast %mul3A_222 : i32 to vector<16xi32>
        %ge3A_223 = arith.cmpi sge, %shift_right_arithmetic3A_214, %ge3A : vector<16xi32>
        %and3A = arith.andi %lt3A_220, %ge3A_223 : vector<16xi1>
        %add3A_224 = arith.constant 1 : i32
        %add3A_225 = arith.addi %add3A_61, %add3A_224 : i32
        %mul3A_226 = arith.constant 768 : i32
        %mul3A_227 = arith.muli %add3A_225, %mul3A_226 : i32
        %lt3A_228 = vector.broadcast %mul3A_227 : i32 to vector<16xi32>
        %lt3A_229 = arith.cmpi slt, %shift_right_arithmetic3A_214, %lt3A_228 : vector<16xi32>
        %and3A_230 = arith.andi %and3A, %lt3A_229 : vector<16xi1>
        %convert_element_type3A_231 = arith.extui %and3A_230 : vector<16xi1> to vector<16xi32>
        %broadcast_in_dim3A = arith.constant true
        %broadcast_in_dim3A_232 = vector.broadcast %broadcast_in_dim3A : i1 to vector<16xi1>
        %masked_cumsum3A = tpu.scan <sum>, %convert_element_type3A_231 masked %broadcast_in_dim3A_232 : vector<16xi32>, vector<16xi1> -> vector<16xi32>
        %add3A_233 = vector.broadcast %while3A_207 : i32 to vector<16xi32>
        %add3A_234 = arith.addi %add3A_233, %masked_cumsum3A : vector<16xi32>
        %sub3A_235 = arith.subi %add3A_234, %convert_element_type3A_231 : vector<16xi32>
        tpu.vector_store_idx %arg7[%sub3A_235], %get3A_211 masked %and3A_230 : memref<16384xi32, #tpu.memory_space<vmem>>[vector<16xi32>], vector<16xi32>, vector<16xi1>
        %slice3A = vector.extract_strided_slice %masked_cumsum3A {offsets = [15], sizes = [1], strides = [1]} : vector<16xi32> to vector<1xi32>
        %squeeze3A = vector.extract %slice3A[0] : i32 from vector<1xi32>
        %add3A_236 = arith.addi %while3A_207, %squeeze3A : i32
        scf.yield %add3A_236 : i32
      }
      %while3A_81 = arith.constant 1 : i32
      %while3A_82 = scf.for %while3A_206 = %while3A_78 to %while3A_74 step %while3A_81 iter_args(%while3A_207 = %while3A_80) -> (i32)  : i32 {
        %mul3A_208 = arith.constant 16 : i32
        %mul3A_209 = arith.muli %while3A_206, %mul3A_208 : i32
        %multiple_of3A_210 = tpu.assume_multiple %mul3A_209, 16 : i32
        %get3A = arith.index_cast %multiple_of3A_210 : i32 to index
        %get3A_211 = tpu.vector_load %arg6[%get3A] {strides = array<i32>} : memref<16384xi32, #tpu.memory_space<vmem>>, vector<16xi32>,
        %shift_right_arithmetic3A_212 = arith.constant 14 : i32
        %shift_right_arithmetic3A_213 = vector.broadcast %shift_right_arithmetic3A_212 : i32 to vector<16xi32>
        %shift_right_arithmetic3A_214 = arith.shrsi %get3A_211, %shift_right_arithmetic3A_213 : vector<16xi32>
        %mul3A_215 = arith.constant 16 : i32
        %mul3A_216 = arith.muli %while3A_206, %mul3A_215 : i32
        %add3A_217 = vector.broadcast %mul3A_216 : i32 to vector<16xi32>
        %add3A_218 = arith.addi %add3A_217, %iota3A : vector<16xi32>
        %lt3A_219 = vector.broadcast %scan3A_35 : i32 to vector<16xi32>
        %lt3A_220 = arith.cmpi slt, %add3A_218, %lt3A_219 : vector<16xi32>
        %mul3A_221 = arith.constant 768 : i32
        %mul3A_222 = arith.muli %add3A_61, %mul3A_221 : i32
        %ge3A = vector.broadcast %mul3A_222 : i32 to vector<16xi32>
        %ge3A_223 = arith.cmpi sge, %shift_right_arithmetic3A_214, %ge3A : vector<16xi32>
        %and3A = arith.andi %lt3A_220, %ge3A_223 : vector<16xi1>
        %add3A_224 = arith.constant 1 : i32
        %add3A_225 = arith.addi %add3A_61, %add3A_224 : i32
        %mul3A_226 = arith.constant 768 : i32
        %mul3A_227 = arith.muli %add3A_225, %mul3A_226 : i32
        %lt3A_228 = vector.broadcast %mul3A_227 : i32 to vector<16xi32>
        %lt3A_229 = arith.cmpi slt, %shift_right_arithmetic3A_214, %lt3A_228 : vector<16xi32>
        %and3A_230 = arith.andi %and3A, %lt3A_229 : vector<16xi1>
        %convert_element_type3A_231 = arith.extui %and3A_230 : vector<16xi1> to vector<16xi32>
        %broadcast_in_dim3A = arith.constant true
        %broadcast_in_dim3A_232 = vector.broadcast %broadcast_in_dim3A : i1 to vector<16xi1>
        %masked_cumsum3A = tpu.scan <sum>, %convert_element_type3A_231 masked %broadcast_in_dim3A_232 : vector<16xi32>, vector<16xi1> -> vector<16xi32>
        %add3A_233 = vector.broadcast %while3A_207 : i32 to vector<16xi32>
        %add3A_234 = arith.addi %add3A_233, %masked_cumsum3A : vector<16xi32>
        %sub3A_235 = arith.subi %add3A_234, %convert_element_type3A_231 : vector<16xi32>
        tpu.vector_store_idx %arg7[%sub3A_235], %get3A_211 masked %and3A_230 : memref<16384xi32, #tpu.memory_space<vmem>>[vector<16xi32>], vector<16xi32>, vector<16xi1>
        %slice3A = vector.extract_strided_slice %masked_cumsum3A {offsets = [15], sizes = [1], strides = [1]} : vector<16xi32> to vector<1xi32>
        %squeeze3A = vector.extract %slice3A[0] : i32 from vector<1xi32>
        %add3A_236 = arith.addi %while3A_207, %squeeze3A : i32
        scf.yield %add3A_236 : i32
      }
      %add3A_83 = arith.constant 31 : i32
      %add3A_84 = arith.addi %while3A_82, %add3A_83 : i32
      %shift_right_arithmetic3A_85 = arith.constant 5 : i32
      %shift_right_arithmetic3A_86 = arith.shrsi %add3A_84, %shift_right_arithmetic3A_85 : i32
      %while3A_87 = arith.constant 0 : i32
      %while3A_88 = arith.subi %shift_right_arithmetic3A_86, %while3A_87 : i32
      %while3A_89 = arith.addi %while3A_87, %while3A_88 : i32
      %while3A_90 = arith.constant 1 : i32
      %while3A_91 = arith.divsi %while3A_88, %while3A_90 : i32
      %while3A_92 = arith.muli %while3A_91, %while3A_90 : i32
      %while3A_93 = arith.addi %while3A_87, %while3A_92 : i32
      %while3A_94 = arith.constant 1 : i32
      %while3A_95:2 = scf.for %while3A_206 = %while3A_87 to %while3A_93 step %while3A_94 iter_args(%while3A_207 = %scan3A_56, %while3A_208 = %scan3A_57) -> (i32, i32)  : i32 {
        %mul3A_209 = arith.constant 32 : i32
        %mul3A_210 = arith.muli %while3A_206, %mul3A_209 : i32
        %lt3A_211 = arith.cmpi slt, %mul3A_210, %while3A_82 : i32
        %convert_element_type3A_212 = arith.extui %lt3A_211 : i1 to i32
        %cond3A_213 = arith.constant 0 : i32
        %cond3A_214 = arith.cmpi ne, %convert_element_type3A_212, %cond3A_213 : i32
        scf.if %cond3A_214 {
          %multiple_of3A_225 = tpu.assume_multiple %mul3A_210, 16 : i32
          %get3A = arith.index_cast %multiple_of3A_225 : i32 to index
          %get3A_226 = tpu.vector_load %arg7[%get3A] {strides = array<i32>} : memref<16384xi32, #tpu.memory_space<vmem>>, vector<16xi32>,
          %add3A_227 = vector.broadcast %mul3A_210 : i32 to vector<16xi32>
          %add3A_228 = arith.addi %add3A_227, %iota3A : vector<16xi32>
          %lt3A_229 = vector.broadcast %while3A_82 : i32 to vector<16xi32>
          %lt3A_230 = arith.cmpi slt, %add3A_228, %lt3A_229 : vector<16xi32>
          %slice3A = vector.extract_strided_slice %get3A_226 {offsets = [0], sizes = [1], strides = [1]} : vector<16xi32> to vector<1xi32>
          %squeeze3A = vector.extract %slice3A[0] : i32 from vector<1xi32>
          %broadcast_in_dim3A = vector.broadcast %squeeze3A : i32 to vector<16xi32>
          %select_n3A_231 = arith.select %lt3A_230, %get3A_226, %broadcast_in_dim3A : vector<16xi1>, vector<16xi32>
          %shift_right_arithmetic3A_232 = arith.constant 14 : i32
          %shift_right_arithmetic3A_233 = vector.broadcast %shift_right_arithmetic3A_232 : i32 to vector<16xi32>
          %shift_right_arithmetic3A_234 = arith.shrsi %select_n3A_231, %shift_right_arithmetic3A_233 : vector<16xi32>
          %sub3A_235 = vector.broadcast %sub3A : i32 to vector<16xi32>
          %sub3A_236 = arith.subi %shift_right_arithmetic3A_234, %sub3A_235 : vector<16xi32>
          %and3A = arith.constant 16383 : i32
          %and3A_237 = vector.broadcast %and3A : i32 to vector<16xi32>
          %and3A_238 = arith.andi %select_n3A_231, %and3A_237 : vector<16xi32>
          %gt3A_239 = arith.constant 0 : i32
          %gt3A_240 = arith.cmpi sgt, %while3A_207, %gt3A_239 : i32
          %convert_element_type3A_241 = arith.extui %gt3A_240 : i1 to i32
          %cond3A_242 = arith.constant 0 : i32
          %cond3A_243 = arith.cmpi ne, %convert_element_type3A_241, %cond3A_242 : i32
          scf.if %cond3A_243 {
            %dma_wait3A_343 = arith.constant 0 : i32
            %dma_wait3A_344 = arith.constant 0 : i32
            %dma_wait3A_345 = tpu.memref_slice %arg4[%dma_wait3A_343, %dma_wait3A_344] : memref<16384x128xf32, #tpu.memory_space<hbm>> -> memref<16384x128xf32, #tpu.memory_space<hbm>>
            tpu.wait_indirect_dma semaphore(%arg18 : memref<!tpu.dma_semaphore, #tpu.memory_space<semaphore_mem>>) src(%arg11 : memref<16x128xf32, #tpu.memory_space<vmem>>) dst(%dma_wait3A_345 : memref<16384x128xf32, #tpu.memory_space<hbm>>)
          } else {
          }
          %broadcast_in_dim3A_244 = arith.constant 0 : i32
          %broadcast_in_dim3A_245 = vector.broadcast %broadcast_in_dim3A_244 : i32 to vector<16xi32>
          %gather3A = tpu.vector_load_idx %arg8[%broadcast_in_dim3A_245, %sub3A_236] : memref<32x768xf32, #tpu.memory_space<vmem>>[vector<16xi32>, vector<16xi32>], vector<16xf32>,
          tpu.vector_store_idx %arg11[%iota3A, %broadcast_in_dim3A_245], %gather3A : memref<16x128xf32, #tpu.memory_space<vmem>>[vector<16xi32>, vector<16xi32>], vector<16xf32>,
          %broadcast_in_dim3A_246 = arith.constant 1 : i32
          %broadcast_in_dim3A_247 = vector.broadcast %broadcast_in_dim3A_246 : i32 to vector<16xi32>
          %gather3A_248 = tpu.vector_load_idx %arg8[%broadcast_in_dim3A_247, %sub3A_236] : memref<32x768xf32, #tpu.memory_space<vmem>>[vector<16xi32>, vector<16xi32>], vector<16xf32>,
          tpu.vector_store_idx %arg11[%iota3A, %broadcast_in_dim3A_247], %gather3A_248 : memref<16x128xf32, #tpu.memory_space<vmem>>[vector<16xi32>, vector<16xi32>], vector<16xf32>,
          %broadcast_in_dim3A_249 = arith.constant 2 : i32
          %broadcast_in_dim3A_250 = vector.broadcast %broadcast_in_dim3A_249 : i32 to vector<16xi32>
          %gather3A_251 = tpu.vector_load_idx %arg8[%broadcast_in_dim3A_250, %sub3A_236] : memref<32x768xf32, #tpu.memory_space<vmem>>[vector<16xi32>, vector<16xi32>], vector<16xf32>,
          tpu.vector_store_idx %arg11[%iota3A, %broadcast_in_dim3A_250], %gather3A_251 : memref<16x128xf32, #tpu.memory_space<vmem>>[vector<16xi32>, vector<16xi32>], vector<16xf32>,
          %broadcast_in_dim3A_252 = arith.constant 3 : i32
          %broadcast_in_dim3A_253 = vector.broadcast %broadcast_in_dim3A_252 : i32 to vector<16xi32>
          %gather3A_254 = tpu.vector_load_idx %arg8[%broadcast_in_dim3A_253, %sub3A_236] : memref<32x768xf32, #tpu.memory_space<vmem>>[vector<16xi32>, vector<16xi32>], vector<16xf32>,
          tpu.vector_store_idx %arg11[%iota3A, %broadcast_in_dim3A_253], %gather3A_254 : memref<16x128xf32, #tpu.memory_space<vmem>>[vector<16xi32>, vector<16xi32>], vector<16xf32>,
          %broadcast_in_dim3A_255 = arith.constant 4 : i32
          %broadcast_in_dim3A_256 = vector.broadcast %broadcast_in_dim3A_255 : i32 to vector<16xi32>
          %gather3A_257 = tpu.vector_load_idx %arg8[%broadcast_in_dim3A_256, %sub3A_236] : memref<32x768xf32, #tpu.memory_space<vmem>>[vector<16xi32>, vector<16xi32>], vector<16xf32>,
          tpu.vector_store_idx %arg11[%iota3A, %broadcast_in_dim3A_256], %gather3A_257 : memref<16x128xf32, #tpu.memory_space<vmem>>[vector<16xi32>, vector<16xi32>], vector<16xf32>,
          %broadcast_in_dim3A_258 = arith.constant 5 : i32
          %broadcast_in_dim3A_259 = vector.broadcast %broadcast_in_dim3A_258 : i32 to vector<16xi32>
          %gather3A_260 = tpu.vector_load_idx %arg8[%broadcast_in_dim3A_259, %sub3A_236] : memref<32x768xf32, #tpu.memory_space<vmem>>[vector<16xi32>, vector<16xi32>], vector<16xf32>,
          tpu.vector_store_idx %arg11[%iota3A, %broadcast_in_dim3A_259], %gather3A_260 : memref<16x128xf32, #tpu.memory_space<vmem>>[vector<16xi32>, vector<16xi32>], vector<16xf32>,
          %broadcast_in_dim3A_261 = arith.constant 6 : i32
          %broadcast_in_dim3A_262 = vector.broadcast %broadcast_in_dim3A_261 : i32 to vector<16xi32>
          %gather3A_263 = tpu.vector_load_idx %arg8[%broadcast_in_dim3A_262, %sub3A_236] : memref<32x768xf32, #tpu.memory_space<vmem>>[vector<16xi32>, vector<16xi32>], vector<16xf32>,
          tpu.vector_store_idx %arg11[%iota3A, %broadcast_in_dim3A_262], %gather3A_263 : memref<16x128xf32, #tpu.memory_space<vmem>>[vector<16xi32>, vector<16xi32>], vector<16xf32>,
          %broadcast_in_dim3A_264 = arith.constant 7 : i32
          %broadcast_in_dim3A_265 = vector.broadcast %broadcast_in_dim3A_264 : i32 to vector<16xi32>
          %gather3A_266 = tpu.vector_load_idx %arg8[%broadcast_in_dim3A_265, %sub3A_236] : memref<32x768xf32, #tpu.memory_space<vmem>>[vector<16xi32>, vector<16xi32>], vector<16xf32>,
          tpu.vector_store_idx %arg11[%iota3A, %broadcast_in_dim3A_265], %gather3A_266 : memref<16x128xf32, #tpu.memory_space<vmem>>[vector<16xi32>, vector<16xi32>], vector<16xf32>,
          %broadcast_in_dim3A_267 = arith.constant 8 : i32
          %broadcast_in_dim3A_268 = vector.broadcast %broadcast_in_dim3A_267 : i32 to vector<16xi32>
          %gather3A_269 = tpu.vector_load_idx %arg8[%broadcast_in_dim3A_268, %sub3A_236] : memref<32x768xf32, #tpu.memory_space<vmem>>[vector<16xi32>, vector<16xi32>], vector<16xf32>,
          tpu.vector_store_idx %arg11[%iota3A, %broadcast_in_dim3A_268], %gather3A_269 : memref<16x128xf32, #tpu.memory_space<vmem>>[vector<16xi32>, vector<16xi32>], vector<16xf32>,
          %broadcast_in_dim3A_270 = arith.constant 9 : i32
          %broadcast_in_dim3A_271 = vector.broadcast %broadcast_in_dim3A_270 : i32 to vector<16xi32>
          %gather3A_272 = tpu.vector_load_idx %arg8[%broadcast_in_dim3A_271, %sub3A_236] : memref<32x768xf32, #tpu.memory_space<vmem>>[vector<16xi32>, vector<16xi32>], vector<16xf32>,
          tpu.vector_store_idx %arg11[%iota3A, %broadcast_in_dim3A_271], %gather3A_272 : memref<16x128xf32, #tpu.memory_space<vmem>>[vector<16xi32>, vector<16xi32>], vector<16xf32>,
          %broadcast_in_dim3A_273 = arith.constant 10 : i32
          %broadcast_in_dim3A_274 = vector.broadcast %broadcast_in_dim3A_273 : i32 to vector<16xi32>
          %gather3A_275 = tpu.vector_load_idx %arg8[%broadcast_in_dim3A_274, %sub3A_236] : memref<32x768xf32, #tpu.memory_space<vmem>>[vector<16xi32>, vector<16xi32>], vector<16xf32>,
          tpu.vector_store_idx %arg11[%iota3A, %broadcast_in_dim3A_274], %gather3A_275 : memref<16x128xf32, #tpu.memory_space<vmem>>[vector<16xi32>, vector<16xi32>], vector<16xf32>,
          %broadcast_in_dim3A_276 = arith.constant 11 : i32
          %broadcast_in_dim3A_277 = vector.broadcast %broadcast_in_dim3A_276 : i32 to vector<16xi32>
          %gather3A_278 = tpu.vector_load_idx %arg8[%broadcast_in_dim3A_277, %sub3A_236] : memref<32x768xf32, #tpu.memory_space<vmem>>[vector<16xi32>, vector<16xi32>], vector<16xf32>,
          tpu.vector_store_idx %arg11[%iota3A, %broadcast_in_dim3A_277], %gather3A_278 : memref<16x128xf32, #tpu.memory_space<vmem>>[vector<16xi32>, vector<16xi32>], vector<16xf32>,
          %broadcast_in_dim3A_279 = arith.constant 12 : i32
          %broadcast_in_dim3A_280 = vector.broadcast %broadcast_in_dim3A_279 : i32 to vector<16xi32>
          %gather3A_281 = tpu.vector_load_idx %arg8[%broadcast_in_dim3A_280, %sub3A_236] : memref<32x768xf32, #tpu.memory_space<vmem>>[vector<16xi32>, vector<16xi32>], vector<16xf32>,
          tpu.vector_store_idx %arg11[%iota3A, %broadcast_in_dim3A_280], %gather3A_281 : memref<16x128xf32, #tpu.memory_space<vmem>>[vector<16xi32>, vector<16xi32>], vector<16xf32>,
          %broadcast_in_dim3A_282 = arith.constant 13 : i32
          %broadcast_in_dim3A_283 = vector.broadcast %broadcast_in_dim3A_282 : i32 to vector<16xi32>
          %gather3A_284 = tpu.vector_load_idx %arg8[%broadcast_in_dim3A_283, %sub3A_236] : memref<32x768xf32, #tpu.memory_space<vmem>>[vector<16xi32>, vector<16xi32>], vector<16xf32>,
          tpu.vector_store_idx %arg11[%iota3A, %broadcast_in_dim3A_283], %gather3A_284 : memref<16x128xf32, #tpu.memory_space<vmem>>[vector<16xi32>, vector<16xi32>], vector<16xf32>,
          %broadcast_in_dim3A_285 = arith.constant 14 : i32
          %broadcast_in_dim3A_286 = vector.broadcast %broadcast_in_dim3A_285 : i32 to vector<16xi32>
          %gather3A_287 = tpu.vector_load_idx %arg8[%broadcast_in_dim3A_286, %sub3A_236] : memref<32x768xf32, #tpu.memory_space<vmem>>[vector<16xi32>, vector<16xi32>], vector<16xf32>,
          tpu.vector_store_idx %arg11[%iota3A, %broadcast_in_dim3A_286], %gather3A_287 : memref<16x128xf32, #tpu.memory_space<vmem>>[vector<16xi32>, vector<16xi32>], vector<16xf32>,
          %broadcast_in_dim3A_288 = arith.constant 15 : i32
          %broadcast_in_dim3A_289 = vector.broadcast %broadcast_in_dim3A_288 : i32 to vector<16xi32>
          %gather3A_290 = tpu.vector_load_idx %arg8[%broadcast_in_dim3A_289, %sub3A_236] : memref<32x768xf32, #tpu.memory_space<vmem>>[vector<16xi32>, vector<16xi32>], vector<16xf32>,
          tpu.vector_store_idx %arg11[%iota3A, %broadcast_in_dim3A_289], %gather3A_290 : memref<16x128xf32, #tpu.memory_space<vmem>>[vector<16xi32>, vector<16xi32>], vector<16xf32>,
          %broadcast_in_dim3A_291 = arith.constant 16 : i32
          %broadcast_in_dim3A_292 = vector.broadcast %broadcast_in_dim3A_291 : i32 to vector<16xi32>
          %gather3A_293 = tpu.vector_load_idx %arg8[%broadcast_in_dim3A_292, %sub3A_236] : memref<32x768xf32, #tpu.memory_space<vmem>>[vector<16xi32>, vector<16xi32>], vector<16xf32>,
          tpu.vector_store_idx %arg11[%iota3A, %broadcast_in_dim3A_292], %gather3A_293 : memref<16x128xf32, #tpu.memory_space<vmem>>[vector<16xi32>, vector<16xi32>], vector<16xf32>,
          %broadcast_in_dim3A_294 = arith.constant 17 : i32
          %broadcast_in_dim3A_295 = vector.broadcast %broadcast_in_dim3A_294 : i32 to vector<16xi32>
          %gather3A_296 = tpu.vector_load_idx %arg8[%broadcast_in_dim3A_295, %sub3A_236] : memref<32x768xf32, #tpu.memory_space<vmem>>[vector<16xi32>, vector<16xi32>], vector<16xf32>,
          tpu.vector_store_idx %arg11[%iota3A, %broadcast_in_dim3A_295], %gather3A_296 : memref<16x128xf32, #tpu.memory_space<vmem>>[vector<16xi32>, vector<16xi32>], vector<16xf32>,
          %broadcast_in_dim3A_297 = arith.constant 18 : i32
          %broadcast_in_dim3A_298 = vector.broadcast %broadcast_in_dim3A_297 : i32 to vector<16xi32>
          %gather3A_299 = tpu.vector_load_idx %arg8[%broadcast_in_dim3A_298, %sub3A_236] : memref<32x768xf32, #tpu.memory_space<vmem>>[vector<16xi32>, vector<16xi32>], vector<16xf32>,
          tpu.vector_store_idx %arg11[%iota3A, %broadcast_in_dim3A_298], %gather3A_299 : memref<16x128xf32, #tpu.memory_space<vmem>>[vector<16xi32>, vector<16xi32>], vector<16xf32>,
          %broadcast_in_dim3A_300 = arith.constant 19 : i32
          %broadcast_in_dim3A_301 = vector.broadcast %broadcast_in_dim3A_300 : i32 to vector<16xi32>
          %gather3A_302 = tpu.vector_load_idx %arg8[%broadcast_in_dim3A_301, %sub3A_236] : memref<32x768xf32, #tpu.memory_space<vmem>>[vector<16xi32>, vector<16xi32>], vector<16xf32>,
          tpu.vector_store_idx %arg11[%iota3A, %broadcast_in_dim3A_301], %gather3A_302 : memref<16x128xf32, #tpu.memory_space<vmem>>[vector<16xi32>, vector<16xi32>], vector<16xf32>,
          %broadcast_in_dim3A_303 = arith.constant 20 : i32
          %broadcast_in_dim3A_304 = vector.broadcast %broadcast_in_dim3A_303 : i32 to vector<16xi32>
          %gather3A_305 = tpu.vector_load_idx %arg8[%broadcast_in_dim3A_304, %sub3A_236] : memref<32x768xf32, #tpu.memory_space<vmem>>[vector<16xi32>, vector<16xi32>], vector<16xf32>,
          tpu.vector_store_idx %arg11[%iota3A, %broadcast_in_dim3A_304], %gather3A_305 : memref<16x128xf32, #tpu.memory_space<vmem>>[vector<16xi32>, vector<16xi32>], vector<16xf32>,
          %broadcast_in_dim3A_306 = arith.constant 21 : i32
          %broadcast_in_dim3A_307 = vector.broadcast %broadcast_in_dim3A_306 : i32 to vector<16xi32>
          %gather3A_308 = tpu.vector_load_idx %arg8[%broadcast_in_dim3A_307, %sub3A_236] : memref<32x768xf32, #tpu.memory_space<vmem>>[vector<16xi32>, vector<16xi32>], vector<16xf32>,
          tpu.vector_store_idx %arg11[%iota3A, %broadcast_in_dim3A_307], %gather3A_308 : memref<16x128xf32, #tpu.memory_space<vmem>>[vector<16xi32>, vector<16xi32>], vector<16xf32>,
          %broadcast_in_dim3A_309 = arith.constant 22 : i32
          %broadcast_in_dim3A_310 = vector.broadcast %broadcast_in_dim3A_309 : i32 to vector<16xi32>
          %gather3A_311 = tpu.vector_load_idx %arg8[%broadcast_in_dim3A_310, %sub3A_236] : memref<32x768xf32, #tpu.memory_space<vmem>>[vector<16xi32>, vector<16xi32>], vector<16xf32>,
          tpu.vector_store_idx %arg11[%iota3A, %broadcast_in_dim3A_310], %gather3A_311 : memref<16x128xf32, #tpu.memory_space<vmem>>[vector<16xi32>, vector<16xi32>], vector<16xf32>,
          %broadcast_in_dim3A_312 = arith.constant 23 : i32
          %broadcast_in_dim3A_313 = vector.broadcast %broadcast_in_dim3A_312 : i32 to vector<16xi32>
          %gather3A_314 = tpu.vector_load_idx %arg8[%broadcast_in_dim3A_313, %sub3A_236] : memref<32x768xf32, #tpu.memory_space<vmem>>[vector<16xi32>, vector<16xi32>], vector<16xf32>,
          tpu.vector_store_idx %arg11[%iota3A, %broadcast_in_dim3A_313], %gather3A_314 : memref<16x128xf32, #tpu.memory_space<vmem>>[vector<16xi32>, vector<16xi32>], vector<16xf32>,
          %broadcast_in_dim3A_315 = arith.constant 24 : i32
          %broadcast_in_dim3A_316 = vector.broadcast %broadcast_in_dim3A_315 : i32 to vector<16xi32>
          %gather3A_317 = tpu.vector_load_idx %arg8[%broadcast_in_dim3A_316, %sub3A_236] : memref<32x768xf32, #tpu.memory_space<vmem>>[vector<16xi32>, vector<16xi32>], vector<16xf32>,
          tpu.vector_store_idx %arg11[%iota3A, %broadcast_in_dim3A_316], %gather3A_317 : memref<16x128xf32, #tpu.memory_space<vmem>>[vector<16xi32>, vector<16xi32>], vector<16xf32>,
          %broadcast_in_dim3A_318 = arith.constant 25 : i32
          %broadcast_in_dim3A_319 = vector.broadcast %broadcast_in_dim3A_318 : i32 to vector<16xi32>
          %gather3A_320 = tpu.vector_load_idx %arg8[%broadcast_in_dim3A_319, %sub3A_236] : memref<32x768xf32, #tpu.memory_space<vmem>>[vector<16xi32>, vector<16xi32>], vector<16xf32>,
          tpu.vector_store_idx %arg11[%iota3A, %broadcast_in_dim3A_319], %gather3A_320 : memref<16x128xf32, #tpu.memory_space<vmem>>[vector<16xi32>, vector<16xi32>], vector<16xf32>,
          %broadcast_in_dim3A_321 = arith.constant 26 : i32
          %broadcast_in_dim3A_322 = vector.broadcast %broadcast_in_dim3A_321 : i32 to vector<16xi32>
          %gather3A_323 = tpu.vector_load_idx %arg8[%broadcast_in_dim3A_322, %sub3A_236] : memref<32x768xf32, #tpu.memory_space<vmem>>[vector<16xi32>, vector<16xi32>], vector<16xf32>,
          tpu.vector_store_idx %arg11[%iota3A, %broadcast_in_dim3A_322], %gather3A_323 : memref<16x128xf32, #tpu.memory_space<vmem>>[vector<16xi32>, vector<16xi32>], vector<16xf32>,
          %broadcast_in_dim3A_324 = arith.constant 27 : i32
          %broadcast_in_dim3A_325 = vector.broadcast %broadcast_in_dim3A_324 : i32 to vector<16xi32>
          %gather3A_326 = tpu.vector_load_idx %arg8[%broadcast_in_dim3A_325, %sub3A_236] : memref<32x768xf32, #tpu.memory_space<vmem>>[vector<16xi32>, vector<16xi32>], vector<16xf32>,
          tpu.vector_store_idx %arg11[%iota3A, %broadcast_in_dim3A_325], %gather3A_326 : memref<16x128xf32, #tpu.memory_space<vmem>>[vector<16xi32>, vector<16xi32>], vector<16xf32>,
          %broadcast_in_dim3A_327 = arith.constant 28 : i32
          %broadcast_in_dim3A_328 = vector.broadcast %broadcast_in_dim3A_327 : i32 to vector<16xi32>
          %gather3A_329 = tpu.vector_load_idx %arg8[%broadcast_in_dim3A_328, %sub3A_236] : memref<32x768xf32, #tpu.memory_space<vmem>>[vector<16xi32>, vector<16xi32>], vector<16xf32>,
          tpu.vector_store_idx %arg11[%iota3A, %broadcast_in_dim3A_328], %gather3A_329 : memref<16x128xf32, #tpu.memory_space<vmem>>[vector<16xi32>, vector<16xi32>], vector<16xf32>,
          %broadcast_in_dim3A_330 = arith.constant 29 : i32
          %broadcast_in_dim3A_331 = vector.broadcast %broadcast_in_dim3A_330 : i32 to vector<16xi32>
          %gather3A_332 = tpu.vector_load_idx %arg8[%broadcast_in_dim3A_331, %sub3A_236] : memref<32x768xf32, #tpu.memory_space<vmem>>[vector<16xi32>, vector<16xi32>], vector<16xf32>,
          tpu.vector_store_idx %arg11[%iota3A, %broadcast_in_dim3A_331], %gather3A_332 : memref<16x128xf32, #tpu.memory_space<vmem>>[vector<16xi32>, vector<16xi32>], vector<16xf32>,
          %broadcast_in_dim3A_333 = arith.constant 30 : i32
          %broadcast_in_dim3A_334 = vector.broadcast %broadcast_in_dim3A_333 : i32 to vector<16xi32>
          %gather3A_335 = tpu.vector_load_idx %arg8[%broadcast_in_dim3A_334, %sub3A_236] : memref<32x768xf32, #tpu.memory_space<vmem>>[vector<16xi32>, vector<16xi32>], vector<16xf32>,
          tpu.vector_store_idx %arg11[%iota3A, %broadcast_in_dim3A_334], %gather3A_335 : memref<16x128xf32, #tpu.memory_space<vmem>>[vector<16xi32>, vector<16xi32>], vector<16xf32>,
          %broadcast_in_dim3A_336 = arith.constant 31 : i32
          %broadcast_in_dim3A_337 = vector.broadcast %broadcast_in_dim3A_336 : i32 to vector<16xi32>
          %gather3A_338 = tpu.vector_load_idx %arg8[%broadcast_in_dim3A_337, %sub3A_236] : memref<32x768xf32, #tpu.memory_space<vmem>>[vector<16xi32>, vector<16xi32>], vector<16xf32>,
          tpu.vector_store_idx %arg11[%iota3A, %broadcast_in_dim3A_337], %gather3A_338 : memref<16x128xf32, #tpu.memory_space<vmem>>[vector<16xi32>, vector<16xi32>], vector<16xf32>,
          %swap3A = arith.constant 0 : index
          %swap3A_339 = tpu.vector_load %arg13[%swap3A] {strides = array<i32>} : memref<16xi32, #tpu.memory_space<vmem>>, vector<16xi32>,
          tpu.vector_store %arg13[%swap3A], %and3A_238 {strides = array<i32>} : memref<16xi32, #tpu.memory_space<vmem>>, vector<16xi32>,
          %dma_start3A_340 = arith.constant 0 : i32
          %dma_start3A_341 = arith.constant 0 : i32
          %dma_start3A_342 = tpu.memref_slice %arg4[%dma_start3A_340, %dma_start3A_341] : memref<16384x128xf32, #tpu.memory_space<hbm>> -> memref<16384x128xf32, #tpu.memory_space<hbm>>
          tpu.enqueue_indirect_dma source(%arg11 : memref<16x128xf32, #tpu.memory_space<vmem>>) target(%dma_start3A_342 : memref<16384x128xf32, #tpu.memory_space<hbm>>) offsets(%arg13 : memref<16xi32, #tpu.memory_space<vmem>>) semaphore(%arg18 : memref<!tpu.dma_semaphore, #tpu.memory_space<semaphore_mem>>)
        } else {
        }
        %jit3A = arith.constant 1 : i32
        %select_n3A = arith.select %lt3A_211, %jit3A, %while3A_207 : i32
        %mul3A_215 = arith.constant 32 : i32
        %mul3A_216 = arith.muli %while3A_206, %mul3A_215 : i32
        %add3A_217 = arith.constant 16 : i32
        %add3A_218 = arith.addi %mul3A_216, %add3A_217 : i32
        %lt3A_219 = arith.cmpi slt, %add3A_218, %while3A_82 : i32
        %convert_element_type3A_220 = arith.extui %lt3A_219 : i1 to i32
        %cond3A_221 = arith.constant 0 : i32
        %cond3A_222 = arith.cmpi ne, %convert_element_type3A_220, %cond3A_221 : i32
        scf.if %cond3A_222 {
          %multiple_of3A_225 = tpu.assume_multiple %add3A_218, 16 : i32
          %get3A = arith.index_cast %multiple_of3A_225 : i32 to index
          %get3A_226 = tpu.vector_load %arg7[%get3A] {strides = array<i32>} : memref<16384xi32, #tpu.memory_space<vmem>>, vector<16xi32>,
          %add3A_227 = vector.broadcast %add3A_218 : i32 to vector<16xi32>
          %add3A_228 = arith.addi %add3A_227, %iota3A : vector<16xi32>
          %lt3A_229 = vector.broadcast %while3A_82 : i32 to vector<16xi32>
          %lt3A_230 = arith.cmpi slt, %add3A_228, %lt3A_229 : vector<16xi32>
          %slice3A = vector.extract_strided_slice %get3A_226 {offsets = [0], sizes = [1], strides = [1]} : vector<16xi32> to vector<1xi32>
          %squeeze3A = vector.extract %slice3A[0] : i32 from vector<1xi32>
          %broadcast_in_dim3A = vector.broadcast %squeeze3A : i32 to vector<16xi32>
          %select_n3A_231 = arith.select %lt3A_230, %get3A_226, %broadcast_in_dim3A : vector<16xi1>, vector<16xi32>
          %shift_right_arithmetic3A_232 = arith.constant 14 : i32
          %shift_right_arithmetic3A_233 = vector.broadcast %shift_right_arithmetic3A_232 : i32 to vector<16xi32>
          %shift_right_arithmetic3A_234 = arith.shrsi %select_n3A_231, %shift_right_arithmetic3A_233 : vector<16xi32>
          %sub3A_235 = vector.broadcast %sub3A : i32 to vector<16xi32>
          %sub3A_236 = arith.subi %shift_right_arithmetic3A_234, %sub3A_235 : vector<16xi32>
          %and3A = arith.constant 16383 : i32
          %and3A_237 = vector.broadcast %and3A : i32 to vector<16xi32>
          %and3A_238 = arith.andi %select_n3A_231, %and3A_237 : vector<16xi32>
          %gt3A_239 = arith.constant 0 : i32
          %gt3A_240 = arith.cmpi sgt, %while3A_208, %gt3A_239 : i32
          %convert_element_type3A_241 = arith.extui %gt3A_240 : i1 to i32
          %cond3A_242 = arith.constant 0 : i32
          %cond3A_243 = arith.cmpi ne, %convert_element_type3A_241, %cond3A_242 : i32
          scf.if %cond3A_243 {
            %dma_wait3A_343 = arith.constant 0 : i32
            %dma_wait3A_344 = arith.constant 0 : i32
            %dma_wait3A_345 = tpu.memref_slice %arg4[%dma_wait3A_343, %dma_wait3A_344] : memref<16384x128xf32, #tpu.memory_space<hbm>> -> memref<16384x128xf32, #tpu.memory_space<hbm>>
            tpu.wait_indirect_dma semaphore(%arg19 : memref<!tpu.dma_semaphore, #tpu.memory_space<semaphore_mem>>) src(%arg12 : memref<16x128xf32, #tpu.memory_space<vmem>>) dst(%dma_wait3A_345 : memref<16384x128xf32, #tpu.memory_space<hbm>>)
          } else {
          }
          %broadcast_in_dim3A_244 = arith.constant 0 : i32
          %broadcast_in_dim3A_245 = vector.broadcast %broadcast_in_dim3A_244 : i32 to vector<16xi32>
          %gather3A = tpu.vector_load_idx %arg8[%broadcast_in_dim3A_245, %sub3A_236] : memref<32x768xf32, #tpu.memory_space<vmem>>[vector<16xi32>, vector<16xi32>], vector<16xf32>,
          tpu.vector_store_idx %arg12[%iota3A, %broadcast_in_dim3A_245], %gather3A : memref<16x128xf32, #tpu.memory_space<vmem>>[vector<16xi32>, vector<16xi32>], vector<16xf32>,
          %broadcast_in_dim3A_246 = arith.constant 1 : i32
          %broadcast_in_dim3A_247 = vector.broadcast %broadcast_in_dim3A_246 : i32 to vector<16xi32>
          %gather3A_248 = tpu.vector_load_idx %arg8[%broadcast_in_dim3A_247, %sub3A_236] : memref<32x768xf32, #tpu.memory_space<vmem>>[vector<16xi32>, vector<16xi32>], vector<16xf32>,
          tpu.vector_store_idx %arg12[%iota3A, %broadcast_in_dim3A_247], %gather3A_248 : memref<16x128xf32, #tpu.memory_space<vmem>>[vector<16xi32>, vector<16xi32>], vector<16xf32>,
          %broadcast_in_dim3A_249 = arith.constant 2 : i32
          %broadcast_in_dim3A_250 = vector.broadcast %broadcast_in_dim3A_249 : i32 to vector<16xi32>
          %gather3A_251 = tpu.vector_load_idx %arg8[%broadcast_in_dim3A_250, %sub3A_236] : memref<32x768xf32, #tpu.memory_space<vmem>>[vector<16xi32>, vector<16xi32>], vector<16xf32>,
          tpu.vector_store_idx %arg12[%iota3A, %broadcast_in_dim3A_250], %gather3A_251 : memref<16x128xf32, #tpu.memory_space<vmem>>[vector<16xi32>, vector<16xi32>], vector<16xf32>,
          %broadcast_in_dim3A_252 = arith.constant 3 : i32
          %broadcast_in_dim3A_253 = vector.broadcast %broadcast_in_dim3A_252 : i32 to vector<16xi32>
          %gather3A_254 = tpu.vector_load_idx %arg8[%broadcast_in_dim3A_253, %sub3A_236] : memref<32x768xf32, #tpu.memory_space<vmem>>[vector<16xi32>, vector<16xi32>], vector<16xf32>,
          tpu.vector_store_idx %arg12[%iota3A, %broadcast_in_dim3A_253], %gather3A_254 : memref<16x128xf32, #tpu.memory_space<vmem>>[vector<16xi32>, vector<16xi32>], vector<16xf32>,
          %broadcast_in_dim3A_255 = arith.constant 4 : i32
          %broadcast_in_dim3A_256 = vector.broadcast %broadcast_in_dim3A_255 : i32 to vector<16xi32>
          %gather3A_257 = tpu.vector_load_idx %arg8[%broadcast_in_dim3A_256, %sub3A_236] : memref<32x768xf32, #tpu.memory_space<vmem>>[vector<16xi32>, vector<16xi32>], vector<16xf32>,
          tpu.vector_store_idx %arg12[%iota3A, %broadcast_in_dim3A_256], %gather3A_257 : memref<16x128xf32, #tpu.memory_space<vmem>>[vector<16xi32>, vector<16xi32>], vector<16xf32>,
          %broadcast_in_dim3A_258 = arith.constant 5 : i32
          %broadcast_in_dim3A_259 = vector.broadcast %broadcast_in_dim3A_258 : i32 to vector<16xi32>
          %gather3A_260 = tpu.vector_load_idx %arg8[%broadcast_in_dim3A_259, %sub3A_236] : memref<32x768xf32, #tpu.memory_space<vmem>>[vector<16xi32>, vector<16xi32>], vector<16xf32>,
          tpu.vector_store_idx %arg12[%iota3A, %broadcast_in_dim3A_259], %gather3A_260 : memref<16x128xf32, #tpu.memory_space<vmem>>[vector<16xi32>, vector<16xi32>], vector<16xf32>,
          %broadcast_in_dim3A_261 = arith.constant 6 : i32
          %broadcast_in_dim3A_262 = vector.broadcast %broadcast_in_dim3A_261 : i32 to vector<16xi32>
          %gather3A_263 = tpu.vector_load_idx %arg8[%broadcast_in_dim3A_262, %sub3A_236] : memref<32x768xf32, #tpu.memory_space<vmem>>[vector<16xi32>, vector<16xi32>], vector<16xf32>,
          tpu.vector_store_idx %arg12[%iota3A, %broadcast_in_dim3A_262], %gather3A_263 : memref<16x128xf32, #tpu.memory_space<vmem>>[vector<16xi32>, vector<16xi32>], vector<16xf32>,
          %broadcast_in_dim3A_264 = arith.constant 7 : i32
          %broadcast_in_dim3A_265 = vector.broadcast %broadcast_in_dim3A_264 : i32 to vector<16xi32>
          %gather3A_266 = tpu.vector_load_idx %arg8[%broadcast_in_dim3A_265, %sub3A_236] : memref<32x768xf32, #tpu.memory_space<vmem>>[vector<16xi32>, vector<16xi32>], vector<16xf32>,
          tpu.vector_store_idx %arg12[%iota3A, %broadcast_in_dim3A_265], %gather3A_266 : memref<16x128xf32, #tpu.memory_space<vmem>>[vector<16xi32>, vector<16xi32>], vector<16xf32>,
          %broadcast_in_dim3A_267 = arith.constant 8 : i32
          %broadcast_in_dim3A_268 = vector.broadcast %broadcast_in_dim3A_267 : i32 to vector<16xi32>
          %gather3A_269 = tpu.vector_load_idx %arg8[%broadcast_in_dim3A_268, %sub3A_236] : memref<32x768xf32, #tpu.memory_space<vmem>>[vector<16xi32>, vector<16xi32>], vector<16xf32>,
          tpu.vector_store_idx %arg12[%iota3A, %broadcast_in_dim3A_268], %gather3A_269 : memref<16x128xf32, #tpu.memory_space<vmem>>[vector<16xi32>, vector<16xi32>], vector<16xf32>,
          %broadcast_in_dim3A_270 = arith.constant 9 : i32
          %broadcast_in_dim3A_271 = vector.broadcast %broadcast_in_dim3A_270 : i32 to vector<16xi32>
          %gather3A_272 = tpu.vector_load_idx %arg8[%broadcast_in_dim3A_271, %sub3A_236] : memref<32x768xf32, #tpu.memory_space<vmem>>[vector<16xi32>, vector<16xi32>], vector<16xf32>,
          tpu.vector_store_idx %arg12[%iota3A, %broadcast_in_dim3A_271], %gather3A_272 : memref<16x128xf32, #tpu.memory_space<vmem>>[vector<16xi32>, vector<16xi32>], vector<16xf32>,
          %broadcast_in_dim3A_273 = arith.constant 10 : i32
          %broadcast_in_dim3A_274 = vector.broadcast %broadcast_in_dim3A_273 : i32 to vector<16xi32>
          %gather3A_275 = tpu.vector_load_idx %arg8[%broadcast_in_dim3A_274, %sub3A_236] : memref<32x768xf32, #tpu.memory_space<vmem>>[vector<16xi32>, vector<16xi32>], vector<16xf32>,
          tpu.vector_store_idx %arg12[%iota3A, %broadcast_in_dim3A_274], %gather3A_275 : memref<16x128xf32, #tpu.memory_space<vmem>>[vector<16xi32>, vector<16xi32>], vector<16xf32>,
          %broadcast_in_dim3A_276 = arith.constant 11 : i32
          %broadcast_in_dim3A_277 = vector.broadcast %broadcast_in_dim3A_276 : i32 to vector<16xi32>
          %gather3A_278 = tpu.vector_load_idx %arg8[%broadcast_in_dim3A_277, %sub3A_236] : memref<32x768xf32, #tpu.memory_space<vmem>>[vector<16xi32>, vector<16xi32>], vector<16xf32>,
          tpu.vector_store_idx %arg12[%iota3A, %broadcast_in_dim3A_277], %gather3A_278 : memref<16x128xf32, #tpu.memory_space<vmem>>[vector<16xi32>, vector<16xi32>], vector<16xf32>,
          %broadcast_in_dim3A_279 = arith.constant 12 : i32
          %broadcast_in_dim3A_280 = vector.broadcast %broadcast_in_dim3A_279 : i32 to vector<16xi32>
          %gather3A_281 = tpu.vector_load_idx %arg8[%broadcast_in_dim3A_280, %sub3A_236] : memref<32x768xf32, #tpu.memory_space<vmem>>[vector<16xi32>, vector<16xi32>], vector<16xf32>,
          tpu.vector_store_idx %arg12[%iota3A, %broadcast_in_dim3A_280], %gather3A_281 : memref<16x128xf32, #tpu.memory_space<vmem>>[vector<16xi32>, vector<16xi32>], vector<16xf32>,
          %broadcast_in_dim3A_282 = arith.constant 13 : i32
          %broadcast_in_dim3A_283 = vector.broadcast %broadcast_in_dim3A_282 : i32 to vector<16xi32>
          %gather3A_284 = tpu.vector_load_idx %arg8[%broadcast_in_dim3A_283, %sub3A_236] : memref<32x768xf32, #tpu.memory_space<vmem>>[vector<16xi32>, vector<16xi32>], vector<16xf32>,
          tpu.vector_store_idx %arg12[%iota3A, %broadcast_in_dim3A_283], %gather3A_284 : memref<16x128xf32, #tpu.memory_space<vmem>>[vector<16xi32>, vector<16xi32>], vector<16xf32>,
          %broadcast_in_dim3A_285 = arith.constant 14 : i32
          %broadcast_in_dim3A_286 = vector.broadcast %broadcast_in_dim3A_285 : i32 to vector<16xi32>
          %gather3A_287 = tpu.vector_load_idx %arg8[%broadcast_in_dim3A_286, %sub3A_236] : memref<32x768xf32, #tpu.memory_space<vmem>>[vector<16xi32>, vector<16xi32>], vector<16xf32>,
          tpu.vector_store_idx %arg12[%iota3A, %broadcast_in_dim3A_286], %gather3A_287 : memref<16x128xf32, #tpu.memory_space<vmem>>[vector<16xi32>, vector<16xi32>], vector<16xf32>,
          %broadcast_in_dim3A_288 = arith.constant 15 : i32
          %broadcast_in_dim3A_289 = vector.broadcast %broadcast_in_dim3A_288 : i32 to vector<16xi32>
          %gather3A_290 = tpu.vector_load_idx %arg8[%broadcast_in_dim3A_289, %sub3A_236] : memref<32x768xf32, #tpu.memory_space<vmem>>[vector<16xi32>, vector<16xi32>], vector<16xf32>,
          tpu.vector_store_idx %arg12[%iota3A, %broadcast_in_dim3A_289], %gather3A_290 : memref<16x128xf32, #tpu.memory_space<vmem>>[vector<16xi32>, vector<16xi32>], vector<16xf32>,
          %broadcast_in_dim3A_291 = arith.constant 16 : i32
          %broadcast_in_dim3A_292 = vector.broadcast %broadcast_in_dim3A_291 : i32 to vector<16xi32>
          %gather3A_293 = tpu.vector_load_idx %arg8[%broadcast_in_dim3A_292, %sub3A_236] : memref<32x768xf32, #tpu.memory_space<vmem>>[vector<16xi32>, vector<16xi32>], vector<16xf32>,
          tpu.vector_store_idx %arg12[%iota3A, %broadcast_in_dim3A_292], %gather3A_293 : memref<16x128xf32, #tpu.memory_space<vmem>>[vector<16xi32>, vector<16xi32>], vector<16xf32>,
          %broadcast_in_dim3A_294 = arith.constant 17 : i32
          %broadcast_in_dim3A_295 = vector.broadcast %broadcast_in_dim3A_294 : i32 to vector<16xi32>
          %gather3A_296 = tpu.vector_load_idx %arg8[%broadcast_in_dim3A_295, %sub3A_236] : memref<32x768xf32, #tpu.memory_space<vmem>>[vector<16xi32>, vector<16xi32>], vector<16xf32>,
          tpu.vector_store_idx %arg12[%iota3A, %broadcast_in_dim3A_295], %gather3A_296 : memref<16x128xf32, #tpu.memory_space<vmem>>[vector<16xi32>, vector<16xi32>], vector<16xf32>,
          %broadcast_in_dim3A_297 = arith.constant 18 : i32
          %broadcast_in_dim3A_298 = vector.broadcast %broadcast_in_dim3A_297 : i32 to vector<16xi32>
          %gather3A_299 = tpu.vector_load_idx %arg8[%broadcast_in_dim3A_298, %sub3A_236] : memref<32x768xf32, #tpu.memory_space<vmem>>[vector<16xi32>, vector<16xi32>], vector<16xf32>,
          tpu.vector_store_idx %arg12[%iota3A, %broadcast_in_dim3A_298], %gather3A_299 : memref<16x128xf32, #tpu.memory_space<vmem>>[vector<16xi32>, vector<16xi32>], vector<16xf32>,
          %broadcast_in_dim3A_300 = arith.constant 19 : i32
          %broadcast_in_dim3A_301 = vector.broadcast %broadcast_in_dim3A_300 : i32 to vector<16xi32>
          %gather3A_302 = tpu.vector_load_idx %arg8[%broadcast_in_dim3A_301, %sub3A_236] : memref<32x768xf32, #tpu.memory_space<vmem>>[vector<16xi32>, vector<16xi32>], vector<16xf32>,
          tpu.vector_store_idx %arg12[%iota3A, %broadcast_in_dim3A_301], %gather3A_302 : memref<16x128xf32, #tpu.memory_space<vmem>>[vector<16xi32>, vector<16xi32>], vector<16xf32>,
          %broadcast_in_dim3A_303 = arith.constant 20 : i32
          %broadcast_in_dim3A_304 = vector.broadcast %broadcast_in_dim3A_303 : i32 to vector<16xi32>
          %gather3A_305 = tpu.vector_load_idx %arg8[%broadcast_in_dim3A_304, %sub3A_236] : memref<32x768xf32, #tpu.memory_space<vmem>>[vector<16xi32>, vector<16xi32>], vector<16xf32>,
          tpu.vector_store_idx %arg12[%iota3A, %broadcast_in_dim3A_304], %gather3A_305 : memref<16x128xf32, #tpu.memory_space<vmem>>[vector<16xi32>, vector<16xi32>], vector<16xf32>,
          %broadcast_in_dim3A_306 = arith.constant 21 : i32
          %broadcast_in_dim3A_307 = vector.broadcast %broadcast_in_dim3A_306 : i32 to vector<16xi32>
          %gather3A_308 = tpu.vector_load_idx %arg8[%broadcast_in_dim3A_307, %sub3A_236] : memref<32x768xf32, #tpu.memory_space<vmem>>[vector<16xi32>, vector<16xi32>], vector<16xf32>,
          tpu.vector_store_idx %arg12[%iota3A, %broadcast_in_dim3A_307], %gather3A_308 : memref<16x128xf32, #tpu.memory_space<vmem>>[vector<16xi32>, vector<16xi32>], vector<16xf32>,
          %broadcast_in_dim3A_309 = arith.constant 22 : i32
          %broadcast_in_dim3A_310 = vector.broadcast %broadcast_in_dim3A_309 : i32 to vector<16xi32>
          %gather3A_311 = tpu.vector_load_idx %arg8[%broadcast_in_dim3A_310, %sub3A_236] : memref<32x768xf32, #tpu.memory_space<vmem>>[vector<16xi32>, vector<16xi32>], vector<16xf32>,
          tpu.vector_store_idx %arg12[%iota3A, %broadcast_in_dim3A_310], %gather3A_311 : memref<16x128xf32, #tpu.memory_space<vmem>>[vector<16xi32>, vector<16xi32>], vector<16xf32>,
          %broadcast_in_dim3A_312 = arith.constant 23 : i32
          %broadcast_in_dim3A_313 = vector.broadcast %broadcast_in_dim3A_312 : i32 to vector<16xi32>
          %gather3A_314 = tpu.vector_load_idx %arg8[%broadcast_in_dim3A_313, %sub3A_236] : memref<32x768xf32, #tpu.memory_space<vmem>>[vector<16xi32>, vector<16xi32>], vector<16xf32>,
          tpu.vector_store_idx %arg12[%iota3A, %broadcast_in_dim3A_313], %gather3A_314 : memref<16x128xf32, #tpu.memory_space<vmem>>[vector<16xi32>, vector<16xi32>], vector<16xf32>,
          %broadcast_in_dim3A_315 = arith.constant 24 : i32
          %broadcast_in_dim3A_316 = vector.broadcast %broadcast_in_dim3A_315 : i32 to vector<16xi32>
          %gather3A_317 = tpu.vector_load_idx %arg8[%broadcast_in_dim3A_316, %sub3A_236] : memref<32x768xf32, #tpu.memory_space<vmem>>[vector<16xi32>, vector<16xi32>], vector<16xf32>,
          tpu.vector_store_idx %arg12[%iota3A, %broadcast_in_dim3A_316], %gather3A_317 : memref<16x128xf32, #tpu.memory_space<vmem>>[vector<16xi32>, vector<16xi32>], vector<16xf32>,
          %broadcast_in_dim3A_318 = arith.constant 25 : i32
          %broadcast_in_dim3A_319 = vector.broadcast %broadcast_in_dim3A_318 : i32 to vector<16xi32>
          %gather3A_320 = tpu.vector_load_idx %arg8[%broadcast_in_dim3A_319, %sub3A_236] : memref<32x768xf32, #tpu.memory_space<vmem>>[vector<16xi32>, vector<16xi32>], vector<16xf32>,
          tpu.vector_store_idx %arg12[%iota3A, %broadcast_in_dim3A_319], %gather3A_320 : memref<16x128xf32, #tpu.memory_space<vmem>>[vector<16xi32>, vector<16xi32>], vector<16xf32>,
          %broadcast_in_dim3A_321 = arith.constant 26 : i32
          %broadcast_in_dim3A_322 = vector.broadcast %broadcast_in_dim3A_321 : i32 to vector<16xi32>
          %gather3A_323 = tpu.vector_load_idx %arg8[%broadcast_in_dim3A_322, %sub3A_236] : memref<32x768xf32, #tpu.memory_space<vmem>>[vector<16xi32>, vector<16xi32>], vector<16xf32>,
          tpu.vector_store_idx %arg12[%iota3A, %broadcast_in_dim3A_322], %gather3A_323 : memref<16x128xf32, #tpu.memory_space<vmem>>[vector<16xi32>, vector<16xi32>], vector<16xf32>,
          %broadcast_in_dim3A_324 = arith.constant 27 : i32
          %broadcast_in_dim3A_325 = vector.broadcast %broadcast_in_dim3A_324 : i32 to vector<16xi32>
          %gather3A_326 = tpu.vector_load_idx %arg8[%broadcast_in_dim3A_325, %sub3A_236] : memref<32x768xf32, #tpu.memory_space<vmem>>[vector<16xi32>, vector<16xi32>], vector<16xf32>,
          tpu.vector_store_idx %arg12[%iota3A, %broadcast_in_dim3A_325], %gather3A_326 : memref<16x128xf32, #tpu.memory_space<vmem>>[vector<16xi32>, vector<16xi32>], vector<16xf32>,
          %broadcast_in_dim3A_327 = arith.constant 28 : i32
          %broadcast_in_dim3A_328 = vector.broadcast %broadcast_in_dim3A_327 : i32 to vector<16xi32>
          %gather3A_329 = tpu.vector_load_idx %arg8[%broadcast_in_dim3A_328, %sub3A_236] : memref<32x768xf32, #tpu.memory_space<vmem>>[vector<16xi32>, vector<16xi32>], vector<16xf32>,
          tpu.vector_store_idx %arg12[%iota3A, %broadcast_in_dim3A_328], %gather3A_329 : memref<16x128xf32, #tpu.memory_space<vmem>>[vector<16xi32>, vector<16xi32>], vector<16xf32>,
          %broadcast_in_dim3A_330 = arith.constant 29 : i32
          %broadcast_in_dim3A_331 = vector.broadcast %broadcast_in_dim3A_330 : i32 to vector<16xi32>
          %gather3A_332 = tpu.vector_load_idx %arg8[%broadcast_in_dim3A_331, %sub3A_236] : memref<32x768xf32, #tpu.memory_space<vmem>>[vector<16xi32>, vector<16xi32>], vector<16xf32>,
          tpu.vector_store_idx %arg12[%iota3A, %broadcast_in_dim3A_331], %gather3A_332 : memref<16x128xf32, #tpu.memory_space<vmem>>[vector<16xi32>, vector<16xi32>], vector<16xf32>,
          %broadcast_in_dim3A_333 = arith.constant 30 : i32
          %broadcast_in_dim3A_334 = vector.broadcast %broadcast_in_dim3A_333 : i32 to vector<16xi32>
          %gather3A_335 = tpu.vector_load_idx %arg8[%broadcast_in_dim3A_334, %sub3A_236] : memref<32x768xf32, #tpu.memory_space<vmem>>[vector<16xi32>, vector<16xi32>], vector<16xf32>,
          tpu.vector_store_idx %arg12[%iota3A, %broadcast_in_dim3A_334], %gather3A_335 : memref<16x128xf32, #tpu.memory_space<vmem>>[vector<16xi32>, vector<16xi32>], vector<16xf32>,
          %broadcast_in_dim3A_336 = arith.constant 31 : i32
          %broadcast_in_dim3A_337 = vector.broadcast %broadcast_in_dim3A_336 : i32 to vector<16xi32>
          %gather3A_338 = tpu.vector_load_idx %arg8[%broadcast_in_dim3A_337, %sub3A_236] : memref<32x768xf32, #tpu.memory_space<vmem>>[vector<16xi32>, vector<16xi32>], vector<16xf32>,
          tpu.vector_store_idx %arg12[%iota3A, %broadcast_in_dim3A_337], %gather3A_338 : memref<16x128xf32, #tpu.memory_space<vmem>>[vector<16xi32>, vector<16xi32>], vector<16xf32>,
          %swap3A = arith.constant 0 : index
          %swap3A_339 = tpu.vector_load %arg14[%swap3A] {strides = array<i32>} : memref<16xi32, #tpu.memory_space<vmem>>, vector<16xi32>,
          tpu.vector_store %arg14[%swap3A], %and3A_238 {strides = array<i32>} : memref<16xi32, #tpu.memory_space<vmem>>, vector<16xi32>,
          %dma_start3A_340 = arith.constant 0 : i32
          %dma_start3A_341 = arith.constant 0 : i32
          %dma_start3A_342 = tpu.memref_slice %arg4[%dma_start3A_340, %dma_start3A_341] : memref<16384x128xf32, #tpu.memory_space<hbm>> -> memref<16384x128xf32, #tpu.memory_space<hbm>>
          tpu.enqueue_indirect_dma source(%arg12 : memref<16x128xf32, #tpu.memory_space<vmem>>) target(%dma_start3A_342 : memref<16384x128xf32, #tpu.memory_space<hbm>>) offsets(%arg14 : memref<16xi32, #tpu.memory_space<vmem>>) semaphore(%arg19 : memref<!tpu.dma_semaphore, #tpu.memory_space<semaphore_mem>>)
        } else {
        }
        %jit3A_223 = arith.constant 1 : i32
        %select_n3A_224 = arith.select %lt3A_219, %jit3A_223, %while3A_208 : i32
        scf.yield %select_n3A, %select_n3A_224 : i32, i32
      }
      %while3A_96 = arith.constant 1 : i32
      %while3A_97:2 = scf.for %while3A_206 = %while3A_93 to %while3A_89 step %while3A_96 iter_args(%while3A_207 = %while3A_95#0, %while3A_208 = %while3A_95#1) -> (i32, i32)  : i32 {
        %mul3A_209 = arith.constant 32 : i32
        %mul3A_210 = arith.muli %while3A_206, %mul3A_209 : i32
        %lt3A_211 = arith.cmpi slt, %mul3A_210, %while3A_82 : i32
        %convert_element_type3A_212 = arith.extui %lt3A_211 : i1 to i32
        %cond3A_213 = arith.constant 0 : i32
        %cond3A_214 = arith.cmpi ne, %convert_element_type3A_212, %cond3A_213 : i32
        scf.if %cond3A_214 {
          %multiple_of3A_225 = tpu.assume_multiple %mul3A_210, 16 : i32
          %get3A = arith.index_cast %multiple_of3A_225 : i32 to index
          %get3A_226 = tpu.vector_load %arg7[%get3A] {strides = array<i32>} : memref<16384xi32, #tpu.memory_space<vmem>>, vector<16xi32>,
          %add3A_227 = vector.broadcast %mul3A_210 : i32 to vector<16xi32>
          %add3A_228 = arith.addi %add3A_227, %iota3A : vector<16xi32>
          %lt3A_229 = vector.broadcast %while3A_82 : i32 to vector<16xi32>
          %lt3A_230 = arith.cmpi slt, %add3A_228, %lt3A_229 : vector<16xi32>
          %slice3A = vector.extract_strided_slice %get3A_226 {offsets = [0], sizes = [1], strides = [1]} : vector<16xi32> to vector<1xi32>
          %squeeze3A = vector.extract %slice3A[0] : i32 from vector<1xi32>
          %broadcast_in_dim3A = vector.broadcast %squeeze3A : i32 to vector<16xi32>
          %select_n3A_231 = arith.select %lt3A_230, %get3A_226, %broadcast_in_dim3A : vector<16xi1>, vector<16xi32>
          %shift_right_arithmetic3A_232 = arith.constant 14 : i32
          %shift_right_arithmetic3A_233 = vector.broadcast %shift_right_arithmetic3A_232 : i32 to vector<16xi32>
          %shift_right_arithmetic3A_234 = arith.shrsi %select_n3A_231, %shift_right_arithmetic3A_233 : vector<16xi32>
          %sub3A_235 = vector.broadcast %sub3A : i32 to vector<16xi32>
          %sub3A_236 = arith.subi %shift_right_arithmetic3A_234, %sub3A_235 : vector<16xi32>
          %and3A = arith.constant 16383 : i32
          %and3A_237 = vector.broadcast %and3A : i32 to vector<16xi32>
          %and3A_238 = arith.andi %select_n3A_231, %and3A_237 : vector<16xi32>
          %gt3A_239 = arith.constant 0 : i32
          %gt3A_240 = arith.cmpi sgt, %while3A_207, %gt3A_239 : i32
          %convert_element_type3A_241 = arith.extui %gt3A_240 : i1 to i32
          %cond3A_242 = arith.constant 0 : i32
          %cond3A_243 = arith.cmpi ne, %convert_element_type3A_241, %cond3A_242 : i32
          scf.if %cond3A_243 {
            %dma_wait3A_343 = arith.constant 0 : i32
            %dma_wait3A_344 = arith.constant 0 : i32
            %dma_wait3A_345 = tpu.memref_slice %arg4[%dma_wait3A_343, %dma_wait3A_344] : memref<16384x128xf32, #tpu.memory_space<hbm>> -> memref<16384x128xf32, #tpu.memory_space<hbm>>
            tpu.wait_indirect_dma semaphore(%arg18 : memref<!tpu.dma_semaphore, #tpu.memory_space<semaphore_mem>>) src(%arg11 : memref<16x128xf32, #tpu.memory_space<vmem>>) dst(%dma_wait3A_345 : memref<16384x128xf32, #tpu.memory_space<hbm>>)
          } else {
          }
          %broadcast_in_dim3A_244 = arith.constant 0 : i32
          %broadcast_in_dim3A_245 = vector.broadcast %broadcast_in_dim3A_244 : i32 to vector<16xi32>
          %gather3A = tpu.vector_load_idx %arg8[%broadcast_in_dim3A_245, %sub3A_236] : memref<32x768xf32, #tpu.memory_space<vmem>>[vector<16xi32>, vector<16xi32>], vector<16xf32>,
          tpu.vector_store_idx %arg11[%iota3A, %broadcast_in_dim3A_245], %gather3A : memref<16x128xf32, #tpu.memory_space<vmem>>[vector<16xi32>, vector<16xi32>], vector<16xf32>,
          %broadcast_in_dim3A_246 = arith.constant 1 : i32
          %broadcast_in_dim3A_247 = vector.broadcast %broadcast_in_dim3A_246 : i32 to vector<16xi32>
          %gather3A_248 = tpu.vector_load_idx %arg8[%broadcast_in_dim3A_247, %sub3A_236] : memref<32x768xf32, #tpu.memory_space<vmem>>[vector<16xi32>, vector<16xi32>], vector<16xf32>,
          tpu.vector_store_idx %arg11[%iota3A, %broadcast_in_dim3A_247], %gather3A_248 : memref<16x128xf32, #tpu.memory_space<vmem>>[vector<16xi32>, vector<16xi32>], vector<16xf32>,
          %broadcast_in_dim3A_249 = arith.constant 2 : i32
          %broadcast_in_dim3A_250 = vector.broadcast %broadcast_in_dim3A_249 : i32 to vector<16xi32>
          %gather3A_251 = tpu.vector_load_idx %arg8[%broadcast_in_dim3A_250, %sub3A_236] : memref<32x768xf32, #tpu.memory_space<vmem>>[vector<16xi32>, vector<16xi32>], vector<16xf32>,
          tpu.vector_store_idx %arg11[%iota3A, %broadcast_in_dim3A_250], %gather3A_251 : memref<16x128xf32, #tpu.memory_space<vmem>>[vector<16xi32>, vector<16xi32>], vector<16xf32>,
          %broadcast_in_dim3A_252 = arith.constant 3 : i32
          %broadcast_in_dim3A_253 = vector.broadcast %broadcast_in_dim3A_252 : i32 to vector<16xi32>
          %gather3A_254 = tpu.vector_load_idx %arg8[%broadcast_in_dim3A_253, %sub3A_236] : memref<32x768xf32, #tpu.memory_space<vmem>>[vector<16xi32>, vector<16xi32>], vector<16xf32>,
          tpu.vector_store_idx %arg11[%iota3A, %broadcast_in_dim3A_253], %gather3A_254 : memref<16x128xf32, #tpu.memory_space<vmem>>[vector<16xi32>, vector<16xi32>], vector<16xf32>,
          %broadcast_in_dim3A_255 = arith.constant 4 : i32
          %broadcast_in_dim3A_256 = vector.broadcast %broadcast_in_dim3A_255 : i32 to vector<16xi32>
          %gather3A_257 = tpu.vector_load_idx %arg8[%broadcast_in_dim3A_256, %sub3A_236] : memref<32x768xf32, #tpu.memory_space<vmem>>[vector<16xi32>, vector<16xi32>], vector<16xf32>,
          tpu.vector_store_idx %arg11[%iota3A, %broadcast_in_dim3A_256], %gather3A_257 : memref<16x128xf32, #tpu.memory_space<vmem>>[vector<16xi32>, vector<16xi32>], vector<16xf32>,
          %broadcast_in_dim3A_258 = arith.constant 5 : i32
          %broadcast_in_dim3A_259 = vector.broadcast %broadcast_in_dim3A_258 : i32 to vector<16xi32>
          %gather3A_260 = tpu.vector_load_idx %arg8[%broadcast_in_dim3A_259, %sub3A_236] : memref<32x768xf32, #tpu.memory_space<vmem>>[vector<16xi32>, vector<16xi32>], vector<16xf32>,
          tpu.vector_store_idx %arg11[%iota3A, %broadcast_in_dim3A_259], %gather3A_260 : memref<16x128xf32, #tpu.memory_space<vmem>>[vector<16xi32>, vector<16xi32>], vector<16xf32>,
          %broadcast_in_dim3A_261 = arith.constant 6 : i32
          %broadcast_in_dim3A_262 = vector.broadcast %broadcast_in_dim3A_261 : i32 to vector<16xi32>
          %gather3A_263 = tpu.vector_load_idx %arg8[%broadcast_in_dim3A_262, %sub3A_236] : memref<32x768xf32, #tpu.memory_space<vmem>>[vector<16xi32>, vector<16xi32>], vector<16xf32>,
          tpu.vector_store_idx %arg11[%iota3A, %broadcast_in_dim3A_262], %gather3A_263 : memref<16x128xf32, #tpu.memory_space<vmem>>[vector<16xi32>, vector<16xi32>], vector<16xf32>,
          %broadcast_in_dim3A_264 = arith.constant 7 : i32
          %broadcast_in_dim3A_265 = vector.broadcast %broadcast_in_dim3A_264 : i32 to vector<16xi32>
          %gather3A_266 = tpu.vector_load_idx %arg8[%broadcast_in_dim3A_265, %sub3A_236] : memref<32x768xf32, #tpu.memory_space<vmem>>[vector<16xi32>, vector<16xi32>], vector<16xf32>,
          tpu.vector_store_idx %arg11[%iota3A, %broadcast_in_dim3A_265], %gather3A_266 : memref<16x128xf32, #tpu.memory_space<vmem>>[vector<16xi32>, vector<16xi32>], vector<16xf32>,
          %broadcast_in_dim3A_267 = arith.constant 8 : i32
          %broadcast_in_dim3A_268 = vector.broadcast %broadcast_in_dim3A_267 : i32 to vector<16xi32>
          %gather3A_269 = tpu.vector_load_idx %arg8[%broadcast_in_dim3A_268, %sub3A_236] : memref<32x768xf32, #tpu.memory_space<vmem>>[vector<16xi32>, vector<16xi32>], vector<16xf32>,
          tpu.vector_store_idx %arg11[%iota3A, %broadcast_in_dim3A_268], %gather3A_269 : memref<16x128xf32, #tpu.memory_space<vmem>>[vector<16xi32>, vector<16xi32>], vector<16xf32>,
          %broadcast_in_dim3A_270 = arith.constant 9 : i32
          %broadcast_in_dim3A_271 = vector.broadcast %broadcast_in_dim3A_270 : i32 to vector<16xi32>
          %gather3A_272 = tpu.vector_load_idx %arg8[%broadcast_in_dim3A_271, %sub3A_236] : memref<32x768xf32, #tpu.memory_space<vmem>>[vector<16xi32>, vector<16xi32>], vector<16xf32>,
          tpu.vector_store_idx %arg11[%iota3A, %broadcast_in_dim3A_271], %gather3A_272 : memref<16x128xf32, #tpu.memory_space<vmem>>[vector<16xi32>, vector<16xi32>], vector<16xf32>,
          %broadcast_in_dim3A_273 = arith.constant 10 : i32
          %broadcast_in_dim3A_274 = vector.broadcast %broadcast_in_dim3A_273 : i32 to vector<16xi32>
          %gather3A_275 = tpu.vector_load_idx %arg8[%broadcast_in_dim3A_274, %sub3A_236] : memref<32x768xf32, #tpu.memory_space<vmem>>[vector<16xi32>, vector<16xi32>], vector<16xf32>,
          tpu.vector_store_idx %arg11[%iota3A, %broadcast_in_dim3A_274], %gather3A_275 : memref<16x128xf32, #tpu.memory_space<vmem>>[vector<16xi32>, vector<16xi32>], vector<16xf32>,
          %broadcast_in_dim3A_276 = arith.constant 11 : i32
          %broadcast_in_dim3A_277 = vector.broadcast %broadcast_in_dim3A_276 : i32 to vector<16xi32>
          %gather3A_278 = tpu.vector_load_idx %arg8[%broadcast_in_dim3A_277, %sub3A_236] : memref<32x768xf32, #tpu.memory_space<vmem>>[vector<16xi32>, vector<16xi32>], vector<16xf32>,
          tpu.vector_store_idx %arg11[%iota3A, %broadcast_in_dim3A_277], %gather3A_278 : memref<16x128xf32, #tpu.memory_space<vmem>>[vector<16xi32>, vector<16xi32>], vector<16xf32>,
          %broadcast_in_dim3A_279 = arith.constant 12 : i32
          %broadcast_in_dim3A_280 = vector.broadcast %broadcast_in_dim3A_279 : i32 to vector<16xi32>
          %gather3A_281 = tpu.vector_load_idx %arg8[%broadcast_in_dim3A_280, %sub3A_236] : memref<32x768xf32, #tpu.memory_space<vmem>>[vector<16xi32>, vector<16xi32>], vector<16xf32>,
          tpu.vector_store_idx %arg11[%iota3A, %broadcast_in_dim3A_280], %gather3A_281 : memref<16x128xf32, #tpu.memory_space<vmem>>[vector<16xi32>, vector<16xi32>], vector<16xf32>,
          %broadcast_in_dim3A_282 = arith.constant 13 : i32
          %broadcast_in_dim3A_283 = vector.broadcast %broadcast_in_dim3A_282 : i32 to vector<16xi32>
          %gather3A_284 = tpu.vector_load_idx %arg8[%broadcast_in_dim3A_283, %sub3A_236] : memref<32x768xf32, #tpu.memory_space<vmem>>[vector<16xi32>, vector<16xi32>], vector<16xf32>,
          tpu.vector_store_idx %arg11[%iota3A, %broadcast_in_dim3A_283], %gather3A_284 : memref<16x128xf32, #tpu.memory_space<vmem>>[vector<16xi32>, vector<16xi32>], vector<16xf32>,
          %broadcast_in_dim3A_285 = arith.constant 14 : i32
          %broadcast_in_dim3A_286 = vector.broadcast %broadcast_in_dim3A_285 : i32 to vector<16xi32>
          %gather3A_287 = tpu.vector_load_idx %arg8[%broadcast_in_dim3A_286, %sub3A_236] : memref<32x768xf32, #tpu.memory_space<vmem>>[vector<16xi32>, vector<16xi32>], vector<16xf32>,
          tpu.vector_store_idx %arg11[%iota3A, %broadcast_in_dim3A_286], %gather3A_287 : memref<16x128xf32, #tpu.memory_space<vmem>>[vector<16xi32>, vector<16xi32>], vector<16xf32>,
          %broadcast_in_dim3A_288 = arith.constant 15 : i32
          %broadcast_in_dim3A_289 = vector.broadcast %broadcast_in_dim3A_288 : i32 to vector<16xi32>
          %gather3A_290 = tpu.vector_load_idx %arg8[%broadcast_in_dim3A_289, %sub3A_236] : memref<32x768xf32, #tpu.memory_space<vmem>>[vector<16xi32>, vector<16xi32>], vector<16xf32>,
          tpu.vector_store_idx %arg11[%iota3A, %broadcast_in_dim3A_289], %gather3A_290 : memref<16x128xf32, #tpu.memory_space<vmem>>[vector<16xi32>, vector<16xi32>], vector<16xf32>,
          %broadcast_in_dim3A_291 = arith.constant 16 : i32
          %broadcast_in_dim3A_292 = vector.broadcast %broadcast_in_dim3A_291 : i32 to vector<16xi32>
          %gather3A_293 = tpu.vector_load_idx %arg8[%broadcast_in_dim3A_292, %sub3A_236] : memref<32x768xf32, #tpu.memory_space<vmem>>[vector<16xi32>, vector<16xi32>], vector<16xf32>,
          tpu.vector_store_idx %arg11[%iota3A, %broadcast_in_dim3A_292], %gather3A_293 : memref<16x128xf32, #tpu.memory_space<vmem>>[vector<16xi32>, vector<16xi32>], vector<16xf32>,
          %broadcast_in_dim3A_294 = arith.constant 17 : i32
          %broadcast_in_dim3A_295 = vector.broadcast %broadcast_in_dim3A_294 : i32 to vector<16xi32>
          %gather3A_296 = tpu.vector_load_idx %arg8[%broadcast_in_dim3A_295, %sub3A_236] : memref<32x768xf32, #tpu.memory_space<vmem>>[vector<16xi32>, vector<16xi32>], vector<16xf32>,
          tpu.vector_store_idx %arg11[%iota3A, %broadcast_in_dim3A_295], %gather3A_296 : memref<16x128xf32, #tpu.memory_space<vmem>>[vector<16xi32>, vector<16xi32>], vector<16xf32>,
          %broadcast_in_dim3A_297 = arith.constant 18 : i32
          %broadcast_in_dim3A_298 = vector.broadcast %broadcast_in_dim3A_297 : i32 to vector<16xi32>
          %gather3A_299 = tpu.vector_load_idx %arg8[%broadcast_in_dim3A_298, %sub3A_236] : memref<32x768xf32, #tpu.memory_space<vmem>>[vector<16xi32>, vector<16xi32>], vector<16xf32>,
          tpu.vector_store_idx %arg11[%iota3A, %broadcast_in_dim3A_298], %gather3A_299 : memref<16x128xf32, #tpu.memory_space<vmem>>[vector<16xi32>, vector<16xi32>], vector<16xf32>,
          %broadcast_in_dim3A_300 = arith.constant 19 : i32
          %broadcast_in_dim3A_301 = vector.broadcast %broadcast_in_dim3A_300 : i32 to vector<16xi32>
          %gather3A_302 = tpu.vector_load_idx %arg8[%broadcast_in_dim3A_301, %sub3A_236] : memref<32x768xf32, #tpu.memory_space<vmem>>[vector<16xi32>, vector<16xi32>], vector<16xf32>,
          tpu.vector_store_idx %arg11[%iota3A, %broadcast_in_dim3A_301], %gather3A_302 : memref<16x128xf32, #tpu.memory_space<vmem>>[vector<16xi32>, vector<16xi32>], vector<16xf32>,
          %broadcast_in_dim3A_303 = arith.constant 20 : i32
          %broadcast_in_dim3A_304 = vector.broadcast %broadcast_in_dim3A_303 : i32 to vector<16xi32>
          %gather3A_305 = tpu.vector_load_idx %arg8[%broadcast_in_dim3A_304, %sub3A_236] : memref<32x768xf32, #tpu.memory_space<vmem>>[vector<16xi32>, vector<16xi32>], vector<16xf32>,
          tpu.vector_store_idx %arg11[%iota3A, %broadcast_in_dim3A_304], %gather3A_305 : memref<16x128xf32, #tpu.memory_space<vmem>>[vector<16xi32>, vector<16xi32>], vector<16xf32>,
          %broadcast_in_dim3A_306 = arith.constant 21 : i32
          %broadcast_in_dim3A_307 = vector.broadcast %broadcast_in_dim3A_306 : i32 to vector<16xi32>
          %gather3A_308 = tpu.vector_load_idx %arg8[%broadcast_in_dim3A_307, %sub3A_236] : memref<32x768xf32, #tpu.memory_space<vmem>>[vector<16xi32>, vector<16xi32>], vector<16xf32>,
          tpu.vector_store_idx %arg11[%iota3A, %broadcast_in_dim3A_307], %gather3A_308 : memref<16x128xf32, #tpu.memory_space<vmem>>[vector<16xi32>, vector<16xi32>], vector<16xf32>,
          %broadcast_in_dim3A_309 = arith.constant 22 : i32
          %broadcast_in_dim3A_310 = vector.broadcast %broadcast_in_dim3A_309 : i32 to vector<16xi32>
          %gather3A_311 = tpu.vector_load_idx %arg8[%broadcast_in_dim3A_310, %sub3A_236] : memref<32x768xf32, #tpu.memory_space<vmem>>[vector<16xi32>, vector<16xi32>], vector<16xf32>,
          tpu.vector_store_idx %arg11[%iota3A, %broadcast_in_dim3A_310], %gather3A_311 : memref<16x128xf32, #tpu.memory_space<vmem>>[vector<16xi32>, vector<16xi32>], vector<16xf32>,
          %broadcast_in_dim3A_312 = arith.constant 23 : i32
          %broadcast_in_dim3A_313 = vector.broadcast %broadcast_in_dim3A_312 : i32 to vector<16xi32>
          %gather3A_314 = tpu.vector_load_idx %arg8[%broadcast_in_dim3A_313, %sub3A_236] : memref<32x768xf32, #tpu.memory_space<vmem>>[vector<16xi32>, vector<16xi32>], vector<16xf32>,
          tpu.vector_store_idx %arg11[%iota3A, %broadcast_in_dim3A_313], %gather3A_314 : memref<16x128xf32, #tpu.memory_space<vmem>>[vector<16xi32>, vector<16xi32>], vector<16xf32>,
          %broadcast_in_dim3A_315 = arith.constant 24 : i32
          %broadcast_in_dim3A_316 = vector.broadcast %broadcast_in_dim3A_315 : i32 to vector<16xi32>
          %gather3A_317 = tpu.vector_load_idx %arg8[%broadcast_in_dim3A_316, %sub3A_236] : memref<32x768xf32, #tpu.memory_space<vmem>>[vector<16xi32>, vector<16xi32>], vector<16xf32>,
          tpu.vector_store_idx %arg11[%iota3A, %broadcast_in_dim3A_316], %gather3A_317 : memref<16x128xf32, #tpu.memory_space<vmem>>[vector<16xi32>, vector<16xi32>], vector<16xf32>,
          %broadcast_in_dim3A_318 = arith.constant 25 : i32
          %broadcast_in_dim3A_319 = vector.broadcast %broadcast_in_dim3A_318 : i32 to vector<16xi32>
          %gather3A_320 = tpu.vector_load_idx %arg8[%broadcast_in_dim3A_319, %sub3A_236] : memref<32x768xf32, #tpu.memory_space<vmem>>[vector<16xi32>, vector<16xi32>], vector<16xf32>,
          tpu.vector_store_idx %arg11[%iota3A, %broadcast_in_dim3A_319], %gather3A_320 : memref<16x128xf32, #tpu.memory_space<vmem>>[vector<16xi32>, vector<16xi32>], vector<16xf32>,
          %broadcast_in_dim3A_321 = arith.constant 26 : i32
          %broadcast_in_dim3A_322 = vector.broadcast %broadcast_in_dim3A_321 : i32 to vector<16xi32>
          %gather3A_323 = tpu.vector_load_idx %arg8[%broadcast_in_dim3A_322, %sub3A_236] : memref<32x768xf32, #tpu.memory_space<vmem>>[vector<16xi32>, vector<16xi32>], vector<16xf32>,
          tpu.vector_store_idx %arg11[%iota3A, %broadcast_in_dim3A_322], %gather3A_323 : memref<16x128xf32, #tpu.memory_space<vmem>>[vector<16xi32>, vector<16xi32>], vector<16xf32>,
          %broadcast_in_dim3A_324 = arith.constant 27 : i32
          %broadcast_in_dim3A_325 = vector.broadcast %broadcast_in_dim3A_324 : i32 to vector<16xi32>
          %gather3A_326 = tpu.vector_load_idx %arg8[%broadcast_in_dim3A_325, %sub3A_236] : memref<32x768xf32, #tpu.memory_space<vmem>>[vector<16xi32>, vector<16xi32>], vector<16xf32>,
          tpu.vector_store_idx %arg11[%iota3A, %broadcast_in_dim3A_325], %gather3A_326 : memref<16x128xf32, #tpu.memory_space<vmem>>[vector<16xi32>, vector<16xi32>], vector<16xf32>,
          %broadcast_in_dim3A_327 = arith.constant 28 : i32
          %broadcast_in_dim3A_328 = vector.broadcast %broadcast_in_dim3A_327 : i32 to vector<16xi32>
          %gather3A_329 = tpu.vector_load_idx %arg8[%broadcast_in_dim3A_328, %sub3A_236] : memref<32x768xf32, #tpu.memory_space<vmem>>[vector<16xi32>, vector<16xi32>], vector<16xf32>,
          tpu.vector_store_idx %arg11[%iota3A, %broadcast_in_dim3A_328], %gather3A_329 : memref<16x128xf32, #tpu.memory_space<vmem>>[vector<16xi32>, vector<16xi32>], vector<16xf32>,
          %broadcast_in_dim3A_330 = arith.constant 29 : i32
          %broadcast_in_dim3A_331 = vector.broadcast %broadcast_in_dim3A_330 : i32 to vector<16xi32>
          %gather3A_332 = tpu.vector_load_idx %arg8[%broadcast_in_dim3A_331, %sub3A_236] : memref<32x768xf32, #tpu.memory_space<vmem>>[vector<16xi32>, vector<16xi32>], vector<16xf32>,
          tpu.vector_store_idx %arg11[%iota3A, %broadcast_in_dim3A_331], %gather3A_332 : memref<16x128xf32, #tpu.memory_space<vmem>>[vector<16xi32>, vector<16xi32>], vector<16xf32>,
          %broadcast_in_dim3A_333 = arith.constant 30 : i32
          %broadcast_in_dim3A_334 = vector.broadcast %broadcast_in_dim3A_333 : i32 to vector<16xi32>
          %gather3A_335 = tpu.vector_load_idx %arg8[%broadcast_in_dim3A_334, %sub3A_236] : memref<32x768xf32, #tpu.memory_space<vmem>>[vector<16xi32>, vector<16xi32>], vector<16xf32>,
          tpu.vector_store_idx %arg11[%iota3A, %broadcast_in_dim3A_334], %gather3A_335 : memref<16x128xf32, #tpu.memory_space<vmem>>[vector<16xi32>, vector<16xi32>], vector<16xf32>,
          %broadcast_in_dim3A_336 = arith.constant 31 : i32
          %broadcast_in_dim3A_337 = vector.broadcast %broadcast_in_dim3A_336 : i32 to vector<16xi32>
          %gather3A_338 = tpu.vector_load_idx %arg8[%broadcast_in_dim3A_337, %sub3A_236] : memref<32x768xf32, #tpu.memory_space<vmem>>[vector<16xi32>, vector<16xi32>], vector<16xf32>,
          tpu.vector_store_idx %arg11[%iota3A, %broadcast_in_dim3A_337], %gather3A_338 : memref<16x128xf32, #tpu.memory_space<vmem>>[vector<16xi32>, vector<16xi32>], vector<16xf32>,
          %swap3A = arith.constant 0 : index
          %swap3A_339 = tpu.vector_load %arg13[%swap3A] {strides = array<i32>} : memref<16xi32, #tpu.memory_space<vmem>>, vector<16xi32>,
          tpu.vector_store %arg13[%swap3A], %and3A_238 {strides = array<i32>} : memref<16xi32, #tpu.memory_space<vmem>>, vector<16xi32>,
          %dma_start3A_340 = arith.constant 0 : i32
          %dma_start3A_341 = arith.constant 0 : i32
          %dma_start3A_342 = tpu.memref_slice %arg4[%dma_start3A_340, %dma_start3A_341] : memref<16384x128xf32, #tpu.memory_space<hbm>> -> memref<16384x128xf32, #tpu.memory_space<hbm>>
          tpu.enqueue_indirect_dma source(%arg11 : memref<16x128xf32, #tpu.memory_space<vmem>>) target(%dma_start3A_342 : memref<16384x128xf32, #tpu.memory_space<hbm>>) offsets(%arg13 : memref<16xi32, #tpu.memory_space<vmem>>) semaphore(%arg18 : memref<!tpu.dma_semaphore, #tpu.memory_space<semaphore_mem>>)
        } else {
        }
        %jit3A = arith.constant 1 : i32
        %select_n3A = arith.select %lt3A_211, %jit3A, %while3A_207 : i32
        %mul3A_215 = arith.constant 32 : i32
        %mul3A_216 = arith.muli %while3A_206, %mul3A_215 : i32
        %add3A_217 = arith.constant 16 : i32
        %add3A_218 = arith.addi %mul3A_216, %add3A_217 : i32
        %lt3A_219 = arith.cmpi slt, %add3A_218, %while3A_82 : i32
        %convert_element_type3A_220 = arith.extui %lt3A_219 : i1 to i32
        %cond3A_221 = arith.constant 0 : i32
        %cond3A_222 = arith.cmpi ne, %convert_element_type3A_220, %cond3A_221 : i32
        scf.if %cond3A_222 {
          %multiple_of3A_225 = tpu.assume_multiple %add3A_218, 16 : i32
          %get3A = arith.index_cast %multiple_of3A_225 : i32 to index
          %get3A_226 = tpu.vector_load %arg7[%get3A] {strides = array<i32>} : memref<16384xi32, #tpu.memory_space<vmem>>, vector<16xi32>,
          %add3A_227 = vector.broadcast %add3A_218 : i32 to vector<16xi32>
          %add3A_228 = arith.addi %add3A_227, %iota3A : vector<16xi32>
          %lt3A_229 = vector.broadcast %while3A_82 : i32 to vector<16xi32>
          %lt3A_230 = arith.cmpi slt, %add3A_228, %lt3A_229 : vector<16xi32>
          %slice3A = vector.extract_strided_slice %get3A_226 {offsets = [0], sizes = [1], strides = [1]} : vector<16xi32> to vector<1xi32>
          %squeeze3A = vector.extract %slice3A[0] : i32 from vector<1xi32>
          %broadcast_in_dim3A = vector.broadcast %squeeze3A : i32 to vector<16xi32>
          %select_n3A_231 = arith.select %lt3A_230, %get3A_226, %broadcast_in_dim3A : vector<16xi1>, vector<16xi32>
          %shift_right_arithmetic3A_232 = arith.constant 14 : i32
          %shift_right_arithmetic3A_233 = vector.broadcast %shift_right_arithmetic3A_232 : i32 to vector<16xi32>
          %shift_right_arithmetic3A_234 = arith.shrsi %select_n3A_231, %shift_right_arithmetic3A_233 : vector<16xi32>
          %sub3A_235 = vector.broadcast %sub3A : i32 to vector<16xi32>
          %sub3A_236 = arith.subi %shift_right_arithmetic3A_234, %sub3A_235 : vector<16xi32>
          %and3A = arith.constant 16383 : i32
          %and3A_237 = vector.broadcast %and3A : i32 to vector<16xi32>
          %and3A_238 = arith.andi %select_n3A_231, %and3A_237 : vector<16xi32>
          %gt3A_239 = arith.constant 0 : i32
          %gt3A_240 = arith.cmpi sgt, %while3A_208, %gt3A_239 : i32
          %convert_element_type3A_241 = arith.extui %gt3A_240 : i1 to i32
          %cond3A_242 = arith.constant 0 : i32
          %cond3A_243 = arith.cmpi ne, %convert_element_type3A_241, %cond3A_242 : i32
          scf.if %cond3A_243 {
            %dma_wait3A_343 = arith.constant 0 : i32
            %dma_wait3A_344 = arith.constant 0 : i32
            %dma_wait3A_345 = tpu.memref_slice %arg4[%dma_wait3A_343, %dma_wait3A_344] : memref<16384x128xf32, #tpu.memory_space<hbm>> -> memref<16384x128xf32, #tpu.memory_space<hbm>>
            tpu.wait_indirect_dma semaphore(%arg19 : memref<!tpu.dma_semaphore, #tpu.memory_space<semaphore_mem>>) src(%arg12 : memref<16x128xf32, #tpu.memory_space<vmem>>) dst(%dma_wait3A_345 : memref<16384x128xf32, #tpu.memory_space<hbm>>)
          } else {
          }
          %broadcast_in_dim3A_244 = arith.constant 0 : i32
          %broadcast_in_dim3A_245 = vector.broadcast %broadcast_in_dim3A_244 : i32 to vector<16xi32>
          %gather3A = tpu.vector_load_idx %arg8[%broadcast_in_dim3A_245, %sub3A_236] : memref<32x768xf32, #tpu.memory_space<vmem>>[vector<16xi32>, vector<16xi32>], vector<16xf32>,
          tpu.vector_store_idx %arg12[%iota3A, %broadcast_in_dim3A_245], %gather3A : memref<16x128xf32, #tpu.memory_space<vmem>>[vector<16xi32>, vector<16xi32>], vector<16xf32>,
          %broadcast_in_dim3A_246 = arith.constant 1 : i32
          %broadcast_in_dim3A_247 = vector.broadcast %broadcast_in_dim3A_246 : i32 to vector<16xi32>
          %gather3A_248 = tpu.vector_load_idx %arg8[%broadcast_in_dim3A_247, %sub3A_236] : memref<32x768xf32, #tpu.memory_space<vmem>>[vector<16xi32>, vector<16xi32>], vector<16xf32>,
          tpu.vector_store_idx %arg12[%iota3A, %broadcast_in_dim3A_247], %gather3A_248 : memref<16x128xf32, #tpu.memory_space<vmem>>[vector<16xi32>, vector<16xi32>], vector<16xf32>,
          %broadcast_in_dim3A_249 = arith.constant 2 : i32
          %broadcast_in_dim3A_250 = vector.broadcast %broadcast_in_dim3A_249 : i32 to vector<16xi32>
          %gather3A_251 = tpu.vector_load_idx %arg8[%broadcast_in_dim3A_250, %sub3A_236] : memref<32x768xf32, #tpu.memory_space<vmem>>[vector<16xi32>, vector<16xi32>], vector<16xf32>,
          tpu.vector_store_idx %arg12[%iota3A, %broadcast_in_dim3A_250], %gather3A_251 : memref<16x128xf32, #tpu.memory_space<vmem>>[vector<16xi32>, vector<16xi32>], vector<16xf32>,
          %broadcast_in_dim3A_252 = arith.constant 3 : i32
          %broadcast_in_dim3A_253 = vector.broadcast %broadcast_in_dim3A_252 : i32 to vector<16xi32>
          %gather3A_254 = tpu.vector_load_idx %arg8[%broadcast_in_dim3A_253, %sub3A_236] : memref<32x768xf32, #tpu.memory_space<vmem>>[vector<16xi32>, vector<16xi32>], vector<16xf32>,
          tpu.vector_store_idx %arg12[%iota3A, %broadcast_in_dim3A_253], %gather3A_254 : memref<16x128xf32, #tpu.memory_space<vmem>>[vector<16xi32>, vector<16xi32>], vector<16xf32>,
          %broadcast_in_dim3A_255 = arith.constant 4 : i32
          %broadcast_in_dim3A_256 = vector.broadcast %broadcast_in_dim3A_255 : i32 to vector<16xi32>
          %gather3A_257 = tpu.vector_load_idx %arg8[%broadcast_in_dim3A_256, %sub3A_236] : memref<32x768xf32, #tpu.memory_space<vmem>>[vector<16xi32>, vector<16xi32>], vector<16xf32>,
          tpu.vector_store_idx %arg12[%iota3A, %broadcast_in_dim3A_256], %gather3A_257 : memref<16x128xf32, #tpu.memory_space<vmem>>[vector<16xi32>, vector<16xi32>], vector<16xf32>,
          %broadcast_in_dim3A_258 = arith.constant 5 : i32
          %broadcast_in_dim3A_259 = vector.broadcast %broadcast_in_dim3A_258 : i32 to vector<16xi32>
          %gather3A_260 = tpu.vector_load_idx %arg8[%broadcast_in_dim3A_259, %sub3A_236] : memref<32x768xf32, #tpu.memory_space<vmem>>[vector<16xi32>, vector<16xi32>], vector<16xf32>,
          tpu.vector_store_idx %arg12[%iota3A, %broadcast_in_dim3A_259], %gather3A_260 : memref<16x128xf32, #tpu.memory_space<vmem>>[vector<16xi32>, vector<16xi32>], vector<16xf32>,
          %broadcast_in_dim3A_261 = arith.constant 6 : i32
          %broadcast_in_dim3A_262 = vector.broadcast %broadcast_in_dim3A_261 : i32 to vector<16xi32>
          %gather3A_263 = tpu.vector_load_idx %arg8[%broadcast_in_dim3A_262, %sub3A_236] : memref<32x768xf32, #tpu.memory_space<vmem>>[vector<16xi32>, vector<16xi32>], vector<16xf32>,
          tpu.vector_store_idx %arg12[%iota3A, %broadcast_in_dim3A_262], %gather3A_263 : memref<16x128xf32, #tpu.memory_space<vmem>>[vector<16xi32>, vector<16xi32>], vector<16xf32>,
          %broadcast_in_dim3A_264 = arith.constant 7 : i32
          %broadcast_in_dim3A_265 = vector.broadcast %broadcast_in_dim3A_264 : i32 to vector<16xi32>
          %gather3A_266 = tpu.vector_load_idx %arg8[%broadcast_in_dim3A_265, %sub3A_236] : memref<32x768xf32, #tpu.memory_space<vmem>>[vector<16xi32>, vector<16xi32>], vector<16xf32>,
          tpu.vector_store_idx %arg12[%iota3A, %broadcast_in_dim3A_265], %gather3A_266 : memref<16x128xf32, #tpu.memory_space<vmem>>[vector<16xi32>, vector<16xi32>], vector<16xf32>,
          %broadcast_in_dim3A_267 = arith.constant 8 : i32
          %broadcast_in_dim3A_268 = vector.broadcast %broadcast_in_dim3A_267 : i32 to vector<16xi32>
          %gather3A_269 = tpu.vector_load_idx %arg8[%broadcast_in_dim3A_268, %sub3A_236] : memref<32x768xf32, #tpu.memory_space<vmem>>[vector<16xi32>, vector<16xi32>], vector<16xf32>,
          tpu.vector_store_idx %arg12[%iota3A, %broadcast_in_dim3A_268], %gather3A_269 : memref<16x128xf32, #tpu.memory_space<vmem>>[vector<16xi32>, vector<16xi32>], vector<16xf32>,
          %broadcast_in_dim3A_270 = arith.constant 9 : i32
          %broadcast_in_dim3A_271 = vector.broadcast %broadcast_in_dim3A_270 : i32 to vector<16xi32>
          %gather3A_272 = tpu.vector_load_idx %arg8[%broadcast_in_dim3A_271, %sub3A_236] : memref<32x768xf32, #tpu.memory_space<vmem>>[vector<16xi32>, vector<16xi32>], vector<16xf32>,
          tpu.vector_store_idx %arg12[%iota3A, %broadcast_in_dim3A_271], %gather3A_272 : memref<16x128xf32, #tpu.memory_space<vmem>>[vector<16xi32>, vector<16xi32>], vector<16xf32>,
          %broadcast_in_dim3A_273 = arith.constant 10 : i32
          %broadcast_in_dim3A_274 = vector.broadcast %broadcast_in_dim3A_273 : i32 to vector<16xi32>
          %gather3A_275 = tpu.vector_load_idx %arg8[%broadcast_in_dim3A_274, %sub3A_236] : memref<32x768xf32, #tpu.memory_space<vmem>>[vector<16xi32>, vector<16xi32>], vector<16xf32>,
          tpu.vector_store_idx %arg12[%iota3A, %broadcast_in_dim3A_274], %gather3A_275 : memref<16x128xf32, #tpu.memory_space<vmem>>[vector<16xi32>, vector<16xi32>], vector<16xf32>,
          %broadcast_in_dim3A_276 = arith.constant 11 : i32
          %broadcast_in_dim3A_277 = vector.broadcast %broadcast_in_dim3A_276 : i32 to vector<16xi32>
          %gather3A_278 = tpu.vector_load_idx %arg8[%broadcast_in_dim3A_277, %sub3A_236] : memref<32x768xf32, #tpu.memory_space<vmem>>[vector<16xi32>, vector<16xi32>], vector<16xf32>,
          tpu.vector_store_idx %arg12[%iota3A, %broadcast_in_dim3A_277], %gather3A_278 : memref<16x128xf32, #tpu.memory_space<vmem>>[vector<16xi32>, vector<16xi32>], vector<16xf32>,
          %broadcast_in_dim3A_279 = arith.constant 12 : i32
          %broadcast_in_dim3A_280 = vector.broadcast %broadcast_in_dim3A_279 : i32 to vector<16xi32>
          %gather3A_281 = tpu.vector_load_idx %arg8[%broadcast_in_dim3A_280, %sub3A_236] : memref<32x768xf32, #tpu.memory_space<vmem>>[vector<16xi32>, vector<16xi32>], vector<16xf32>,
          tpu.vector_store_idx %arg12[%iota3A, %broadcast_in_dim3A_280], %gather3A_281 : memref<16x128xf32, #tpu.memory_space<vmem>>[vector<16xi32>, vector<16xi32>], vector<16xf32>,
          %broadcast_in_dim3A_282 = arith.constant 13 : i32
          %broadcast_in_dim3A_283 = vector.broadcast %broadcast_in_dim3A_282 : i32 to vector<16xi32>
          %gather3A_284 = tpu.vector_load_idx %arg8[%broadcast_in_dim3A_283, %sub3A_236] : memref<32x768xf32, #tpu.memory_space<vmem>>[vector<16xi32>, vector<16xi32>], vector<16xf32>,
          tpu.vector_store_idx %arg12[%iota3A, %broadcast_in_dim3A_283], %gather3A_284 : memref<16x128xf32, #tpu.memory_space<vmem>>[vector<16xi32>, vector<16xi32>], vector<16xf32>,
          %broadcast_in_dim3A_285 = arith.constant 14 : i32
          %broadcast_in_dim3A_286 = vector.broadcast %broadcast_in_dim3A_285 : i32 to vector<16xi32>
          %gather3A_287 = tpu.vector_load_idx %arg8[%broadcast_in_dim3A_286, %sub3A_236] : memref<32x768xf32, #tpu.memory_space<vmem>>[vector<16xi32>, vector<16xi32>], vector<16xf32>,
          tpu.vector_store_idx %arg12[%iota3A, %broadcast_in_dim3A_286], %gather3A_287 : memref<16x128xf32, #tpu.memory_space<vmem>>[vector<16xi32>, vector<16xi32>], vector<16xf32>,
          %broadcast_in_dim3A_288 = arith.constant 15 : i32
          %broadcast_in_dim3A_289 = vector.broadcast %broadcast_in_dim3A_288 : i32 to vector<16xi32>
          %gather3A_290 = tpu.vector_load_idx %arg8[%broadcast_in_dim3A_289, %sub3A_236] : memref<32x768xf32, #tpu.memory_space<vmem>>[vector<16xi32>, vector<16xi32>], vector<16xf32>,
          tpu.vector_store_idx %arg12[%iota3A, %broadcast_in_dim3A_289], %gather3A_290 : memref<16x128xf32, #tpu.memory_space<vmem>>[vector<16xi32>, vector<16xi32>], vector<16xf32>,
          %broadcast_in_dim3A_291 = arith.constant 16 : i32
          %broadcast_in_dim3A_292 = vector.broadcast %broadcast_in_dim3A_291 : i32 to vector<16xi32>
          %gather3A_293 = tpu.vector_load_idx %arg8[%broadcast_in_dim3A_292, %sub3A_236] : memref<32x768xf32, #tpu.memory_space<vmem>>[vector<16xi32>, vector<16xi32>], vector<16xf32>,
          tpu.vector_store_idx %arg12[%iota3A, %broadcast_in_dim3A_292], %gather3A_293 : memref<16x128xf32, #tpu.memory_space<vmem>>[vector<16xi32>, vector<16xi32>], vector<16xf32>,
          %broadcast_in_dim3A_294 = arith.constant 17 : i32
          %broadcast_in_dim3A_295 = vector.broadcast %broadcast_in_dim3A_294 : i32 to vector<16xi32>
          %gather3A_296 = tpu.vector_load_idx %arg8[%broadcast_in_dim3A_295, %sub3A_236] : memref<32x768xf32, #tpu.memory_space<vmem>>[vector<16xi32>, vector<16xi32>], vector<16xf32>,
          tpu.vector_store_idx %arg12[%iota3A, %broadcast_in_dim3A_295], %gather3A_296 : memref<16x128xf32, #tpu.memory_space<vmem>>[vector<16xi32>, vector<16xi32>], vector<16xf32>,
          %broadcast_in_dim3A_297 = arith.constant 18 : i32
          %broadcast_in_dim3A_298 = vector.broadcast %broadcast_in_dim3A_297 : i32 to vector<16xi32>
          %gather3A_299 = tpu.vector_load_idx %arg8[%broadcast_in_dim3A_298, %sub3A_236] : memref<32x768xf32, #tpu.memory_space<vmem>>[vector<16xi32>, vector<16xi32>], vector<16xf32>,
          tpu.vector_store_idx %arg12[%iota3A, %broadcast_in_dim3A_298], %gather3A_299 : memref<16x128xf32, #tpu.memory_space<vmem>>[vector<16xi32>, vector<16xi32>], vector<16xf32>,
          %broadcast_in_dim3A_300 = arith.constant 19 : i32
          %broadcast_in_dim3A_301 = vector.broadcast %broadcast_in_dim3A_300 : i32 to vector<16xi32>
          %gather3A_302 = tpu.vector_load_idx %arg8[%broadcast_in_dim3A_301, %sub3A_236] : memref<32x768xf32, #tpu.memory_space<vmem>>[vector<16xi32>, vector<16xi32>], vector<16xf32>,
          tpu.vector_store_idx %arg12[%iota3A, %broadcast_in_dim3A_301], %gather3A_302 : memref<16x128xf32, #tpu.memory_space<vmem>>[vector<16xi32>, vector<16xi32>], vector<16xf32>,
          %broadcast_in_dim3A_303 = arith.constant 20 : i32
          %broadcast_in_dim3A_304 = vector.broadcast %broadcast_in_dim3A_303 : i32 to vector<16xi32>
          %gather3A_305 = tpu.vector_load_idx %arg8[%broadcast_in_dim3A_304, %sub3A_236] : memref<32x768xf32, #tpu.memory_space<vmem>>[vector<16xi32>, vector<16xi32>], vector<16xf32>,
          tpu.vector_store_idx %arg12[%iota3A, %broadcast_in_dim3A_304], %gather3A_305 : memref<16x128xf32, #tpu.memory_space<vmem>>[vector<16xi32>, vector<16xi32>], vector<16xf32>,
          %broadcast_in_dim3A_306 = arith.constant 21 : i32
          %broadcast_in_dim3A_307 = vector.broadcast %broadcast_in_dim3A_306 : i32 to vector<16xi32>
          %gather3A_308 = tpu.vector_load_idx %arg8[%broadcast_in_dim3A_307, %sub3A_236] : memref<32x768xf32, #tpu.memory_space<vmem>>[vector<16xi32>, vector<16xi32>], vector<16xf32>,
          tpu.vector_store_idx %arg12[%iota3A, %broadcast_in_dim3A_307], %gather3A_308 : memref<16x128xf32, #tpu.memory_space<vmem>>[vector<16xi32>, vector<16xi32>], vector<16xf32>,
          %broadcast_in_dim3A_309 = arith.constant 22 : i32
          %broadcast_in_dim3A_310 = vector.broadcast %broadcast_in_dim3A_309 : i32 to vector<16xi32>
          %gather3A_311 = tpu.vector_load_idx %arg8[%broadcast_in_dim3A_310, %sub3A_236] : memref<32x768xf32, #tpu.memory_space<vmem>>[vector<16xi32>, vector<16xi32>], vector<16xf32>,
          tpu.vector_store_idx %arg12[%iota3A, %broadcast_in_dim3A_310], %gather3A_311 : memref<16x128xf32, #tpu.memory_space<vmem>>[vector<16xi32>, vector<16xi32>], vector<16xf32>,
          %broadcast_in_dim3A_312 = arith.constant 23 : i32
          %broadcast_in_dim3A_313 = vector.broadcast %broadcast_in_dim3A_312 : i32 to vector<16xi32>
          %gather3A_314 = tpu.vector_load_idx %arg8[%broadcast_in_dim3A_313, %sub3A_236] : memref<32x768xf32, #tpu.memory_space<vmem>>[vector<16xi32>, vector<16xi32>], vector<16xf32>,
          tpu.vector_store_idx %arg12[%iota3A, %broadcast_in_dim3A_313], %gather3A_314 : memref<16x128xf32, #tpu.memory_space<vmem>>[vector<16xi32>, vector<16xi32>], vector<16xf32>,
          %broadcast_in_dim3A_315 = arith.constant 24 : i32
          %broadcast_in_dim3A_316 = vector.broadcast %broadcast_in_dim3A_315 : i32 to vector<16xi32>
          %gather3A_317 = tpu.vector_load_idx %arg8[%broadcast_in_dim3A_316, %sub3A_236] : memref<32x768xf32, #tpu.memory_space<vmem>>[vector<16xi32>, vector<16xi32>], vector<16xf32>,
          tpu.vector_store_idx %arg12[%iota3A, %broadcast_in_dim3A_316], %gather3A_317 : memref<16x128xf32, #tpu.memory_space<vmem>>[vector<16xi32>, vector<16xi32>], vector<16xf32>,
          %broadcast_in_dim3A_318 = arith.constant 25 : i32
          %broadcast_in_dim3A_319 = vector.broadcast %broadcast_in_dim3A_318 : i32 to vector<16xi32>
          %gather3A_320 = tpu.vector_load_idx %arg8[%broadcast_in_dim3A_319, %sub3A_236] : memref<32x768xf32, #tpu.memory_space<vmem>>[vector<16xi32>, vector<16xi32>], vector<16xf32>,
          tpu.vector_store_idx %arg12[%iota3A, %broadcast_in_dim3A_319], %gather3A_320 : memref<16x128xf32, #tpu.memory_space<vmem>>[vector<16xi32>, vector<16xi32>], vector<16xf32>,
          %broadcast_in_dim3A_321 = arith.constant 26 : i32
          %broadcast_in_dim3A_322 = vector.broadcast %broadcast_in_dim3A_321 : i32 to vector<16xi32>
          %gather3A_323 = tpu.vector_load_idx %arg8[%broadcast_in_dim3A_322, %sub3A_236] : memref<32x768xf32, #tpu.memory_space<vmem>>[vector<16xi32>, vector<16xi32>], vector<16xf32>,
          tpu.vector_store_idx %arg12[%iota3A, %broadcast_in_dim3A_322], %gather3A_323 : memref<16x128xf32, #tpu.memory_space<vmem>>[vector<16xi32>, vector<16xi32>], vector<16xf32>,
          %broadcast_in_dim3A_324 = arith.constant 27 : i32
          %broadcast_in_dim3A_325 = vector.broadcast %broadcast_in_dim3A_324 : i32 to vector<16xi32>
          %gather3A_326 = tpu.vector_load_idx %arg8[%broadcast_in_dim3A_325, %sub3A_236] : memref<32x768xf32, #tpu.memory_space<vmem>>[vector<16xi32>, vector<16xi32>], vector<16xf32>,
          tpu.vector_store_idx %arg12[%iota3A, %broadcast_in_dim3A_325], %gather3A_326 : memref<16x128xf32, #tpu.memory_space<vmem>>[vector<16xi32>, vector<16xi32>], vector<16xf32>,
          %broadcast_in_dim3A_327 = arith.constant 28 : i32
          %broadcast_in_dim3A_328 = vector.broadcast %broadcast_in_dim3A_327 : i32 to vector<16xi32>
          %gather3A_329 = tpu.vector_load_idx %arg8[%broadcast_in_dim3A_328, %sub3A_236] : memref<32x768xf32, #tpu.memory_space<vmem>>[vector<16xi32>, vector<16xi32>], vector<16xf32>,
          tpu.vector_store_idx %arg12[%iota3A, %broadcast_in_dim3A_328], %gather3A_329 : memref<16x128xf32, #tpu.memory_space<vmem>>[vector<16xi32>, vector<16xi32>], vector<16xf32>,
          %broadcast_in_dim3A_330 = arith.constant 29 : i32
          %broadcast_in_dim3A_331 = vector.broadcast %broadcast_in_dim3A_330 : i32 to vector<16xi32>
          %gather3A_332 = tpu.vector_load_idx %arg8[%broadcast_in_dim3A_331, %sub3A_236] : memref<32x768xf32, #tpu.memory_space<vmem>>[vector<16xi32>, vector<16xi32>], vector<16xf32>,
          tpu.vector_store_idx %arg12[%iota3A, %broadcast_in_dim3A_331], %gather3A_332 : memref<16x128xf32, #tpu.memory_space<vmem>>[vector<16xi32>, vector<16xi32>], vector<16xf32>,
          %broadcast_in_dim3A_333 = arith.constant 30 : i32
          %broadcast_in_dim3A_334 = vector.broadcast %broadcast_in_dim3A_333 : i32 to vector<16xi32>
          %gather3A_335 = tpu.vector_load_idx %arg8[%broadcast_in_dim3A_334, %sub3A_236] : memref<32x768xf32, #tpu.memory_space<vmem>>[vector<16xi32>, vector<16xi32>], vector<16xf32>,
          tpu.vector_store_idx %arg12[%iota3A, %broadcast_in_dim3A_334], %gather3A_335 : memref<16x128xf32, #tpu.memory_space<vmem>>[vector<16xi32>, vector<16xi32>], vector<16xf32>,
          %broadcast_in_dim3A_336 = arith.constant 31 : i32
          %broadcast_in_dim3A_337 = vector.broadcast %broadcast_in_dim3A_336 : i32 to vector<16xi32>
          %gather3A_338 = tpu.vector_load_idx %arg8[%broadcast_in_dim3A_337, %sub3A_236] : memref<32x768xf32, #tpu.memory_space<vmem>>[vector<16xi32>, vector<16xi32>], vector<16xf32>,
          tpu.vector_store_idx %arg12[%iota3A, %broadcast_in_dim3A_337], %gather3A_338 : memref<16x128xf32, #tpu.memory_space<vmem>>[vector<16xi32>, vector<16xi32>], vector<16xf32>,
          %swap3A = arith.constant 0 : index
          %swap3A_339 = tpu.vector_load %arg14[%swap3A] {strides = array<i32>} : memref<16xi32, #tpu.memory_space<vmem>>, vector<16xi32>,
          tpu.vector_store %arg14[%swap3A], %and3A_238 {strides = array<i32>} : memref<16xi32, #tpu.memory_space<vmem>>, vector<16xi32>,
          %dma_start3A_340 = arith.constant 0 : i32
          %dma_start3A_341 = arith.constant 0 : i32
          %dma_start3A_342 = tpu.memref_slice %arg4[%dma_start3A_340, %dma_start3A_341] : memref<16384x128xf32, #tpu.memory_space<hbm>> -> memref<16384x128xf32, #tpu.memory_space<hbm>>
          tpu.enqueue_indirect_dma source(%arg12 : memref<16x128xf32, #tpu.memory_space<vmem>>) target(%dma_start3A_342 : memref<16384x128xf32, #tpu.memory_space<hbm>>) offsets(%arg14 : memref<16xi32, #tpu.memory_space<vmem>>) semaphore(%arg19 : memref<!tpu.dma_semaphore, #tpu.memory_space<semaphore_mem>>)
        } else {
        }
        %jit3A_223 = arith.constant 1 : i32
        %select_n3A_224 = arith.select %lt3A_219, %jit3A_223, %while3A_208 : i32
        scf.yield %select_n3A, %select_n3A_224 : i32, i32
      }
      %add3A_98 = arith.constant 0 : i32
      %add3A_99 = arith.addi %mul3A_59, %add3A_98 : i32
      %add3A_100 = arith.constant 3 : i32
      %add3A_101 = arith.addi %add3A_99, %add3A_100 : i32
      %lt3A = arith.constant 42 : i32
      %lt3A_102 = arith.cmpi slt, %add3A_101, %lt3A : i32
      %convert_element_type3A_103 = arith.extui %lt3A_102 : i1 to i32
      %cond3A_104 = arith.constant 0 : i32
      %cond3A_105 = arith.cmpi ne, %convert_element_type3A_103, %cond3A_104 : i32
      scf.if %cond3A_105 {
        %add3A_206 = arith.constant 0 : i32
        %add3A_207 = arith.addi %mul3A_59, %add3A_206 : i32
        %add3A_208 = arith.constant 3 : i32
        %add3A_209 = arith.addi %add3A_207, %add3A_208 : i32
        %mul3A_210 = arith.constant 768 : i32
        %mul3A_211 = arith.muli %add3A_209, %mul3A_210 : i32
        %add3A_212 = arith.addi %mul3A_2, %mul3A_211 : i32
        %min3A_213 = arith.constant 999296 : i32
        %min3A_214 = arith.minsi %add3A_212, %min3A_213 : i32
        %multiple_of3A_215 = tpu.assume_multiple %min3A_214, 128 : i32
        %dma_start3A_216 = arith.constant 0 : i32
        %dma_start3A_217 = tpu.memref_slice %arg2[%dma_start3A_216, %multiple_of3A_215] : memref<32x1000000xf32, #tpu.memory_space<hbm>> -> memref<32x768xf32, #tpu.memory_space<hbm>>
        %dma_start3A_218 = arith.constant 0 : i32
        %dma_start3A_219 = tpu.memref_slice %arg2[%dma_start3A_218, %multiple_of3A_215] : memref<32x1000000xf32, #tpu.memory_space<hbm>> -> memref<32x768xf32, #tpu.memory_space<hbm>>
        tpu.enqueue_dma source(%dma_start3A_219 : memref<32x768xf32, #tpu.memory_space<hbm>>) target(%arg8 : memref<32x768xf32, #tpu.memory_space<vmem>>) target_semaphore(%arg15 : memref<!tpu.dma_semaphore, #tpu.memory_space<semaphore_mem>>)
      } else {
      }
      %add3A_106 = arith.constant 1 : i32
      %add3A_107 = arith.addi %mul3A_59, %add3A_106 : i32
      %dma_wait3A_108 = arith.constant 0 : i32
      %dma_wait3A_109 = arith.constant 0 : i32
      %dma_wait3A_110 = tpu.memref_slice %arg2[%dma_wait3A_108, %dma_wait3A_109] : memref<32x1000000xf32, #tpu.memory_space<hbm>> -> memref<32x768xf32, #tpu.memory_space<hbm>>
      %dma_wait3A_111 = arith.constant 0 : i32
      %dma_wait3A_112 = arith.constant 0 : i32
      %dma_wait3A_113 = tpu.memref_slice %arg2[%dma_wait3A_111, %dma_wait3A_112] : memref<32x1000000xf32, #tpu.memory_space<hbm>> -> memref<32x768xf32, #tpu.memory_space<hbm>>
      tpu.wait_dma2 semaphore(%arg16 : memref<!tpu.dma_semaphore, #tpu.memory_space<semaphore_mem>>) src(%dma_wait3A_113 : memref<32x768xf32, #tpu.memory_space<hbm>>) dst(%arg9 : memref<32x768xf32, #tpu.memory_space<vmem>>)
      %mul3A_114 = arith.constant 768 : i32
      %mul3A_115 = arith.muli %add3A_107, %mul3A_114 : i32
      %add3A_116 = arith.addi %mul3A_2, %mul3A_115 : i32
      %min3A_117 = arith.constant 999296 : i32
      %min3A_118 = arith.minsi %add3A_116, %min3A_117 : i32
      %sub3A_119 = arith.subi %min3A_118, %mul3A_2 : i32
      %while3A_120 = arith.constant 0 : i32
      %while3A_121 = arith.constant 0 : i32
      %while3A_122 = arith.subi %shift_right_arithmetic3A_39, %while3A_120 : i32
      %while3A_123 = arith.addi %while3A_120, %while3A_122 : i32
      %while3A_124 = arith.constant 1 : i32
      %while3A_125 = arith.divsi %while3A_122, %while3A_124 : i32
      %while3A_126 = arith.muli %while3A_125, %while3A_124 : i32
      %while3A_127 = arith.addi %while3A_120, %while3A_126 : i32
      %while3A_128 = arith.constant 1 : i32
      %while3A_129 = scf.for %while3A_206 = %while3A_120 to %while3A_127 step %while3A_128 iter_args(%while3A_207 = %while3A_121) -> (i32)  : i32 {
        %mul3A_208 = arith.constant 16 : i32
        %mul3A_209 = arith.muli %while3A_206, %mul3A_208 : i32
        %multiple_of3A_210 = tpu.assume_multiple %mul3A_209, 16 : i32
        %get3A = arith.index_cast %multiple_of3A_210 : i32 to index
        %get3A_211 = tpu.vector_load %arg6[%get3A] {strides = array<i32>} : memref<16384xi32, #tpu.memory_space<vmem>>, vector<16xi32>,
        %shift_right_arithmetic3A_212 = arith.constant 14 : i32
        %shift_right_arithmetic3A_213 = vector.broadcast %shift_right_arithmetic3A_212 : i32 to vector<16xi32>
        %shift_right_arithmetic3A_214 = arith.shrsi %get3A_211, %shift_right_arithmetic3A_213 : vector<16xi32>
        %mul3A_215 = arith.constant 16 : i32
        %mul3A_216 = arith.muli %while3A_206, %mul3A_215 : i32
        %add3A_217 = vector.broadcast %mul3A_216 : i32 to vector<16xi32>
        %add3A_218 = arith.addi %add3A_217, %iota3A : vector<16xi32>
        %lt3A_219 = vector.broadcast %scan3A_35 : i32 to vector<16xi32>
        %lt3A_220 = arith.cmpi slt, %add3A_218, %lt3A_219 : vector<16xi32>
        %mul3A_221 = arith.constant 768 : i32
        %mul3A_222 = arith.muli %add3A_107, %mul3A_221 : i32
        %ge3A = vector.broadcast %mul3A_222 : i32 to vector<16xi32>
        %ge3A_223 = arith.cmpi sge, %shift_right_arithmetic3A_214, %ge3A : vector<16xi32>
        %and3A = arith.andi %lt3A_220, %ge3A_223 : vector<16xi1>
        %add3A_224 = arith.constant 1 : i32
        %add3A_225 = arith.addi %add3A_107, %add3A_224 : i32
        %mul3A_226 = arith.constant 768 : i32
        %mul3A_227 = arith.muli %add3A_225, %mul3A_226 : i32
        %lt3A_228 = vector.broadcast %mul3A_227 : i32 to vector<16xi32>
        %lt3A_229 = arith.cmpi slt, %shift_right_arithmetic3A_214, %lt3A_228 : vector<16xi32>
        %and3A_230 = arith.andi %and3A, %lt3A_229 : vector<16xi1>
        %convert_element_type3A_231 = arith.extui %and3A_230 : vector<16xi1> to vector<16xi32>
        %broadcast_in_dim3A = arith.constant true
        %broadcast_in_dim3A_232 = vector.broadcast %broadcast_in_dim3A : i1 to vector<16xi1>
        %masked_cumsum3A = tpu.scan <sum>, %convert_element_type3A_231 masked %broadcast_in_dim3A_232 : vector<16xi32>, vector<16xi1> -> vector<16xi32>
        %add3A_233 = vector.broadcast %while3A_207 : i32 to vector<16xi32>
        %add3A_234 = arith.addi %add3A_233, %masked_cumsum3A : vector<16xi32>
        %sub3A_235 = arith.subi %add3A_234, %convert_element_type3A_231 : vector<16xi32>
        tpu.vector_store_idx %arg7[%sub3A_235], %get3A_211 masked %and3A_230 : memref<16384xi32, #tpu.memory_space<vmem>>[vector<16xi32>], vector<16xi32>, vector<16xi1>
        %slice3A = vector.extract_strided_slice %masked_cumsum3A {offsets = [15], sizes = [1], strides = [1]} : vector<16xi32> to vector<1xi32>
        %squeeze3A = vector.extract %slice3A[0] : i32 from vector<1xi32>
        %add3A_236 = arith.addi %while3A_207, %squeeze3A : i32
        scf.yield %add3A_236 : i32
      }
      %while3A_130 = arith.constant 1 : i32
      %while3A_131 = scf.for %while3A_206 = %while3A_127 to %while3A_123 step %while3A_130 iter_args(%while3A_207 = %while3A_129) -> (i32)  : i32 {
        %mul3A_208 = arith.constant 16 : i32
        %mul3A_209 = arith.muli %while3A_206, %mul3A_208 : i32
        %multiple_of3A_210 = tpu.assume_multiple %mul3A_209, 16 : i32
        %get3A = arith.index_cast %multiple_of3A_210 : i32 to index
        %get3A_211 = tpu.vector_load %arg6[%get3A] {strides = array<i32>} : memref<16384xi32, #tpu.memory_space<vmem>>, vector<16xi32>,
        %shift_right_arithmetic3A_212 = arith.constant 14 : i32
        %shift_right_arithmetic3A_213 = vector.broadcast %shift_right_arithmetic3A_212 : i32 to vector<16xi32>
        %shift_right_arithmetic3A_214 = arith.shrsi %get3A_211, %shift_right_arithmetic3A_213 : vector<16xi32>
        %mul3A_215 = arith.constant 16 : i32
        %mul3A_216 = arith.muli %while3A_206, %mul3A_215 : i32
        %add3A_217 = vector.broadcast %mul3A_216 : i32 to vector<16xi32>
        %add3A_218 = arith.addi %add3A_217, %iota3A : vector<16xi32>
        %lt3A_219 = vector.broadcast %scan3A_35 : i32 to vector<16xi32>
        %lt3A_220 = arith.cmpi slt, %add3A_218, %lt3A_219 : vector<16xi32>
        %mul3A_221 = arith.constant 768 : i32
        %mul3A_222 = arith.muli %add3A_107, %mul3A_221 : i32
        %ge3A = vector.broadcast %mul3A_222 : i32 to vector<16xi32>
        %ge3A_223 = arith.cmpi sge, %shift_right_arithmetic3A_214, %ge3A : vector<16xi32>
        %and3A = arith.andi %lt3A_220, %ge3A_223 : vector<16xi1>
        %add3A_224 = arith.constant 1 : i32
        %add3A_225 = arith.addi %add3A_107, %add3A_224 : i32
        %mul3A_226 = arith.constant 768 : i32
        %mul3A_227 = arith.muli %add3A_225, %mul3A_226 : i32
        %lt3A_228 = vector.broadcast %mul3A_227 : i32 to vector<16xi32>
        %lt3A_229 = arith.cmpi slt, %shift_right_arithmetic3A_214, %lt3A_228 : vector<16xi32>
        %and3A_230 = arith.andi %and3A, %lt3A_229 : vector<16xi1>
        %convert_element_type3A_231 = arith.extui %and3A_230 : vector<16xi1> to vector<16xi32>
        %broadcast_in_dim3A = arith.constant true
        %broadcast_in_dim3A_232 = vector.broadcast %broadcast_in_dim3A : i1 to vector<16xi1>
        %masked_cumsum3A = tpu.scan <sum>, %convert_element_type3A_231 masked %broadcast_in_dim3A_232 : vector<16xi32>, vector<16xi1> -> vector<16xi32>
        %add3A_233 = vector.broadcast %while3A_207 : i32 to vector<16xi32>
        %add3A_234 = arith.addi %add3A_233, %masked_cumsum3A : vector<16xi32>
        %sub3A_235 = arith.subi %add3A_234, %convert_element_type3A_231 : vector<16xi32>
        tpu.vector_store_idx %arg7[%sub3A_235], %get3A_211 masked %and3A_230 : memref<16384xi32, #tpu.memory_space<vmem>>[vector<16xi32>], vector<16xi32>, vector<16xi1>
        %slice3A = vector.extract_strided_slice %masked_cumsum3A {offsets = [15], sizes = [1], strides = [1]} : vector<16xi32> to vector<1xi32>
        %squeeze3A = vector.extract %slice3A[0] : i32 from vector<1xi32>
        %add3A_236 = arith.addi %while3A_207, %squeeze3A : i32
        scf.yield %add3A_236 : i32
      }
      %add3A_132 = arith.constant 31 : i32
      %add3A_133 = arith.addi %while3A_131, %add3A_132 : i32
      %shift_right_arithmetic3A_134 = arith.constant 5 : i32
      %shift_right_arithmetic3A_135 = arith.shrsi %add3A_133, %shift_right_arithmetic3A_134 : i32
      %while3A_136 = arith.constant 0 : i32
      %while3A_137 = arith.subi %shift_right_arithmetic3A_135, %while3A_136 : i32
      %while3A_138 = arith.addi %while3A_136, %while3A_137 : i32
      %while3A_139 = arith.constant 1 : i32
      %while3A_140 = arith.divsi %while3A_137, %while3A_139 : i32
      %while3A_141 = arith.muli %while3A_140, %while3A_139 : i32
      %while3A_142 = arith.addi %while3A_136, %while3A_141 : i32
      %while3A_143 = arith.constant 1 : i32
      %while3A_144:2 = scf.for %while3A_206 = %while3A_136 to %while3A_142 step %while3A_143 iter_args(%while3A_207 = %while3A_97#0, %while3A_208 = %while3A_97#1) -> (i32, i32)  : i32 {
        %mul3A_209 = arith.constant 32 : i32
        %mul3A_210 = arith.muli %while3A_206, %mul3A_209 : i32
        %lt3A_211 = arith.cmpi slt, %mul3A_210, %while3A_131 : i32
        %convert_element_type3A_212 = arith.extui %lt3A_211 : i1 to i32
        %cond3A_213 = arith.constant 0 : i32
        %cond3A_214 = arith.cmpi ne, %convert_element_type3A_212, %cond3A_213 : i32
        scf.if %cond3A_214 {
          %multiple_of3A_225 = tpu.assume_multiple %mul3A_210, 16 : i32
          %get3A = arith.index_cast %multiple_of3A_225 : i32 to index
          %get3A_226 = tpu.vector_load %arg7[%get3A] {strides = array<i32>} : memref<16384xi32, #tpu.memory_space<vmem>>, vector<16xi32>,
          %add3A_227 = vector.broadcast %mul3A_210 : i32 to vector<16xi32>
          %add3A_228 = arith.addi %add3A_227, %iota3A : vector<16xi32>
          %lt3A_229 = vector.broadcast %while3A_131 : i32 to vector<16xi32>
          %lt3A_230 = arith.cmpi slt, %add3A_228, %lt3A_229 : vector<16xi32>
          %slice3A = vector.extract_strided_slice %get3A_226 {offsets = [0], sizes = [1], strides = [1]} : vector<16xi32> to vector<1xi32>
          %squeeze3A = vector.extract %slice3A[0] : i32 from vector<1xi32>
          %broadcast_in_dim3A = vector.broadcast %squeeze3A : i32 to vector<16xi32>
          %select_n3A_231 = arith.select %lt3A_230, %get3A_226, %broadcast_in_dim3A : vector<16xi1>, vector<16xi32>
          %shift_right_arithmetic3A_232 = arith.constant 14 : i32
          %shift_right_arithmetic3A_233 = vector.broadcast %shift_right_arithmetic3A_232 : i32 to vector<16xi32>
          %shift_right_arithmetic3A_234 = arith.shrsi %select_n3A_231, %shift_right_arithmetic3A_233 : vector<16xi32>
          %sub3A_235 = vector.broadcast %sub3A_119 : i32 to vector<16xi32>
          %sub3A_236 = arith.subi %shift_right_arithmetic3A_234, %sub3A_235 : vector<16xi32>
          %and3A = arith.constant 16383 : i32
          %and3A_237 = vector.broadcast %and3A : i32 to vector<16xi32>
          %and3A_238 = arith.andi %select_n3A_231, %and3A_237 : vector<16xi32>
          %gt3A_239 = arith.constant 0 : i32
          %gt3A_240 = arith.cmpi sgt, %while3A_207, %gt3A_239 : i32
          %convert_element_type3A_241 = arith.extui %gt3A_240 : i1 to i32
          %cond3A_242 = arith.constant 0 : i32
          %cond3A_243 = arith.cmpi ne, %convert_element_type3A_241, %cond3A_242 : i32
          scf.if %cond3A_243 {
            %dma_wait3A_343 = arith.constant 0 : i32
            %dma_wait3A_344 = arith.constant 0 : i32
            %dma_wait3A_345 = tpu.memref_slice %arg4[%dma_wait3A_343, %dma_wait3A_344] : memref<16384x128xf32, #tpu.memory_space<hbm>> -> memref<16384x128xf32, #tpu.memory_space<hbm>>
            tpu.wait_indirect_dma semaphore(%arg18 : memref<!tpu.dma_semaphore, #tpu.memory_space<semaphore_mem>>) src(%arg11 : memref<16x128xf32, #tpu.memory_space<vmem>>) dst(%dma_wait3A_345 : memref<16384x128xf32, #tpu.memory_space<hbm>>)
          } else {
          }
          %broadcast_in_dim3A_244 = arith.constant 0 : i32
          %broadcast_in_dim3A_245 = vector.broadcast %broadcast_in_dim3A_244 : i32 to vector<16xi32>
          %gather3A = tpu.vector_load_idx %arg9[%broadcast_in_dim3A_245, %sub3A_236] : memref<32x768xf32, #tpu.memory_space<vmem>>[vector<16xi32>, vector<16xi32>], vector<16xf32>,
          tpu.vector_store_idx %arg11[%iota3A, %broadcast_in_dim3A_245], %gather3A : memref<16x128xf32, #tpu.memory_space<vmem>>[vector<16xi32>, vector<16xi32>], vector<16xf32>,
          %broadcast_in_dim3A_246 = arith.constant 1 : i32
          %broadcast_in_dim3A_247 = vector.broadcast %broadcast_in_dim3A_246 : i32 to vector<16xi32>
          %gather3A_248 = tpu.vector_load_idx %arg9[%broadcast_in_dim3A_247, %sub3A_236] : memref<32x768xf32, #tpu.memory_space<vmem>>[vector<16xi32>, vector<16xi32>], vector<16xf32>,
          tpu.vector_store_idx %arg11[%iota3A, %broadcast_in_dim3A_247], %gather3A_248 : memref<16x128xf32, #tpu.memory_space<vmem>>[vector<16xi32>, vector<16xi32>], vector<16xf32>,
          %broadcast_in_dim3A_249 = arith.constant 2 : i32
          %broadcast_in_dim3A_250 = vector.broadcast %broadcast_in_dim3A_249 : i32 to vector<16xi32>
          %gather3A_251 = tpu.vector_load_idx %arg9[%broadcast_in_dim3A_250, %sub3A_236] : memref<32x768xf32, #tpu.memory_space<vmem>>[vector<16xi32>, vector<16xi32>], vector<16xf32>,
          tpu.vector_store_idx %arg11[%iota3A, %broadcast_in_dim3A_250], %gather3A_251 : memref<16x128xf32, #tpu.memory_space<vmem>>[vector<16xi32>, vector<16xi32>], vector<16xf32>,
          %broadcast_in_dim3A_252 = arith.constant 3 : i32
          %broadcast_in_dim3A_253 = vector.broadcast %broadcast_in_dim3A_252 : i32 to vector<16xi32>
          %gather3A_254 = tpu.vector_load_idx %arg9[%broadcast_in_dim3A_253, %sub3A_236] : memref<32x768xf32, #tpu.memory_space<vmem>>[vector<16xi32>, vector<16xi32>], vector<16xf32>,
          tpu.vector_store_idx %arg11[%iota3A, %broadcast_in_dim3A_253], %gather3A_254 : memref<16x128xf32, #tpu.memory_space<vmem>>[vector<16xi32>, vector<16xi32>], vector<16xf32>,
          %broadcast_in_dim3A_255 = arith.constant 4 : i32
          %broadcast_in_dim3A_256 = vector.broadcast %broadcast_in_dim3A_255 : i32 to vector<16xi32>
          %gather3A_257 = tpu.vector_load_idx %arg9[%broadcast_in_dim3A_256, %sub3A_236] : memref<32x768xf32, #tpu.memory_space<vmem>>[vector<16xi32>, vector<16xi32>], vector<16xf32>,
          tpu.vector_store_idx %arg11[%iota3A, %broadcast_in_dim3A_256], %gather3A_257 : memref<16x128xf32, #tpu.memory_space<vmem>>[vector<16xi32>, vector<16xi32>], vector<16xf32>,
          %broadcast_in_dim3A_258 = arith.constant 5 : i32
          %broadcast_in_dim3A_259 = vector.broadcast %broadcast_in_dim3A_258 : i32 to vector<16xi32>
          %gather3A_260 = tpu.vector_load_idx %arg9[%broadcast_in_dim3A_259, %sub3A_236] : memref<32x768xf32, #tpu.memory_space<vmem>>[vector<16xi32>, vector<16xi32>], vector<16xf32>,
          tpu.vector_store_idx %arg11[%iota3A, %broadcast_in_dim3A_259], %gather3A_260 : memref<16x128xf32, #tpu.memory_space<vmem>>[vector<16xi32>, vector<16xi32>], vector<16xf32>,
          %broadcast_in_dim3A_261 = arith.constant 6 : i32
          %broadcast_in_dim3A_262 = vector.broadcast %broadcast_in_dim3A_261 : i32 to vector<16xi32>
          %gather3A_263 = tpu.vector_load_idx %arg9[%broadcast_in_dim3A_262, %sub3A_236] : memref<32x768xf32, #tpu.memory_space<vmem>>[vector<16xi32>, vector<16xi32>], vector<16xf32>,
          tpu.vector_store_idx %arg11[%iota3A, %broadcast_in_dim3A_262], %gather3A_263 : memref<16x128xf32, #tpu.memory_space<vmem>>[vector<16xi32>, vector<16xi32>], vector<16xf32>,
          %broadcast_in_dim3A_264 = arith.constant 7 : i32
          %broadcast_in_dim3A_265 = vector.broadcast %broadcast_in_dim3A_264 : i32 to vector<16xi32>
          %gather3A_266 = tpu.vector_load_idx %arg9[%broadcast_in_dim3A_265, %sub3A_236] : memref<32x768xf32, #tpu.memory_space<vmem>>[vector<16xi32>, vector<16xi32>], vector<16xf32>,
          tpu.vector_store_idx %arg11[%iota3A, %broadcast_in_dim3A_265], %gather3A_266 : memref<16x128xf32, #tpu.memory_space<vmem>>[vector<16xi32>, vector<16xi32>], vector<16xf32>,
          %broadcast_in_dim3A_267 = arith.constant 8 : i32
          %broadcast_in_dim3A_268 = vector.broadcast %broadcast_in_dim3A_267 : i32 to vector<16xi32>
          %gather3A_269 = tpu.vector_load_idx %arg9[%broadcast_in_dim3A_268, %sub3A_236] : memref<32x768xf32, #tpu.memory_space<vmem>>[vector<16xi32>, vector<16xi32>], vector<16xf32>,
          tpu.vector_store_idx %arg11[%iota3A, %broadcast_in_dim3A_268], %gather3A_269 : memref<16x128xf32, #tpu.memory_space<vmem>>[vector<16xi32>, vector<16xi32>], vector<16xf32>,
          %broadcast_in_dim3A_270 = arith.constant 9 : i32
          %broadcast_in_dim3A_271 = vector.broadcast %broadcast_in_dim3A_270 : i32 to vector<16xi32>
          %gather3A_272 = tpu.vector_load_idx %arg9[%broadcast_in_dim3A_271, %sub3A_236] : memref<32x768xf32, #tpu.memory_space<vmem>>[vector<16xi32>, vector<16xi32>], vector<16xf32>,
          tpu.vector_store_idx %arg11[%iota3A, %broadcast_in_dim3A_271], %gather3A_272 : memref<16x128xf32, #tpu.memory_space<vmem>>[vector<16xi32>, vector<16xi32>], vector<16xf32>,
          %broadcast_in_dim3A_273 = arith.constant 10 : i32
          %broadcast_in_dim3A_274 = vector.broadcast %broadcast_in_dim3A_273 : i32 to vector<16xi32>
          %gather3A_275 = tpu.vector_load_idx %arg9[%broadcast_in_dim3A_274, %sub3A_236] : memref<32x768xf32, #tpu.memory_space<vmem>>[vector<16xi32>, vector<16xi32>], vector<16xf32>,
          tpu.vector_store_idx %arg11[%iota3A, %broadcast_in_dim3A_274], %gather3A_275 : memref<16x128xf32, #tpu.memory_space<vmem>>[vector<16xi32>, vector<16xi32>], vector<16xf32>,
          %broadcast_in_dim3A_276 = arith.constant 11 : i32
          %broadcast_in_dim3A_277 = vector.broadcast %broadcast_in_dim3A_276 : i32 to vector<16xi32>
          %gather3A_278 = tpu.vector_load_idx %arg9[%broadcast_in_dim3A_277, %sub3A_236] : memref<32x768xf32, #tpu.memory_space<vmem>>[vector<16xi32>, vector<16xi32>], vector<16xf32>,
          tpu.vector_store_idx %arg11[%iota3A, %broadcast_in_dim3A_277], %gather3A_278 : memref<16x128xf32, #tpu.memory_space<vmem>>[vector<16xi32>, vector<16xi32>], vector<16xf32>,
          %broadcast_in_dim3A_279 = arith.constant 12 : i32
          %broadcast_in_dim3A_280 = vector.broadcast %broadcast_in_dim3A_279 : i32 to vector<16xi32>
          %gather3A_281 = tpu.vector_load_idx %arg9[%broadcast_in_dim3A_280, %sub3A_236] : memref<32x768xf32, #tpu.memory_space<vmem>>[vector<16xi32>, vector<16xi32>], vector<16xf32>,
          tpu.vector_store_idx %arg11[%iota3A, %broadcast_in_dim3A_280], %gather3A_281 : memref<16x128xf32, #tpu.memory_space<vmem>>[vector<16xi32>, vector<16xi32>], vector<16xf32>,
          %broadcast_in_dim3A_282 = arith.constant 13 : i32
          %broadcast_in_dim3A_283 = vector.broadcast %broadcast_in_dim3A_282 : i32 to vector<16xi32>
          %gather3A_284 = tpu.vector_load_idx %arg9[%broadcast_in_dim3A_283, %sub3A_236] : memref<32x768xf32, #tpu.memory_space<vmem>>[vector<16xi32>, vector<16xi32>], vector<16xf32>,
          tpu.vector_store_idx %arg11[%iota3A, %broadcast_in_dim3A_283], %gather3A_284 : memref<16x128xf32, #tpu.memory_space<vmem>>[vector<16xi32>, vector<16xi32>], vector<16xf32>,
          %broadcast_in_dim3A_285 = arith.constant 14 : i32
          %broadcast_in_dim3A_286 = vector.broadcast %broadcast_in_dim3A_285 : i32 to vector<16xi32>
          %gather3A_287 = tpu.vector_load_idx %arg9[%broadcast_in_dim3A_286, %sub3A_236] : memref<32x768xf32, #tpu.memory_space<vmem>>[vector<16xi32>, vector<16xi32>], vector<16xf32>,
          tpu.vector_store_idx %arg11[%iota3A, %broadcast_in_dim3A_286], %gather3A_287 : memref<16x128xf32, #tpu.memory_space<vmem>>[vector<16xi32>, vector<16xi32>], vector<16xf32>,
          %broadcast_in_dim3A_288 = arith.constant 15 : i32
          %broadcast_in_dim3A_289 = vector.broadcast %broadcast_in_dim3A_288 : i32 to vector<16xi32>
          %gather3A_290 = tpu.vector_load_idx %arg9[%broadcast_in_dim3A_289, %sub3A_236] : memref<32x768xf32, #tpu.memory_space<vmem>>[vector<16xi32>, vector<16xi32>], vector<16xf32>,
          tpu.vector_store_idx %arg11[%iota3A, %broadcast_in_dim3A_289], %gather3A_290 : memref<16x128xf32, #tpu.memory_space<vmem>>[vector<16xi32>, vector<16xi32>], vector<16xf32>,
          %broadcast_in_dim3A_291 = arith.constant 16 : i32
          %broadcast_in_dim3A_292 = vector.broadcast %broadcast_in_dim3A_291 : i32 to vector<16xi32>
          %gather3A_293 = tpu.vector_load_idx %arg9[%broadcast_in_dim3A_292, %sub3A_236] : memref<32x768xf32, #tpu.memory_space<vmem>>[vector<16xi32>, vector<16xi32>], vector<16xf32>,
          tpu.vector_store_idx %arg11[%iota3A, %broadcast_in_dim3A_292], %gather3A_293 : memref<16x128xf32, #tpu.memory_space<vmem>>[vector<16xi32>, vector<16xi32>], vector<16xf32>,
          %broadcast_in_dim3A_294 = arith.constant 17 : i32
          %broadcast_in_dim3A_295 = vector.broadcast %broadcast_in_dim3A_294 : i32 to vector<16xi32>
          %gather3A_296 = tpu.vector_load_idx %arg9[%broadcast_in_dim3A_295, %sub3A_236] : memref<32x768xf32, #tpu.memory_space<vmem>>[vector<16xi32>, vector<16xi32>], vector<16xf32>,
          tpu.vector_store_idx %arg11[%iota3A, %broadcast_in_dim3A_295], %gather3A_296 : memref<16x128xf32, #tpu.memory_space<vmem>>[vector<16xi32>, vector<16xi32>], vector<16xf32>,
          %broadcast_in_dim3A_297 = arith.constant 18 : i32
          %broadcast_in_dim3A_298 = vector.broadcast %broadcast_in_dim3A_297 : i32 to vector<16xi32>
          %gather3A_299 = tpu.vector_load_idx %arg9[%broadcast_in_dim3A_298, %sub3A_236] : memref<32x768xf32, #tpu.memory_space<vmem>>[vector<16xi32>, vector<16xi32>], vector<16xf32>,
          tpu.vector_store_idx %arg11[%iota3A, %broadcast_in_dim3A_298], %gather3A_299 : memref<16x128xf32, #tpu.memory_space<vmem>>[vector<16xi32>, vector<16xi32>], vector<16xf32>,
          %broadcast_in_dim3A_300 = arith.constant 19 : i32
          %broadcast_in_dim3A_301 = vector.broadcast %broadcast_in_dim3A_300 : i32 to vector<16xi32>
          %gather3A_302 = tpu.vector_load_idx %arg9[%broadcast_in_dim3A_301, %sub3A_236] : memref<32x768xf32, #tpu.memory_space<vmem>>[vector<16xi32>, vector<16xi32>], vector<16xf32>,
          tpu.vector_store_idx %arg11[%iota3A, %broadcast_in_dim3A_301], %gather3A_302 : memref<16x128xf32, #tpu.memory_space<vmem>>[vector<16xi32>, vector<16xi32>], vector<16xf32>,
          %broadcast_in_dim3A_303 = arith.constant 20 : i32
          %broadcast_in_dim3A_304 = vector.broadcast %broadcast_in_dim3A_303 : i32 to vector<16xi32>
          %gather3A_305 = tpu.vector_load_idx %arg9[%broadcast_in_dim3A_304, %sub3A_236] : memref<32x768xf32, #tpu.memory_space<vmem>>[vector<16xi32>, vector<16xi32>], vector<16xf32>,
          tpu.vector_store_idx %arg11[%iota3A, %broadcast_in_dim3A_304], %gather3A_305 : memref<16x128xf32, #tpu.memory_space<vmem>>[vector<16xi32>, vector<16xi32>], vector<16xf32>,
          %broadcast_in_dim3A_306 = arith.constant 21 : i32
          %broadcast_in_dim3A_307 = vector.broadcast %broadcast_in_dim3A_306 : i32 to vector<16xi32>
          %gather3A_308 = tpu.vector_load_idx %arg9[%broadcast_in_dim3A_307, %sub3A_236] : memref<32x768xf32, #tpu.memory_space<vmem>>[vector<16xi32>, vector<16xi32>], vector<16xf32>,
          tpu.vector_store_idx %arg11[%iota3A, %broadcast_in_dim3A_307], %gather3A_308 : memref<16x128xf32, #tpu.memory_space<vmem>>[vector<16xi32>, vector<16xi32>], vector<16xf32>,
          %broadcast_in_dim3A_309 = arith.constant 22 : i32
          %broadcast_in_dim3A_310 = vector.broadcast %broadcast_in_dim3A_309 : i32 to vector<16xi32>
          %gather3A_311 = tpu.vector_load_idx %arg9[%broadcast_in_dim3A_310, %sub3A_236] : memref<32x768xf32, #tpu.memory_space<vmem>>[vector<16xi32>, vector<16xi32>], vector<16xf32>,
          tpu.vector_store_idx %arg11[%iota3A, %broadcast_in_dim3A_310], %gather3A_311 : memref<16x128xf32, #tpu.memory_space<vmem>>[vector<16xi32>, vector<16xi32>], vector<16xf32>,
          %broadcast_in_dim3A_312 = arith.constant 23 : i32
          %broadcast_in_dim3A_313 = vector.broadcast %broadcast_in_dim3A_312 : i32 to vector<16xi32>
          %gather3A_314 = tpu.vector_load_idx %arg9[%broadcast_in_dim3A_313, %sub3A_236] : memref<32x768xf32, #tpu.memory_space<vmem>>[vector<16xi32>, vector<16xi32>], vector<16xf32>,
          tpu.vector_store_idx %arg11[%iota3A, %broadcast_in_dim3A_313], %gather3A_314 : memref<16x128xf32, #tpu.memory_space<vmem>>[vector<16xi32>, vector<16xi32>], vector<16xf32>,
          %broadcast_in_dim3A_315 = arith.constant 24 : i32
          %broadcast_in_dim3A_316 = vector.broadcast %broadcast_in_dim3A_315 : i32 to vector<16xi32>
          %gather3A_317 = tpu.vector_load_idx %arg9[%broadcast_in_dim3A_316, %sub3A_236] : memref<32x768xf32, #tpu.memory_space<vmem>>[vector<16xi32>, vector<16xi32>], vector<16xf32>,
          tpu.vector_store_idx %arg11[%iota3A, %broadcast_in_dim3A_316], %gather3A_317 : memref<16x128xf32, #tpu.memory_space<vmem>>[vector<16xi32>, vector<16xi32>], vector<16xf32>,
          %broadcast_in_dim3A_318 = arith.constant 25 : i32
          %broadcast_in_dim3A_319 = vector.broadcast %broadcast_in_dim3A_318 : i32 to vector<16xi32>
          %gather3A_320 = tpu.vector_load_idx %arg9[%broadcast_in_dim3A_319, %sub3A_236] : memref<32x768xf32, #tpu.memory_space<vmem>>[vector<16xi32>, vector<16xi32>], vector<16xf32>,
          tpu.vector_store_idx %arg11[%iota3A, %broadcast_in_dim3A_319], %gather3A_320 : memref<16x128xf32, #tpu.memory_space<vmem>>[vector<16xi32>, vector<16xi32>], vector<16xf32>,
          %broadcast_in_dim3A_321 = arith.constant 26 : i32
          %broadcast_in_dim3A_322 = vector.broadcast %broadcast_in_dim3A_321 : i32 to vector<16xi32>
          %gather3A_323 = tpu.vector_load_idx %arg9[%broadcast_in_dim3A_322, %sub3A_236] : memref<32x768xf32, #tpu.memory_space<vmem>>[vector<16xi32>, vector<16xi32>], vector<16xf32>,
          tpu.vector_store_idx %arg11[%iota3A, %broadcast_in_dim3A_322], %gather3A_323 : memref<16x128xf32, #tpu.memory_space<vmem>>[vector<16xi32>, vector<16xi32>], vector<16xf32>,
          %broadcast_in_dim3A_324 = arith.constant 27 : i32
          %broadcast_in_dim3A_325 = vector.broadcast %broadcast_in_dim3A_324 : i32 to vector<16xi32>
          %gather3A_326 = tpu.vector_load_idx %arg9[%broadcast_in_dim3A_325, %sub3A_236] : memref<32x768xf32, #tpu.memory_space<vmem>>[vector<16xi32>, vector<16xi32>], vector<16xf32>,
          tpu.vector_store_idx %arg11[%iota3A, %broadcast_in_dim3A_325], %gather3A_326 : memref<16x128xf32, #tpu.memory_space<vmem>>[vector<16xi32>, vector<16xi32>], vector<16xf32>,
          %broadcast_in_dim3A_327 = arith.constant 28 : i32
          %broadcast_in_dim3A_328 = vector.broadcast %broadcast_in_dim3A_327 : i32 to vector<16xi32>
          %gather3A_329 = tpu.vector_load_idx %arg9[%broadcast_in_dim3A_328, %sub3A_236] : memref<32x768xf32, #tpu.memory_space<vmem>>[vector<16xi32>, vector<16xi32>], vector<16xf32>,
          tpu.vector_store_idx %arg11[%iota3A, %broadcast_in_dim3A_328], %gather3A_329 : memref<16x128xf32, #tpu.memory_space<vmem>>[vector<16xi32>, vector<16xi32>], vector<16xf32>,
          %broadcast_in_dim3A_330 = arith.constant 29 : i32
          %broadcast_in_dim3A_331 = vector.broadcast %broadcast_in_dim3A_330 : i32 to vector<16xi32>
          %gather3A_332 = tpu.vector_load_idx %arg9[%broadcast_in_dim3A_331, %sub3A_236] : memref<32x768xf32, #tpu.memory_space<vmem>>[vector<16xi32>, vector<16xi32>], vector<16xf32>,
          tpu.vector_store_idx %arg11[%iota3A, %broadcast_in_dim3A_331], %gather3A_332 : memref<16x128xf32, #tpu.memory_space<vmem>>[vector<16xi32>, vector<16xi32>], vector<16xf32>,
          %broadcast_in_dim3A_333 = arith.constant 30 : i32
          %broadcast_in_dim3A_334 = vector.broadcast %broadcast_in_dim3A_333 : i32 to vector<16xi32>
          %gather3A_335 = tpu.vector_load_idx %arg9[%broadcast_in_dim3A_334, %sub3A_236] : memref<32x768xf32, #tpu.memory_space<vmem>>[vector<16xi32>, vector<16xi32>], vector<16xf32>,
          tpu.vector_store_idx %arg11[%iota3A, %broadcast_in_dim3A_334], %gather3A_335 : memref<16x128xf32, #tpu.memory_space<vmem>>[vector<16xi32>, vector<16xi32>], vector<16xf32>,
          %broadcast_in_dim3A_336 = arith.constant 31 : i32
          %broadcast_in_dim3A_337 = vector.broadcast %broadcast_in_dim3A_336 : i32 to vector<16xi32>
          %gather3A_338 = tpu.vector_load_idx %arg9[%broadcast_in_dim3A_337, %sub3A_236] : memref<32x768xf32, #tpu.memory_space<vmem>>[vector<16xi32>, vector<16xi32>], vector<16xf32>,
          tpu.vector_store_idx %arg11[%iota3A, %broadcast_in_dim3A_337], %gather3A_338 : memref<16x128xf32, #tpu.memory_space<vmem>>[vector<16xi32>, vector<16xi32>], vector<16xf32>,
          %swap3A = arith.constant 0 : index
          %swap3A_339 = tpu.vector_load %arg13[%swap3A] {strides = array<i32>} : memref<16xi32, #tpu.memory_space<vmem>>, vector<16xi32>,
          tpu.vector_store %arg13[%swap3A], %and3A_238 {strides = array<i32>} : memref<16xi32, #tpu.memory_space<vmem>>, vector<16xi32>,
          %dma_start3A_340 = arith.constant 0 : i32
          %dma_start3A_341 = arith.constant 0 : i32
          %dma_start3A_342 = tpu.memref_slice %arg4[%dma_start3A_340, %dma_start3A_341] : memref<16384x128xf32, #tpu.memory_space<hbm>> -> memref<16384x128xf32, #tpu.memory_space<hbm>>
          tpu.enqueue_indirect_dma source(%arg11 : memref<16x128xf32, #tpu.memory_space<vmem>>) target(%dma_start3A_342 : memref<16384x128xf32, #tpu.memory_space<hbm>>) offsets(%arg13 : memref<16xi32, #tpu.memory_space<vmem>>) semaphore(%arg18 : memref<!tpu.dma_semaphore, #tpu.memory_space<semaphore_mem>>)
        } else {
        }
        %jit3A = arith.constant 1 : i32
        %select_n3A = arith.select %lt3A_211, %jit3A, %while3A_207 : i32
        %mul3A_215 = arith.constant 32 : i32
        %mul3A_216 = arith.muli %while3A_206, %mul3A_215 : i32
        %add3A_217 = arith.constant 16 : i32
        %add3A_218 = arith.addi %mul3A_216, %add3A_217 : i32
        %lt3A_219 = arith.cmpi slt, %add3A_218, %while3A_131 : i32
        %convert_element_type3A_220 = arith.extui %lt3A_219 : i1 to i32
        %cond3A_221 = arith.constant 0 : i32
        %cond3A_222 = arith.cmpi ne, %convert_element_type3A_220, %cond3A_221 : i32
        scf.if %cond3A_222 {
          %multiple_of3A_225 = tpu.assume_multiple %add3A_218, 16 : i32
          %get3A = arith.index_cast %multiple_of3A_225 : i32 to index
          %get3A_226 = tpu.vector_load %arg7[%get3A] {strides = array<i32>} : memref<16384xi32, #tpu.memory_space<vmem>>, vector<16xi32>,
          %add3A_227 = vector.broadcast %add3A_218 : i32 to vector<16xi32>
          %add3A_228 = arith.addi %add3A_227, %iota3A : vector<16xi32>
          %lt3A_229 = vector.broadcast %while3A_131 : i32 to vector<16xi32>
          %lt3A_230 = arith.cmpi slt, %add3A_228, %lt3A_229 : vector<16xi32>
          %slice3A = vector.extract_strided_slice %get3A_226 {offsets = [0], sizes = [1], strides = [1]} : vector<16xi32> to vector<1xi32>
          %squeeze3A = vector.extract %slice3A[0] : i32 from vector<1xi32>
          %broadcast_in_dim3A = vector.broadcast %squeeze3A : i32 to vector<16xi32>
          %select_n3A_231 = arith.select %lt3A_230, %get3A_226, %broadcast_in_dim3A : vector<16xi1>, vector<16xi32>
          %shift_right_arithmetic3A_232 = arith.constant 14 : i32
          %shift_right_arithmetic3A_233 = vector.broadcast %shift_right_arithmetic3A_232 : i32 to vector<16xi32>
          %shift_right_arithmetic3A_234 = arith.shrsi %select_n3A_231, %shift_right_arithmetic3A_233 : vector<16xi32>
          %sub3A_235 = vector.broadcast %sub3A_119 : i32 to vector<16xi32>
          %sub3A_236 = arith.subi %shift_right_arithmetic3A_234, %sub3A_235 : vector<16xi32>
          %and3A = arith.constant 16383 : i32
          %and3A_237 = vector.broadcast %and3A : i32 to vector<16xi32>
          %and3A_238 = arith.andi %select_n3A_231, %and3A_237 : vector<16xi32>
          %gt3A_239 = arith.constant 0 : i32
          %gt3A_240 = arith.cmpi sgt, %while3A_208, %gt3A_239 : i32
          %convert_element_type3A_241 = arith.extui %gt3A_240 : i1 to i32
          %cond3A_242 = arith.constant 0 : i32
          %cond3A_243 = arith.cmpi ne, %convert_element_type3A_241, %cond3A_242 : i32
          scf.if %cond3A_243 {
            %dma_wait3A_343 = arith.constant 0 : i32
            %dma_wait3A_344 = arith.constant 0 : i32
            %dma_wait3A_345 = tpu.memref_slice %arg4[%dma_wait3A_343, %dma_wait3A_344] : memref<16384x128xf32, #tpu.memory_space<hbm>> -> memref<16384x128xf32, #tpu.memory_space<hbm>>
            tpu.wait_indirect_dma semaphore(%arg19 : memref<!tpu.dma_semaphore, #tpu.memory_space<semaphore_mem>>) src(%arg12 : memref<16x128xf32, #tpu.memory_space<vmem>>) dst(%dma_wait3A_345 : memref<16384x128xf32, #tpu.memory_space<hbm>>)
          } else {
          }
          %broadcast_in_dim3A_244 = arith.constant 0 : i32
          %broadcast_in_dim3A_245 = vector.broadcast %broadcast_in_dim3A_244 : i32 to vector<16xi32>
          %gather3A = tpu.vector_load_idx %arg9[%broadcast_in_dim3A_245, %sub3A_236] : memref<32x768xf32, #tpu.memory_space<vmem>>[vector<16xi32>, vector<16xi32>], vector<16xf32>,
          tpu.vector_store_idx %arg12[%iota3A, %broadcast_in_dim3A_245], %gather3A : memref<16x128xf32, #tpu.memory_space<vmem>>[vector<16xi32>, vector<16xi32>], vector<16xf32>,
          %broadcast_in_dim3A_246 = arith.constant 1 : i32
          %broadcast_in_dim3A_247 = vector.broadcast %broadcast_in_dim3A_246 : i32 to vector<16xi32>
          %gather3A_248 = tpu.vector_load_idx %arg9[%broadcast_in_dim3A_247, %sub3A_236] : memref<32x768xf32, #tpu.memory_space<vmem>>[vector<16xi32>, vector<16xi32>], vector<16xf32>,
          tpu.vector_store_idx %arg12[%iota3A, %broadcast_in_dim3A_247], %gather3A_248 : memref<16x128xf32, #tpu.memory_space<vmem>>[vector<16xi32>, vector<16xi32>], vector<16xf32>,
          %broadcast_in_dim3A_249 = arith.constant 2 : i32
          %broadcast_in_dim3A_250 = vector.broadcast %broadcast_in_dim3A_249 : i32 to vector<16xi32>
          %gather3A_251 = tpu.vector_load_idx %arg9[%broadcast_in_dim3A_250, %sub3A_236] : memref<32x768xf32, #tpu.memory_space<vmem>>[vector<16xi32>, vector<16xi32>], vector<16xf32>,
          tpu.vector_store_idx %arg12[%iota3A, %broadcast_in_dim3A_250], %gather3A_251 : memref<16x128xf32, #tpu.memory_space<vmem>>[vector<16xi32>, vector<16xi32>], vector<16xf32>,
          %broadcast_in_dim3A_252 = arith.constant 3 : i32
          %broadcast_in_dim3A_253 = vector.broadcast %broadcast_in_dim3A_252 : i32 to vector<16xi32>
          %gather3A_254 = tpu.vector_load_idx %arg9[%broadcast_in_dim3A_253, %sub3A_236] : memref<32x768xf32, #tpu.memory_space<vmem>>[vector<16xi32>, vector<16xi32>], vector<16xf32>,
          tpu.vector_store_idx %arg12[%iota3A, %broadcast_in_dim3A_253], %gather3A_254 : memref<16x128xf32, #tpu.memory_space<vmem>>[vector<16xi32>, vector<16xi32>], vector<16xf32>,
          %broadcast_in_dim3A_255 = arith.constant 4 : i32
          %broadcast_in_dim3A_256 = vector.broadcast %broadcast_in_dim3A_255 : i32 to vector<16xi32>
          %gather3A_257 = tpu.vector_load_idx %arg9[%broadcast_in_dim3A_256, %sub3A_236] : memref<32x768xf32, #tpu.memory_space<vmem>>[vector<16xi32>, vector<16xi32>], vector<16xf32>,
          tpu.vector_store_idx %arg12[%iota3A, %broadcast_in_dim3A_256], %gather3A_257 : memref<16x128xf32, #tpu.memory_space<vmem>>[vector<16xi32>, vector<16xi32>], vector<16xf32>,
          %broadcast_in_dim3A_258 = arith.constant 5 : i32
          %broadcast_in_dim3A_259 = vector.broadcast %broadcast_in_dim3A_258 : i32 to vector<16xi32>
          %gather3A_260 = tpu.vector_load_idx %arg9[%broadcast_in_dim3A_259, %sub3A_236] : memref<32x768xf32, #tpu.memory_space<vmem>>[vector<16xi32>, vector<16xi32>], vector<16xf32>,
          tpu.vector_store_idx %arg12[%iota3A, %broadcast_in_dim3A_259], %gather3A_260 : memref<16x128xf32, #tpu.memory_space<vmem>>[vector<16xi32>, vector<16xi32>], vector<16xf32>,
          %broadcast_in_dim3A_261 = arith.constant 6 : i32
          %broadcast_in_dim3A_262 = vector.broadcast %broadcast_in_dim3A_261 : i32 to vector<16xi32>
          %gather3A_263 = tpu.vector_load_idx %arg9[%broadcast_in_dim3A_262, %sub3A_236] : memref<32x768xf32, #tpu.memory_space<vmem>>[vector<16xi32>, vector<16xi32>], vector<16xf32>,
          tpu.vector_store_idx %arg12[%iota3A, %broadcast_in_dim3A_262], %gather3A_263 : memref<16x128xf32, #tpu.memory_space<vmem>>[vector<16xi32>, vector<16xi32>], vector<16xf32>,
          %broadcast_in_dim3A_264 = arith.constant 7 : i32
          %broadcast_in_dim3A_265 = vector.broadcast %broadcast_in_dim3A_264 : i32 to vector<16xi32>
          %gather3A_266 = tpu.vector_load_idx %arg9[%broadcast_in_dim3A_265, %sub3A_236] : memref<32x768xf32, #tpu.memory_space<vmem>>[vector<16xi32>, vector<16xi32>], vector<16xf32>,
          tpu.vector_store_idx %arg12[%iota3A, %broadcast_in_dim3A_265], %gather3A_266 : memref<16x128xf32, #tpu.memory_space<vmem>>[vector<16xi32>, vector<16xi32>], vector<16xf32>,
          %broadcast_in_dim3A_267 = arith.constant 8 : i32
          %broadcast_in_dim3A_268 = vector.broadcast %broadcast_in_dim3A_267 : i32 to vector<16xi32>
          %gather3A_269 = tpu.vector_load_idx %arg9[%broadcast_in_dim3A_268, %sub3A_236] : memref<32x768xf32, #tpu.memory_space<vmem>>[vector<16xi32>, vector<16xi32>], vector<16xf32>,
          tpu.vector_store_idx %arg12[%iota3A, %broadcast_in_dim3A_268], %gather3A_269 : memref<16x128xf32, #tpu.memory_space<vmem>>[vector<16xi32>, vector<16xi32>], vector<16xf32>,
          %broadcast_in_dim3A_270 = arith.constant 9 : i32
          %broadcast_in_dim3A_271 = vector.broadcast %broadcast_in_dim3A_270 : i32 to vector<16xi32>
          %gather3A_272 = tpu.vector_load_idx %arg9[%broadcast_in_dim3A_271, %sub3A_236] : memref<32x768xf32, #tpu.memory_space<vmem>>[vector<16xi32>, vector<16xi32>], vector<16xf32>,
          tpu.vector_store_idx %arg12[%iota3A, %broadcast_in_dim3A_271], %gather3A_272 : memref<16x128xf32, #tpu.memory_space<vmem>>[vector<16xi32>, vector<16xi32>], vector<16xf32>,
          %broadcast_in_dim3A_273 = arith.constant 10 : i32
          %broadcast_in_dim3A_274 = vector.broadcast %broadcast_in_dim3A_273 : i32 to vector<16xi32>
          %gather3A_275 = tpu.vector_load_idx %arg9[%broadcast_in_dim3A_274, %sub3A_236] : memref<32x768xf32, #tpu.memory_space<vmem>>[vector<16xi32>, vector<16xi32>], vector<16xf32>,
          tpu.vector_store_idx %arg12[%iota3A, %broadcast_in_dim3A_274], %gather3A_275 : memref<16x128xf32, #tpu.memory_space<vmem>>[vector<16xi32>, vector<16xi32>], vector<16xf32>,
          %broadcast_in_dim3A_276 = arith.constant 11 : i32
          %broadcast_in_dim3A_277 = vector.broadcast %broadcast_in_dim3A_276 : i32 to vector<16xi32>
          %gather3A_278 = tpu.vector_load_idx %arg9[%broadcast_in_dim3A_277, %sub3A_236] : memref<32x768xf32, #tpu.memory_space<vmem>>[vector<16xi32>, vector<16xi32>], vector<16xf32>,
          tpu.vector_store_idx %arg12[%iota3A, %broadcast_in_dim3A_277], %gather3A_278 : memref<16x128xf32, #tpu.memory_space<vmem>>[vector<16xi32>, vector<16xi32>], vector<16xf32>,
          %broadcast_in_dim3A_279 = arith.constant 12 : i32
          %broadcast_in_dim3A_280 = vector.broadcast %broadcast_in_dim3A_279 : i32 to vector<16xi32>
          %gather3A_281 = tpu.vector_load_idx %arg9[%broadcast_in_dim3A_280, %sub3A_236] : memref<32x768xf32, #tpu.memory_space<vmem>>[vector<16xi32>, vector<16xi32>], vector<16xf32>,
          tpu.vector_store_idx %arg12[%iota3A, %broadcast_in_dim3A_280], %gather3A_281 : memref<16x128xf32, #tpu.memory_space<vmem>>[vector<16xi32>, vector<16xi32>], vector<16xf32>,
          %broadcast_in_dim3A_282 = arith.constant 13 : i32
          %broadcast_in_dim3A_283 = vector.broadcast %broadcast_in_dim3A_282 : i32 to vector<16xi32>
          %gather3A_284 = tpu.vector_load_idx %arg9[%broadcast_in_dim3A_283, %sub3A_236] : memref<32x768xf32, #tpu.memory_space<vmem>>[vector<16xi32>, vector<16xi32>], vector<16xf32>,
          tpu.vector_store_idx %arg12[%iota3A, %broadcast_in_dim3A_283], %gather3A_284 : memref<16x128xf32, #tpu.memory_space<vmem>>[vector<16xi32>, vector<16xi32>], vector<16xf32>,
          %broadcast_in_dim3A_285 = arith.constant 14 : i32
          %broadcast_in_dim3A_286 = vector.broadcast %broadcast_in_dim3A_285 : i32 to vector<16xi32>
          %gather3A_287 = tpu.vector_load_idx %arg9[%broadcast_in_dim3A_286, %sub3A_236] : memref<32x768xf32, #tpu.memory_space<vmem>>[vector<16xi32>, vector<16xi32>], vector<16xf32>,
          tpu.vector_store_idx %arg12[%iota3A, %broadcast_in_dim3A_286], %gather3A_287 : memref<16x128xf32, #tpu.memory_space<vmem>>[vector<16xi32>, vector<16xi32>], vector<16xf32>,
          %broadcast_in_dim3A_288 = arith.constant 15 : i32
          %broadcast_in_dim3A_289 = vector.broadcast %broadcast_in_dim3A_288 : i32 to vector<16xi32>
          %gather3A_290 = tpu.vector_load_idx %arg9[%broadcast_in_dim3A_289, %sub3A_236] : memref<32x768xf32, #tpu.memory_space<vmem>>[vector<16xi32>, vector<16xi32>], vector<16xf32>,
          tpu.vector_store_idx %arg12[%iota3A, %broadcast_in_dim3A_289], %gather3A_290 : memref<16x128xf32, #tpu.memory_space<vmem>>[vector<16xi32>, vector<16xi32>], vector<16xf32>,
          %broadcast_in_dim3A_291 = arith.constant 16 : i32
          %broadcast_in_dim3A_292 = vector.broadcast %broadcast_in_dim3A_291 : i32 to vector<16xi32>
          %gather3A_293 = tpu.vector_load_idx %arg9[%broadcast_in_dim3A_292, %sub3A_236] : memref<32x768xf32, #tpu.memory_space<vmem>>[vector<16xi32>, vector<16xi32>], vector<16xf32>,
          tpu.vector_store_idx %arg12[%iota3A, %broadcast_in_dim3A_292], %gather3A_293 : memref<16x128xf32, #tpu.memory_space<vmem>>[vector<16xi32>, vector<16xi32>], vector<16xf32>,
          %broadcast_in_dim3A_294 = arith.constant 17 : i32
          %broadcast_in_dim3A_295 = vector.broadcast %broadcast_in_dim3A_294 : i32 to vector<16xi32>
          %gather3A_296 = tpu.vector_load_idx %arg9[%broadcast_in_dim3A_295, %sub3A_236] : memref<32x768xf32, #tpu.memory_space<vmem>>[vector<16xi32>, vector<16xi32>], vector<16xf32>,
          tpu.vector_store_idx %arg12[%iota3A, %broadcast_in_dim3A_295], %gather3A_296 : memref<16x128xf32, #tpu.memory_space<vmem>>[vector<16xi32>, vector<16xi32>], vector<16xf32>,
          %broadcast_in_dim3A_297 = arith.constant 18 : i32
          %broadcast_in_dim3A_298 = vector.broadcast %broadcast_in_dim3A_297 : i32 to vector<16xi32>
          %gather3A_299 = tpu.vector_load_idx %arg9[%broadcast_in_dim3A_298, %sub3A_236] : memref<32x768xf32, #tpu.memory_space<vmem>>[vector<16xi32>, vector<16xi32>], vector<16xf32>,
          tpu.vector_store_idx %arg12[%iota3A, %broadcast_in_dim3A_298], %gather3A_299 : memref<16x128xf32, #tpu.memory_space<vmem>>[vector<16xi32>, vector<16xi32>], vector<16xf32>,
          %broadcast_in_dim3A_300 = arith.constant 19 : i32
          %broadcast_in_dim3A_301 = vector.broadcast %broadcast_in_dim3A_300 : i32 to vector<16xi32>
          %gather3A_302 = tpu.vector_load_idx %arg9[%broadcast_in_dim3A_301, %sub3A_236] : memref<32x768xf32, #tpu.memory_space<vmem>>[vector<16xi32>, vector<16xi32>], vector<16xf32>,
          tpu.vector_store_idx %arg12[%iota3A, %broadcast_in_dim3A_301], %gather3A_302 : memref<16x128xf32, #tpu.memory_space<vmem>>[vector<16xi32>, vector<16xi32>], vector<16xf32>,
          %broadcast_in_dim3A_303 = arith.constant 20 : i32
          %broadcast_in_dim3A_304 = vector.broadcast %broadcast_in_dim3A_303 : i32 to vector<16xi32>
          %gather3A_305 = tpu.vector_load_idx %arg9[%broadcast_in_dim3A_304, %sub3A_236] : memref<32x768xf32, #tpu.memory_space<vmem>>[vector<16xi32>, vector<16xi32>], vector<16xf32>,
          tpu.vector_store_idx %arg12[%iota3A, %broadcast_in_dim3A_304], %gather3A_305 : memref<16x128xf32, #tpu.memory_space<vmem>>[vector<16xi32>, vector<16xi32>], vector<16xf32>,
          %broadcast_in_dim3A_306 = arith.constant 21 : i32
          %broadcast_in_dim3A_307 = vector.broadcast %broadcast_in_dim3A_306 : i32 to vector<16xi32>
          %gather3A_308 = tpu.vector_load_idx %arg9[%broadcast_in_dim3A_307, %sub3A_236] : memref<32x768xf32, #tpu.memory_space<vmem>>[vector<16xi32>, vector<16xi32>], vector<16xf32>,
          tpu.vector_store_idx %arg12[%iota3A, %broadcast_in_dim3A_307], %gather3A_308 : memref<16x128xf32, #tpu.memory_space<vmem>>[vector<16xi32>, vector<16xi32>], vector<16xf32>,
          %broadcast_in_dim3A_309 = arith.constant 22 : i32
          %broadcast_in_dim3A_310 = vector.broadcast %broadcast_in_dim3A_309 : i32 to vector<16xi32>
          %gather3A_311 = tpu.vector_load_idx %arg9[%broadcast_in_dim3A_310, %sub3A_236] : memref<32x768xf32, #tpu.memory_space<vmem>>[vector<16xi32>, vector<16xi32>], vector<16xf32>,
          tpu.vector_store_idx %arg12[%iota3A, %broadcast_in_dim3A_310], %gather3A_311 : memref<16x128xf32, #tpu.memory_space<vmem>>[vector<16xi32>, vector<16xi32>], vector<16xf32>,
          %broadcast_in_dim3A_312 = arith.constant 23 : i32
          %broadcast_in_dim3A_313 = vector.broadcast %broadcast_in_dim3A_312 : i32 to vector<16xi32>
          %gather3A_314 = tpu.vector_load_idx %arg9[%broadcast_in_dim3A_313, %sub3A_236] : memref<32x768xf32, #tpu.memory_space<vmem>>[vector<16xi32>, vector<16xi32>], vector<16xf32>,
          tpu.vector_store_idx %arg12[%iota3A, %broadcast_in_dim3A_313], %gather3A_314 : memref<16x128xf32, #tpu.memory_space<vmem>>[vector<16xi32>, vector<16xi32>], vector<16xf32>,
          %broadcast_in_dim3A_315 = arith.constant 24 : i32
          %broadcast_in_dim3A_316 = vector.broadcast %broadcast_in_dim3A_315 : i32 to vector<16xi32>
          %gather3A_317 = tpu.vector_load_idx %arg9[%broadcast_in_dim3A_316, %sub3A_236] : memref<32x768xf32, #tpu.memory_space<vmem>>[vector<16xi32>, vector<16xi32>], vector<16xf32>,
          tpu.vector_store_idx %arg12[%iota3A, %broadcast_in_dim3A_316], %gather3A_317 : memref<16x128xf32, #tpu.memory_space<vmem>>[vector<16xi32>, vector<16xi32>], vector<16xf32>,
          %broadcast_in_dim3A_318 = arith.constant 25 : i32
          %broadcast_in_dim3A_319 = vector.broadcast %broadcast_in_dim3A_318 : i32 to vector<16xi32>
          %gather3A_320 = tpu.vector_load_idx %arg9[%broadcast_in_dim3A_319, %sub3A_236] : memref<32x768xf32, #tpu.memory_space<vmem>>[vector<16xi32>, vector<16xi32>], vector<16xf32>,
          tpu.vector_store_idx %arg12[%iota3A, %broadcast_in_dim3A_319], %gather3A_320 : memref<16x128xf32, #tpu.memory_space<vmem>>[vector<16xi32>, vector<16xi32>], vector<16xf32>,
          %broadcast_in_dim3A_321 = arith.constant 26 : i32
          %broadcast_in_dim3A_322 = vector.broadcast %broadcast_in_dim3A_321 : i32 to vector<16xi32>
          %gather3A_323 = tpu.vector_load_idx %arg9[%broadcast_in_dim3A_322, %sub3A_236] : memref<32x768xf32, #tpu.memory_space<vmem>>[vector<16xi32>, vector<16xi32>], vector<16xf32>,
          tpu.vector_store_idx %arg12[%iota3A, %broadcast_in_dim3A_322], %gather3A_323 : memref<16x128xf32, #tpu.memory_space<vmem>>[vector<16xi32>, vector<16xi32>], vector<16xf32>,
          %broadcast_in_dim3A_324 = arith.constant 27 : i32
          %broadcast_in_dim3A_325 = vector.broadcast %broadcast_in_dim3A_324 : i32 to vector<16xi32>
          %gather3A_326 = tpu.vector_load_idx %arg9[%broadcast_in_dim3A_325, %sub3A_236] : memref<32x768xf32, #tpu.memory_space<vmem>>[vector<16xi32>, vector<16xi32>], vector<16xf32>,
          tpu.vector_store_idx %arg12[%iota3A, %broadcast_in_dim3A_325], %gather3A_326 : memref<16x128xf32, #tpu.memory_space<vmem>>[vector<16xi32>, vector<16xi32>], vector<16xf32>,
          %broadcast_in_dim3A_327 = arith.constant 28 : i32
          %broadcast_in_dim3A_328 = vector.broadcast %broadcast_in_dim3A_327 : i32 to vector<16xi32>
          %gather3A_329 = tpu.vector_load_idx %arg9[%broadcast_in_dim3A_328, %sub3A_236] : memref<32x768xf32, #tpu.memory_space<vmem>>[vector<16xi32>, vector<16xi32>], vector<16xf32>,
          tpu.vector_store_idx %arg12[%iota3A, %broadcast_in_dim3A_328], %gather3A_329 : memref<16x128xf32, #tpu.memory_space<vmem>>[vector<16xi32>, vector<16xi32>], vector<16xf32>,
          %broadcast_in_dim3A_330 = arith.constant 29 : i32
          %broadcast_in_dim3A_331 = vector.broadcast %broadcast_in_dim3A_330 : i32 to vector<16xi32>
          %gather3A_332 = tpu.vector_load_idx %arg9[%broadcast_in_dim3A_331, %sub3A_236] : memref<32x768xf32, #tpu.memory_space<vmem>>[vector<16xi32>, vector<16xi32>], vector<16xf32>,
          tpu.vector_store_idx %arg12[%iota3A, %broadcast_in_dim3A_331], %gather3A_332 : memref<16x128xf32, #tpu.memory_space<vmem>>[vector<16xi32>, vector<16xi32>], vector<16xf32>,
          %broadcast_in_dim3A_333 = arith.constant 30 : i32
          %broadcast_in_dim3A_334 = vector.broadcast %broadcast_in_dim3A_333 : i32 to vector<16xi32>
          %gather3A_335 = tpu.vector_load_idx %arg9[%broadcast_in_dim3A_334, %sub3A_236] : memref<32x768xf32, #tpu.memory_space<vmem>>[vector<16xi32>, vector<16xi32>], vector<16xf32>,
          tpu.vector_store_idx %arg12[%iota3A, %broadcast_in_dim3A_334], %gather3A_335 : memref<16x128xf32, #tpu.memory_space<vmem>>[vector<16xi32>, vector<16xi32>], vector<16xf32>,
          %broadcast_in_dim3A_336 = arith.constant 31 : i32
          %broadcast_in_dim3A_337 = vector.broadcast %broadcast_in_dim3A_336 : i32 to vector<16xi32>
          %gather3A_338 = tpu.vector_load_idx %arg9[%broadcast_in_dim3A_337, %sub3A_236] : memref<32x768xf32, #tpu.memory_space<vmem>>[vector<16xi32>, vector<16xi32>], vector<16xf32>,
          tpu.vector_store_idx %arg12[%iota3A, %broadcast_in_dim3A_337], %gather3A_338 : memref<16x128xf32, #tpu.memory_space<vmem>>[vector<16xi32>, vector<16xi32>], vector<16xf32>,
          %swap3A = arith.constant 0 : index
          %swap3A_339 = tpu.vector_load %arg14[%swap3A] {strides = array<i32>} : memref<16xi32, #tpu.memory_space<vmem>>, vector<16xi32>,
          tpu.vector_store %arg14[%swap3A], %and3A_238 {strides = array<i32>} : memref<16xi32, #tpu.memory_space<vmem>>, vector<16xi32>,
          %dma_start3A_340 = arith.constant 0 : i32
          %dma_start3A_341 = arith.constant 0 : i32
          %dma_start3A_342 = tpu.memref_slice %arg4[%dma_start3A_340, %dma_start3A_341] : memref<16384x128xf32, #tpu.memory_space<hbm>> -> memref<16384x128xf32, #tpu.memory_space<hbm>>
          tpu.enqueue_indirect_dma source(%arg12 : memref<16x128xf32, #tpu.memory_space<vmem>>) target(%dma_start3A_342 : memref<16384x128xf32, #tpu.memory_space<hbm>>) offsets(%arg14 : memref<16xi32, #tpu.memory_space<vmem>>) semaphore(%arg19 : memref<!tpu.dma_semaphore, #tpu.memory_space<semaphore_mem>>)
        } else {
        }
        %jit3A_223 = arith.constant 1 : i32
        %select_n3A_224 = arith.select %lt3A_219, %jit3A_223, %while3A_208 : i32
        scf.yield %select_n3A, %select_n3A_224 : i32, i32
      }
      %while3A_145 = arith.constant 1 : i32
      %while3A_146:2 = scf.for %while3A_206 = %while3A_142 to %while3A_138 step %while3A_145 iter_args(%while3A_207 = %while3A_144#0, %while3A_208 = %while3A_144#1) -> (i32, i32)  : i32 {
        %mul3A_209 = arith.constant 32 : i32
        %mul3A_210 = arith.muli %while3A_206, %mul3A_209 : i32
        %lt3A_211 = arith.cmpi slt, %mul3A_210, %while3A_131 : i32
        %convert_element_type3A_212 = arith.extui %lt3A_211 : i1 to i32
        %cond3A_213 = arith.constant 0 : i32
        %cond3A_214 = arith.cmpi ne, %convert_element_type3A_212, %cond3A_213 : i32
        scf.if %cond3A_214 {
          %multiple_of3A_225 = tpu.assume_multiple %mul3A_210, 16 : i32
          %get3A = arith.index_cast %multiple_of3A_225 : i32 to index
          %get3A_226 = tpu.vector_load %arg7[%get3A] {strides = array<i32>} : memref<16384xi32, #tpu.memory_space<vmem>>, vector<16xi32>,
          %add3A_227 = vector.broadcast %mul3A_210 : i32 to vector<16xi32>
          %add3A_228 = arith.addi %add3A_227, %iota3A : vector<16xi32>
          %lt3A_229 = vector.broadcast %while3A_131 : i32 to vector<16xi32>
          %lt3A_230 = arith.cmpi slt, %add3A_228, %lt3A_229 : vector<16xi32>
          %slice3A = vector.extract_strided_slice %get3A_226 {offsets = [0], sizes = [1], strides = [1]} : vector<16xi32> to vector<1xi32>
          %squeeze3A = vector.extract %slice3A[0] : i32 from vector<1xi32>
          %broadcast_in_dim3A = vector.broadcast %squeeze3A : i32 to vector<16xi32>
          %select_n3A_231 = arith.select %lt3A_230, %get3A_226, %broadcast_in_dim3A : vector<16xi1>, vector<16xi32>
          %shift_right_arithmetic3A_232 = arith.constant 14 : i32
          %shift_right_arithmetic3A_233 = vector.broadcast %shift_right_arithmetic3A_232 : i32 to vector<16xi32>
          %shift_right_arithmetic3A_234 = arith.shrsi %select_n3A_231, %shift_right_arithmetic3A_233 : vector<16xi32>
          %sub3A_235 = vector.broadcast %sub3A_119 : i32 to vector<16xi32>
          %sub3A_236 = arith.subi %shift_right_arithmetic3A_234, %sub3A_235 : vector<16xi32>
          %and3A = arith.constant 16383 : i32
          %and3A_237 = vector.broadcast %and3A : i32 to vector<16xi32>
          %and3A_238 = arith.andi %select_n3A_231, %and3A_237 : vector<16xi32>
          %gt3A_239 = arith.constant 0 : i32
          %gt3A_240 = arith.cmpi sgt, %while3A_207, %gt3A_239 : i32
          %convert_element_type3A_241 = arith.extui %gt3A_240 : i1 to i32
          %cond3A_242 = arith.constant 0 : i32
          %cond3A_243 = arith.cmpi ne, %convert_element_type3A_241, %cond3A_242 : i32
          scf.if %cond3A_243 {
            %dma_wait3A_343 = arith.constant 0 : i32
            %dma_wait3A_344 = arith.constant 0 : i32
            %dma_wait3A_345 = tpu.memref_slice %arg4[%dma_wait3A_343, %dma_wait3A_344] : memref<16384x128xf32, #tpu.memory_space<hbm>> -> memref<16384x128xf32, #tpu.memory_space<hbm>>
            tpu.wait_indirect_dma semaphore(%arg18 : memref<!tpu.dma_semaphore, #tpu.memory_space<semaphore_mem>>) src(%arg11 : memref<16x128xf32, #tpu.memory_space<vmem>>) dst(%dma_wait3A_345 : memref<16384x128xf32, #tpu.memory_space<hbm>>)
          } else {
          }
          %broadcast_in_dim3A_244 = arith.constant 0 : i32
          %broadcast_in_dim3A_245 = vector.broadcast %broadcast_in_dim3A_244 : i32 to vector<16xi32>
          %gather3A = tpu.vector_load_idx %arg9[%broadcast_in_dim3A_245, %sub3A_236] : memref<32x768xf32, #tpu.memory_space<vmem>>[vector<16xi32>, vector<16xi32>], vector<16xf32>,
          tpu.vector_store_idx %arg11[%iota3A, %broadcast_in_dim3A_245], %gather3A : memref<16x128xf32, #tpu.memory_space<vmem>>[vector<16xi32>, vector<16xi32>], vector<16xf32>,
          %broadcast_in_dim3A_246 = arith.constant 1 : i32
          %broadcast_in_dim3A_247 = vector.broadcast %broadcast_in_dim3A_246 : i32 to vector<16xi32>
          %gather3A_248 = tpu.vector_load_idx %arg9[%broadcast_in_dim3A_247, %sub3A_236] : memref<32x768xf32, #tpu.memory_space<vmem>>[vector<16xi32>, vector<16xi32>], vector<16xf32>,
          tpu.vector_store_idx %arg11[%iota3A, %broadcast_in_dim3A_247], %gather3A_248 : memref<16x128xf32, #tpu.memory_space<vmem>>[vector<16xi32>, vector<16xi32>], vector<16xf32>,
          %broadcast_in_dim3A_249 = arith.constant 2 : i32
          %broadcast_in_dim3A_250 = vector.broadcast %broadcast_in_dim3A_249 : i32 to vector<16xi32>
          %gather3A_251 = tpu.vector_load_idx %arg9[%broadcast_in_dim3A_250, %sub3A_236] : memref<32x768xf32, #tpu.memory_space<vmem>>[vector<16xi32>, vector<16xi32>], vector<16xf32>,
          tpu.vector_store_idx %arg11[%iota3A, %broadcast_in_dim3A_250], %gather3A_251 : memref<16x128xf32, #tpu.memory_space<vmem>>[vector<16xi32>, vector<16xi32>], vector<16xf32>,
          %broadcast_in_dim3A_252 = arith.constant 3 : i32
          %broadcast_in_dim3A_253 = vector.broadcast %broadcast_in_dim3A_252 : i32 to vector<16xi32>
          %gather3A_254 = tpu.vector_load_idx %arg9[%broadcast_in_dim3A_253, %sub3A_236] : memref<32x768xf32, #tpu.memory_space<vmem>>[vector<16xi32>, vector<16xi32>], vector<16xf32>,
          tpu.vector_store_idx %arg11[%iota3A, %broadcast_in_dim3A_253], %gather3A_254 : memref<16x128xf32, #tpu.memory_space<vmem>>[vector<16xi32>, vector<16xi32>], vector<16xf32>,
          %broadcast_in_dim3A_255 = arith.constant 4 : i32
          %broadcast_in_dim3A_256 = vector.broadcast %broadcast_in_dim3A_255 : i32 to vector<16xi32>
          %gather3A_257 = tpu.vector_load_idx %arg9[%broadcast_in_dim3A_256, %sub3A_236] : memref<32x768xf32, #tpu.memory_space<vmem>>[vector<16xi32>, vector<16xi32>], vector<16xf32>,
          tpu.vector_store_idx %arg11[%iota3A, %broadcast_in_dim3A_256], %gather3A_257 : memref<16x128xf32, #tpu.memory_space<vmem>>[vector<16xi32>, vector<16xi32>], vector<16xf32>,
          %broadcast_in_dim3A_258 = arith.constant 5 : i32
          %broadcast_in_dim3A_259 = vector.broadcast %broadcast_in_dim3A_258 : i32 to vector<16xi32>
          %gather3A_260 = tpu.vector_load_idx %arg9[%broadcast_in_dim3A_259, %sub3A_236] : memref<32x768xf32, #tpu.memory_space<vmem>>[vector<16xi32>, vector<16xi32>], vector<16xf32>,
          tpu.vector_store_idx %arg11[%iota3A, %broadcast_in_dim3A_259], %gather3A_260 : memref<16x128xf32, #tpu.memory_space<vmem>>[vector<16xi32>, vector<16xi32>], vector<16xf32>,
          %broadcast_in_dim3A_261 = arith.constant 6 : i32
          %broadcast_in_dim3A_262 = vector.broadcast %broadcast_in_dim3A_261 : i32 to vector<16xi32>
          %gather3A_263 = tpu.vector_load_idx %arg9[%broadcast_in_dim3A_262, %sub3A_236] : memref<32x768xf32, #tpu.memory_space<vmem>>[vector<16xi32>, vector<16xi32>], vector<16xf32>,
          tpu.vector_store_idx %arg11[%iota3A, %broadcast_in_dim3A_262], %gather3A_263 : memref<16x128xf32, #tpu.memory_space<vmem>>[vector<16xi32>, vector<16xi32>], vector<16xf32>,
          %broadcast_in_dim3A_264 = arith.constant 7 : i32
          %broadcast_in_dim3A_265 = vector.broadcast %broadcast_in_dim3A_264 : i32 to vector<16xi32>
          %gather3A_266 = tpu.vector_load_idx %arg9[%broadcast_in_dim3A_265, %sub3A_236] : memref<32x768xf32, #tpu.memory_space<vmem>>[vector<16xi32>, vector<16xi32>], vector<16xf32>,
          tpu.vector_store_idx %arg11[%iota3A, %broadcast_in_dim3A_265], %gather3A_266 : memref<16x128xf32, #tpu.memory_space<vmem>>[vector<16xi32>, vector<16xi32>], vector<16xf32>,
          %broadcast_in_dim3A_267 = arith.constant 8 : i32
          %broadcast_in_dim3A_268 = vector.broadcast %broadcast_in_dim3A_267 : i32 to vector<16xi32>
          %gather3A_269 = tpu.vector_load_idx %arg9[%broadcast_in_dim3A_268, %sub3A_236] : memref<32x768xf32, #tpu.memory_space<vmem>>[vector<16xi32>, vector<16xi32>], vector<16xf32>,
          tpu.vector_store_idx %arg11[%iota3A, %broadcast_in_dim3A_268], %gather3A_269 : memref<16x128xf32, #tpu.memory_space<vmem>>[vector<16xi32>, vector<16xi32>], vector<16xf32>,
          %broadcast_in_dim3A_270 = arith.constant 9 : i32
          %broadcast_in_dim3A_271 = vector.broadcast %broadcast_in_dim3A_270 : i32 to vector<16xi32>
          %gather3A_272 = tpu.vector_load_idx %arg9[%broadcast_in_dim3A_271, %sub3A_236] : memref<32x768xf32, #tpu.memory_space<vmem>>[vector<16xi32>, vector<16xi32>], vector<16xf32>,
          tpu.vector_store_idx %arg11[%iota3A, %broadcast_in_dim3A_271], %gather3A_272 : memref<16x128xf32, #tpu.memory_space<vmem>>[vector<16xi32>, vector<16xi32>], vector<16xf32>,
          %broadcast_in_dim3A_273 = arith.constant 10 : i32
          %broadcast_in_dim3A_274 = vector.broadcast %broadcast_in_dim3A_273 : i32 to vector<16xi32>
          %gather3A_275 = tpu.vector_load_idx %arg9[%broadcast_in_dim3A_274, %sub3A_236] : memref<32x768xf32, #tpu.memory_space<vmem>>[vector<16xi32>, vector<16xi32>], vector<16xf32>,
          tpu.vector_store_idx %arg11[%iota3A, %broadcast_in_dim3A_274], %gather3A_275 : memref<16x128xf32, #tpu.memory_space<vmem>>[vector<16xi32>, vector<16xi32>], vector<16xf32>,
          %broadcast_in_dim3A_276 = arith.constant 11 : i32
          %broadcast_in_dim3A_277 = vector.broadcast %broadcast_in_dim3A_276 : i32 to vector<16xi32>
          %gather3A_278 = tpu.vector_load_idx %arg9[%broadcast_in_dim3A_277, %sub3A_236] : memref<32x768xf32, #tpu.memory_space<vmem>>[vector<16xi32>, vector<16xi32>], vector<16xf32>,
          tpu.vector_store_idx %arg11[%iota3A, %broadcast_in_dim3A_277], %gather3A_278 : memref<16x128xf32, #tpu.memory_space<vmem>>[vector<16xi32>, vector<16xi32>], vector<16xf32>,
          %broadcast_in_dim3A_279 = arith.constant 12 : i32
          %broadcast_in_dim3A_280 = vector.broadcast %broadcast_in_dim3A_279 : i32 to vector<16xi32>
          %gather3A_281 = tpu.vector_load_idx %arg9[%broadcast_in_dim3A_280, %sub3A_236] : memref<32x768xf32, #tpu.memory_space<vmem>>[vector<16xi32>, vector<16xi32>], vector<16xf32>,
          tpu.vector_store_idx %arg11[%iota3A, %broadcast_in_dim3A_280], %gather3A_281 : memref<16x128xf32, #tpu.memory_space<vmem>>[vector<16xi32>, vector<16xi32>], vector<16xf32>,
          %broadcast_in_dim3A_282 = arith.constant 13 : i32
          %broadcast_in_dim3A_283 = vector.broadcast %broadcast_in_dim3A_282 : i32 to vector<16xi32>
          %gather3A_284 = tpu.vector_load_idx %arg9[%broadcast_in_dim3A_283, %sub3A_236] : memref<32x768xf32, #tpu.memory_space<vmem>>[vector<16xi32>, vector<16xi32>], vector<16xf32>,
          tpu.vector_store_idx %arg11[%iota3A, %broadcast_in_dim3A_283], %gather3A_284 : memref<16x128xf32, #tpu.memory_space<vmem>>[vector<16xi32>, vector<16xi32>], vector<16xf32>,
          %broadcast_in_dim3A_285 = arith.constant 14 : i32
          %broadcast_in_dim3A_286 = vector.broadcast %broadcast_in_dim3A_285 : i32 to vector<16xi32>
          %gather3A_287 = tpu.vector_load_idx %arg9[%broadcast_in_dim3A_286, %sub3A_236] : memref<32x768xf32, #tpu.memory_space<vmem>>[vector<16xi32>, vector<16xi32>], vector<16xf32>,
          tpu.vector_store_idx %arg11[%iota3A, %broadcast_in_dim3A_286], %gather3A_287 : memref<16x128xf32, #tpu.memory_space<vmem>>[vector<16xi32>, vector<16xi32>], vector<16xf32>,
          %broadcast_in_dim3A_288 = arith.constant 15 : i32
          %broadcast_in_dim3A_289 = vector.broadcast %broadcast_in_dim3A_288 : i32 to vector<16xi32>
          %gather3A_290 = tpu.vector_load_idx %arg9[%broadcast_in_dim3A_289, %sub3A_236] : memref<32x768xf32, #tpu.memory_space<vmem>>[vector<16xi32>, vector<16xi32>], vector<16xf32>,
          tpu.vector_store_idx %arg11[%iota3A, %broadcast_in_dim3A_289], %gather3A_290 : memref<16x128xf32, #tpu.memory_space<vmem>>[vector<16xi32>, vector<16xi32>], vector<16xf32>,
          %broadcast_in_dim3A_291 = arith.constant 16 : i32
          %broadcast_in_dim3A_292 = vector.broadcast %broadcast_in_dim3A_291 : i32 to vector<16xi32>
          %gather3A_293 = tpu.vector_load_idx %arg9[%broadcast_in_dim3A_292, %sub3A_236] : memref<32x768xf32, #tpu.memory_space<vmem>>[vector<16xi32>, vector<16xi32>], vector<16xf32>,
          tpu.vector_store_idx %arg11[%iota3A, %broadcast_in_dim3A_292], %gather3A_293 : memref<16x128xf32, #tpu.memory_space<vmem>>[vector<16xi32>, vector<16xi32>], vector<16xf32>,
          %broadcast_in_dim3A_294 = arith.constant 17 : i32
          %broadcast_in_dim3A_295 = vector.broadcast %broadcast_in_dim3A_294 : i32 to vector<16xi32>
          %gather3A_296 = tpu.vector_load_idx %arg9[%broadcast_in_dim3A_295, %sub3A_236] : memref<32x768xf32, #tpu.memory_space<vmem>>[vector<16xi32>, vector<16xi32>], vector<16xf32>,
          tpu.vector_store_idx %arg11[%iota3A, %broadcast_in_dim3A_295], %gather3A_296 : memref<16x128xf32, #tpu.memory_space<vmem>>[vector<16xi32>, vector<16xi32>], vector<16xf32>,
          %broadcast_in_dim3A_297 = arith.constant 18 : i32
          %broadcast_in_dim3A_298 = vector.broadcast %broadcast_in_dim3A_297 : i32 to vector<16xi32>
          %gather3A_299 = tpu.vector_load_idx %arg9[%broadcast_in_dim3A_298, %sub3A_236] : memref<32x768xf32, #tpu.memory_space<vmem>>[vector<16xi32>, vector<16xi32>], vector<16xf32>,
          tpu.vector_store_idx %arg11[%iota3A, %broadcast_in_dim3A_298], %gather3A_299 : memref<16x128xf32, #tpu.memory_space<vmem>>[vector<16xi32>, vector<16xi32>], vector<16xf32>,
          %broadcast_in_dim3A_300 = arith.constant 19 : i32
          %broadcast_in_dim3A_301 = vector.broadcast %broadcast_in_dim3A_300 : i32 to vector<16xi32>
          %gather3A_302 = tpu.vector_load_idx %arg9[%broadcast_in_dim3A_301, %sub3A_236] : memref<32x768xf32, #tpu.memory_space<vmem>>[vector<16xi32>, vector<16xi32>], vector<16xf32>,
          tpu.vector_store_idx %arg11[%iota3A, %broadcast_in_dim3A_301], %gather3A_302 : memref<16x128xf32, #tpu.memory_space<vmem>>[vector<16xi32>, vector<16xi32>], vector<16xf32>,
          %broadcast_in_dim3A_303 = arith.constant 20 : i32
          %broadcast_in_dim3A_304 = vector.broadcast %broadcast_in_dim3A_303 : i32 to vector<16xi32>
          %gather3A_305 = tpu.vector_load_idx %arg9[%broadcast_in_dim3A_304, %sub3A_236] : memref<32x768xf32, #tpu.memory_space<vmem>>[vector<16xi32>, vector<16xi32>], vector<16xf32>,
          tpu.vector_store_idx %arg11[%iota3A, %broadcast_in_dim3A_304], %gather3A_305 : memref<16x128xf32, #tpu.memory_space<vmem>>[vector<16xi32>, vector<16xi32>], vector<16xf32>,
          %broadcast_in_dim3A_306 = arith.constant 21 : i32
          %broadcast_in_dim3A_307 = vector.broadcast %broadcast_in_dim3A_306 : i32 to vector<16xi32>
          %gather3A_308 = tpu.vector_load_idx %arg9[%broadcast_in_dim3A_307, %sub3A_236] : memref<32x768xf32, #tpu.memory_space<vmem>>[vector<16xi32>, vector<16xi32>], vector<16xf32>,
          tpu.vector_store_idx %arg11[%iota3A, %broadcast_in_dim3A_307], %gather3A_308 : memref<16x128xf32, #tpu.memory_space<vmem>>[vector<16xi32>, vector<16xi32>], vector<16xf32>,
          %broadcast_in_dim3A_309 = arith.constant 22 : i32
          %broadcast_in_dim3A_310 = vector.broadcast %broadcast_in_dim3A_309 : i32 to vector<16xi32>
          %gather3A_311 = tpu.vector_load_idx %arg9[%broadcast_in_dim3A_310, %sub3A_236] : memref<32x768xf32, #tpu.memory_space<vmem>>[vector<16xi32>, vector<16xi32>], vector<16xf32>,
          tpu.vector_store_idx %arg11[%iota3A, %broadcast_in_dim3A_310], %gather3A_311 : memref<16x128xf32, #tpu.memory_space<vmem>>[vector<16xi32>, vector<16xi32>], vector<16xf32>,
          %broadcast_in_dim3A_312 = arith.constant 23 : i32
          %broadcast_in_dim3A_313 = vector.broadcast %broadcast_in_dim3A_312 : i32 to vector<16xi32>
          %gather3A_314 = tpu.vector_load_idx %arg9[%broadcast_in_dim3A_313, %sub3A_236] : memref<32x768xf32, #tpu.memory_space<vmem>>[vector<16xi32>, vector<16xi32>], vector<16xf32>,
          tpu.vector_store_idx %arg11[%iota3A, %broadcast_in_dim3A_313], %gather3A_314 : memref<16x128xf32, #tpu.memory_space<vmem>>[vector<16xi32>, vector<16xi32>], vector<16xf32>,
          %broadcast_in_dim3A_315 = arith.constant 24 : i32
          %broadcast_in_dim3A_316 = vector.broadcast %broadcast_in_dim3A_315 : i32 to vector<16xi32>
          %gather3A_317 = tpu.vector_load_idx %arg9[%broadcast_in_dim3A_316, %sub3A_236] : memref<32x768xf32, #tpu.memory_space<vmem>>[vector<16xi32>, vector<16xi32>], vector<16xf32>,
          tpu.vector_store_idx %arg11[%iota3A, %broadcast_in_dim3A_316], %gather3A_317 : memref<16x128xf32, #tpu.memory_space<vmem>>[vector<16xi32>, vector<16xi32>], vector<16xf32>,
          %broadcast_in_dim3A_318 = arith.constant 25 : i32
          %broadcast_in_dim3A_319 = vector.broadcast %broadcast_in_dim3A_318 : i32 to vector<16xi32>
          %gather3A_320 = tpu.vector_load_idx %arg9[%broadcast_in_dim3A_319, %sub3A_236] : memref<32x768xf32, #tpu.memory_space<vmem>>[vector<16xi32>, vector<16xi32>], vector<16xf32>,
          tpu.vector_store_idx %arg11[%iota3A, %broadcast_in_dim3A_319], %gather3A_320 : memref<16x128xf32, #tpu.memory_space<vmem>>[vector<16xi32>, vector<16xi32>], vector<16xf32>,
          %broadcast_in_dim3A_321 = arith.constant 26 : i32
          %broadcast_in_dim3A_322 = vector.broadcast %broadcast_in_dim3A_321 : i32 to vector<16xi32>
          %gather3A_323 = tpu.vector_load_idx %arg9[%broadcast_in_dim3A_322, %sub3A_236] : memref<32x768xf32, #tpu.memory_space<vmem>>[vector<16xi32>, vector<16xi32>], vector<16xf32>,
          tpu.vector_store_idx %arg11[%iota3A, %broadcast_in_dim3A_322], %gather3A_323 : memref<16x128xf32, #tpu.memory_space<vmem>>[vector<16xi32>, vector<16xi32>], vector<16xf32>,
          %broadcast_in_dim3A_324 = arith.constant 27 : i32
          %broadcast_in_dim3A_325 = vector.broadcast %broadcast_in_dim3A_324 : i32 to vector<16xi32>
          %gather3A_326 = tpu.vector_load_idx %arg9[%broadcast_in_dim3A_325, %sub3A_236] : memref<32x768xf32, #tpu.memory_space<vmem>>[vector<16xi32>, vector<16xi32>], vector<16xf32>,
          tpu.vector_store_idx %arg11[%iota3A, %broadcast_in_dim3A_325], %gather3A_326 : memref<16x128xf32, #tpu.memory_space<vmem>>[vector<16xi32>, vector<16xi32>], vector<16xf32>,
          %broadcast_in_dim3A_327 = arith.constant 28 : i32
          %broadcast_in_dim3A_328 = vector.broadcast %broadcast_in_dim3A_327 : i32 to vector<16xi32>
          %gather3A_329 = tpu.vector_load_idx %arg9[%broadcast_in_dim3A_328, %sub3A_236] : memref<32x768xf32, #tpu.memory_space<vmem>>[vector<16xi32>, vector<16xi32>], vector<16xf32>,
          tpu.vector_store_idx %arg11[%iota3A, %broadcast_in_dim3A_328], %gather3A_329 : memref<16x128xf32, #tpu.memory_space<vmem>>[vector<16xi32>, vector<16xi32>], vector<16xf32>,
          %broadcast_in_dim3A_330 = arith.constant 29 : i32
          %broadcast_in_dim3A_331 = vector.broadcast %broadcast_in_dim3A_330 : i32 to vector<16xi32>
          %gather3A_332 = tpu.vector_load_idx %arg9[%broadcast_in_dim3A_331, %sub3A_236] : memref<32x768xf32, #tpu.memory_space<vmem>>[vector<16xi32>, vector<16xi32>], vector<16xf32>,
          tpu.vector_store_idx %arg11[%iota3A, %broadcast_in_dim3A_331], %gather3A_332 : memref<16x128xf32, #tpu.memory_space<vmem>>[vector<16xi32>, vector<16xi32>], vector<16xf32>,
          %broadcast_in_dim3A_333 = arith.constant 30 : i32
          %broadcast_in_dim3A_334 = vector.broadcast %broadcast_in_dim3A_333 : i32 to vector<16xi32>
          %gather3A_335 = tpu.vector_load_idx %arg9[%broadcast_in_dim3A_334, %sub3A_236] : memref<32x768xf32, #tpu.memory_space<vmem>>[vector<16xi32>, vector<16xi32>], vector<16xf32>,
          tpu.vector_store_idx %arg11[%iota3A, %broadcast_in_dim3A_334], %gather3A_335 : memref<16x128xf32, #tpu.memory_space<vmem>>[vector<16xi32>, vector<16xi32>], vector<16xf32>,
          %broadcast_in_dim3A_336 = arith.constant 31 : i32
          %broadcast_in_dim3A_337 = vector.broadcast %broadcast_in_dim3A_336 : i32 to vector<16xi32>
          %gather3A_338 = tpu.vector_load_idx %arg9[%broadcast_in_dim3A_337, %sub3A_236] : memref<32x768xf32, #tpu.memory_space<vmem>>[vector<16xi32>, vector<16xi32>], vector<16xf32>,
          tpu.vector_store_idx %arg11[%iota3A, %broadcast_in_dim3A_337], %gather3A_338 : memref<16x128xf32, #tpu.memory_space<vmem>>[vector<16xi32>, vector<16xi32>], vector<16xf32>,
          %swap3A = arith.constant 0 : index
          %swap3A_339 = tpu.vector_load %arg13[%swap3A] {strides = array<i32>} : memref<16xi32, #tpu.memory_space<vmem>>, vector<16xi32>,
          tpu.vector_store %arg13[%swap3A], %and3A_238 {strides = array<i32>} : memref<16xi32, #tpu.memory_space<vmem>>, vector<16xi32>,
          %dma_start3A_340 = arith.constant 0 : i32
          %dma_start3A_341 = arith.constant 0 : i32
          %dma_start3A_342 = tpu.memref_slice %arg4[%dma_start3A_340, %dma_start3A_341] : memref<16384x128xf32, #tpu.memory_space<hbm>> -> memref<16384x128xf32, #tpu.memory_space<hbm>>
          tpu.enqueue_indirect_dma source(%arg11 : memref<16x128xf32, #tpu.memory_space<vmem>>) target(%dma_start3A_342 : memref<16384x128xf32, #tpu.memory_space<hbm>>) offsets(%arg13 : memref<16xi32, #tpu.memory_space<vmem>>) semaphore(%arg18 : memref<!tpu.dma_semaphore, #tpu.memory_space<semaphore_mem>>)
        } else {
        }
        %jit3A = arith.constant 1 : i32
        %select_n3A = arith.select %lt3A_211, %jit3A, %while3A_207 : i32
        %mul3A_215 = arith.constant 32 : i32
        %mul3A_216 = arith.muli %while3A_206, %mul3A_215 : i32
        %add3A_217 = arith.constant 16 : i32
        %add3A_218 = arith.addi %mul3A_216, %add3A_217 : i32
        %lt3A_219 = arith.cmpi slt, %add3A_218, %while3A_131 : i32
        %convert_element_type3A_220 = arith.extui %lt3A_219 : i1 to i32
        %cond3A_221 = arith.constant 0 : i32
        %cond3A_222 = arith.cmpi ne, %convert_element_type3A_220, %cond3A_221 : i32
        scf.if %cond3A_222 {
          %multiple_of3A_225 = tpu.assume_multiple %add3A_218, 16 : i32
          %get3A = arith.index_cast %multiple_of3A_225 : i32 to index
          %get3A_226 = tpu.vector_load %arg7[%get3A] {strides = array<i32>} : memref<16384xi32, #tpu.memory_space<vmem>>, vector<16xi32>,
          %add3A_227 = vector.broadcast %add3A_218 : i32 to vector<16xi32>
          %add3A_228 = arith.addi %add3A_227, %iota3A : vector<16xi32>
          %lt3A_229 = vector.broadcast %while3A_131 : i32 to vector<16xi32>
          %lt3A_230 = arith.cmpi slt, %add3A_228, %lt3A_229 : vector<16xi32>
          %slice3A = vector.extract_strided_slice %get3A_226 {offsets = [0], sizes = [1], strides = [1]} : vector<16xi32> to vector<1xi32>
          %squeeze3A = vector.extract %slice3A[0] : i32 from vector<1xi32>
          %broadcast_in_dim3A = vector.broadcast %squeeze3A : i32 to vector<16xi32>
          %select_n3A_231 = arith.select %lt3A_230, %get3A_226, %broadcast_in_dim3A : vector<16xi1>, vector<16xi32>
          %shift_right_arithmetic3A_232 = arith.constant 14 : i32
          %shift_right_arithmetic3A_233 = vector.broadcast %shift_right_arithmetic3A_232 : i32 to vector<16xi32>
          %shift_right_arithmetic3A_234 = arith.shrsi %select_n3A_231, %shift_right_arithmetic3A_233 : vector<16xi32>
          %sub3A_235 = vector.broadcast %sub3A_119 : i32 to vector<16xi32>
          %sub3A_236 = arith.subi %shift_right_arithmetic3A_234, %sub3A_235 : vector<16xi32>
          %and3A = arith.constant 16383 : i32
          %and3A_237 = vector.broadcast %and3A : i32 to vector<16xi32>
          %and3A_238 = arith.andi %select_n3A_231, %and3A_237 : vector<16xi32>
          %gt3A_239 = arith.constant 0 : i32
          %gt3A_240 = arith.cmpi sgt, %while3A_208, %gt3A_239 : i32
          %convert_element_type3A_241 = arith.extui %gt3A_240 : i1 to i32
          %cond3A_242 = arith.constant 0 : i32
          %cond3A_243 = arith.cmpi ne, %convert_element_type3A_241, %cond3A_242 : i32
          scf.if %cond3A_243 {
            %dma_wait3A_343 = arith.constant 0 : i32
            %dma_wait3A_344 = arith.constant 0 : i32
            %dma_wait3A_345 = tpu.memref_slice %arg4[%dma_wait3A_343, %dma_wait3A_344] : memref<16384x128xf32, #tpu.memory_space<hbm>> -> memref<16384x128xf32, #tpu.memory_space<hbm>>
            tpu.wait_indirect_dma semaphore(%arg19 : memref<!tpu.dma_semaphore, #tpu.memory_space<semaphore_mem>>) src(%arg12 : memref<16x128xf32, #tpu.memory_space<vmem>>) dst(%dma_wait3A_345 : memref<16384x128xf32, #tpu.memory_space<hbm>>)
          } else {
          }
          %broadcast_in_dim3A_244 = arith.constant 0 : i32
          %broadcast_in_dim3A_245 = vector.broadcast %broadcast_in_dim3A_244 : i32 to vector<16xi32>
          %gather3A = tpu.vector_load_idx %arg9[%broadcast_in_dim3A_245, %sub3A_236] : memref<32x768xf32, #tpu.memory_space<vmem>>[vector<16xi32>, vector<16xi32>], vector<16xf32>,
          tpu.vector_store_idx %arg12[%iota3A, %broadcast_in_dim3A_245], %gather3A : memref<16x128xf32, #tpu.memory_space<vmem>>[vector<16xi32>, vector<16xi32>], vector<16xf32>,
          %broadcast_in_dim3A_246 = arith.constant 1 : i32
          %broadcast_in_dim3A_247 = vector.broadcast %broadcast_in_dim3A_246 : i32 to vector<16xi32>
          %gather3A_248 = tpu.vector_load_idx %arg9[%broadcast_in_dim3A_247, %sub3A_236] : memref<32x768xf32, #tpu.memory_space<vmem>>[vector<16xi32>, vector<16xi32>], vector<16xf32>,
          tpu.vector_store_idx %arg12[%iota3A, %broadcast_in_dim3A_247], %gather3A_248 : memref<16x128xf32, #tpu.memory_space<vmem>>[vector<16xi32>, vector<16xi32>], vector<16xf32>,
          %broadcast_in_dim3A_249 = arith.constant 2 : i32
          %broadcast_in_dim3A_250 = vector.broadcast %broadcast_in_dim3A_249 : i32 to vector<16xi32>
          %gather3A_251 = tpu.vector_load_idx %arg9[%broadcast_in_dim3A_250, %sub3A_236] : memref<32x768xf32, #tpu.memory_space<vmem>>[vector<16xi32>, vector<16xi32>], vector<16xf32>,
          tpu.vector_store_idx %arg12[%iota3A, %broadcast_in_dim3A_250], %gather3A_251 : memref<16x128xf32, #tpu.memory_space<vmem>>[vector<16xi32>, vector<16xi32>], vector<16xf32>,
          %broadcast_in_dim3A_252 = arith.constant 3 : i32
          %broadcast_in_dim3A_253 = vector.broadcast %broadcast_in_dim3A_252 : i32 to vector<16xi32>
          %gather3A_254 = tpu.vector_load_idx %arg9[%broadcast_in_dim3A_253, %sub3A_236] : memref<32x768xf32, #tpu.memory_space<vmem>>[vector<16xi32>, vector<16xi32>], vector<16xf32>,
          tpu.vector_store_idx %arg12[%iota3A, %broadcast_in_dim3A_253], %gather3A_254 : memref<16x128xf32, #tpu.memory_space<vmem>>[vector<16xi32>, vector<16xi32>], vector<16xf32>,
          %broadcast_in_dim3A_255 = arith.constant 4 : i32
          %broadcast_in_dim3A_256 = vector.broadcast %broadcast_in_dim3A_255 : i32 to vector<16xi32>
          %gather3A_257 = tpu.vector_load_idx %arg9[%broadcast_in_dim3A_256, %sub3A_236] : memref<32x768xf32, #tpu.memory_space<vmem>>[vector<16xi32>, vector<16xi32>], vector<16xf32>,
          tpu.vector_store_idx %arg12[%iota3A, %broadcast_in_dim3A_256], %gather3A_257 : memref<16x128xf32, #tpu.memory_space<vmem>>[vector<16xi32>, vector<16xi32>], vector<16xf32>,
          %broadcast_in_dim3A_258 = arith.constant 5 : i32
          %broadcast_in_dim3A_259 = vector.broadcast %broadcast_in_dim3A_258 : i32 to vector<16xi32>
          %gather3A_260 = tpu.vector_load_idx %arg9[%broadcast_in_dim3A_259, %sub3A_236] : memref<32x768xf32, #tpu.memory_space<vmem>>[vector<16xi32>, vector<16xi32>], vector<16xf32>,
          tpu.vector_store_idx %arg12[%iota3A, %broadcast_in_dim3A_259], %gather3A_260 : memref<16x128xf32, #tpu.memory_space<vmem>>[vector<16xi32>, vector<16xi32>], vector<16xf32>,
          %broadcast_in_dim3A_261 = arith.constant 6 : i32
          %broadcast_in_dim3A_262 = vector.broadcast %broadcast_in_dim3A_261 : i32 to vector<16xi32>
          %gather3A_263 = tpu.vector_load_idx %arg9[%broadcast_in_dim3A_262, %sub3A_236] : memref<32x768xf32, #tpu.memory_space<vmem>>[vector<16xi32>, vector<16xi32>], vector<16xf32>,
          tpu.vector_store_idx %arg12[%iota3A, %broadcast_in_dim3A_262], %gather3A_263 : memref<16x128xf32, #tpu.memory_space<vmem>>[vector<16xi32>, vector<16xi32>], vector<16xf32>,
          %broadcast_in_dim3A_264 = arith.constant 7 : i32
          %broadcast_in_dim3A_265 = vector.broadcast %broadcast_in_dim3A_264 : i32 to vector<16xi32>
          %gather3A_266 = tpu.vector_load_idx %arg9[%broadcast_in_dim3A_265, %sub3A_236] : memref<32x768xf32, #tpu.memory_space<vmem>>[vector<16xi32>, vector<16xi32>], vector<16xf32>,
          tpu.vector_store_idx %arg12[%iota3A, %broadcast_in_dim3A_265], %gather3A_266 : memref<16x128xf32, #tpu.memory_space<vmem>>[vector<16xi32>, vector<16xi32>], vector<16xf32>,
          %broadcast_in_dim3A_267 = arith.constant 8 : i32
          %broadcast_in_dim3A_268 = vector.broadcast %broadcast_in_dim3A_267 : i32 to vector<16xi32>
          %gather3A_269 = tpu.vector_load_idx %arg9[%broadcast_in_dim3A_268, %sub3A_236] : memref<32x768xf32, #tpu.memory_space<vmem>>[vector<16xi32>, vector<16xi32>], vector<16xf32>,
          tpu.vector_store_idx %arg12[%iota3A, %broadcast_in_dim3A_268], %gather3A_269 : memref<16x128xf32, #tpu.memory_space<vmem>>[vector<16xi32>, vector<16xi32>], vector<16xf32>,
          %broadcast_in_dim3A_270 = arith.constant 9 : i32
          %broadcast_in_dim3A_271 = vector.broadcast %broadcast_in_dim3A_270 : i32 to vector<16xi32>
          %gather3A_272 = tpu.vector_load_idx %arg9[%broadcast_in_dim3A_271, %sub3A_236] : memref<32x768xf32, #tpu.memory_space<vmem>>[vector<16xi32>, vector<16xi32>], vector<16xf32>,
          tpu.vector_store_idx %arg12[%iota3A, %broadcast_in_dim3A_271], %gather3A_272 : memref<16x128xf32, #tpu.memory_space<vmem>>[vector<16xi32>, vector<16xi32>], vector<16xf32>,
          %broadcast_in_dim3A_273 = arith.constant 10 : i32
          %broadcast_in_dim3A_274 = vector.broadcast %broadcast_in_dim3A_273 : i32 to vector<16xi32>
          %gather3A_275 = tpu.vector_load_idx %arg9[%broadcast_in_dim3A_274, %sub3A_236] : memref<32x768xf32, #tpu.memory_space<vmem>>[vector<16xi32>, vector<16xi32>], vector<16xf32>,
          tpu.vector_store_idx %arg12[%iota3A, %broadcast_in_dim3A_274], %gather3A_275 : memref<16x128xf32, #tpu.memory_space<vmem>>[vector<16xi32>, vector<16xi32>], vector<16xf32>,
          %broadcast_in_dim3A_276 = arith.constant 11 : i32
          %broadcast_in_dim3A_277 = vector.broadcast %broadcast_in_dim3A_276 : i32 to vector<16xi32>
          %gather3A_278 = tpu.vector_load_idx %arg9[%broadcast_in_dim3A_277, %sub3A_236] : memref<32x768xf32, #tpu.memory_space<vmem>>[vector<16xi32>, vector<16xi32>], vector<16xf32>,
          tpu.vector_store_idx %arg12[%iota3A, %broadcast_in_dim3A_277], %gather3A_278 : memref<16x128xf32, #tpu.memory_space<vmem>>[vector<16xi32>, vector<16xi32>], vector<16xf32>,
          %broadcast_in_dim3A_279 = arith.constant 12 : i32
          %broadcast_in_dim3A_280 = vector.broadcast %broadcast_in_dim3A_279 : i32 to vector<16xi32>
          %gather3A_281 = tpu.vector_load_idx %arg9[%broadcast_in_dim3A_280, %sub3A_236] : memref<32x768xf32, #tpu.memory_space<vmem>>[vector<16xi32>, vector<16xi32>], vector<16xf32>,
          tpu.vector_store_idx %arg12[%iota3A, %broadcast_in_dim3A_280], %gather3A_281 : memref<16x128xf32, #tpu.memory_space<vmem>>[vector<16xi32>, vector<16xi32>], vector<16xf32>,
          %broadcast_in_dim3A_282 = arith.constant 13 : i32
          %broadcast_in_dim3A_283 = vector.broadcast %broadcast_in_dim3A_282 : i32 to vector<16xi32>
          %gather3A_284 = tpu.vector_load_idx %arg9[%broadcast_in_dim3A_283, %sub3A_236] : memref<32x768xf32, #tpu.memory_space<vmem>>[vector<16xi32>, vector<16xi32>], vector<16xf32>,
          tpu.vector_store_idx %arg12[%iota3A, %broadcast_in_dim3A_283], %gather3A_284 : memref<16x128xf32, #tpu.memory_space<vmem>>[vector<16xi32>, vector<16xi32>], vector<16xf32>,
          %broadcast_in_dim3A_285 = arith.constant 14 : i32
          %broadcast_in_dim3A_286 = vector.broadcast %broadcast_in_dim3A_285 : i32 to vector<16xi32>
          %gather3A_287 = tpu.vector_load_idx %arg9[%broadcast_in_dim3A_286, %sub3A_236] : memref<32x768xf32, #tpu.memory_space<vmem>>[vector<16xi32>, vector<16xi32>], vector<16xf32>,
          tpu.vector_store_idx %arg12[%iota3A, %broadcast_in_dim3A_286], %gather3A_287 : memref<16x128xf32, #tpu.memory_space<vmem>>[vector<16xi32>, vector<16xi32>], vector<16xf32>,
          %broadcast_in_dim3A_288 = arith.constant 15 : i32
          %broadcast_in_dim3A_289 = vector.broadcast %broadcast_in_dim3A_288 : i32 to vector<16xi32>
          %gather3A_290 = tpu.vector_load_idx %arg9[%broadcast_in_dim3A_289, %sub3A_236] : memref<32x768xf32, #tpu.memory_space<vmem>>[vector<16xi32>, vector<16xi32>], vector<16xf32>,
          tpu.vector_store_idx %arg12[%iota3A, %broadcast_in_dim3A_289], %gather3A_290 : memref<16x128xf32, #tpu.memory_space<vmem>>[vector<16xi32>, vector<16xi32>], vector<16xf32>,
          %broadcast_in_dim3A_291 = arith.constant 16 : i32
          %broadcast_in_dim3A_292 = vector.broadcast %broadcast_in_dim3A_291 : i32 to vector<16xi32>
          %gather3A_293 = tpu.vector_load_idx %arg9[%broadcast_in_dim3A_292, %sub3A_236] : memref<32x768xf32, #tpu.memory_space<vmem>>[vector<16xi32>, vector<16xi32>], vector<16xf32>,
          tpu.vector_store_idx %arg12[%iota3A, %broadcast_in_dim3A_292], %gather3A_293 : memref<16x128xf32, #tpu.memory_space<vmem>>[vector<16xi32>, vector<16xi32>], vector<16xf32>,
          %broadcast_in_dim3A_294 = arith.constant 17 : i32
          %broadcast_in_dim3A_295 = vector.broadcast %broadcast_in_dim3A_294 : i32 to vector<16xi32>
          %gather3A_296 = tpu.vector_load_idx %arg9[%broadcast_in_dim3A_295, %sub3A_236] : memref<32x768xf32, #tpu.memory_space<vmem>>[vector<16xi32>, vector<16xi32>], vector<16xf32>,
          tpu.vector_store_idx %arg12[%iota3A, %broadcast_in_dim3A_295], %gather3A_296 : memref<16x128xf32, #tpu.memory_space<vmem>>[vector<16xi32>, vector<16xi32>], vector<16xf32>,
          %broadcast_in_dim3A_297 = arith.constant 18 : i32
          %broadcast_in_dim3A_298 = vector.broadcast %broadcast_in_dim3A_297 : i32 to vector<16xi32>
          %gather3A_299 = tpu.vector_load_idx %arg9[%broadcast_in_dim3A_298, %sub3A_236] : memref<32x768xf32, #tpu.memory_space<vmem>>[vector<16xi32>, vector<16xi32>], vector<16xf32>,
          tpu.vector_store_idx %arg12[%iota3A, %broadcast_in_dim3A_298], %gather3A_299 : memref<16x128xf32, #tpu.memory_space<vmem>>[vector<16xi32>, vector<16xi32>], vector<16xf32>,
          %broadcast_in_dim3A_300 = arith.constant 19 : i32
          %broadcast_in_dim3A_301 = vector.broadcast %broadcast_in_dim3A_300 : i32 to vector<16xi32>
          %gather3A_302 = tpu.vector_load_idx %arg9[%broadcast_in_dim3A_301, %sub3A_236] : memref<32x768xf32, #tpu.memory_space<vmem>>[vector<16xi32>, vector<16xi32>], vector<16xf32>,
          tpu.vector_store_idx %arg12[%iota3A, %broadcast_in_dim3A_301], %gather3A_302 : memref<16x128xf32, #tpu.memory_space<vmem>>[vector<16xi32>, vector<16xi32>], vector<16xf32>,
          %broadcast_in_dim3A_303 = arith.constant 20 : i32
          %broadcast_in_dim3A_304 = vector.broadcast %broadcast_in_dim3A_303 : i32 to vector<16xi32>
          %gather3A_305 = tpu.vector_load_idx %arg9[%broadcast_in_dim3A_304, %sub3A_236] : memref<32x768xf32, #tpu.memory_space<vmem>>[vector<16xi32>, vector<16xi32>], vector<16xf32>,
          tpu.vector_store_idx %arg12[%iota3A, %broadcast_in_dim3A_304], %gather3A_305 : memref<16x128xf32, #tpu.memory_space<vmem>>[vector<16xi32>, vector<16xi32>], vector<16xf32>,
          %broadcast_in_dim3A_306 = arith.constant 21 : i32
          %broadcast_in_dim3A_307 = vector.broadcast %broadcast_in_dim3A_306 : i32 to vector<16xi32>
          %gather3A_308 = tpu.vector_load_idx %arg9[%broadcast_in_dim3A_307, %sub3A_236] : memref<32x768xf32, #tpu.memory_space<vmem>>[vector<16xi32>, vector<16xi32>], vector<16xf32>,
          tpu.vector_store_idx %arg12[%iota3A, %broadcast_in_dim3A_307], %gather3A_308 : memref<16x128xf32, #tpu.memory_space<vmem>>[vector<16xi32>, vector<16xi32>], vector<16xf32>,
          %broadcast_in_dim3A_309 = arith.constant 22 : i32
          %broadcast_in_dim3A_310 = vector.broadcast %broadcast_in_dim3A_309 : i32 to vector<16xi32>
          %gather3A_311 = tpu.vector_load_idx %arg9[%broadcast_in_dim3A_310, %sub3A_236] : memref<32x768xf32, #tpu.memory_space<vmem>>[vector<16xi32>, vector<16xi32>], vector<16xf32>,
          tpu.vector_store_idx %arg12[%iota3A, %broadcast_in_dim3A_310], %gather3A_311 : memref<16x128xf32, #tpu.memory_space<vmem>>[vector<16xi32>, vector<16xi32>], vector<16xf32>,
          %broadcast_in_dim3A_312 = arith.constant 23 : i32
          %broadcast_in_dim3A_313 = vector.broadcast %broadcast_in_dim3A_312 : i32 to vector<16xi32>
          %gather3A_314 = tpu.vector_load_idx %arg9[%broadcast_in_dim3A_313, %sub3A_236] : memref<32x768xf32, #tpu.memory_space<vmem>>[vector<16xi32>, vector<16xi32>], vector<16xf32>,
          tpu.vector_store_idx %arg12[%iota3A, %broadcast_in_dim3A_313], %gather3A_314 : memref<16x128xf32, #tpu.memory_space<vmem>>[vector<16xi32>, vector<16xi32>], vector<16xf32>,
          %broadcast_in_dim3A_315 = arith.constant 24 : i32
          %broadcast_in_dim3A_316 = vector.broadcast %broadcast_in_dim3A_315 : i32 to vector<16xi32>
          %gather3A_317 = tpu.vector_load_idx %arg9[%broadcast_in_dim3A_316, %sub3A_236] : memref<32x768xf32, #tpu.memory_space<vmem>>[vector<16xi32>, vector<16xi32>], vector<16xf32>,
          tpu.vector_store_idx %arg12[%iota3A, %broadcast_in_dim3A_316], %gather3A_317 : memref<16x128xf32, #tpu.memory_space<vmem>>[vector<16xi32>, vector<16xi32>], vector<16xf32>,
          %broadcast_in_dim3A_318 = arith.constant 25 : i32
          %broadcast_in_dim3A_319 = vector.broadcast %broadcast_in_dim3A_318 : i32 to vector<16xi32>
          %gather3A_320 = tpu.vector_load_idx %arg9[%broadcast_in_dim3A_319, %sub3A_236] : memref<32x768xf32, #tpu.memory_space<vmem>>[vector<16xi32>, vector<16xi32>], vector<16xf32>,
          tpu.vector_store_idx %arg12[%iota3A, %broadcast_in_dim3A_319], %gather3A_320 : memref<16x128xf32, #tpu.memory_space<vmem>>[vector<16xi32>, vector<16xi32>], vector<16xf32>,
          %broadcast_in_dim3A_321 = arith.constant 26 : i32
          %broadcast_in_dim3A_322 = vector.broadcast %broadcast_in_dim3A_321 : i32 to vector<16xi32>
          %gather3A_323 = tpu.vector_load_idx %arg9[%broadcast_in_dim3A_322, %sub3A_236] : memref<32x768xf32, #tpu.memory_space<vmem>>[vector<16xi32>, vector<16xi32>], vector<16xf32>,
          tpu.vector_store_idx %arg12[%iota3A, %broadcast_in_dim3A_322], %gather3A_323 : memref<16x128xf32, #tpu.memory_space<vmem>>[vector<16xi32>, vector<16xi32>], vector<16xf32>,
          %broadcast_in_dim3A_324 = arith.constant 27 : i32
          %broadcast_in_dim3A_325 = vector.broadcast %broadcast_in_dim3A_324 : i32 to vector<16xi32>
          %gather3A_326 = tpu.vector_load_idx %arg9[%broadcast_in_dim3A_325, %sub3A_236] : memref<32x768xf32, #tpu.memory_space<vmem>>[vector<16xi32>, vector<16xi32>], vector<16xf32>,
          tpu.vector_store_idx %arg12[%iota3A, %broadcast_in_dim3A_325], %gather3A_326 : memref<16x128xf32, #tpu.memory_space<vmem>>[vector<16xi32>, vector<16xi32>], vector<16xf32>,
          %broadcast_in_dim3A_327 = arith.constant 28 : i32
          %broadcast_in_dim3A_328 = vector.broadcast %broadcast_in_dim3A_327 : i32 to vector<16xi32>
          %gather3A_329 = tpu.vector_load_idx %arg9[%broadcast_in_dim3A_328, %sub3A_236] : memref<32x768xf32, #tpu.memory_space<vmem>>[vector<16xi32>, vector<16xi32>], vector<16xf32>,
          tpu.vector_store_idx %arg12[%iota3A, %broadcast_in_dim3A_328], %gather3A_329 : memref<16x128xf32, #tpu.memory_space<vmem>>[vector<16xi32>, vector<16xi32>], vector<16xf32>,
          %broadcast_in_dim3A_330 = arith.constant 29 : i32
          %broadcast_in_dim3A_331 = vector.broadcast %broadcast_in_dim3A_330 : i32 to vector<16xi32>
          %gather3A_332 = tpu.vector_load_idx %arg9[%broadcast_in_dim3A_331, %sub3A_236] : memref<32x768xf32, #tpu.memory_space<vmem>>[vector<16xi32>, vector<16xi32>], vector<16xf32>,
          tpu.vector_store_idx %arg12[%iota3A, %broadcast_in_dim3A_331], %gather3A_332 : memref<16x128xf32, #tpu.memory_space<vmem>>[vector<16xi32>, vector<16xi32>], vector<16xf32>,
          %broadcast_in_dim3A_333 = arith.constant 30 : i32
          %broadcast_in_dim3A_334 = vector.broadcast %broadcast_in_dim3A_333 : i32 to vector<16xi32>
          %gather3A_335 = tpu.vector_load_idx %arg9[%broadcast_in_dim3A_334, %sub3A_236] : memref<32x768xf32, #tpu.memory_space<vmem>>[vector<16xi32>, vector<16xi32>], vector<16xf32>,
          tpu.vector_store_idx %arg12[%iota3A, %broadcast_in_dim3A_334], %gather3A_335 : memref<16x128xf32, #tpu.memory_space<vmem>>[vector<16xi32>, vector<16xi32>], vector<16xf32>,
          %broadcast_in_dim3A_336 = arith.constant 31 : i32
          %broadcast_in_dim3A_337 = vector.broadcast %broadcast_in_dim3A_336 : i32 to vector<16xi32>
          %gather3A_338 = tpu.vector_load_idx %arg9[%broadcast_in_dim3A_337, %sub3A_236] : memref<32x768xf32, #tpu.memory_space<vmem>>[vector<16xi32>, vector<16xi32>], vector<16xf32>,
          tpu.vector_store_idx %arg12[%iota3A, %broadcast_in_dim3A_337], %gather3A_338 : memref<16x128xf32, #tpu.memory_space<vmem>>[vector<16xi32>, vector<16xi32>], vector<16xf32>,
          %swap3A = arith.constant 0 : index
          %swap3A_339 = tpu.vector_load %arg14[%swap3A] {strides = array<i32>} : memref<16xi32, #tpu.memory_space<vmem>>, vector<16xi32>,
          tpu.vector_store %arg14[%swap3A], %and3A_238 {strides = array<i32>} : memref<16xi32, #tpu.memory_space<vmem>>, vector<16xi32>,
          %dma_start3A_340 = arith.constant 0 : i32
          %dma_start3A_341 = arith.constant 0 : i32
          %dma_start3A_342 = tpu.memref_slice %arg4[%dma_start3A_340, %dma_start3A_341] : memref<16384x128xf32, #tpu.memory_space<hbm>> -> memref<16384x128xf32, #tpu.memory_space<hbm>>
          tpu.enqueue_indirect_dma source(%arg12 : memref<16x128xf32, #tpu.memory_space<vmem>>) target(%dma_start3A_342 : memref<16384x128xf32, #tpu.memory_space<hbm>>) offsets(%arg14 : memref<16xi32, #tpu.memory_space<vmem>>) semaphore(%arg19 : memref<!tpu.dma_semaphore, #tpu.memory_space<semaphore_mem>>)
        } else {
        }
        %jit3A_223 = arith.constant 1 : i32
        %select_n3A_224 = arith.select %lt3A_219, %jit3A_223, %while3A_208 : i32
        scf.yield %select_n3A, %select_n3A_224 : i32, i32
      }
      %add3A_147 = arith.constant 1 : i32
      %add3A_148 = arith.addi %mul3A_59, %add3A_147 : i32
      %add3A_149 = arith.constant 3 : i32
      %add3A_150 = arith.addi %add3A_148, %add3A_149 : i32
      %lt3A_151 = arith.constant 42 : i32
      %lt3A_152 = arith.cmpi slt, %add3A_150, %lt3A_151 : i32
      %convert_element_type3A_153 = arith.extui %lt3A_152 : i1 to i32
      %cond3A_154 = arith.constant 0 : i32
      %cond3A_155 = arith.cmpi ne, %convert_element_type3A_153, %cond3A_154 : i32
      scf.if %cond3A_155 {
        %add3A_206 = arith.constant 1 : i32
        %add3A_207 = arith.addi %mul3A_59, %add3A_206 : i32
        %add3A_208 = arith.constant 3 : i32
        %add3A_209 = arith.addi %add3A_207, %add3A_208 : i32
        %mul3A_210 = arith.constant 768 : i32
        %mul3A_211 = arith.muli %add3A_209, %mul3A_210 : i32
        %add3A_212 = arith.addi %mul3A_2, %mul3A_211 : i32
        %min3A_213 = arith.constant 999296 : i32
        %min3A_214 = arith.minsi %add3A_212, %min3A_213 : i32
        %multiple_of3A_215 = tpu.assume_multiple %min3A_214, 128 : i32
        %dma_start3A_216 = arith.constant 0 : i32
        %dma_start3A_217 = tpu.memref_slice %arg2[%dma_start3A_216, %multiple_of3A_215] : memref<32x1000000xf32, #tpu.memory_space<hbm>> -> memref<32x768xf32, #tpu.memory_space<hbm>>
        %dma_start3A_218 = arith.constant 0 : i32
        %dma_start3A_219 = tpu.memref_slice %arg2[%dma_start3A_218, %multiple_of3A_215] : memref<32x1000000xf32, #tpu.memory_space<hbm>> -> memref<32x768xf32, #tpu.memory_space<hbm>>
        tpu.enqueue_dma source(%dma_start3A_219 : memref<32x768xf32, #tpu.memory_space<hbm>>) target(%arg9 : memref<32x768xf32, #tpu.memory_space<vmem>>) target_semaphore(%arg16 : memref<!tpu.dma_semaphore, #tpu.memory_space<semaphore_mem>>)
      } else {
      }
      %add3A_156 = arith.constant 2 : i32
      %add3A_157 = arith.addi %mul3A_59, %add3A_156 : i32
      %dma_wait3A_158 = arith.constant 0 : i32
      %dma_wait3A_159 = arith.constant 0 : i32
      %dma_wait3A_160 = tpu.memref_slice %arg2[%dma_wait3A_158, %dma_wait3A_159] : memref<32x1000000xf32, #tpu.memory_space<hbm>> -> memref<32x768xf32, #tpu.memory_space<hbm>>
      %dma_wait3A_161 = arith.constant 0 : i32
      %dma_wait3A_162 = arith.constant 0 : i32
      %dma_wait3A_163 = tpu.memref_slice %arg2[%dma_wait3A_161, %dma_wait3A_162] : memref<32x1000000xf32, #tpu.memory_space<hbm>> -> memref<32x768xf32, #tpu.memory_space<hbm>>
      tpu.wait_dma2 semaphore(%arg17 : memref<!tpu.dma_semaphore, #tpu.memory_space<semaphore_mem>>) src(%dma_wait3A_163 : memref<32x768xf32, #tpu.memory_space<hbm>>) dst(%arg10 : memref<32x768xf32, #tpu.memory_space<vmem>>)
      %mul3A_164 = arith.constant 768 : i32
      %mul3A_165 = arith.muli %add3A_157, %mul3A_164 : i32
      %add3A_166 = arith.addi %mul3A_2, %mul3A_165 : i32
      %min3A_167 = arith.constant 999296 : i32
      %min3A_168 = arith.minsi %add3A_166, %min3A_167 : i32
      %sub3A_169 = arith.subi %min3A_168, %mul3A_2 : i32
      %while3A_170 = arith.constant 0 : i32
      %while3A_171 = arith.constant 0 : i32
      %while3A_172 = arith.subi %shift_right_arithmetic3A_39, %while3A_170 : i32
      %while3A_173 = arith.addi %while3A_170, %while3A_172 : i32
      %while3A_174 = arith.constant 1 : i32
      %while3A_175 = arith.divsi %while3A_172, %while3A_174 : i32
      %while3A_176 = arith.muli %while3A_175, %while3A_174 : i32
      %while3A_177 = arith.addi %while3A_170, %while3A_176 : i32
      %while3A_178 = arith.constant 1 : i32
      %while3A_179 = scf.for %while3A_206 = %while3A_170 to %while3A_177 step %while3A_178 iter_args(%while3A_207 = %while3A_171) -> (i32)  : i32 {
        %mul3A_208 = arith.constant 16 : i32
        %mul3A_209 = arith.muli %while3A_206, %mul3A_208 : i32
        %multiple_of3A_210 = tpu.assume_multiple %mul3A_209, 16 : i32
        %get3A = arith.index_cast %multiple_of3A_210 : i32 to index
        %get3A_211 = tpu.vector_load %arg6[%get3A] {strides = array<i32>} : memref<16384xi32, #tpu.memory_space<vmem>>, vector<16xi32>,
        %shift_right_arithmetic3A_212 = arith.constant 14 : i32
        %shift_right_arithmetic3A_213 = vector.broadcast %shift_right_arithmetic3A_212 : i32 to vector<16xi32>
        %shift_right_arithmetic3A_214 = arith.shrsi %get3A_211, %shift_right_arithmetic3A_213 : vector<16xi32>
        %mul3A_215 = arith.constant 16 : i32
        %mul3A_216 = arith.muli %while3A_206, %mul3A_215 : i32
        %add3A_217 = vector.broadcast %mul3A_216 : i32 to vector<16xi32>
        %add3A_218 = arith.addi %add3A_217, %iota3A : vector<16xi32>
        %lt3A_219 = vector.broadcast %scan3A_35 : i32 to vector<16xi32>
        %lt3A_220 = arith.cmpi slt, %add3A_218, %lt3A_219 : vector<16xi32>
        %mul3A_221 = arith.constant 768 : i32
        %mul3A_222 = arith.muli %add3A_157, %mul3A_221 : i32
        %ge3A = vector.broadcast %mul3A_222 : i32 to vector<16xi32>
        %ge3A_223 = arith.cmpi sge, %shift_right_arithmetic3A_214, %ge3A : vector<16xi32>
        %and3A = arith.andi %lt3A_220, %ge3A_223 : vector<16xi1>
        %add3A_224 = arith.constant 1 : i32
        %add3A_225 = arith.addi %add3A_157, %add3A_224 : i32
        %mul3A_226 = arith.constant 768 : i32
        %mul3A_227 = arith.muli %add3A_225, %mul3A_226 : i32
        %lt3A_228 = vector.broadcast %mul3A_227 : i32 to vector<16xi32>
        %lt3A_229 = arith.cmpi slt, %shift_right_arithmetic3A_214, %lt3A_228 : vector<16xi32>
        %and3A_230 = arith.andi %and3A, %lt3A_229 : vector<16xi1>
        %convert_element_type3A_231 = arith.extui %and3A_230 : vector<16xi1> to vector<16xi32>
        %broadcast_in_dim3A = arith.constant true
        %broadcast_in_dim3A_232 = vector.broadcast %broadcast_in_dim3A : i1 to vector<16xi1>
        %masked_cumsum3A = tpu.scan <sum>, %convert_element_type3A_231 masked %broadcast_in_dim3A_232 : vector<16xi32>, vector<16xi1> -> vector<16xi32>
        %add3A_233 = vector.broadcast %while3A_207 : i32 to vector<16xi32>
        %add3A_234 = arith.addi %add3A_233, %masked_cumsum3A : vector<16xi32>
        %sub3A_235 = arith.subi %add3A_234, %convert_element_type3A_231 : vector<16xi32>
        tpu.vector_store_idx %arg7[%sub3A_235], %get3A_211 masked %and3A_230 : memref<16384xi32, #tpu.memory_space<vmem>>[vector<16xi32>], vector<16xi32>, vector<16xi1>
        %slice3A = vector.extract_strided_slice %masked_cumsum3A {offsets = [15], sizes = [1], strides = [1]} : vector<16xi32> to vector<1xi32>
        %squeeze3A = vector.extract %slice3A[0] : i32 from vector<1xi32>
        %add3A_236 = arith.addi %while3A_207, %squeeze3A : i32
        scf.yield %add3A_236 : i32
      }
      %while3A_180 = arith.constant 1 : i32
      %while3A_181 = scf.for %while3A_206 = %while3A_177 to %while3A_173 step %while3A_180 iter_args(%while3A_207 = %while3A_179) -> (i32)  : i32 {
        %mul3A_208 = arith.constant 16 : i32
        %mul3A_209 = arith.muli %while3A_206, %mul3A_208 : i32
        %multiple_of3A_210 = tpu.assume_multiple %mul3A_209, 16 : i32
        %get3A = arith.index_cast %multiple_of3A_210 : i32 to index
        %get3A_211 = tpu.vector_load %arg6[%get3A] {strides = array<i32>} : memref<16384xi32, #tpu.memory_space<vmem>>, vector<16xi32>,
        %shift_right_arithmetic3A_212 = arith.constant 14 : i32
        %shift_right_arithmetic3A_213 = vector.broadcast %shift_right_arithmetic3A_212 : i32 to vector<16xi32>
        %shift_right_arithmetic3A_214 = arith.shrsi %get3A_211, %shift_right_arithmetic3A_213 : vector<16xi32>
        %mul3A_215 = arith.constant 16 : i32
        %mul3A_216 = arith.muli %while3A_206, %mul3A_215 : i32
        %add3A_217 = vector.broadcast %mul3A_216 : i32 to vector<16xi32>
        %add3A_218 = arith.addi %add3A_217, %iota3A : vector<16xi32>
        %lt3A_219 = vector.broadcast %scan3A_35 : i32 to vector<16xi32>
        %lt3A_220 = arith.cmpi slt, %add3A_218, %lt3A_219 : vector<16xi32>
        %mul3A_221 = arith.constant 768 : i32
        %mul3A_222 = arith.muli %add3A_157, %mul3A_221 : i32
        %ge3A = vector.broadcast %mul3A_222 : i32 to vector<16xi32>
        %ge3A_223 = arith.cmpi sge, %shift_right_arithmetic3A_214, %ge3A : vector<16xi32>
        %and3A = arith.andi %lt3A_220, %ge3A_223 : vector<16xi1>
        %add3A_224 = arith.constant 1 : i32
        %add3A_225 = arith.addi %add3A_157, %add3A_224 : i32
        %mul3A_226 = arith.constant 768 : i32
        %mul3A_227 = arith.muli %add3A_225, %mul3A_226 : i32
        %lt3A_228 = vector.broadcast %mul3A_227 : i32 to vector<16xi32>
        %lt3A_229 = arith.cmpi slt, %shift_right_arithmetic3A_214, %lt3A_228 : vector<16xi32>
        %and3A_230 = arith.andi %and3A, %lt3A_229 : vector<16xi1>
        %convert_element_type3A_231 = arith.extui %and3A_230 : vector<16xi1> to vector<16xi32>
        %broadcast_in_dim3A = arith.constant true
        %broadcast_in_dim3A_232 = vector.broadcast %broadcast_in_dim3A : i1 to vector<16xi1>
        %masked_cumsum3A = tpu.scan <sum>, %convert_element_type3A_231 masked %broadcast_in_dim3A_232 : vector<16xi32>, vector<16xi1> -> vector<16xi32>
        %add3A_233 = vector.broadcast %while3A_207 : i32 to vector<16xi32>
        %add3A_234 = arith.addi %add3A_233, %masked_cumsum3A : vector<16xi32>
        %sub3A_235 = arith.subi %add3A_234, %convert_element_type3A_231 : vector<16xi32>
        tpu.vector_store_idx %arg7[%sub3A_235], %get3A_211 masked %and3A_230 : memref<16384xi32, #tpu.memory_space<vmem>>[vector<16xi32>], vector<16xi32>, vector<16xi1>
        %slice3A = vector.extract_strided_slice %masked_cumsum3A {offsets = [15], sizes = [1], strides = [1]} : vector<16xi32> to vector<1xi32>
        %squeeze3A = vector.extract %slice3A[0] : i32 from vector<1xi32>
        %add3A_236 = arith.addi %while3A_207, %squeeze3A : i32
        scf.yield %add3A_236 : i32
      }
      %add3A_182 = arith.constant 31 : i32
      %add3A_183 = arith.addi %while3A_181, %add3A_182 : i32
      %shift_right_arithmetic3A_184 = arith.constant 5 : i32
      %shift_right_arithmetic3A_185 = arith.shrsi %add3A_183, %shift_right_arithmetic3A_184 : i32
      %while3A_186 = arith.constant 0 : i32
      %while3A_187 = arith.subi %shift_right_arithmetic3A_185, %while3A_186 : i32
      %while3A_188 = arith.addi %while3A_186, %while3A_187 : i32
      %while3A_189 = arith.constant 1 : i32
      %while3A_190 = arith.divsi %while3A_187, %while3A_189 : i32
      %while3A_191 = arith.muli %while3A_190, %while3A_189 : i32
      %while3A_192 = arith.addi %while3A_186, %while3A_191 : i32
      %while3A_193 = arith.constant 1 : i32
      %while3A_194:2 = scf.for %while3A_206 = %while3A_186 to %while3A_192 step %while3A_193 iter_args(%while3A_207 = %while3A_146#0, %while3A_208 = %while3A_146#1) -> (i32, i32)  : i32 {
        %mul3A_209 = arith.constant 32 : i32
        %mul3A_210 = arith.muli %while3A_206, %mul3A_209 : i32
        %lt3A_211 = arith.cmpi slt, %mul3A_210, %while3A_181 : i32
        %convert_element_type3A_212 = arith.extui %lt3A_211 : i1 to i32
        %cond3A_213 = arith.constant 0 : i32
        %cond3A_214 = arith.cmpi ne, %convert_element_type3A_212, %cond3A_213 : i32
        scf.if %cond3A_214 {
          %multiple_of3A_225 = tpu.assume_multiple %mul3A_210, 16 : i32
          %get3A = arith.index_cast %multiple_of3A_225 : i32 to index
          %get3A_226 = tpu.vector_load %arg7[%get3A] {strides = array<i32>} : memref<16384xi32, #tpu.memory_space<vmem>>, vector<16xi32>,
          %add3A_227 = vector.broadcast %mul3A_210 : i32 to vector<16xi32>
          %add3A_228 = arith.addi %add3A_227, %iota3A : vector<16xi32>
          %lt3A_229 = vector.broadcast %while3A_181 : i32 to vector<16xi32>
          %lt3A_230 = arith.cmpi slt, %add3A_228, %lt3A_229 : vector<16xi32>
          %slice3A = vector.extract_strided_slice %get3A_226 {offsets = [0], sizes = [1], strides = [1]} : vector<16xi32> to vector<1xi32>
          %squeeze3A = vector.extract %slice3A[0] : i32 from vector<1xi32>
          %broadcast_in_dim3A = vector.broadcast %squeeze3A : i32 to vector<16xi32>
          %select_n3A_231 = arith.select %lt3A_230, %get3A_226, %broadcast_in_dim3A : vector<16xi1>, vector<16xi32>
          %shift_right_arithmetic3A_232 = arith.constant 14 : i32
          %shift_right_arithmetic3A_233 = vector.broadcast %shift_right_arithmetic3A_232 : i32 to vector<16xi32>
          %shift_right_arithmetic3A_234 = arith.shrsi %select_n3A_231, %shift_right_arithmetic3A_233 : vector<16xi32>
          %sub3A_235 = vector.broadcast %sub3A_169 : i32 to vector<16xi32>
          %sub3A_236 = arith.subi %shift_right_arithmetic3A_234, %sub3A_235 : vector<16xi32>
          %and3A = arith.constant 16383 : i32
          %and3A_237 = vector.broadcast %and3A : i32 to vector<16xi32>
          %and3A_238 = arith.andi %select_n3A_231, %and3A_237 : vector<16xi32>
          %gt3A_239 = arith.constant 0 : i32
          %gt3A_240 = arith.cmpi sgt, %while3A_207, %gt3A_239 : i32
          %convert_element_type3A_241 = arith.extui %gt3A_240 : i1 to i32
          %cond3A_242 = arith.constant 0 : i32
          %cond3A_243 = arith.cmpi ne, %convert_element_type3A_241, %cond3A_242 : i32
          scf.if %cond3A_243 {
            %dma_wait3A_343 = arith.constant 0 : i32
            %dma_wait3A_344 = arith.constant 0 : i32
            %dma_wait3A_345 = tpu.memref_slice %arg4[%dma_wait3A_343, %dma_wait3A_344] : memref<16384x128xf32, #tpu.memory_space<hbm>> -> memref<16384x128xf32, #tpu.memory_space<hbm>>
            tpu.wait_indirect_dma semaphore(%arg18 : memref<!tpu.dma_semaphore, #tpu.memory_space<semaphore_mem>>) src(%arg11 : memref<16x128xf32, #tpu.memory_space<vmem>>) dst(%dma_wait3A_345 : memref<16384x128xf32, #tpu.memory_space<hbm>>)
          } else {
          }
          %broadcast_in_dim3A_244 = arith.constant 0 : i32
          %broadcast_in_dim3A_245 = vector.broadcast %broadcast_in_dim3A_244 : i32 to vector<16xi32>
          %gather3A = tpu.vector_load_idx %arg10[%broadcast_in_dim3A_245, %sub3A_236] : memref<32x768xf32, #tpu.memory_space<vmem>>[vector<16xi32>, vector<16xi32>], vector<16xf32>,
          tpu.vector_store_idx %arg11[%iota3A, %broadcast_in_dim3A_245], %gather3A : memref<16x128xf32, #tpu.memory_space<vmem>>[vector<16xi32>, vector<16xi32>], vector<16xf32>,
          %broadcast_in_dim3A_246 = arith.constant 1 : i32
          %broadcast_in_dim3A_247 = vector.broadcast %broadcast_in_dim3A_246 : i32 to vector<16xi32>
          %gather3A_248 = tpu.vector_load_idx %arg10[%broadcast_in_dim3A_247, %sub3A_236] : memref<32x768xf32, #tpu.memory_space<vmem>>[vector<16xi32>, vector<16xi32>], vector<16xf32>,
          tpu.vector_store_idx %arg11[%iota3A, %broadcast_in_dim3A_247], %gather3A_248 : memref<16x128xf32, #tpu.memory_space<vmem>>[vector<16xi32>, vector<16xi32>], vector<16xf32>,
          %broadcast_in_dim3A_249 = arith.constant 2 : i32
          %broadcast_in_dim3A_250 = vector.broadcast %broadcast_in_dim3A_249 : i32 to vector<16xi32>
          %gather3A_251 = tpu.vector_load_idx %arg10[%broadcast_in_dim3A_250, %sub3A_236] : memref<32x768xf32, #tpu.memory_space<vmem>>[vector<16xi32>, vector<16xi32>], vector<16xf32>,
          tpu.vector_store_idx %arg11[%iota3A, %broadcast_in_dim3A_250], %gather3A_251 : memref<16x128xf32, #tpu.memory_space<vmem>>[vector<16xi32>, vector<16xi32>], vector<16xf32>,
          %broadcast_in_dim3A_252 = arith.constant 3 : i32
          %broadcast_in_dim3A_253 = vector.broadcast %broadcast_in_dim3A_252 : i32 to vector<16xi32>
          %gather3A_254 = tpu.vector_load_idx %arg10[%broadcast_in_dim3A_253, %sub3A_236] : memref<32x768xf32, #tpu.memory_space<vmem>>[vector<16xi32>, vector<16xi32>], vector<16xf32>,
          tpu.vector_store_idx %arg11[%iota3A, %broadcast_in_dim3A_253], %gather3A_254 : memref<16x128xf32, #tpu.memory_space<vmem>>[vector<16xi32>, vector<16xi32>], vector<16xf32>,
          %broadcast_in_dim3A_255 = arith.constant 4 : i32
          %broadcast_in_dim3A_256 = vector.broadcast %broadcast_in_dim3A_255 : i32 to vector<16xi32>
          %gather3A_257 = tpu.vector_load_idx %arg10[%broadcast_in_dim3A_256, %sub3A_236] : memref<32x768xf32, #tpu.memory_space<vmem>>[vector<16xi32>, vector<16xi32>], vector<16xf32>,
          tpu.vector_store_idx %arg11[%iota3A, %broadcast_in_dim3A_256], %gather3A_257 : memref<16x128xf32, #tpu.memory_space<vmem>>[vector<16xi32>, vector<16xi32>], vector<16xf32>,
          %broadcast_in_dim3A_258 = arith.constant 5 : i32
          %broadcast_in_dim3A_259 = vector.broadcast %broadcast_in_dim3A_258 : i32 to vector<16xi32>
          %gather3A_260 = tpu.vector_load_idx %arg10[%broadcast_in_dim3A_259, %sub3A_236] : memref<32x768xf32, #tpu.memory_space<vmem>>[vector<16xi32>, vector<16xi32>], vector<16xf32>,
          tpu.vector_store_idx %arg11[%iota3A, %broadcast_in_dim3A_259], %gather3A_260 : memref<16x128xf32, #tpu.memory_space<vmem>>[vector<16xi32>, vector<16xi32>], vector<16xf32>,
          %broadcast_in_dim3A_261 = arith.constant 6 : i32
          %broadcast_in_dim3A_262 = vector.broadcast %broadcast_in_dim3A_261 : i32 to vector<16xi32>
          %gather3A_263 = tpu.vector_load_idx %arg10[%broadcast_in_dim3A_262, %sub3A_236] : memref<32x768xf32, #tpu.memory_space<vmem>>[vector<16xi32>, vector<16xi32>], vector<16xf32>,
          tpu.vector_store_idx %arg11[%iota3A, %broadcast_in_dim3A_262], %gather3A_263 : memref<16x128xf32, #tpu.memory_space<vmem>>[vector<16xi32>, vector<16xi32>], vector<16xf32>,
          %broadcast_in_dim3A_264 = arith.constant 7 : i32
          %broadcast_in_dim3A_265 = vector.broadcast %broadcast_in_dim3A_264 : i32 to vector<16xi32>
          %gather3A_266 = tpu.vector_load_idx %arg10[%broadcast_in_dim3A_265, %sub3A_236] : memref<32x768xf32, #tpu.memory_space<vmem>>[vector<16xi32>, vector<16xi32>], vector<16xf32>,
          tpu.vector_store_idx %arg11[%iota3A, %broadcast_in_dim3A_265], %gather3A_266 : memref<16x128xf32, #tpu.memory_space<vmem>>[vector<16xi32>, vector<16xi32>], vector<16xf32>,
          %broadcast_in_dim3A_267 = arith.constant 8 : i32
          %broadcast_in_dim3A_268 = vector.broadcast %broadcast_in_dim3A_267 : i32 to vector<16xi32>
          %gather3A_269 = tpu.vector_load_idx %arg10[%broadcast_in_dim3A_268, %sub3A_236] : memref<32x768xf32, #tpu.memory_space<vmem>>[vector<16xi32>, vector<16xi32>], vector<16xf32>,
          tpu.vector_store_idx %arg11[%iota3A, %broadcast_in_dim3A_268], %gather3A_269 : memref<16x128xf32, #tpu.memory_space<vmem>>[vector<16xi32>, vector<16xi32>], vector<16xf32>,
          %broadcast_in_dim3A_270 = arith.constant 9 : i32
          %broadcast_in_dim3A_271 = vector.broadcast %broadcast_in_dim3A_270 : i32 to vector<16xi32>
          %gather3A_272 = tpu.vector_load_idx %arg10[%broadcast_in_dim3A_271, %sub3A_236] : memref<32x768xf32, #tpu.memory_space<vmem>>[vector<16xi32>, vector<16xi32>], vector<16xf32>,
          tpu.vector_store_idx %arg11[%iota3A, %broadcast_in_dim3A_271], %gather3A_272 : memref<16x128xf32, #tpu.memory_space<vmem>>[vector<16xi32>, vector<16xi32>], vector<16xf32>,
          %broadcast_in_dim3A_273 = arith.constant 10 : i32
          %broadcast_in_dim3A_274 = vector.broadcast %broadcast_in_dim3A_273 : i32 to vector<16xi32>
          %gather3A_275 = tpu.vector_load_idx %arg10[%broadcast_in_dim3A_274, %sub3A_236] : memref<32x768xf32, #tpu.memory_space<vmem>>[vector<16xi32>, vector<16xi32>], vector<16xf32>,
          tpu.vector_store_idx %arg11[%iota3A, %broadcast_in_dim3A_274], %gather3A_275 : memref<16x128xf32, #tpu.memory_space<vmem>>[vector<16xi32>, vector<16xi32>], vector<16xf32>,
          %broadcast_in_dim3A_276 = arith.constant 11 : i32
          %broadcast_in_dim3A_277 = vector.broadcast %broadcast_in_dim3A_276 : i32 to vector<16xi32>
          %gather3A_278 = tpu.vector_load_idx %arg10[%broadcast_in_dim3A_277, %sub3A_236] : memref<32x768xf32, #tpu.memory_space<vmem>>[vector<16xi32>, vector<16xi32>], vector<16xf32>,
          tpu.vector_store_idx %arg11[%iota3A, %broadcast_in_dim3A_277], %gather3A_278 : memref<16x128xf32, #tpu.memory_space<vmem>>[vector<16xi32>, vector<16xi32>], vector<16xf32>,
          %broadcast_in_dim3A_279 = arith.constant 12 : i32
          %broadcast_in_dim3A_280 = vector.broadcast %broadcast_in_dim3A_279 : i32 to vector<16xi32>
          %gather3A_281 = tpu.vector_load_idx %arg10[%broadcast_in_dim3A_280, %sub3A_236] : memref<32x768xf32, #tpu.memory_space<vmem>>[vector<16xi32>, vector<16xi32>], vector<16xf32>,
          tpu.vector_store_idx %arg11[%iota3A, %broadcast_in_dim3A_280], %gather3A_281 : memref<16x128xf32, #tpu.memory_space<vmem>>[vector<16xi32>, vector<16xi32>], vector<16xf32>,
          %broadcast_in_dim3A_282 = arith.constant 13 : i32
          %broadcast_in_dim3A_283 = vector.broadcast %broadcast_in_dim3A_282 : i32 to vector<16xi32>
          %gather3A_284 = tpu.vector_load_idx %arg10[%broadcast_in_dim3A_283, %sub3A_236] : memref<32x768xf32, #tpu.memory_space<vmem>>[vector<16xi32>, vector<16xi32>], vector<16xf32>,
          tpu.vector_store_idx %arg11[%iota3A, %broadcast_in_dim3A_283], %gather3A_284 : memref<16x128xf32, #tpu.memory_space<vmem>>[vector<16xi32>, vector<16xi32>], vector<16xf32>,
          %broadcast_in_dim3A_285 = arith.constant 14 : i32
          %broadcast_in_dim3A_286 = vector.broadcast %broadcast_in_dim3A_285 : i32 to vector<16xi32>
          %gather3A_287 = tpu.vector_load_idx %arg10[%broadcast_in_dim3A_286, %sub3A_236] : memref<32x768xf32, #tpu.memory_space<vmem>>[vector<16xi32>, vector<16xi32>], vector<16xf32>,
          tpu.vector_store_idx %arg11[%iota3A, %broadcast_in_dim3A_286], %gather3A_287 : memref<16x128xf32, #tpu.memory_space<vmem>>[vector<16xi32>, vector<16xi32>], vector<16xf32>,
          %broadcast_in_dim3A_288 = arith.constant 15 : i32
          %broadcast_in_dim3A_289 = vector.broadcast %broadcast_in_dim3A_288 : i32 to vector<16xi32>
          %gather3A_290 = tpu.vector_load_idx %arg10[%broadcast_in_dim3A_289, %sub3A_236] : memref<32x768xf32, #tpu.memory_space<vmem>>[vector<16xi32>, vector<16xi32>], vector<16xf32>,
          tpu.vector_store_idx %arg11[%iota3A, %broadcast_in_dim3A_289], %gather3A_290 : memref<16x128xf32, #tpu.memory_space<vmem>>[vector<16xi32>, vector<16xi32>], vector<16xf32>,
          %broadcast_in_dim3A_291 = arith.constant 16 : i32
          %broadcast_in_dim3A_292 = vector.broadcast %broadcast_in_dim3A_291 : i32 to vector<16xi32>
          %gather3A_293 = tpu.vector_load_idx %arg10[%broadcast_in_dim3A_292, %sub3A_236] : memref<32x768xf32, #tpu.memory_space<vmem>>[vector<16xi32>, vector<16xi32>], vector<16xf32>,
          tpu.vector_store_idx %arg11[%iota3A, %broadcast_in_dim3A_292], %gather3A_293 : memref<16x128xf32, #tpu.memory_space<vmem>>[vector<16xi32>, vector<16xi32>], vector<16xf32>,
          %broadcast_in_dim3A_294 = arith.constant 17 : i32
          %broadcast_in_dim3A_295 = vector.broadcast %broadcast_in_dim3A_294 : i32 to vector<16xi32>
          %gather3A_296 = tpu.vector_load_idx %arg10[%broadcast_in_dim3A_295, %sub3A_236] : memref<32x768xf32, #tpu.memory_space<vmem>>[vector<16xi32>, vector<16xi32>], vector<16xf32>,
          tpu.vector_store_idx %arg11[%iota3A, %broadcast_in_dim3A_295], %gather3A_296 : memref<16x128xf32, #tpu.memory_space<vmem>>[vector<16xi32>, vector<16xi32>], vector<16xf32>,
          %broadcast_in_dim3A_297 = arith.constant 18 : i32
          %broadcast_in_dim3A_298 = vector.broadcast %broadcast_in_dim3A_297 : i32 to vector<16xi32>
          %gather3A_299 = tpu.vector_load_idx %arg10[%broadcast_in_dim3A_298, %sub3A_236] : memref<32x768xf32, #tpu.memory_space<vmem>>[vector<16xi32>, vector<16xi32>], vector<16xf32>,
          tpu.vector_store_idx %arg11[%iota3A, %broadcast_in_dim3A_298], %gather3A_299 : memref<16x128xf32, #tpu.memory_space<vmem>>[vector<16xi32>, vector<16xi32>], vector<16xf32>,
          %broadcast_in_dim3A_300 = arith.constant 19 : i32
          %broadcast_in_dim3A_301 = vector.broadcast %broadcast_in_dim3A_300 : i32 to vector<16xi32>
          %gather3A_302 = tpu.vector_load_idx %arg10[%broadcast_in_dim3A_301, %sub3A_236] : memref<32x768xf32, #tpu.memory_space<vmem>>[vector<16xi32>, vector<16xi32>], vector<16xf32>,
          tpu.vector_store_idx %arg11[%iota3A, %broadcast_in_dim3A_301], %gather3A_302 : memref<16x128xf32, #tpu.memory_space<vmem>>[vector<16xi32>, vector<16xi32>], vector<16xf32>,
          %broadcast_in_dim3A_303 = arith.constant 20 : i32
          %broadcast_in_dim3A_304 = vector.broadcast %broadcast_in_dim3A_303 : i32 to vector<16xi32>
          %gather3A_305 = tpu.vector_load_idx %arg10[%broadcast_in_dim3A_304, %sub3A_236] : memref<32x768xf32, #tpu.memory_space<vmem>>[vector<16xi32>, vector<16xi32>], vector<16xf32>,
          tpu.vector_store_idx %arg11[%iota3A, %broadcast_in_dim3A_304], %gather3A_305 : memref<16x128xf32, #tpu.memory_space<vmem>>[vector<16xi32>, vector<16xi32>], vector<16xf32>,
          %broadcast_in_dim3A_306 = arith.constant 21 : i32
          %broadcast_in_dim3A_307 = vector.broadcast %broadcast_in_dim3A_306 : i32 to vector<16xi32>
          %gather3A_308 = tpu.vector_load_idx %arg10[%broadcast_in_dim3A_307, %sub3A_236] : memref<32x768xf32, #tpu.memory_space<vmem>>[vector<16xi32>, vector<16xi32>], vector<16xf32>,
          tpu.vector_store_idx %arg11[%iota3A, %broadcast_in_dim3A_307], %gather3A_308 : memref<16x128xf32, #tpu.memory_space<vmem>>[vector<16xi32>, vector<16xi32>], vector<16xf32>,
          %broadcast_in_dim3A_309 = arith.constant 22 : i32
          %broadcast_in_dim3A_310 = vector.broadcast %broadcast_in_dim3A_309 : i32 to vector<16xi32>
          %gather3A_311 = tpu.vector_load_idx %arg10[%broadcast_in_dim3A_310, %sub3A_236] : memref<32x768xf32, #tpu.memory_space<vmem>>[vector<16xi32>, vector<16xi32>], vector<16xf32>,
          tpu.vector_store_idx %arg11[%iota3A, %broadcast_in_dim3A_310], %gather3A_311 : memref<16x128xf32, #tpu.memory_space<vmem>>[vector<16xi32>, vector<16xi32>], vector<16xf32>,
          %broadcast_in_dim3A_312 = arith.constant 23 : i32
          %broadcast_in_dim3A_313 = vector.broadcast %broadcast_in_dim3A_312 : i32 to vector<16xi32>
          %gather3A_314 = tpu.vector_load_idx %arg10[%broadcast_in_dim3A_313, %sub3A_236] : memref<32x768xf32, #tpu.memory_space<vmem>>[vector<16xi32>, vector<16xi32>], vector<16xf32>,
          tpu.vector_store_idx %arg11[%iota3A, %broadcast_in_dim3A_313], %gather3A_314 : memref<16x128xf32, #tpu.memory_space<vmem>>[vector<16xi32>, vector<16xi32>], vector<16xf32>,
          %broadcast_in_dim3A_315 = arith.constant 24 : i32
          %broadcast_in_dim3A_316 = vector.broadcast %broadcast_in_dim3A_315 : i32 to vector<16xi32>
          %gather3A_317 = tpu.vector_load_idx %arg10[%broadcast_in_dim3A_316, %sub3A_236] : memref<32x768xf32, #tpu.memory_space<vmem>>[vector<16xi32>, vector<16xi32>], vector<16xf32>,
          tpu.vector_store_idx %arg11[%iota3A, %broadcast_in_dim3A_316], %gather3A_317 : memref<16x128xf32, #tpu.memory_space<vmem>>[vector<16xi32>, vector<16xi32>], vector<16xf32>,
          %broadcast_in_dim3A_318 = arith.constant 25 : i32
          %broadcast_in_dim3A_319 = vector.broadcast %broadcast_in_dim3A_318 : i32 to vector<16xi32>
          %gather3A_320 = tpu.vector_load_idx %arg10[%broadcast_in_dim3A_319, %sub3A_236] : memref<32x768xf32, #tpu.memory_space<vmem>>[vector<16xi32>, vector<16xi32>], vector<16xf32>,
          tpu.vector_store_idx %arg11[%iota3A, %broadcast_in_dim3A_319], %gather3A_320 : memref<16x128xf32, #tpu.memory_space<vmem>>[vector<16xi32>, vector<16xi32>], vector<16xf32>,
          %broadcast_in_dim3A_321 = arith.constant 26 : i32
          %broadcast_in_dim3A_322 = vector.broadcast %broadcast_in_dim3A_321 : i32 to vector<16xi32>
          %gather3A_323 = tpu.vector_load_idx %arg10[%broadcast_in_dim3A_322, %sub3A_236] : memref<32x768xf32, #tpu.memory_space<vmem>>[vector<16xi32>, vector<16xi32>], vector<16xf32>,
          tpu.vector_store_idx %arg11[%iota3A, %broadcast_in_dim3A_322], %gather3A_323 : memref<16x128xf32, #tpu.memory_space<vmem>>[vector<16xi32>, vector<16xi32>], vector<16xf32>,
          %broadcast_in_dim3A_324 = arith.constant 27 : i32
          %broadcast_in_dim3A_325 = vector.broadcast %broadcast_in_dim3A_324 : i32 to vector<16xi32>
          %gather3A_326 = tpu.vector_load_idx %arg10[%broadcast_in_dim3A_325, %sub3A_236] : memref<32x768xf32, #tpu.memory_space<vmem>>[vector<16xi32>, vector<16xi32>], vector<16xf32>,
          tpu.vector_store_idx %arg11[%iota3A, %broadcast_in_dim3A_325], %gather3A_326 : memref<16x128xf32, #tpu.memory_space<vmem>>[vector<16xi32>, vector<16xi32>], vector<16xf32>,
          %broadcast_in_dim3A_327 = arith.constant 28 : i32
          %broadcast_in_dim3A_328 = vector.broadcast %broadcast_in_dim3A_327 : i32 to vector<16xi32>
          %gather3A_329 = tpu.vector_load_idx %arg10[%broadcast_in_dim3A_328, %sub3A_236] : memref<32x768xf32, #tpu.memory_space<vmem>>[vector<16xi32>, vector<16xi32>], vector<16xf32>,
          tpu.vector_store_idx %arg11[%iota3A, %broadcast_in_dim3A_328], %gather3A_329 : memref<16x128xf32, #tpu.memory_space<vmem>>[vector<16xi32>, vector<16xi32>], vector<16xf32>,
          %broadcast_in_dim3A_330 = arith.constant 29 : i32
          %broadcast_in_dim3A_331 = vector.broadcast %broadcast_in_dim3A_330 : i32 to vector<16xi32>
          %gather3A_332 = tpu.vector_load_idx %arg10[%broadcast_in_dim3A_331, %sub3A_236] : memref<32x768xf32, #tpu.memory_space<vmem>>[vector<16xi32>, vector<16xi32>], vector<16xf32>,
          tpu.vector_store_idx %arg11[%iota3A, %broadcast_in_dim3A_331], %gather3A_332 : memref<16x128xf32, #tpu.memory_space<vmem>>[vector<16xi32>, vector<16xi32>], vector<16xf32>,
          %broadcast_in_dim3A_333 = arith.constant 30 : i32
          %broadcast_in_dim3A_334 = vector.broadcast %broadcast_in_dim3A_333 : i32 to vector<16xi32>
          %gather3A_335 = tpu.vector_load_idx %arg10[%broadcast_in_dim3A_334, %sub3A_236] : memref<32x768xf32, #tpu.memory_space<vmem>>[vector<16xi32>, vector<16xi32>], vector<16xf32>,
          tpu.vector_store_idx %arg11[%iota3A, %broadcast_in_dim3A_334], %gather3A_335 : memref<16x128xf32, #tpu.memory_space<vmem>>[vector<16xi32>, vector<16xi32>], vector<16xf32>,
          %broadcast_in_dim3A_336 = arith.constant 31 : i32
          %broadcast_in_dim3A_337 = vector.broadcast %broadcast_in_dim3A_336 : i32 to vector<16xi32>
          %gather3A_338 = tpu.vector_load_idx %arg10[%broadcast_in_dim3A_337, %sub3A_236] : memref<32x768xf32, #tpu.memory_space<vmem>>[vector<16xi32>, vector<16xi32>], vector<16xf32>,
          tpu.vector_store_idx %arg11[%iota3A, %broadcast_in_dim3A_337], %gather3A_338 : memref<16x128xf32, #tpu.memory_space<vmem>>[vector<16xi32>, vector<16xi32>], vector<16xf32>,
          %swap3A = arith.constant 0 : index
          %swap3A_339 = tpu.vector_load %arg13[%swap3A] {strides = array<i32>} : memref<16xi32, #tpu.memory_space<vmem>>, vector<16xi32>,
          tpu.vector_store %arg13[%swap3A], %and3A_238 {strides = array<i32>} : memref<16xi32, #tpu.memory_space<vmem>>, vector<16xi32>,
          %dma_start3A_340 = arith.constant 0 : i32
          %dma_start3A_341 = arith.constant 0 : i32
          %dma_start3A_342 = tpu.memref_slice %arg4[%dma_start3A_340, %dma_start3A_341] : memref<16384x128xf32, #tpu.memory_space<hbm>> -> memref<16384x128xf32, #tpu.memory_space<hbm>>
          tpu.enqueue_indirect_dma source(%arg11 : memref<16x128xf32, #tpu.memory_space<vmem>>) target(%dma_start3A_342 : memref<16384x128xf32, #tpu.memory_space<hbm>>) offsets(%arg13 : memref<16xi32, #tpu.memory_space<vmem>>) semaphore(%arg18 : memref<!tpu.dma_semaphore, #tpu.memory_space<semaphore_mem>>)
        } else {
        }
        %jit3A = arith.constant 1 : i32
        %select_n3A = arith.select %lt3A_211, %jit3A, %while3A_207 : i32
        %mul3A_215 = arith.constant 32 : i32
        %mul3A_216 = arith.muli %while3A_206, %mul3A_215 : i32
        %add3A_217 = arith.constant 16 : i32
        %add3A_218 = arith.addi %mul3A_216, %add3A_217 : i32
        %lt3A_219 = arith.cmpi slt, %add3A_218, %while3A_181 : i32
        %convert_element_type3A_220 = arith.extui %lt3A_219 : i1 to i32
        %cond3A_221 = arith.constant 0 : i32
        %cond3A_222 = arith.cmpi ne, %convert_element_type3A_220, %cond3A_221 : i32
        scf.if %cond3A_222 {
          %multiple_of3A_225 = tpu.assume_multiple %add3A_218, 16 : i32
          %get3A = arith.index_cast %multiple_of3A_225 : i32 to index
          %get3A_226 = tpu.vector_load %arg7[%get3A] {strides = array<i32>} : memref<16384xi32, #tpu.memory_space<vmem>>, vector<16xi32>,
          %add3A_227 = vector.broadcast %add3A_218 : i32 to vector<16xi32>
          %add3A_228 = arith.addi %add3A_227, %iota3A : vector<16xi32>
          %lt3A_229 = vector.broadcast %while3A_181 : i32 to vector<16xi32>
          %lt3A_230 = arith.cmpi slt, %add3A_228, %lt3A_229 : vector<16xi32>
          %slice3A = vector.extract_strided_slice %get3A_226 {offsets = [0], sizes = [1], strides = [1]} : vector<16xi32> to vector<1xi32>
          %squeeze3A = vector.extract %slice3A[0] : i32 from vector<1xi32>
          %broadcast_in_dim3A = vector.broadcast %squeeze3A : i32 to vector<16xi32>
          %select_n3A_231 = arith.select %lt3A_230, %get3A_226, %broadcast_in_dim3A : vector<16xi1>, vector<16xi32>
          %shift_right_arithmetic3A_232 = arith.constant 14 : i32
          %shift_right_arithmetic3A_233 = vector.broadcast %shift_right_arithmetic3A_232 : i32 to vector<16xi32>
          %shift_right_arithmetic3A_234 = arith.shrsi %select_n3A_231, %shift_right_arithmetic3A_233 : vector<16xi32>
          %sub3A_235 = vector.broadcast %sub3A_169 : i32 to vector<16xi32>
          %sub3A_236 = arith.subi %shift_right_arithmetic3A_234, %sub3A_235 : vector<16xi32>
          %and3A = arith.constant 16383 : i32
          %and3A_237 = vector.broadcast %and3A : i32 to vector<16xi32>
          %and3A_238 = arith.andi %select_n3A_231, %and3A_237 : vector<16xi32>
          %gt3A_239 = arith.constant 0 : i32
          %gt3A_240 = arith.cmpi sgt, %while3A_208, %gt3A_239 : i32
          %convert_element_type3A_241 = arith.extui %gt3A_240 : i1 to i32
          %cond3A_242 = arith.constant 0 : i32
          %cond3A_243 = arith.cmpi ne, %convert_element_type3A_241, %cond3A_242 : i32
          scf.if %cond3A_243 {
            %dma_wait3A_343 = arith.constant 0 : i32
            %dma_wait3A_344 = arith.constant 0 : i32
            %dma_wait3A_345 = tpu.memref_slice %arg4[%dma_wait3A_343, %dma_wait3A_344] : memref<16384x128xf32, #tpu.memory_space<hbm>> -> memref<16384x128xf32, #tpu.memory_space<hbm>>
            tpu.wait_indirect_dma semaphore(%arg19 : memref<!tpu.dma_semaphore, #tpu.memory_space<semaphore_mem>>) src(%arg12 : memref<16x128xf32, #tpu.memory_space<vmem>>) dst(%dma_wait3A_345 : memref<16384x128xf32, #tpu.memory_space<hbm>>)
          } else {
          }
          %broadcast_in_dim3A_244 = arith.constant 0 : i32
          %broadcast_in_dim3A_245 = vector.broadcast %broadcast_in_dim3A_244 : i32 to vector<16xi32>
          %gather3A = tpu.vector_load_idx %arg10[%broadcast_in_dim3A_245, %sub3A_236] : memref<32x768xf32, #tpu.memory_space<vmem>>[vector<16xi32>, vector<16xi32>], vector<16xf32>,
          tpu.vector_store_idx %arg12[%iota3A, %broadcast_in_dim3A_245], %gather3A : memref<16x128xf32, #tpu.memory_space<vmem>>[vector<16xi32>, vector<16xi32>], vector<16xf32>,
          %broadcast_in_dim3A_246 = arith.constant 1 : i32
          %broadcast_in_dim3A_247 = vector.broadcast %broadcast_in_dim3A_246 : i32 to vector<16xi32>
          %gather3A_248 = tpu.vector_load_idx %arg10[%broadcast_in_dim3A_247, %sub3A_236] : memref<32x768xf32, #tpu.memory_space<vmem>>[vector<16xi32>, vector<16xi32>], vector<16xf32>,
          tpu.vector_store_idx %arg12[%iota3A, %broadcast_in_dim3A_247], %gather3A_248 : memref<16x128xf32, #tpu.memory_space<vmem>>[vector<16xi32>, vector<16xi32>], vector<16xf32>,
          %broadcast_in_dim3A_249 = arith.constant 2 : i32
          %broadcast_in_dim3A_250 = vector.broadcast %broadcast_in_dim3A_249 : i32 to vector<16xi32>
          %gather3A_251 = tpu.vector_load_idx %arg10[%broadcast_in_dim3A_250, %sub3A_236] : memref<32x768xf32, #tpu.memory_space<vmem>>[vector<16xi32>, vector<16xi32>], vector<16xf32>,
          tpu.vector_store_idx %arg12[%iota3A, %broadcast_in_dim3A_250], %gather3A_251 : memref<16x128xf32, #tpu.memory_space<vmem>>[vector<16xi32>, vector<16xi32>], vector<16xf32>,
          %broadcast_in_dim3A_252 = arith.constant 3 : i32
          %broadcast_in_dim3A_253 = vector.broadcast %broadcast_in_dim3A_252 : i32 to vector<16xi32>
          %gather3A_254 = tpu.vector_load_idx %arg10[%broadcast_in_dim3A_253, %sub3A_236] : memref<32x768xf32, #tpu.memory_space<vmem>>[vector<16xi32>, vector<16xi32>], vector<16xf32>,
          tpu.vector_store_idx %arg12[%iota3A, %broadcast_in_dim3A_253], %gather3A_254 : memref<16x128xf32, #tpu.memory_space<vmem>>[vector<16xi32>, vector<16xi32>], vector<16xf32>,
          %broadcast_in_dim3A_255 = arith.constant 4 : i32
          %broadcast_in_dim3A_256 = vector.broadcast %broadcast_in_dim3A_255 : i32 to vector<16xi32>
          %gather3A_257 = tpu.vector_load_idx %arg10[%broadcast_in_dim3A_256, %sub3A_236] : memref<32x768xf32, #tpu.memory_space<vmem>>[vector<16xi32>, vector<16xi32>], vector<16xf32>,
          tpu.vector_store_idx %arg12[%iota3A, %broadcast_in_dim3A_256], %gather3A_257 : memref<16x128xf32, #tpu.memory_space<vmem>>[vector<16xi32>, vector<16xi32>], vector<16xf32>,
          %broadcast_in_dim3A_258 = arith.constant 5 : i32
          %broadcast_in_dim3A_259 = vector.broadcast %broadcast_in_dim3A_258 : i32 to vector<16xi32>
          %gather3A_260 = tpu.vector_load_idx %arg10[%broadcast_in_dim3A_259, %sub3A_236] : memref<32x768xf32, #tpu.memory_space<vmem>>[vector<16xi32>, vector<16xi32>], vector<16xf32>,
          tpu.vector_store_idx %arg12[%iota3A, %broadcast_in_dim3A_259], %gather3A_260 : memref<16x128xf32, #tpu.memory_space<vmem>>[vector<16xi32>, vector<16xi32>], vector<16xf32>,
          %broadcast_in_dim3A_261 = arith.constant 6 : i32
          %broadcast_in_dim3A_262 = vector.broadcast %broadcast_in_dim3A_261 : i32 to vector<16xi32>
          %gather3A_263 = tpu.vector_load_idx %arg10[%broadcast_in_dim3A_262, %sub3A_236] : memref<32x768xf32, #tpu.memory_space<vmem>>[vector<16xi32>, vector<16xi32>], vector<16xf32>,
          tpu.vector_store_idx %arg12[%iota3A, %broadcast_in_dim3A_262], %gather3A_263 : memref<16x128xf32, #tpu.memory_space<vmem>>[vector<16xi32>, vector<16xi32>], vector<16xf32>,
          %broadcast_in_dim3A_264 = arith.constant 7 : i32
          %broadcast_in_dim3A_265 = vector.broadcast %broadcast_in_dim3A_264 : i32 to vector<16xi32>
          %gather3A_266 = tpu.vector_load_idx %arg10[%broadcast_in_dim3A_265, %sub3A_236] : memref<32x768xf32, #tpu.memory_space<vmem>>[vector<16xi32>, vector<16xi32>], vector<16xf32>,
          tpu.vector_store_idx %arg12[%iota3A, %broadcast_in_dim3A_265], %gather3A_266 : memref<16x128xf32, #tpu.memory_space<vmem>>[vector<16xi32>, vector<16xi32>], vector<16xf32>,
          %broadcast_in_dim3A_267 = arith.constant 8 : i32
          %broadcast_in_dim3A_268 = vector.broadcast %broadcast_in_dim3A_267 : i32 to vector<16xi32>
          %gather3A_269 = tpu.vector_load_idx %arg10[%broadcast_in_dim3A_268, %sub3A_236] : memref<32x768xf32, #tpu.memory_space<vmem>>[vector<16xi32>, vector<16xi32>], vector<16xf32>,
          tpu.vector_store_idx %arg12[%iota3A, %broadcast_in_dim3A_268], %gather3A_269 : memref<16x128xf32, #tpu.memory_space<vmem>>[vector<16xi32>, vector<16xi32>], vector<16xf32>,
          %broadcast_in_dim3A_270 = arith.constant 9 : i32
          %broadcast_in_dim3A_271 = vector.broadcast %broadcast_in_dim3A_270 : i32 to vector<16xi32>
          %gather3A_272 = tpu.vector_load_idx %arg10[%broadcast_in_dim3A_271, %sub3A_236] : memref<32x768xf32, #tpu.memory_space<vmem>>[vector<16xi32>, vector<16xi32>], vector<16xf32>,
          tpu.vector_store_idx %arg12[%iota3A, %broadcast_in_dim3A_271], %gather3A_272 : memref<16x128xf32, #tpu.memory_space<vmem>>[vector<16xi32>, vector<16xi32>], vector<16xf32>,
          %broadcast_in_dim3A_273 = arith.constant 10 : i32
          %broadcast_in_dim3A_274 = vector.broadcast %broadcast_in_dim3A_273 : i32 to vector<16xi32>
          %gather3A_275 = tpu.vector_load_idx %arg10[%broadcast_in_dim3A_274, %sub3A_236] : memref<32x768xf32, #tpu.memory_space<vmem>>[vector<16xi32>, vector<16xi32>], vector<16xf32>,
          tpu.vector_store_idx %arg12[%iota3A, %broadcast_in_dim3A_274], %gather3A_275 : memref<16x128xf32, #tpu.memory_space<vmem>>[vector<16xi32>, vector<16xi32>], vector<16xf32>,
          %broadcast_in_dim3A_276 = arith.constant 11 : i32
          %broadcast_in_dim3A_277 = vector.broadcast %broadcast_in_dim3A_276 : i32 to vector<16xi32>
          %gather3A_278 = tpu.vector_load_idx %arg10[%broadcast_in_dim3A_277, %sub3A_236] : memref<32x768xf32, #tpu.memory_space<vmem>>[vector<16xi32>, vector<16xi32>], vector<16xf32>,
          tpu.vector_store_idx %arg12[%iota3A, %broadcast_in_dim3A_277], %gather3A_278 : memref<16x128xf32, #tpu.memory_space<vmem>>[vector<16xi32>, vector<16xi32>], vector<16xf32>,
          %broadcast_in_dim3A_279 = arith.constant 12 : i32
          %broadcast_in_dim3A_280 = vector.broadcast %broadcast_in_dim3A_279 : i32 to vector<16xi32>
          %gather3A_281 = tpu.vector_load_idx %arg10[%broadcast_in_dim3A_280, %sub3A_236] : memref<32x768xf32, #tpu.memory_space<vmem>>[vector<16xi32>, vector<16xi32>], vector<16xf32>,
          tpu.vector_store_idx %arg12[%iota3A, %broadcast_in_dim3A_280], %gather3A_281 : memref<16x128xf32, #tpu.memory_space<vmem>>[vector<16xi32>, vector<16xi32>], vector<16xf32>,
          %broadcast_in_dim3A_282 = arith.constant 13 : i32
          %broadcast_in_dim3A_283 = vector.broadcast %broadcast_in_dim3A_282 : i32 to vector<16xi32>
          %gather3A_284 = tpu.vector_load_idx %arg10[%broadcast_in_dim3A_283, %sub3A_236] : memref<32x768xf32, #tpu.memory_space<vmem>>[vector<16xi32>, vector<16xi32>], vector<16xf32>,
          tpu.vector_store_idx %arg12[%iota3A, %broadcast_in_dim3A_283], %gather3A_284 : memref<16x128xf32, #tpu.memory_space<vmem>>[vector<16xi32>, vector<16xi32>], vector<16xf32>,
          %broadcast_in_dim3A_285 = arith.constant 14 : i32
          %broadcast_in_dim3A_286 = vector.broadcast %broadcast_in_dim3A_285 : i32 to vector<16xi32>
          %gather3A_287 = tpu.vector_load_idx %arg10[%broadcast_in_dim3A_286, %sub3A_236] : memref<32x768xf32, #tpu.memory_space<vmem>>[vector<16xi32>, vector<16xi32>], vector<16xf32>,
          tpu.vector_store_idx %arg12[%iota3A, %broadcast_in_dim3A_286], %gather3A_287 : memref<16x128xf32, #tpu.memory_space<vmem>>[vector<16xi32>, vector<16xi32>], vector<16xf32>,
          %broadcast_in_dim3A_288 = arith.constant 15 : i32
          %broadcast_in_dim3A_289 = vector.broadcast %broadcast_in_dim3A_288 : i32 to vector<16xi32>
          %gather3A_290 = tpu.vector_load_idx %arg10[%broadcast_in_dim3A_289, %sub3A_236] : memref<32x768xf32, #tpu.memory_space<vmem>>[vector<16xi32>, vector<16xi32>], vector<16xf32>,
          tpu.vector_store_idx %arg12[%iota3A, %broadcast_in_dim3A_289], %gather3A_290 : memref<16x128xf32, #tpu.memory_space<vmem>>[vector<16xi32>, vector<16xi32>], vector<16xf32>,
          %broadcast_in_dim3A_291 = arith.constant 16 : i32
          %broadcast_in_dim3A_292 = vector.broadcast %broadcast_in_dim3A_291 : i32 to vector<16xi32>
          %gather3A_293 = tpu.vector_load_idx %arg10[%broadcast_in_dim3A_292, %sub3A_236] : memref<32x768xf32, #tpu.memory_space<vmem>>[vector<16xi32>, vector<16xi32>], vector<16xf32>,
          tpu.vector_store_idx %arg12[%iota3A, %broadcast_in_dim3A_292], %gather3A_293 : memref<16x128xf32, #tpu.memory_space<vmem>>[vector<16xi32>, vector<16xi32>], vector<16xf32>,
          %broadcast_in_dim3A_294 = arith.constant 17 : i32
          %broadcast_in_dim3A_295 = vector.broadcast %broadcast_in_dim3A_294 : i32 to vector<16xi32>
          %gather3A_296 = tpu.vector_load_idx %arg10[%broadcast_in_dim3A_295, %sub3A_236] : memref<32x768xf32, #tpu.memory_space<vmem>>[vector<16xi32>, vector<16xi32>], vector<16xf32>,
          tpu.vector_store_idx %arg12[%iota3A, %broadcast_in_dim3A_295], %gather3A_296 : memref<16x128xf32, #tpu.memory_space<vmem>>[vector<16xi32>, vector<16xi32>], vector<16xf32>,
          %broadcast_in_dim3A_297 = arith.constant 18 : i32
          %broadcast_in_dim3A_298 = vector.broadcast %broadcast_in_dim3A_297 : i32 to vector<16xi32>
          %gather3A_299 = tpu.vector_load_idx %arg10[%broadcast_in_dim3A_298, %sub3A_236] : memref<32x768xf32, #tpu.memory_space<vmem>>[vector<16xi32>, vector<16xi32>], vector<16xf32>,
          tpu.vector_store_idx %arg12[%iota3A, %broadcast_in_dim3A_298], %gather3A_299 : memref<16x128xf32, #tpu.memory_space<vmem>>[vector<16xi32>, vector<16xi32>], vector<16xf32>,
          %broadcast_in_dim3A_300 = arith.constant 19 : i32
          %broadcast_in_dim3A_301 = vector.broadcast %broadcast_in_dim3A_300 : i32 to vector<16xi32>
          %gather3A_302 = tpu.vector_load_idx %arg10[%broadcast_in_dim3A_301, %sub3A_236] : memref<32x768xf32, #tpu.memory_space<vmem>>[vector<16xi32>, vector<16xi32>], vector<16xf32>,
          tpu.vector_store_idx %arg12[%iota3A, %broadcast_in_dim3A_301], %gather3A_302 : memref<16x128xf32, #tpu.memory_space<vmem>>[vector<16xi32>, vector<16xi32>], vector<16xf32>,
          %broadcast_in_dim3A_303 = arith.constant 20 : i32
          %broadcast_in_dim3A_304 = vector.broadcast %broadcast_in_dim3A_303 : i32 to vector<16xi32>
          %gather3A_305 = tpu.vector_load_idx %arg10[%broadcast_in_dim3A_304, %sub3A_236] : memref<32x768xf32, #tpu.memory_space<vmem>>[vector<16xi32>, vector<16xi32>], vector<16xf32>,
          tpu.vector_store_idx %arg12[%iota3A, %broadcast_in_dim3A_304], %gather3A_305 : memref<16x128xf32, #tpu.memory_space<vmem>>[vector<16xi32>, vector<16xi32>], vector<16xf32>,
          %broadcast_in_dim3A_306 = arith.constant 21 : i32
          %broadcast_in_dim3A_307 = vector.broadcast %broadcast_in_dim3A_306 : i32 to vector<16xi32>
          %gather3A_308 = tpu.vector_load_idx %arg10[%broadcast_in_dim3A_307, %sub3A_236] : memref<32x768xf32, #tpu.memory_space<vmem>>[vector<16xi32>, vector<16xi32>], vector<16xf32>,
          tpu.vector_store_idx %arg12[%iota3A, %broadcast_in_dim3A_307], %gather3A_308 : memref<16x128xf32, #tpu.memory_space<vmem>>[vector<16xi32>, vector<16xi32>], vector<16xf32>,
          %broadcast_in_dim3A_309 = arith.constant 22 : i32
          %broadcast_in_dim3A_310 = vector.broadcast %broadcast_in_dim3A_309 : i32 to vector<16xi32>
          %gather3A_311 = tpu.vector_load_idx %arg10[%broadcast_in_dim3A_310, %sub3A_236] : memref<32x768xf32, #tpu.memory_space<vmem>>[vector<16xi32>, vector<16xi32>], vector<16xf32>,
          tpu.vector_store_idx %arg12[%iota3A, %broadcast_in_dim3A_310], %gather3A_311 : memref<16x128xf32, #tpu.memory_space<vmem>>[vector<16xi32>, vector<16xi32>], vector<16xf32>,
          %broadcast_in_dim3A_312 = arith.constant 23 : i32
          %broadcast_in_dim3A_313 = vector.broadcast %broadcast_in_dim3A_312 : i32 to vector<16xi32>
          %gather3A_314 = tpu.vector_load_idx %arg10[%broadcast_in_dim3A_313, %sub3A_236] : memref<32x768xf32, #tpu.memory_space<vmem>>[vector<16xi32>, vector<16xi32>], vector<16xf32>,
          tpu.vector_store_idx %arg12[%iota3A, %broadcast_in_dim3A_313], %gather3A_314 : memref<16x128xf32, #tpu.memory_space<vmem>>[vector<16xi32>, vector<16xi32>], vector<16xf32>,
          %broadcast_in_dim3A_315 = arith.constant 24 : i32
          %broadcast_in_dim3A_316 = vector.broadcast %broadcast_in_dim3A_315 : i32 to vector<16xi32>
          %gather3A_317 = tpu.vector_load_idx %arg10[%broadcast_in_dim3A_316, %sub3A_236] : memref<32x768xf32, #tpu.memory_space<vmem>>[vector<16xi32>, vector<16xi32>], vector<16xf32>,
          tpu.vector_store_idx %arg12[%iota3A, %broadcast_in_dim3A_316], %gather3A_317 : memref<16x128xf32, #tpu.memory_space<vmem>>[vector<16xi32>, vector<16xi32>], vector<16xf32>,
          %broadcast_in_dim3A_318 = arith.constant 25 : i32
          %broadcast_in_dim3A_319 = vector.broadcast %broadcast_in_dim3A_318 : i32 to vector<16xi32>
          %gather3A_320 = tpu.vector_load_idx %arg10[%broadcast_in_dim3A_319, %sub3A_236] : memref<32x768xf32, #tpu.memory_space<vmem>>[vector<16xi32>, vector<16xi32>], vector<16xf32>,
          tpu.vector_store_idx %arg12[%iota3A, %broadcast_in_dim3A_319], %gather3A_320 : memref<16x128xf32, #tpu.memory_space<vmem>>[vector<16xi32>, vector<16xi32>], vector<16xf32>,
          %broadcast_in_dim3A_321 = arith.constant 26 : i32
          %broadcast_in_dim3A_322 = vector.broadcast %broadcast_in_dim3A_321 : i32 to vector<16xi32>
          %gather3A_323 = tpu.vector_load_idx %arg10[%broadcast_in_dim3A_322, %sub3A_236] : memref<32x768xf32, #tpu.memory_space<vmem>>[vector<16xi32>, vector<16xi32>], vector<16xf32>,
          tpu.vector_store_idx %arg12[%iota3A, %broadcast_in_dim3A_322], %gather3A_323 : memref<16x128xf32, #tpu.memory_space<vmem>>[vector<16xi32>, vector<16xi32>], vector<16xf32>,
          %broadcast_in_dim3A_324 = arith.constant 27 : i32
          %broadcast_in_dim3A_325 = vector.broadcast %broadcast_in_dim3A_324 : i32 to vector<16xi32>
          %gather3A_326 = tpu.vector_load_idx %arg10[%broadcast_in_dim3A_325, %sub3A_236] : memref<32x768xf32, #tpu.memory_space<vmem>>[vector<16xi32>, vector<16xi32>], vector<16xf32>,
          tpu.vector_store_idx %arg12[%iota3A, %broadcast_in_dim3A_325], %gather3A_326 : memref<16x128xf32, #tpu.memory_space<vmem>>[vector<16xi32>, vector<16xi32>], vector<16xf32>,
          %broadcast_in_dim3A_327 = arith.constant 28 : i32
          %broadcast_in_dim3A_328 = vector.broadcast %broadcast_in_dim3A_327 : i32 to vector<16xi32>
          %gather3A_329 = tpu.vector_load_idx %arg10[%broadcast_in_dim3A_328, %sub3A_236] : memref<32x768xf32, #tpu.memory_space<vmem>>[vector<16xi32>, vector<16xi32>], vector<16xf32>,
          tpu.vector_store_idx %arg12[%iota3A, %broadcast_in_dim3A_328], %gather3A_329 : memref<16x128xf32, #tpu.memory_space<vmem>>[vector<16xi32>, vector<16xi32>], vector<16xf32>,
          %broadcast_in_dim3A_330 = arith.constant 29 : i32
          %broadcast_in_dim3A_331 = vector.broadcast %broadcast_in_dim3A_330 : i32 to vector<16xi32>
          %gather3A_332 = tpu.vector_load_idx %arg10[%broadcast_in_dim3A_331, %sub3A_236] : memref<32x768xf32, #tpu.memory_space<vmem>>[vector<16xi32>, vector<16xi32>], vector<16xf32>,
          tpu.vector_store_idx %arg12[%iota3A, %broadcast_in_dim3A_331], %gather3A_332 : memref<16x128xf32, #tpu.memory_space<vmem>>[vector<16xi32>, vector<16xi32>], vector<16xf32>,
          %broadcast_in_dim3A_333 = arith.constant 30 : i32
          %broadcast_in_dim3A_334 = vector.broadcast %broadcast_in_dim3A_333 : i32 to vector<16xi32>
          %gather3A_335 = tpu.vector_load_idx %arg10[%broadcast_in_dim3A_334, %sub3A_236] : memref<32x768xf32, #tpu.memory_space<vmem>>[vector<16xi32>, vector<16xi32>], vector<16xf32>,
          tpu.vector_store_idx %arg12[%iota3A, %broadcast_in_dim3A_334], %gather3A_335 : memref<16x128xf32, #tpu.memory_space<vmem>>[vector<16xi32>, vector<16xi32>], vector<16xf32>,
          %broadcast_in_dim3A_336 = arith.constant 31 : i32
          %broadcast_in_dim3A_337 = vector.broadcast %broadcast_in_dim3A_336 : i32 to vector<16xi32>
          %gather3A_338 = tpu.vector_load_idx %arg10[%broadcast_in_dim3A_337, %sub3A_236] : memref<32x768xf32, #tpu.memory_space<vmem>>[vector<16xi32>, vector<16xi32>], vector<16xf32>,
          tpu.vector_store_idx %arg12[%iota3A, %broadcast_in_dim3A_337], %gather3A_338 : memref<16x128xf32, #tpu.memory_space<vmem>>[vector<16xi32>, vector<16xi32>], vector<16xf32>,
          %swap3A = arith.constant 0 : index
          %swap3A_339 = tpu.vector_load %arg14[%swap3A] {strides = array<i32>} : memref<16xi32, #tpu.memory_space<vmem>>, vector<16xi32>,
          tpu.vector_store %arg14[%swap3A], %and3A_238 {strides = array<i32>} : memref<16xi32, #tpu.memory_space<vmem>>, vector<16xi32>,
          %dma_start3A_340 = arith.constant 0 : i32
          %dma_start3A_341 = arith.constant 0 : i32
          %dma_start3A_342 = tpu.memref_slice %arg4[%dma_start3A_340, %dma_start3A_341] : memref<16384x128xf32, #tpu.memory_space<hbm>> -> memref<16384x128xf32, #tpu.memory_space<hbm>>
          tpu.enqueue_indirect_dma source(%arg12 : memref<16x128xf32, #tpu.memory_space<vmem>>) target(%dma_start3A_342 : memref<16384x128xf32, #tpu.memory_space<hbm>>) offsets(%arg14 : memref<16xi32, #tpu.memory_space<vmem>>) semaphore(%arg19 : memref<!tpu.dma_semaphore, #tpu.memory_space<semaphore_mem>>)
        } else {
        }
        %jit3A_223 = arith.constant 1 : i32
        %select_n3A_224 = arith.select %lt3A_219, %jit3A_223, %while3A_208 : i32
        scf.yield %select_n3A, %select_n3A_224 : i32, i32
      }
      %while3A_195 = arith.constant 1 : i32
      %while3A_196:2 = scf.for %while3A_206 = %while3A_192 to %while3A_188 step %while3A_195 iter_args(%while3A_207 = %while3A_194#0, %while3A_208 = %while3A_194#1) -> (i32, i32)  : i32 {
        %mul3A_209 = arith.constant 32 : i32
        %mul3A_210 = arith.muli %while3A_206, %mul3A_209 : i32
        %lt3A_211 = arith.cmpi slt, %mul3A_210, %while3A_181 : i32
        %convert_element_type3A_212 = arith.extui %lt3A_211 : i1 to i32
        %cond3A_213 = arith.constant 0 : i32
        %cond3A_214 = arith.cmpi ne, %convert_element_type3A_212, %cond3A_213 : i32
        scf.if %cond3A_214 {
          %multiple_of3A_225 = tpu.assume_multiple %mul3A_210, 16 : i32
          %get3A = arith.index_cast %multiple_of3A_225 : i32 to index
          %get3A_226 = tpu.vector_load %arg7[%get3A] {strides = array<i32>} : memref<16384xi32, #tpu.memory_space<vmem>>, vector<16xi32>,
          %add3A_227 = vector.broadcast %mul3A_210 : i32 to vector<16xi32>
          %add3A_228 = arith.addi %add3A_227, %iota3A : vector<16xi32>
          %lt3A_229 = vector.broadcast %while3A_181 : i32 to vector<16xi32>
          %lt3A_230 = arith.cmpi slt, %add3A_228, %lt3A_229 : vector<16xi32>
          %slice3A = vector.extract_strided_slice %get3A_226 {offsets = [0], sizes = [1], strides = [1]} : vector<16xi32> to vector<1xi32>
          %squeeze3A = vector.extract %slice3A[0] : i32 from vector<1xi32>
          %broadcast_in_dim3A = vector.broadcast %squeeze3A : i32 to vector<16xi32>
          %select_n3A_231 = arith.select %lt3A_230, %get3A_226, %broadcast_in_dim3A : vector<16xi1>, vector<16xi32>
          %shift_right_arithmetic3A_232 = arith.constant 14 : i32
          %shift_right_arithmetic3A_233 = vector.broadcast %shift_right_arithmetic3A_232 : i32 to vector<16xi32>
          %shift_right_arithmetic3A_234 = arith.shrsi %select_n3A_231, %shift_right_arithmetic3A_233 : vector<16xi32>
          %sub3A_235 = vector.broadcast %sub3A_169 : i32 to vector<16xi32>
          %sub3A_236 = arith.subi %shift_right_arithmetic3A_234, %sub3A_235 : vector<16xi32>
          %and3A = arith.constant 16383 : i32
          %and3A_237 = vector.broadcast %and3A : i32 to vector<16xi32>
          %and3A_238 = arith.andi %select_n3A_231, %and3A_237 : vector<16xi32>
          %gt3A_239 = arith.constant 0 : i32
          %gt3A_240 = arith.cmpi sgt, %while3A_207, %gt3A_239 : i32
          %convert_element_type3A_241 = arith.extui %gt3A_240 : i1 to i32
          %cond3A_242 = arith.constant 0 : i32
          %cond3A_243 = arith.cmpi ne, %convert_element_type3A_241, %cond3A_242 : i32
          scf.if %cond3A_243 {
            %dma_wait3A_343 = arith.constant 0 : i32
            %dma_wait3A_344 = arith.constant 0 : i32
            %dma_wait3A_345 = tpu.memref_slice %arg4[%dma_wait3A_343, %dma_wait3A_344] : memref<16384x128xf32, #tpu.memory_space<hbm>> -> memref<16384x128xf32, #tpu.memory_space<hbm>>
            tpu.wait_indirect_dma semaphore(%arg18 : memref<!tpu.dma_semaphore, #tpu.memory_space<semaphore_mem>>) src(%arg11 : memref<16x128xf32, #tpu.memory_space<vmem>>) dst(%dma_wait3A_345 : memref<16384x128xf32, #tpu.memory_space<hbm>>)
          } else {
          }
          %broadcast_in_dim3A_244 = arith.constant 0 : i32
          %broadcast_in_dim3A_245 = vector.broadcast %broadcast_in_dim3A_244 : i32 to vector<16xi32>
          %gather3A = tpu.vector_load_idx %arg10[%broadcast_in_dim3A_245, %sub3A_236] : memref<32x768xf32, #tpu.memory_space<vmem>>[vector<16xi32>, vector<16xi32>], vector<16xf32>,
          tpu.vector_store_idx %arg11[%iota3A, %broadcast_in_dim3A_245], %gather3A : memref<16x128xf32, #tpu.memory_space<vmem>>[vector<16xi32>, vector<16xi32>], vector<16xf32>,
          %broadcast_in_dim3A_246 = arith.constant 1 : i32
          %broadcast_in_dim3A_247 = vector.broadcast %broadcast_in_dim3A_246 : i32 to vector<16xi32>
          %gather3A_248 = tpu.vector_load_idx %arg10[%broadcast_in_dim3A_247, %sub3A_236] : memref<32x768xf32, #tpu.memory_space<vmem>>[vector<16xi32>, vector<16xi32>], vector<16xf32>,
          tpu.vector_store_idx %arg11[%iota3A, %broadcast_in_dim3A_247], %gather3A_248 : memref<16x128xf32, #tpu.memory_space<vmem>>[vector<16xi32>, vector<16xi32>], vector<16xf32>,
          %broadcast_in_dim3A_249 = arith.constant 2 : i32
          %broadcast_in_dim3A_250 = vector.broadcast %broadcast_in_dim3A_249 : i32 to vector<16xi32>
          %gather3A_251 = tpu.vector_load_idx %arg10[%broadcast_in_dim3A_250, %sub3A_236] : memref<32x768xf32, #tpu.memory_space<vmem>>[vector<16xi32>, vector<16xi32>], vector<16xf32>,
          tpu.vector_store_idx %arg11[%iota3A, %broadcast_in_dim3A_250], %gather3A_251 : memref<16x128xf32, #tpu.memory_space<vmem>>[vector<16xi32>, vector<16xi32>], vector<16xf32>,
          %broadcast_in_dim3A_252 = arith.constant 3 : i32
          %broadcast_in_dim3A_253 = vector.broadcast %broadcast_in_dim3A_252 : i32 to vector<16xi32>
          %gather3A_254 = tpu.vector_load_idx %arg10[%broadcast_in_dim3A_253, %sub3A_236] : memref<32x768xf32, #tpu.memory_space<vmem>>[vector<16xi32>, vector<16xi32>], vector<16xf32>,
          tpu.vector_store_idx %arg11[%iota3A, %broadcast_in_dim3A_253], %gather3A_254 : memref<16x128xf32, #tpu.memory_space<vmem>>[vector<16xi32>, vector<16xi32>], vector<16xf32>,
          %broadcast_in_dim3A_255 = arith.constant 4 : i32
          %broadcast_in_dim3A_256 = vector.broadcast %broadcast_in_dim3A_255 : i32 to vector<16xi32>
          %gather3A_257 = tpu.vector_load_idx %arg10[%broadcast_in_dim3A_256, %sub3A_236] : memref<32x768xf32, #tpu.memory_space<vmem>>[vector<16xi32>, vector<16xi32>], vector<16xf32>,
          tpu.vector_store_idx %arg11[%iota3A, %broadcast_in_dim3A_256], %gather3A_257 : memref<16x128xf32, #tpu.memory_space<vmem>>[vector<16xi32>, vector<16xi32>], vector<16xf32>,
          %broadcast_in_dim3A_258 = arith.constant 5 : i32
          %broadcast_in_dim3A_259 = vector.broadcast %broadcast_in_dim3A_258 : i32 to vector<16xi32>
          %gather3A_260 = tpu.vector_load_idx %arg10[%broadcast_in_dim3A_259, %sub3A_236] : memref<32x768xf32, #tpu.memory_space<vmem>>[vector<16xi32>, vector<16xi32>], vector<16xf32>,
          tpu.vector_store_idx %arg11[%iota3A, %broadcast_in_dim3A_259], %gather3A_260 : memref<16x128xf32, #tpu.memory_space<vmem>>[vector<16xi32>, vector<16xi32>], vector<16xf32>,
          %broadcast_in_dim3A_261 = arith.constant 6 : i32
          %broadcast_in_dim3A_262 = vector.broadcast %broadcast_in_dim3A_261 : i32 to vector<16xi32>
          %gather3A_263 = tpu.vector_load_idx %arg10[%broadcast_in_dim3A_262, %sub3A_236] : memref<32x768xf32, #tpu.memory_space<vmem>>[vector<16xi32>, vector<16xi32>], vector<16xf32>,
          tpu.vector_store_idx %arg11[%iota3A, %broadcast_in_dim3A_262], %gather3A_263 : memref<16x128xf32, #tpu.memory_space<vmem>>[vector<16xi32>, vector<16xi32>], vector<16xf32>,
          %broadcast_in_dim3A_264 = arith.constant 7 : i32
          %broadcast_in_dim3A_265 = vector.broadcast %broadcast_in_dim3A_264 : i32 to vector<16xi32>
          %gather3A_266 = tpu.vector_load_idx %arg10[%broadcast_in_dim3A_265, %sub3A_236] : memref<32x768xf32, #tpu.memory_space<vmem>>[vector<16xi32>, vector<16xi32>], vector<16xf32>,
          tpu.vector_store_idx %arg11[%iota3A, %broadcast_in_dim3A_265], %gather3A_266 : memref<16x128xf32, #tpu.memory_space<vmem>>[vector<16xi32>, vector<16xi32>], vector<16xf32>,
          %broadcast_in_dim3A_267 = arith.constant 8 : i32
          %broadcast_in_dim3A_268 = vector.broadcast %broadcast_in_dim3A_267 : i32 to vector<16xi32>
          %gather3A_269 = tpu.vector_load_idx %arg10[%broadcast_in_dim3A_268, %sub3A_236] : memref<32x768xf32, #tpu.memory_space<vmem>>[vector<16xi32>, vector<16xi32>], vector<16xf32>,
          tpu.vector_store_idx %arg11[%iota3A, %broadcast_in_dim3A_268], %gather3A_269 : memref<16x128xf32, #tpu.memory_space<vmem>>[vector<16xi32>, vector<16xi32>], vector<16xf32>,
          %broadcast_in_dim3A_270 = arith.constant 9 : i32
          %broadcast_in_dim3A_271 = vector.broadcast %broadcast_in_dim3A_270 : i32 to vector<16xi32>
          %gather3A_272 = tpu.vector_load_idx %arg10[%broadcast_in_dim3A_271, %sub3A_236] : memref<32x768xf32, #tpu.memory_space<vmem>>[vector<16xi32>, vector<16xi32>], vector<16xf32>,
          tpu.vector_store_idx %arg11[%iota3A, %broadcast_in_dim3A_271], %gather3A_272 : memref<16x128xf32, #tpu.memory_space<vmem>>[vector<16xi32>, vector<16xi32>], vector<16xf32>,
          %broadcast_in_dim3A_273 = arith.constant 10 : i32
          %broadcast_in_dim3A_274 = vector.broadcast %broadcast_in_dim3A_273 : i32 to vector<16xi32>
          %gather3A_275 = tpu.vector_load_idx %arg10[%broadcast_in_dim3A_274, %sub3A_236] : memref<32x768xf32, #tpu.memory_space<vmem>>[vector<16xi32>, vector<16xi32>], vector<16xf32>,
          tpu.vector_store_idx %arg11[%iota3A, %broadcast_in_dim3A_274], %gather3A_275 : memref<16x128xf32, #tpu.memory_space<vmem>>[vector<16xi32>, vector<16xi32>], vector<16xf32>,
          %broadcast_in_dim3A_276 = arith.constant 11 : i32
          %broadcast_in_dim3A_277 = vector.broadcast %broadcast_in_dim3A_276 : i32 to vector<16xi32>
          %gather3A_278 = tpu.vector_load_idx %arg10[%broadcast_in_dim3A_277, %sub3A_236] : memref<32x768xf32, #tpu.memory_space<vmem>>[vector<16xi32>, vector<16xi32>], vector<16xf32>,
          tpu.vector_store_idx %arg11[%iota3A, %broadcast_in_dim3A_277], %gather3A_278 : memref<16x128xf32, #tpu.memory_space<vmem>>[vector<16xi32>, vector<16xi32>], vector<16xf32>,
          %broadcast_in_dim3A_279 = arith.constant 12 : i32
          %broadcast_in_dim3A_280 = vector.broadcast %broadcast_in_dim3A_279 : i32 to vector<16xi32>
          %gather3A_281 = tpu.vector_load_idx %arg10[%broadcast_in_dim3A_280, %sub3A_236] : memref<32x768xf32, #tpu.memory_space<vmem>>[vector<16xi32>, vector<16xi32>], vector<16xf32>,
          tpu.vector_store_idx %arg11[%iota3A, %broadcast_in_dim3A_280], %gather3A_281 : memref<16x128xf32, #tpu.memory_space<vmem>>[vector<16xi32>, vector<16xi32>], vector<16xf32>,
          %broadcast_in_dim3A_282 = arith.constant 13 : i32
          %broadcast_in_dim3A_283 = vector.broadcast %broadcast_in_dim3A_282 : i32 to vector<16xi32>
          %gather3A_284 = tpu.vector_load_idx %arg10[%broadcast_in_dim3A_283, %sub3A_236] : memref<32x768xf32, #tpu.memory_space<vmem>>[vector<16xi32>, vector<16xi32>], vector<16xf32>,
          tpu.vector_store_idx %arg11[%iota3A, %broadcast_in_dim3A_283], %gather3A_284 : memref<16x128xf32, #tpu.memory_space<vmem>>[vector<16xi32>, vector<16xi32>], vector<16xf32>,
          %broadcast_in_dim3A_285 = arith.constant 14 : i32
          %broadcast_in_dim3A_286 = vector.broadcast %broadcast_in_dim3A_285 : i32 to vector<16xi32>
          %gather3A_287 = tpu.vector_load_idx %arg10[%broadcast_in_dim3A_286, %sub3A_236] : memref<32x768xf32, #tpu.memory_space<vmem>>[vector<16xi32>, vector<16xi32>], vector<16xf32>,
          tpu.vector_store_idx %arg11[%iota3A, %broadcast_in_dim3A_286], %gather3A_287 : memref<16x128xf32, #tpu.memory_space<vmem>>[vector<16xi32>, vector<16xi32>], vector<16xf32>,
          %broadcast_in_dim3A_288 = arith.constant 15 : i32
          %broadcast_in_dim3A_289 = vector.broadcast %broadcast_in_dim3A_288 : i32 to vector<16xi32>
          %gather3A_290 = tpu.vector_load_idx %arg10[%broadcast_in_dim3A_289, %sub3A_236] : memref<32x768xf32, #tpu.memory_space<vmem>>[vector<16xi32>, vector<16xi32>], vector<16xf32>,
          tpu.vector_store_idx %arg11[%iota3A, %broadcast_in_dim3A_289], %gather3A_290 : memref<16x128xf32, #tpu.memory_space<vmem>>[vector<16xi32>, vector<16xi32>], vector<16xf32>,
          %broadcast_in_dim3A_291 = arith.constant 16 : i32
          %broadcast_in_dim3A_292 = vector.broadcast %broadcast_in_dim3A_291 : i32 to vector<16xi32>
          %gather3A_293 = tpu.vector_load_idx %arg10[%broadcast_in_dim3A_292, %sub3A_236] : memref<32x768xf32, #tpu.memory_space<vmem>>[vector<16xi32>, vector<16xi32>], vector<16xf32>,
          tpu.vector_store_idx %arg11[%iota3A, %broadcast_in_dim3A_292], %gather3A_293 : memref<16x128xf32, #tpu.memory_space<vmem>>[vector<16xi32>, vector<16xi32>], vector<16xf32>,
          %broadcast_in_dim3A_294 = arith.constant 17 : i32
          %broadcast_in_dim3A_295 = vector.broadcast %broadcast_in_dim3A_294 : i32 to vector<16xi32>
          %gather3A_296 = tpu.vector_load_idx %arg10[%broadcast_in_dim3A_295, %sub3A_236] : memref<32x768xf32, #tpu.memory_space<vmem>>[vector<16xi32>, vector<16xi32>], vector<16xf32>,
          tpu.vector_store_idx %arg11[%iota3A, %broadcast_in_dim3A_295], %gather3A_296 : memref<16x128xf32, #tpu.memory_space<vmem>>[vector<16xi32>, vector<16xi32>], vector<16xf32>,
          %broadcast_in_dim3A_297 = arith.constant 18 : i32
          %broadcast_in_dim3A_298 = vector.broadcast %broadcast_in_dim3A_297 : i32 to vector<16xi32>
          %gather3A_299 = tpu.vector_load_idx %arg10[%broadcast_in_dim3A_298, %sub3A_236] : memref<32x768xf32, #tpu.memory_space<vmem>>[vector<16xi32>, vector<16xi32>], vector<16xf32>,
          tpu.vector_store_idx %arg11[%iota3A, %broadcast_in_dim3A_298], %gather3A_299 : memref<16x128xf32, #tpu.memory_space<vmem>>[vector<16xi32>, vector<16xi32>], vector<16xf32>,
          %broadcast_in_dim3A_300 = arith.constant 19 : i32
          %broadcast_in_dim3A_301 = vector.broadcast %broadcast_in_dim3A_300 : i32 to vector<16xi32>
          %gather3A_302 = tpu.vector_load_idx %arg10[%broadcast_in_dim3A_301, %sub3A_236] : memref<32x768xf32, #tpu.memory_space<vmem>>[vector<16xi32>, vector<16xi32>], vector<16xf32>,
          tpu.vector_store_idx %arg11[%iota3A, %broadcast_in_dim3A_301], %gather3A_302 : memref<16x128xf32, #tpu.memory_space<vmem>>[vector<16xi32>, vector<16xi32>], vector<16xf32>,
          %broadcast_in_dim3A_303 = arith.constant 20 : i32
          %broadcast_in_dim3A_304 = vector.broadcast %broadcast_in_dim3A_303 : i32 to vector<16xi32>
          %gather3A_305 = tpu.vector_load_idx %arg10[%broadcast_in_dim3A_304, %sub3A_236] : memref<32x768xf32, #tpu.memory_space<vmem>>[vector<16xi32>, vector<16xi32>], vector<16xf32>,
          tpu.vector_store_idx %arg11[%iota3A, %broadcast_in_dim3A_304], %gather3A_305 : memref<16x128xf32, #tpu.memory_space<vmem>>[vector<16xi32>, vector<16xi32>], vector<16xf32>,
          %broadcast_in_dim3A_306 = arith.constant 21 : i32
          %broadcast_in_dim3A_307 = vector.broadcast %broadcast_in_dim3A_306 : i32 to vector<16xi32>
          %gather3A_308 = tpu.vector_load_idx %arg10[%broadcast_in_dim3A_307, %sub3A_236] : memref<32x768xf32, #tpu.memory_space<vmem>>[vector<16xi32>, vector<16xi32>], vector<16xf32>,
          tpu.vector_store_idx %arg11[%iota3A, %broadcast_in_dim3A_307], %gather3A_308 : memref<16x128xf32, #tpu.memory_space<vmem>>[vector<16xi32>, vector<16xi32>], vector<16xf32>,
          %broadcast_in_dim3A_309 = arith.constant 22 : i32
          %broadcast_in_dim3A_310 = vector.broadcast %broadcast_in_dim3A_309 : i32 to vector<16xi32>
          %gather3A_311 = tpu.vector_load_idx %arg10[%broadcast_in_dim3A_310, %sub3A_236] : memref<32x768xf32, #tpu.memory_space<vmem>>[vector<16xi32>, vector<16xi32>], vector<16xf32>,
          tpu.vector_store_idx %arg11[%iota3A, %broadcast_in_dim3A_310], %gather3A_311 : memref<16x128xf32, #tpu.memory_space<vmem>>[vector<16xi32>, vector<16xi32>], vector<16xf32>,
          %broadcast_in_dim3A_312 = arith.constant 23 : i32
          %broadcast_in_dim3A_313 = vector.broadcast %broadcast_in_dim3A_312 : i32 to vector<16xi32>
          %gather3A_314 = tpu.vector_load_idx %arg10[%broadcast_in_dim3A_313, %sub3A_236] : memref<32x768xf32, #tpu.memory_space<vmem>>[vector<16xi32>, vector<16xi32>], vector<16xf32>,
          tpu.vector_store_idx %arg11[%iota3A, %broadcast_in_dim3A_313], %gather3A_314 : memref<16x128xf32, #tpu.memory_space<vmem>>[vector<16xi32>, vector<16xi32>], vector<16xf32>,
          %broadcast_in_dim3A_315 = arith.constant 24 : i32
          %broadcast_in_dim3A_316 = vector.broadcast %broadcast_in_dim3A_315 : i32 to vector<16xi32>
          %gather3A_317 = tpu.vector_load_idx %arg10[%broadcast_in_dim3A_316, %sub3A_236] : memref<32x768xf32, #tpu.memory_space<vmem>>[vector<16xi32>, vector<16xi32>], vector<16xf32>,
          tpu.vector_store_idx %arg11[%iota3A, %broadcast_in_dim3A_316], %gather3A_317 : memref<16x128xf32, #tpu.memory_space<vmem>>[vector<16xi32>, vector<16xi32>], vector<16xf32>,
          %broadcast_in_dim3A_318 = arith.constant 25 : i32
          %broadcast_in_dim3A_319 = vector.broadcast %broadcast_in_dim3A_318 : i32 to vector<16xi32>
          %gather3A_320 = tpu.vector_load_idx %arg10[%broadcast_in_dim3A_319, %sub3A_236] : memref<32x768xf32, #tpu.memory_space<vmem>>[vector<16xi32>, vector<16xi32>], vector<16xf32>,
          tpu.vector_store_idx %arg11[%iota3A, %broadcast_in_dim3A_319], %gather3A_320 : memref<16x128xf32, #tpu.memory_space<vmem>>[vector<16xi32>, vector<16xi32>], vector<16xf32>,
          %broadcast_in_dim3A_321 = arith.constant 26 : i32
          %broadcast_in_dim3A_322 = vector.broadcast %broadcast_in_dim3A_321 : i32 to vector<16xi32>
          %gather3A_323 = tpu.vector_load_idx %arg10[%broadcast_in_dim3A_322, %sub3A_236] : memref<32x768xf32, #tpu.memory_space<vmem>>[vector<16xi32>, vector<16xi32>], vector<16xf32>,
          tpu.vector_store_idx %arg11[%iota3A, %broadcast_in_dim3A_322], %gather3A_323 : memref<16x128xf32, #tpu.memory_space<vmem>>[vector<16xi32>, vector<16xi32>], vector<16xf32>,
          %broadcast_in_dim3A_324 = arith.constant 27 : i32
          %broadcast_in_dim3A_325 = vector.broadcast %broadcast_in_dim3A_324 : i32 to vector<16xi32>
          %gather3A_326 = tpu.vector_load_idx %arg10[%broadcast_in_dim3A_325, %sub3A_236] : memref<32x768xf32, #tpu.memory_space<vmem>>[vector<16xi32>, vector<16xi32>], vector<16xf32>,
          tpu.vector_store_idx %arg11[%iota3A, %broadcast_in_dim3A_325], %gather3A_326 : memref<16x128xf32, #tpu.memory_space<vmem>>[vector<16xi32>, vector<16xi32>], vector<16xf32>,
          %broadcast_in_dim3A_327 = arith.constant 28 : i32
          %broadcast_in_dim3A_328 = vector.broadcast %broadcast_in_dim3A_327 : i32 to vector<16xi32>
          %gather3A_329 = tpu.vector_load_idx %arg10[%broadcast_in_dim3A_328, %sub3A_236] : memref<32x768xf32, #tpu.memory_space<vmem>>[vector<16xi32>, vector<16xi32>], vector<16xf32>,
          tpu.vector_store_idx %arg11[%iota3A, %broadcast_in_dim3A_328], %gather3A_329 : memref<16x128xf32, #tpu.memory_space<vmem>>[vector<16xi32>, vector<16xi32>], vector<16xf32>,
          %broadcast_in_dim3A_330 = arith.constant 29 : i32
          %broadcast_in_dim3A_331 = vector.broadcast %broadcast_in_dim3A_330 : i32 to vector<16xi32>
          %gather3A_332 = tpu.vector_load_idx %arg10[%broadcast_in_dim3A_331, %sub3A_236] : memref<32x768xf32, #tpu.memory_space<vmem>>[vector<16xi32>, vector<16xi32>], vector<16xf32>,
          tpu.vector_store_idx %arg11[%iota3A, %broadcast_in_dim3A_331], %gather3A_332 : memref<16x128xf32, #tpu.memory_space<vmem>>[vector<16xi32>, vector<16xi32>], vector<16xf32>,
          %broadcast_in_dim3A_333 = arith.constant 30 : i32
          %broadcast_in_dim3A_334 = vector.broadcast %broadcast_in_dim3A_333 : i32 to vector<16xi32>
          %gather3A_335 = tpu.vector_load_idx %arg10[%broadcast_in_dim3A_334, %sub3A_236] : memref<32x768xf32, #tpu.memory_space<vmem>>[vector<16xi32>, vector<16xi32>], vector<16xf32>,
          tpu.vector_store_idx %arg11[%iota3A, %broadcast_in_dim3A_334], %gather3A_335 : memref<16x128xf32, #tpu.memory_space<vmem>>[vector<16xi32>, vector<16xi32>], vector<16xf32>,
          %broadcast_in_dim3A_336 = arith.constant 31 : i32
          %broadcast_in_dim3A_337 = vector.broadcast %broadcast_in_dim3A_336 : i32 to vector<16xi32>
          %gather3A_338 = tpu.vector_load_idx %arg10[%broadcast_in_dim3A_337, %sub3A_236] : memref<32x768xf32, #tpu.memory_space<vmem>>[vector<16xi32>, vector<16xi32>], vector<16xf32>,
          tpu.vector_store_idx %arg11[%iota3A, %broadcast_in_dim3A_337], %gather3A_338 : memref<16x128xf32, #tpu.memory_space<vmem>>[vector<16xi32>, vector<16xi32>], vector<16xf32>,
          %swap3A = arith.constant 0 : index
          %swap3A_339 = tpu.vector_load %arg13[%swap3A] {strides = array<i32>} : memref<16xi32, #tpu.memory_space<vmem>>, vector<16xi32>,
          tpu.vector_store %arg13[%swap3A], %and3A_238 {strides = array<i32>} : memref<16xi32, #tpu.memory_space<vmem>>, vector<16xi32>,
          %dma_start3A_340 = arith.constant 0 : i32
          %dma_start3A_341 = arith.constant 0 : i32
          %dma_start3A_342 = tpu.memref_slice %arg4[%dma_start3A_340, %dma_start3A_341] : memref<16384x128xf32, #tpu.memory_space<hbm>> -> memref<16384x128xf32, #tpu.memory_space<hbm>>
          tpu.enqueue_indirect_dma source(%arg11 : memref<16x128xf32, #tpu.memory_space<vmem>>) target(%dma_start3A_342 : memref<16384x128xf32, #tpu.memory_space<hbm>>) offsets(%arg13 : memref<16xi32, #tpu.memory_space<vmem>>) semaphore(%arg18 : memref<!tpu.dma_semaphore, #tpu.memory_space<semaphore_mem>>)
        } else {
        }
        %jit3A = arith.constant 1 : i32
        %select_n3A = arith.select %lt3A_211, %jit3A, %while3A_207 : i32
        %mul3A_215 = arith.constant 32 : i32
        %mul3A_216 = arith.muli %while3A_206, %mul3A_215 : i32
        %add3A_217 = arith.constant 16 : i32
        %add3A_218 = arith.addi %mul3A_216, %add3A_217 : i32
        %lt3A_219 = arith.cmpi slt, %add3A_218, %while3A_181 : i32
        %convert_element_type3A_220 = arith.extui %lt3A_219 : i1 to i32
        %cond3A_221 = arith.constant 0 : i32
        %cond3A_222 = arith.cmpi ne, %convert_element_type3A_220, %cond3A_221 : i32
        scf.if %cond3A_222 {
          %multiple_of3A_225 = tpu.assume_multiple %add3A_218, 16 : i32
          %get3A = arith.index_cast %multiple_of3A_225 : i32 to index
          %get3A_226 = tpu.vector_load %arg7[%get3A] {strides = array<i32>} : memref<16384xi32, #tpu.memory_space<vmem>>, vector<16xi32>,
          %add3A_227 = vector.broadcast %add3A_218 : i32 to vector<16xi32>
          %add3A_228 = arith.addi %add3A_227, %iota3A : vector<16xi32>
          %lt3A_229 = vector.broadcast %while3A_181 : i32 to vector<16xi32>
          %lt3A_230 = arith.cmpi slt, %add3A_228, %lt3A_229 : vector<16xi32>
          %slice3A = vector.extract_strided_slice %get3A_226 {offsets = [0], sizes = [1], strides = [1]} : vector<16xi32> to vector<1xi32>
          %squeeze3A = vector.extract %slice3A[0] : i32 from vector<1xi32>
          %broadcast_in_dim3A = vector.broadcast %squeeze3A : i32 to vector<16xi32>
          %select_n3A_231 = arith.select %lt3A_230, %get3A_226, %broadcast_in_dim3A : vector<16xi1>, vector<16xi32>
          %shift_right_arithmetic3A_232 = arith.constant 14 : i32
          %shift_right_arithmetic3A_233 = vector.broadcast %shift_right_arithmetic3A_232 : i32 to vector<16xi32>
          %shift_right_arithmetic3A_234 = arith.shrsi %select_n3A_231, %shift_right_arithmetic3A_233 : vector<16xi32>
          %sub3A_235 = vector.broadcast %sub3A_169 : i32 to vector<16xi32>
          %sub3A_236 = arith.subi %shift_right_arithmetic3A_234, %sub3A_235 : vector<16xi32>
          %and3A = arith.constant 16383 : i32
          %and3A_237 = vector.broadcast %and3A : i32 to vector<16xi32>
          %and3A_238 = arith.andi %select_n3A_231, %and3A_237 : vector<16xi32>
          %gt3A_239 = arith.constant 0 : i32
          %gt3A_240 = arith.cmpi sgt, %while3A_208, %gt3A_239 : i32
          %convert_element_type3A_241 = arith.extui %gt3A_240 : i1 to i32
          %cond3A_242 = arith.constant 0 : i32
          %cond3A_243 = arith.cmpi ne, %convert_element_type3A_241, %cond3A_242 : i32
          scf.if %cond3A_243 {
            %dma_wait3A_343 = arith.constant 0 : i32
            %dma_wait3A_344 = arith.constant 0 : i32
            %dma_wait3A_345 = tpu.memref_slice %arg4[%dma_wait3A_343, %dma_wait3A_344] : memref<16384x128xf32, #tpu.memory_space<hbm>> -> memref<16384x128xf32, #tpu.memory_space<hbm>>
            tpu.wait_indirect_dma semaphore(%arg19 : memref<!tpu.dma_semaphore, #tpu.memory_space<semaphore_mem>>) src(%arg12 : memref<16x128xf32, #tpu.memory_space<vmem>>) dst(%dma_wait3A_345 : memref<16384x128xf32, #tpu.memory_space<hbm>>)
          } else {
          }
          %broadcast_in_dim3A_244 = arith.constant 0 : i32
          %broadcast_in_dim3A_245 = vector.broadcast %broadcast_in_dim3A_244 : i32 to vector<16xi32>
          %gather3A = tpu.vector_load_idx %arg10[%broadcast_in_dim3A_245, %sub3A_236] : memref<32x768xf32, #tpu.memory_space<vmem>>[vector<16xi32>, vector<16xi32>], vector<16xf32>,
          tpu.vector_store_idx %arg12[%iota3A, %broadcast_in_dim3A_245], %gather3A : memref<16x128xf32, #tpu.memory_space<vmem>>[vector<16xi32>, vector<16xi32>], vector<16xf32>,
          %broadcast_in_dim3A_246 = arith.constant 1 : i32
          %broadcast_in_dim3A_247 = vector.broadcast %broadcast_in_dim3A_246 : i32 to vector<16xi32>
          %gather3A_248 = tpu.vector_load_idx %arg10[%broadcast_in_dim3A_247, %sub3A_236] : memref<32x768xf32, #tpu.memory_space<vmem>>[vector<16xi32>, vector<16xi32>], vector<16xf32>,
          tpu.vector_store_idx %arg12[%iota3A, %broadcast_in_dim3A_247], %gather3A_248 : memref<16x128xf32, #tpu.memory_space<vmem>>[vector<16xi32>, vector<16xi32>], vector<16xf32>,
          %broadcast_in_dim3A_249 = arith.constant 2 : i32
          %broadcast_in_dim3A_250 = vector.broadcast %broadcast_in_dim3A_249 : i32 to vector<16xi32>
          %gather3A_251 = tpu.vector_load_idx %arg10[%broadcast_in_dim3A_250, %sub3A_236] : memref<32x768xf32, #tpu.memory_space<vmem>>[vector<16xi32>, vector<16xi32>], vector<16xf32>,
          tpu.vector_store_idx %arg12[%iota3A, %broadcast_in_dim3A_250], %gather3A_251 : memref<16x128xf32, #tpu.memory_space<vmem>>[vector<16xi32>, vector<16xi32>], vector<16xf32>,
          %broadcast_in_dim3A_252 = arith.constant 3 : i32
          %broadcast_in_dim3A_253 = vector.broadcast %broadcast_in_dim3A_252 : i32 to vector<16xi32>
          %gather3A_254 = tpu.vector_load_idx %arg10[%broadcast_in_dim3A_253, %sub3A_236] : memref<32x768xf32, #tpu.memory_space<vmem>>[vector<16xi32>, vector<16xi32>], vector<16xf32>,
          tpu.vector_store_idx %arg12[%iota3A, %broadcast_in_dim3A_253], %gather3A_254 : memref<16x128xf32, #tpu.memory_space<vmem>>[vector<16xi32>, vector<16xi32>], vector<16xf32>,
          %broadcast_in_dim3A_255 = arith.constant 4 : i32
          %broadcast_in_dim3A_256 = vector.broadcast %broadcast_in_dim3A_255 : i32 to vector<16xi32>
          %gather3A_257 = tpu.vector_load_idx %arg10[%broadcast_in_dim3A_256, %sub3A_236] : memref<32x768xf32, #tpu.memory_space<vmem>>[vector<16xi32>, vector<16xi32>], vector<16xf32>,
          tpu.vector_store_idx %arg12[%iota3A, %broadcast_in_dim3A_256], %gather3A_257 : memref<16x128xf32, #tpu.memory_space<vmem>>[vector<16xi32>, vector<16xi32>], vector<16xf32>,
          %broadcast_in_dim3A_258 = arith.constant 5 : i32
          %broadcast_in_dim3A_259 = vector.broadcast %broadcast_in_dim3A_258 : i32 to vector<16xi32>
          %gather3A_260 = tpu.vector_load_idx %arg10[%broadcast_in_dim3A_259, %sub3A_236] : memref<32x768xf32, #tpu.memory_space<vmem>>[vector<16xi32>, vector<16xi32>], vector<16xf32>,
          tpu.vector_store_idx %arg12[%iota3A, %broadcast_in_dim3A_259], %gather3A_260 : memref<16x128xf32, #tpu.memory_space<vmem>>[vector<16xi32>, vector<16xi32>], vector<16xf32>,
          %broadcast_in_dim3A_261 = arith.constant 6 : i32
          %broadcast_in_dim3A_262 = vector.broadcast %broadcast_in_dim3A_261 : i32 to vector<16xi32>
          %gather3A_263 = tpu.vector_load_idx %arg10[%broadcast_in_dim3A_262, %sub3A_236] : memref<32x768xf32, #tpu.memory_space<vmem>>[vector<16xi32>, vector<16xi32>], vector<16xf32>,
          tpu.vector_store_idx %arg12[%iota3A, %broadcast_in_dim3A_262], %gather3A_263 : memref<16x128xf32, #tpu.memory_space<vmem>>[vector<16xi32>, vector<16xi32>], vector<16xf32>,
          %broadcast_in_dim3A_264 = arith.constant 7 : i32
          %broadcast_in_dim3A_265 = vector.broadcast %broadcast_in_dim3A_264 : i32 to vector<16xi32>
          %gather3A_266 = tpu.vector_load_idx %arg10[%broadcast_in_dim3A_265, %sub3A_236] : memref<32x768xf32, #tpu.memory_space<vmem>>[vector<16xi32>, vector<16xi32>], vector<16xf32>,
          tpu.vector_store_idx %arg12[%iota3A, %broadcast_in_dim3A_265], %gather3A_266 : memref<16x128xf32, #tpu.memory_space<vmem>>[vector<16xi32>, vector<16xi32>], vector<16xf32>,
          %broadcast_in_dim3A_267 = arith.constant 8 : i32
          %broadcast_in_dim3A_268 = vector.broadcast %broadcast_in_dim3A_267 : i32 to vector<16xi32>
          %gather3A_269 = tpu.vector_load_idx %arg10[%broadcast_in_dim3A_268, %sub3A_236] : memref<32x768xf32, #tpu.memory_space<vmem>>[vector<16xi32>, vector<16xi32>], vector<16xf32>,
          tpu.vector_store_idx %arg12[%iota3A, %broadcast_in_dim3A_268], %gather3A_269 : memref<16x128xf32, #tpu.memory_space<vmem>>[vector<16xi32>, vector<16xi32>], vector<16xf32>,
          %broadcast_in_dim3A_270 = arith.constant 9 : i32
          %broadcast_in_dim3A_271 = vector.broadcast %broadcast_in_dim3A_270 : i32 to vector<16xi32>
          %gather3A_272 = tpu.vector_load_idx %arg10[%broadcast_in_dim3A_271, %sub3A_236] : memref<32x768xf32, #tpu.memory_space<vmem>>[vector<16xi32>, vector<16xi32>], vector<16xf32>,
          tpu.vector_store_idx %arg12[%iota3A, %broadcast_in_dim3A_271], %gather3A_272 : memref<16x128xf32, #tpu.memory_space<vmem>>[vector<16xi32>, vector<16xi32>], vector<16xf32>,
          %broadcast_in_dim3A_273 = arith.constant 10 : i32
          %broadcast_in_dim3A_274 = vector.broadcast %broadcast_in_dim3A_273 : i32 to vector<16xi32>
          %gather3A_275 = tpu.vector_load_idx %arg10[%broadcast_in_dim3A_274, %sub3A_236] : memref<32x768xf32, #tpu.memory_space<vmem>>[vector<16xi32>, vector<16xi32>], vector<16xf32>,
          tpu.vector_store_idx %arg12[%iota3A, %broadcast_in_dim3A_274], %gather3A_275 : memref<16x128xf32, #tpu.memory_space<vmem>>[vector<16xi32>, vector<16xi32>], vector<16xf32>,
          %broadcast_in_dim3A_276 = arith.constant 11 : i32
          %broadcast_in_dim3A_277 = vector.broadcast %broadcast_in_dim3A_276 : i32 to vector<16xi32>
          %gather3A_278 = tpu.vector_load_idx %arg10[%broadcast_in_dim3A_277, %sub3A_236] : memref<32x768xf32, #tpu.memory_space<vmem>>[vector<16xi32>, vector<16xi32>], vector<16xf32>,
          tpu.vector_store_idx %arg12[%iota3A, %broadcast_in_dim3A_277], %gather3A_278 : memref<16x128xf32, #tpu.memory_space<vmem>>[vector<16xi32>, vector<16xi32>], vector<16xf32>,
          %broadcast_in_dim3A_279 = arith.constant 12 : i32
          %broadcast_in_dim3A_280 = vector.broadcast %broadcast_in_dim3A_279 : i32 to vector<16xi32>
          %gather3A_281 = tpu.vector_load_idx %arg10[%broadcast_in_dim3A_280, %sub3A_236] : memref<32x768xf32, #tpu.memory_space<vmem>>[vector<16xi32>, vector<16xi32>], vector<16xf32>,
          tpu.vector_store_idx %arg12[%iota3A, %broadcast_in_dim3A_280], %gather3A_281 : memref<16x128xf32, #tpu.memory_space<vmem>>[vector<16xi32>, vector<16xi32>], vector<16xf32>,
          %broadcast_in_dim3A_282 = arith.constant 13 : i32
          %broadcast_in_dim3A_283 = vector.broadcast %broadcast_in_dim3A_282 : i32 to vector<16xi32>
          %gather3A_284 = tpu.vector_load_idx %arg10[%broadcast_in_dim3A_283, %sub3A_236] : memref<32x768xf32, #tpu.memory_space<vmem>>[vector<16xi32>, vector<16xi32>], vector<16xf32>,
          tpu.vector_store_idx %arg12[%iota3A, %broadcast_in_dim3A_283], %gather3A_284 : memref<16x128xf32, #tpu.memory_space<vmem>>[vector<16xi32>, vector<16xi32>], vector<16xf32>,
          %broadcast_in_dim3A_285 = arith.constant 14 : i32
          %broadcast_in_dim3A_286 = vector.broadcast %broadcast_in_dim3A_285 : i32 to vector<16xi32>
          %gather3A_287 = tpu.vector_load_idx %arg10[%broadcast_in_dim3A_286, %sub3A_236] : memref<32x768xf32, #tpu.memory_space<vmem>>[vector<16xi32>, vector<16xi32>], vector<16xf32>,
          tpu.vector_store_idx %arg12[%iota3A, %broadcast_in_dim3A_286], %gather3A_287 : memref<16x128xf32, #tpu.memory_space<vmem>>[vector<16xi32>, vector<16xi32>], vector<16xf32>,
          %broadcast_in_dim3A_288 = arith.constant 15 : i32
          %broadcast_in_dim3A_289 = vector.broadcast %broadcast_in_dim3A_288 : i32 to vector<16xi32>
          %gather3A_290 = tpu.vector_load_idx %arg10[%broadcast_in_dim3A_289, %sub3A_236] : memref<32x768xf32, #tpu.memory_space<vmem>>[vector<16xi32>, vector<16xi32>], vector<16xf32>,
          tpu.vector_store_idx %arg12[%iota3A, %broadcast_in_dim3A_289], %gather3A_290 : memref<16x128xf32, #tpu.memory_space<vmem>>[vector<16xi32>, vector<16xi32>], vector<16xf32>,
          %broadcast_in_dim3A_291 = arith.constant 16 : i32
          %broadcast_in_dim3A_292 = vector.broadcast %broadcast_in_dim3A_291 : i32 to vector<16xi32>
          %gather3A_293 = tpu.vector_load_idx %arg10[%broadcast_in_dim3A_292, %sub3A_236] : memref<32x768xf32, #tpu.memory_space<vmem>>[vector<16xi32>, vector<16xi32>], vector<16xf32>,
          tpu.vector_store_idx %arg12[%iota3A, %broadcast_in_dim3A_292], %gather3A_293 : memref<16x128xf32, #tpu.memory_space<vmem>>[vector<16xi32>, vector<16xi32>], vector<16xf32>,
          %broadcast_in_dim3A_294 = arith.constant 17 : i32
          %broadcast_in_dim3A_295 = vector.broadcast %broadcast_in_dim3A_294 : i32 to vector<16xi32>
          %gather3A_296 = tpu.vector_load_idx %arg10[%broadcast_in_dim3A_295, %sub3A_236] : memref<32x768xf32, #tpu.memory_space<vmem>>[vector<16xi32>, vector<16xi32>], vector<16xf32>,
          tpu.vector_store_idx %arg12[%iota3A, %broadcast_in_dim3A_295], %gather3A_296 : memref<16x128xf32, #tpu.memory_space<vmem>>[vector<16xi32>, vector<16xi32>], vector<16xf32>,
          %broadcast_in_dim3A_297 = arith.constant 18 : i32
          %broadcast_in_dim3A_298 = vector.broadcast %broadcast_in_dim3A_297 : i32 to vector<16xi32>
          %gather3A_299 = tpu.vector_load_idx %arg10[%broadcast_in_dim3A_298, %sub3A_236] : memref<32x768xf32, #tpu.memory_space<vmem>>[vector<16xi32>, vector<16xi32>], vector<16xf32>,
          tpu.vector_store_idx %arg12[%iota3A, %broadcast_in_dim3A_298], %gather3A_299 : memref<16x128xf32, #tpu.memory_space<vmem>>[vector<16xi32>, vector<16xi32>], vector<16xf32>,
          %broadcast_in_dim3A_300 = arith.constant 19 : i32
          %broadcast_in_dim3A_301 = vector.broadcast %broadcast_in_dim3A_300 : i32 to vector<16xi32>
          %gather3A_302 = tpu.vector_load_idx %arg10[%broadcast_in_dim3A_301, %sub3A_236] : memref<32x768xf32, #tpu.memory_space<vmem>>[vector<16xi32>, vector<16xi32>], vector<16xf32>,
          tpu.vector_store_idx %arg12[%iota3A, %broadcast_in_dim3A_301], %gather3A_302 : memref<16x128xf32, #tpu.memory_space<vmem>>[vector<16xi32>, vector<16xi32>], vector<16xf32>,
          %broadcast_in_dim3A_303 = arith.constant 20 : i32
          %broadcast_in_dim3A_304 = vector.broadcast %broadcast_in_dim3A_303 : i32 to vector<16xi32>
          %gather3A_305 = tpu.vector_load_idx %arg10[%broadcast_in_dim3A_304, %sub3A_236] : memref<32x768xf32, #tpu.memory_space<vmem>>[vector<16xi32>, vector<16xi32>], vector<16xf32>,
          tpu.vector_store_idx %arg12[%iota3A, %broadcast_in_dim3A_304], %gather3A_305 : memref<16x128xf32, #tpu.memory_space<vmem>>[vector<16xi32>, vector<16xi32>], vector<16xf32>,
          %broadcast_in_dim3A_306 = arith.constant 21 : i32
          %broadcast_in_dim3A_307 = vector.broadcast %broadcast_in_dim3A_306 : i32 to vector<16xi32>
          %gather3A_308 = tpu.vector_load_idx %arg10[%broadcast_in_dim3A_307, %sub3A_236] : memref<32x768xf32, #tpu.memory_space<vmem>>[vector<16xi32>, vector<16xi32>], vector<16xf32>,
          tpu.vector_store_idx %arg12[%iota3A, %broadcast_in_dim3A_307], %gather3A_308 : memref<16x128xf32, #tpu.memory_space<vmem>>[vector<16xi32>, vector<16xi32>], vector<16xf32>,
          %broadcast_in_dim3A_309 = arith.constant 22 : i32
          %broadcast_in_dim3A_310 = vector.broadcast %broadcast_in_dim3A_309 : i32 to vector<16xi32>
          %gather3A_311 = tpu.vector_load_idx %arg10[%broadcast_in_dim3A_310, %sub3A_236] : memref<32x768xf32, #tpu.memory_space<vmem>>[vector<16xi32>, vector<16xi32>], vector<16xf32>,
          tpu.vector_store_idx %arg12[%iota3A, %broadcast_in_dim3A_310], %gather3A_311 : memref<16x128xf32, #tpu.memory_space<vmem>>[vector<16xi32>, vector<16xi32>], vector<16xf32>,
          %broadcast_in_dim3A_312 = arith.constant 23 : i32
          %broadcast_in_dim3A_313 = vector.broadcast %broadcast_in_dim3A_312 : i32 to vector<16xi32>
          %gather3A_314 = tpu.vector_load_idx %arg10[%broadcast_in_dim3A_313, %sub3A_236] : memref<32x768xf32, #tpu.memory_space<vmem>>[vector<16xi32>, vector<16xi32>], vector<16xf32>,
          tpu.vector_store_idx %arg12[%iota3A, %broadcast_in_dim3A_313], %gather3A_314 : memref<16x128xf32, #tpu.memory_space<vmem>>[vector<16xi32>, vector<16xi32>], vector<16xf32>,
          %broadcast_in_dim3A_315 = arith.constant 24 : i32
          %broadcast_in_dim3A_316 = vector.broadcast %broadcast_in_dim3A_315 : i32 to vector<16xi32>
          %gather3A_317 = tpu.vector_load_idx %arg10[%broadcast_in_dim3A_316, %sub3A_236] : memref<32x768xf32, #tpu.memory_space<vmem>>[vector<16xi32>, vector<16xi32>], vector<16xf32>,
          tpu.vector_store_idx %arg12[%iota3A, %broadcast_in_dim3A_316], %gather3A_317 : memref<16x128xf32, #tpu.memory_space<vmem>>[vector<16xi32>, vector<16xi32>], vector<16xf32>,
          %broadcast_in_dim3A_318 = arith.constant 25 : i32
          %broadcast_in_dim3A_319 = vector.broadcast %broadcast_in_dim3A_318 : i32 to vector<16xi32>
          %gather3A_320 = tpu.vector_load_idx %arg10[%broadcast_in_dim3A_319, %sub3A_236] : memref<32x768xf32, #tpu.memory_space<vmem>>[vector<16xi32>, vector<16xi32>], vector<16xf32>,
          tpu.vector_store_idx %arg12[%iota3A, %broadcast_in_dim3A_319], %gather3A_320 : memref<16x128xf32, #tpu.memory_space<vmem>>[vector<16xi32>, vector<16xi32>], vector<16xf32>,
          %broadcast_in_dim3A_321 = arith.constant 26 : i32
          %broadcast_in_dim3A_322 = vector.broadcast %broadcast_in_dim3A_321 : i32 to vector<16xi32>
          %gather3A_323 = tpu.vector_load_idx %arg10[%broadcast_in_dim3A_322, %sub3A_236] : memref<32x768xf32, #tpu.memory_space<vmem>>[vector<16xi32>, vector<16xi32>], vector<16xf32>,
          tpu.vector_store_idx %arg12[%iota3A, %broadcast_in_dim3A_322], %gather3A_323 : memref<16x128xf32, #tpu.memory_space<vmem>>[vector<16xi32>, vector<16xi32>], vector<16xf32>,
          %broadcast_in_dim3A_324 = arith.constant 27 : i32
          %broadcast_in_dim3A_325 = vector.broadcast %broadcast_in_dim3A_324 : i32 to vector<16xi32>
          %gather3A_326 = tpu.vector_load_idx %arg10[%broadcast_in_dim3A_325, %sub3A_236] : memref<32x768xf32, #tpu.memory_space<vmem>>[vector<16xi32>, vector<16xi32>], vector<16xf32>,
          tpu.vector_store_idx %arg12[%iota3A, %broadcast_in_dim3A_325], %gather3A_326 : memref<16x128xf32, #tpu.memory_space<vmem>>[vector<16xi32>, vector<16xi32>], vector<16xf32>,
          %broadcast_in_dim3A_327 = arith.constant 28 : i32
          %broadcast_in_dim3A_328 = vector.broadcast %broadcast_in_dim3A_327 : i32 to vector<16xi32>
          %gather3A_329 = tpu.vector_load_idx %arg10[%broadcast_in_dim3A_328, %sub3A_236] : memref<32x768xf32, #tpu.memory_space<vmem>>[vector<16xi32>, vector<16xi32>], vector<16xf32>,
          tpu.vector_store_idx %arg12[%iota3A, %broadcast_in_dim3A_328], %gather3A_329 : memref<16x128xf32, #tpu.memory_space<vmem>>[vector<16xi32>, vector<16xi32>], vector<16xf32>,
          %broadcast_in_dim3A_330 = arith.constant 29 : i32
          %broadcast_in_dim3A_331 = vector.broadcast %broadcast_in_dim3A_330 : i32 to vector<16xi32>
          %gather3A_332 = tpu.vector_load_idx %arg10[%broadcast_in_dim3A_331, %sub3A_236] : memref<32x768xf32, #tpu.memory_space<vmem>>[vector<16xi32>, vector<16xi32>], vector<16xf32>,
          tpu.vector_store_idx %arg12[%iota3A, %broadcast_in_dim3A_331], %gather3A_332 : memref<16x128xf32, #tpu.memory_space<vmem>>[vector<16xi32>, vector<16xi32>], vector<16xf32>,
          %broadcast_in_dim3A_333 = arith.constant 30 : i32
          %broadcast_in_dim3A_334 = vector.broadcast %broadcast_in_dim3A_333 : i32 to vector<16xi32>
          %gather3A_335 = tpu.vector_load_idx %arg10[%broadcast_in_dim3A_334, %sub3A_236] : memref<32x768xf32, #tpu.memory_space<vmem>>[vector<16xi32>, vector<16xi32>], vector<16xf32>,
          tpu.vector_store_idx %arg12[%iota3A, %broadcast_in_dim3A_334], %gather3A_335 : memref<16x128xf32, #tpu.memory_space<vmem>>[vector<16xi32>, vector<16xi32>], vector<16xf32>,
          %broadcast_in_dim3A_336 = arith.constant 31 : i32
          %broadcast_in_dim3A_337 = vector.broadcast %broadcast_in_dim3A_336 : i32 to vector<16xi32>
          %gather3A_338 = tpu.vector_load_idx %arg10[%broadcast_in_dim3A_337, %sub3A_236] : memref<32x768xf32, #tpu.memory_space<vmem>>[vector<16xi32>, vector<16xi32>], vector<16xf32>,
          tpu.vector_store_idx %arg12[%iota3A, %broadcast_in_dim3A_337], %gather3A_338 : memref<16x128xf32, #tpu.memory_space<vmem>>[vector<16xi32>, vector<16xi32>], vector<16xf32>,
          %swap3A = arith.constant 0 : index
          %swap3A_339 = tpu.vector_load %arg14[%swap3A] {strides = array<i32>} : memref<16xi32, #tpu.memory_space<vmem>>, vector<16xi32>,
          tpu.vector_store %arg14[%swap3A], %and3A_238 {strides = array<i32>} : memref<16xi32, #tpu.memory_space<vmem>>, vector<16xi32>,
          %dma_start3A_340 = arith.constant 0 : i32
          %dma_start3A_341 = arith.constant 0 : i32
          %dma_start3A_342 = tpu.memref_slice %arg4[%dma_start3A_340, %dma_start3A_341] : memref<16384x128xf32, #tpu.memory_space<hbm>> -> memref<16384x128xf32, #tpu.memory_space<hbm>>
          tpu.enqueue_indirect_dma source(%arg12 : memref<16x128xf32, #tpu.memory_space<vmem>>) target(%dma_start3A_342 : memref<16384x128xf32, #tpu.memory_space<hbm>>) offsets(%arg14 : memref<16xi32, #tpu.memory_space<vmem>>) semaphore(%arg19 : memref<!tpu.dma_semaphore, #tpu.memory_space<semaphore_mem>>)
        } else {
        }
        %jit3A_223 = arith.constant 1 : i32
        %select_n3A_224 = arith.select %lt3A_219, %jit3A_223, %while3A_208 : i32
        scf.yield %select_n3A, %select_n3A_224 : i32, i32
      }
      %add3A_197 = arith.constant 2 : i32
      %add3A_198 = arith.addi %mul3A_59, %add3A_197 : i32
      %add3A_199 = arith.constant 3 : i32
      %add3A_200 = arith.addi %add3A_198, %add3A_199 : i32
      %lt3A_201 = arith.constant 42 : i32
      %lt3A_202 = arith.cmpi slt, %add3A_200, %lt3A_201 : i32
      %convert_element_type3A_203 = arith.extui %lt3A_202 : i1 to i32
      %cond3A_204 = arith.constant 0 : i32
      %cond3A_205 = arith.cmpi ne, %convert_element_type3A_203, %cond3A_204 : i32
      scf.if %cond3A_205 {
        %add3A_206 = arith.constant 2 : i32
        %add3A_207 = arith.addi %mul3A_59, %add3A_206 : i32
        %add3A_208 = arith.constant 3 : i32
        %add3A_209 = arith.addi %add3A_207, %add3A_208 : i32
        %mul3A_210 = arith.constant 768 : i32
        %mul3A_211 = arith.muli %add3A_209, %mul3A_210 : i32
        %add3A_212 = arith.addi %mul3A_2, %mul3A_211 : i32
        %min3A_213 = arith.constant 999296 : i32
        %min3A_214 = arith.minsi %add3A_212, %min3A_213 : i32
        %multiple_of3A_215 = tpu.assume_multiple %min3A_214, 128 : i32
        %dma_start3A_216 = arith.constant 0 : i32
        %dma_start3A_217 = tpu.memref_slice %arg2[%dma_start3A_216, %multiple_of3A_215] : memref<32x1000000xf32, #tpu.memory_space<hbm>> -> memref<32x768xf32, #tpu.memory_space<hbm>>
        %dma_start3A_218 = arith.constant 0 : i32
        %dma_start3A_219 = tpu.memref_slice %arg2[%dma_start3A_218, %multiple_of3A_215] : memref<32x1000000xf32, #tpu.memory_space<hbm>> -> memref<32x768xf32, #tpu.memory_space<hbm>>
        tpu.enqueue_dma source(%dma_start3A_219 : memref<32x768xf32, #tpu.memory_space<hbm>>) target(%arg10 : memref<32x768xf32, #tpu.memory_space<vmem>>) target_semaphore(%arg17 : memref<!tpu.dma_semaphore, #tpu.memory_space<semaphore_mem>>)
      } else {
      }
      scf.yield %while3A_196#0, %while3A_196#1 : i32, i32
    }
    %scan3A_47 = arith.constant 14 : i32
    %gt3A = arith.constant 0 : i32
    %gt3A_48 = arith.cmpi sgt, %scan3A_46#0, %gt3A : i32
    %convert_element_type3A = arith.extui %gt3A_48 : i1 to i32
    %cond3A = arith.constant 0 : i32
    %cond3A_49 = arith.cmpi ne, %convert_element_type3A, %cond3A : i32
    scf.if %cond3A_49 {
      %dma_wait3A = arith.constant 0 : i32
      %dma_wait3A_55 = arith.constant 0 : i32
      %dma_wait3A_56 = tpu.memref_slice %arg4[%dma_wait3A, %dma_wait3A_55] : memref<16384x128xf32, #tpu.memory_space<hbm>> -> memref<16384x128xf32, #tpu.memory_space<hbm>>
      tpu.wait_indirect_dma semaphore(%arg18 : memref<!tpu.dma_semaphore, #tpu.memory_space<semaphore_mem>>) src(%arg11 : memref<16x128xf32, #tpu.memory_space<vmem>>) dst(%dma_wait3A_56 : memref<16384x128xf32, #tpu.memory_space<hbm>>)
    } else {
    }
    %gt3A_50 = arith.constant 0 : i32
    %gt3A_51 = arith.cmpi sgt, %scan3A_46#1, %gt3A_50 : i32
    %convert_element_type3A_52 = arith.extui %gt3A_51 : i1 to i32
    %cond3A_53 = arith.constant 0 : i32
    %cond3A_54 = arith.cmpi ne, %convert_element_type3A_52, %cond3A_53 : i32
    scf.if %cond3A_54 {
      %dma_wait3A = arith.constant 0 : i32
      %dma_wait3A_55 = arith.constant 0 : i32
      %dma_wait3A_56 = tpu.memref_slice %arg4[%dma_wait3A, %dma_wait3A_55] : memref<16384x128xf32, #tpu.memory_space<hbm>> -> memref<16384x128xf32, #tpu.memory_space<hbm>>
      tpu.wait_indirect_dma semaphore(%arg19 : memref<!tpu.dma_semaphore, #tpu.memory_space<semaphore_mem>>) src(%arg12 : memref<16x128xf32, #tpu.memory_space<vmem>>) dst(%dma_wait3A_56 : memref<16384x128xf32, #tpu.memory_space<hbm>>)
    } else {
    }
    return
  }
}

</mosaic_0001>

<sc_bundles>
// kernel: kernel.3.cloned.1.call-start
scs
__scs_entry_jumppad:
0x0: {  	(pc) =	sbr.rel $0x88, $3  }
0x1: {  	(tag) =	ssettag $0x0;
	lr =	simm.s32 $0x1  }
0x2: {  	[smem:$0x3F9F] =	sst lr;
	_ =	strace $0xD0000000  }
0x3: {  	_ = 	snop  }
0x4: {  	_ = 	snop  }
0x5: {  	_ = 	snop  }
0x6: {  	_ = 	snop  }
0x7: {  	_ = 	snop  }
__scs_overlays_trampoline_lowered:
0x8: {  	[smem:$0x3FAE] =	sst s0  }
0x9: {  	[smem:$0x3FAF] =	sst s1  }
0xa: {  	[smem:$0x3FB0] =	sst s2  }
0xb: {  	[smem:$0x3FB1] =	sst s3  }
0xc: {  	[smem:$0x3FB2] =	sst s4  }
0xd: {  	[smem:$0x3FB3] =	sst s5  }
0xe: {  	[smem:$0x3FB4] =	sst s6  }
0xf: {  	[smem:$0x3FB5] =	sst s7  }
0x10: {  	[smem:$0x3FB6] =	sst s8  }
0x11: {  	[smem:$0x3FB7] =	sst s9;
	s0 =	simm.s32 @!p0 $0x0  }
0x12: {  	s1 =	sld [smem:$0x3F9D];
	s0 =	simm.s32 @p0 $0x1  }
0x13: {  	[smem:$0x3FB8] =	sst s0;
	s0 =	simm.s32 @!p1 $0x0  }
0x14: {  	s2 =	sld [smem:$0x3F9C];
	s0 =	simm.s32 @p1 $0x1  }
0x15: {  	[smem:$0x3FB9] =	sst s0;
	s0 =	simm.s32 @!p2 $0x0  }
0x16: {  	s3 =	sld [smem:$0x3FDB];
	s0 =	simm.s32 @p2 $0x1  }
0x17: {  	s4 =	simm.s32 $0x1BF5;
	[smem:$0x3FBB] =	sst s0  }
0x18: {  	s0 =	sld [smem:$0x3F9E];
	_ =	swait.ge [sflag:s4], $0x0  }
0x19: {  	s7 =	sld [smem:$0x3F9F]  }
0x1a: {  	s8 =	sadd.s32 $0xFFFFE003, lr  }
0x1b: {  	s9 =	sadd.s32 $0xFFFFFEF7, lr;
	s5 =	simm.s32 $0xFFFFFFFF;
	p2 =	slt.u32 s8, $0xFFFFF086  }
0x1c: {  	p1 =	slt.u32 s9, $0xF7A;
	s5 =	simm.s32 @!p2 $0x0  }
0x1d: {  	s5 =	simm.s32 @p1 $0x1;
	p0 =	seq.s32 s7, s2  }
0x1e: {  	s7 =	smul.u32 @!p0 $0xF7A, s2;
	p2 =	seq.s32 @!p0 s5, $0x0  }
0x1f: {  	s9 =	smul.u32 $0xF7A, s1;
	s8 =	simm.s32 @!p0 $0x1BF5;
	p2 =	por !p2, p0  }
0x20: {  	[sflag:s8] =	ssyncset.s32 @!p0 $0xFFFFF086;
	s6 =	sadd.s32 @!p0 s3, s7;
	s7 =	simm.s32 @!p0 $0x108  }
0x21: {  	s3 =	sadd.s32 s3, s9;
	s6 =	sadd.s32 @!p0 $0x88, s6;
	s7 =	simm.s32 @p2 $0x1082  }
0x22: {  	[simem:s7], [sflag:s8] =	dma.local @!p0 [hbm:s6], $0xF7A  }
0x23: {  	s9 =	sor.u32 $0xD0000000, s2;
	s6 =	simm.s32 $0x108;
	_ =	swait.ge @!p0 [sflag:s8], $0x0  }
0x24: {  	s3 =	sadd.s32 $0x88, s3;
	s6 =	simm.s32 @!p1 $0x1082;
	[sflag:s4] =	ssyncset.s32 $0xFFFFF086  }
0x25: {  	[simem:s6], [sflag:s4] =	dma.local [hbm:s3], $0xF7A  }
0x26: {  	[smem:$0x3F9F] =	sst s1;
	(tag) =	ssettag s2;
	_ =	strace s9  }
0x27: {  	s1 =	sld [smem:$0x3FAF]  }
0x28: {  	s2 =	sld [smem:$0x3FB0]  }
0x29: {  	s4 =	sld [smem:$0x3FB2]  }
0x2a: {  	p0 =	seq.s32 s5, $0x0;
	s5 =	sld [smem:$0x3FB3]  }
0x2b: {  	s6 =	sld [smem:$0x3FB4]  }
0x2c: {  	s7 =	sld [smem:$0x3FB5]  }
0x2d: {  	s3 =	simm.s32 $0x108;
	s8 =	sld [smem:$0x3FB6]  }
0x2e: {  	s3 =	simm.s32 @!p0 $0x1082;
	s9 =	sld [smem:$0x3FB7]  }
0x2f: {  	lr =	sadd.s32 s0, s3;
	s0 =	sld [smem:$0x3FAE]  }
0x30: {  	s3 =	sld [smem:$0x3FB1]  }
0x31: {  	[smem:$0x3FBA] =	sst s10  }
0x32: {  	s10 =	sld [smem:$0x3FB8];
	_ =	sdelay $0x3  }
0x33: {  	p0 =	seq.s32 s10, $0x1;
	s10 =	sld [smem:$0x3FBA];
	_ =	sdelay $0x3  }
0x34: {  	[smem:$0x3FBA] =	sst s10  }
0x35: {  	s10 =	sld [smem:$0x3FB9];
	_ =	sdelay $0x3  }
0x36: {  	p1 =	seq.s32 s10, $0x1;
	s10 =	sld [smem:$0x3FBA];
	_ =	sdelay $0x3  }
0x37: {  	[smem:$0x3FBA] =	sst s10  }
0x38: {  	s10 =	sld [smem:$0x3FBB]  }
0x39: {  	_ = 	snop;
	(pc) =	sbr.ind lr, $3  }
0x3a: {  	_ = 	snop  }
0x3b: {  	_ = 	snop  }
0x3c: {  	p2 =	seq.s32 s10, $0x1;
	s10 =	sld [smem:$0x3FBA]  }
0x3d: {  	_ =	shalt  }
0x3e: {  	_ =	shalt  }
0x3f: {  	_ =	shalt  }
0x40: {  	_ =	shalt  }
0x41: {  	_ =	shalt  }
0x42: {  	_ =	shalt  }
0x43: {  	_ =	shalt  }
0x44: {  	_ =	shalt  }
0x45: {  	_ =	shalt  }
0x46: {  	_ =	shalt  }
0x47: {  	_ =	shalt  }
0x48: {  	_ =	shalt  }
0x49: {  	_ =	shalt  }
0x4a: {  	_ =	shalt  }
0x4b: {  	_ =	shalt  }
0x4c: {  	_ =	shalt  }
0x4d: {  	_ =	shalt  }
0x4e: {  	_ =	shalt  }
0x4f: {  	_ =	shalt  }
0x50: {  	_ =	shalt  }
0x51: {  	_ =	shalt  }
0x52: {  	_ =	shalt  }
0x53: {  	_ =	shalt  }
0x54: {  	_ =	shalt  }
0x55: {  	_ =	shalt  }
0x56: {  	_ =	shalt  }
0x57: {  	_ =	shalt  }
0x58: {  	_ =	shalt  }
0x59: {  	_ =	shalt  }
0x5a: {  	_ =	shalt  }
0x5b: {  	_ =	shalt  }
0x5c: {  	_ =	shalt  }
0x5d: {  	_ =	shalt  }
0x5e: {  	_ =	shalt  }
0x5f: {  	_ =	shalt  }
0x60: {  	_ =	shalt  }
0x61: {  	_ =	shalt  }
0x62: {  	_ =	shalt  }
0x63: {  	_ =	shalt  }
0x64: {  	_ =	shalt  }
0x65: {  	_ =	shalt  }
0x66: {  	_ =	shalt  }
0x67: {  	_ =	shalt  }
0x68: {  	_ =	shalt  }
0x69: {  	_ =	shalt  }
0x6a: {  	_ =	shalt  }
0x6b: {  	_ =	shalt  }
0x6c: {  	_ =	shalt  }
0x6d: {  	_ =	shalt  }
0x6e: {  	_ =	shalt  }
0x6f: {  	_ =	shalt  }
0x70: {  	_ =	shalt  }
0x71: {  	_ =	shalt  }
0x72: {  	_ =	shalt  }
0x73: {  	_ =	shalt  }
0x74: {  	_ =	shalt  }
0x75: {  	_ =	shalt  }
0x76: {  	_ =	shalt  }
0x77: {  	_ =	shalt  }
0x78: {  	_ =	shalt  }
0x79: {  	_ =	shalt  }
0x7a: {  	_ =	shalt  }
0x7b: {  	_ =	shalt  }
0x7c: {  	_ =	shalt  }
0x7d: {  	_ =	shalt  }
0x7e: {  	_ =	shalt  }
0x7f: {  	_ =	shalt  }
0x80: {  	_ =	shalt  }
0x81: {  	_ =	shalt  }
0x82: {  	_ =	shalt  }
0x83: {  	_ =	shalt  }
0x84: {  	_ =	shalt  }
0x85: {  	_ =	shalt  }
0x86: {  	_ =	shalt  }
0x87: {  	_ =	shalt  }
.Lfunc_end0:
.L_simem_size_0:
called_computation_lowered:
.L_overlay_start_0:
0x88: {  	s2 =	sld [smem:$0x3FD9]  }
0x89: {  	s3 =	sld [smem:$0x3FFE];
	_ =	sdelay $0x1  }
0x8a: {  	s1 =	srdreg.scid  }
0x8b: {  	s0 =	sand.u32 $0x1, s1  }
0x8c: {  	s17 =	sshll.u32 s0, $0xA;
	s2 =	sadd.s32 s3, s2  }
0x8d: {  	s2 =	sadd.s32 s2, s17  }
0x8e: {  	[smem:$0x3FC6] =	sst s2  }
0x8f: {  	_ = 	snop  }
0x90: {  	s2 =	sld [smem:$0x3FC9]  }
0x91: {  	s18 =	sld [smem:$0x3FC8];
	(tm) =	ssettm $0x1  }
0x92: {  	s4 =	sld [smem:$0x3FFB];
	_ =	sdelay $0x3  }
0x93: {  	_ =	strace s4  }
0x94: {  	s4 =	sld [smem:$0x3FFC];
	_ =	sdelay $0x3  }
0x95: {  	_ =	strace s4  }
0x96: {  	s4 =	sld [smem:$0x3FFD];
	_ =	sdelay $0x3  }
0x97: {  	_ =	strace s4  }
0x98: {  	_ =	strace $0x8FFFFFFF  }
0x99: {  	s19 =	sld [smem:$0x3FDB];
	_ =	sdelay $0x1  }
0x9a: {  	s5 =	simm.s32 $_scs_section_size  }
0x9b: {  	s6 =	simm.s32 $_size__tile_overlayer_lowered;
	s7 =	simm.s32 $_tile_overlayer_lowered  }
0x9c: {  	s22 =	simm.s32 $0x1BFF;
	s21 =	sshll.u32 s7, $0x1;
	s4 =	sadd.s32 s5, s19  }
0x9d: {  	s8 =	simm.s32 $0x0;
	s20 =	sshll.u32 s6, $0x1;
	s6 =	sadd.s32 s21, s4  }
0x9e: {  	[timem:s8], [sflag:s22] =	dma.local [hbm:s6], s20  }
0x9f: {  	_ =	swait.ge [sflag:s22], s20  }
0xa0: {  	s5 =	ssub.s32 $0x0, s20;
	[sflag:s22] =	ssyncset.done $0x0  }
0xa1: {  	[sflag:s22] =	ssyncadd.s32 s5;
	_ =	sdelay $0x1  }
0xa2: {  	s23 =	simm.s32 $0x1B8B  }
0xa3: {  	_ =	swait.ge [sflag:s23], $0x1  }
0xa4: {  	[sflag:s23] =	ssyncset.done $0x0  }
0xa5: {  	s25 =	simm.s32 $0x1B8E;
	s24 =	sld [smem:$0x3FFE];
	[sflag:s23] =	ssyncadd.s32 $0xFFFFFFFF  }
0xa6: {  	s26 =	simm.s32 $execute0_lowered;
	[smem:$0x3FD2] =	sst s25  }
0xa7: {  	s6 =	sshll.u32 s26, $0x1;
	_ =	strace $0x80000046;
	[dreg:$0x1] =	wrdreg $0xFFFFFFFF  }
0xa8: {  	s28 =	simm.s32 $_size_execute0_lowered;
	s4 =	sadd.s32 s4, s6;
	[dreg:$0x0] =	wrdreg $0x0  }
0xa9: {  	s6 =	sshll.u32 s28, $0x1;
	[dreg:$0x2] =	wrdreg s4  }
0xaa: {  	[dreg:$0x3] =	wrdreg s6  }
0xab: {  	[dreg:$0x4] =	wrdreg $0xC0  }
0xac: {  	_ =	task [dreg:s8], $0x5FFFF  }
0xad: {  	[dreg:$0x1] =	wrdreg $0xFFFFFFFF  }
0xae: {  	[dreg:$0x0] =	wrdreg $0x60  }
0xaf: {  	[dreg:$0x2] =	wrdreg s2  }
0xb0: {  	[dreg:$0x3] =	wrdreg s18  }
0xb1: {  	[dreg:$0x4] =	wrdreg s24  }
0xb2: {  	[dreg:$0x5] =	wrdreg $0x9  }
0xb3: {  	_ =	task.clear_ibuf [dreg:s8], $0x6FFFF;
	_ =	strace $0x90000046  }
0xb4: {  	s29 =	simm.s32 $0x9;
	_ =	strace $0x80000048  }
0xb5: {  	_ =	swait.ge [sflag:s29], $0x1  }
0xb6: {  	[sflag:s29] =	ssyncadd.s32 $0xFFFFFFFF  }
0xb7: {  	_ =	strace $0x90000048  }
0xb8: {  	_ =	sfence  }
0xb9: {  	s30 =	sld [smem:$0x0];
	_ =	sdelay $0x2  }
0xba: {  	s31 =	sshll.u32 s1, $0xD;
	s1 =	sshrl.u32 s1, $0x2  }
0xbb: {  	s3 =	sand.u32 $0x4000, s31;
	s1 =	sadd.s32 s1, s30  }
0xbc: {  	s0 =	sor.u32 s3, s0;
	s1 =	sshll.u32 s1, $0x11  }
0xbd: {  	s0 =	sor.u32 s1, s0  }
0xbe: {  	s0 =	sadd.s32 $0x8F2B, s0  }
0xbf: {  	[sflag:s0] =	ssyncadd.remote.s32 $0x1  }
0xc0: {  	_ =	sfence.sel $0xFFFF  }
0xc1: {  	[dreg:$0x0] =	wrdreg $0xFFFFFFFF;
	(pc) =	sbr.abs _section_cstart, $3  }
0xc2: {  	[dreg:$0x1] =	wrdreg $0xFFFFFFFF  }
0xc3: {  	_ =	task.clear_ibuf [dreg:s8], $0x2FFFF;
	_ =	strace $0x9FFFFFFF  }
0xc4: {  	(tm) =	ssettm $0x7FFFFFFF  }
0xc5: {  	_ =	shalt  }
tec
execute0_lowered:
.L_overlay_start_1:
0x0: {  	(tag) =	ssettag $0x1  }
0x1: {  	s0 =	srdreg.scid;
	s15 =	rddreg [dreg:$0x0]  }
0x2: {  	s1 =	stileid.u32;
	v0 =	vlaneseq.u32;
	s4 =	rddreg [dreg:$0x2];
	s2 =	simm.s32 $0x0  }
0x3: {  	s16 =	simm.s32 $0xC000;
	s17 =	simm.s32 $0x12000;
	s18 =	simm.s32 $0x18000;
	v1 =	vmul.u32 $0x80, v0  }
0x4: {  	v4 =	vimm.s32 $0x0;
	s19 =	simm.s32 $0x4000;
	s20 =	simm.s32 $0x1;
	s21 =	simm.s32 $0x8000  }
0x5: {  	s22 =	simm.s32 $0x1E000;
	s0 =	sand.u32 $0x1, s0;
	s1 =	sshll.u32 s1, $0x1;
	v5 =	vor.u32 $0x1, v1;
	v6 =	vor.u32 $0x2, v1;
	v7 =	vor.u32 $0x3, v1  }
0x6: {  	s23 =	simm.s32 $0x10;
	s28 =	simm.s32 $0x2;
	s1 =	sor.u32 s0, s1;
	v8 =	vor.u32 $0x4, v1;
	v9 =	vor.u32 $0x5, v1;
	v10 =	vor.u32 $0x6, v1  }
0x7: {  	s29 =	simm.s32 $0x3;
	s0 =	ssub.s32 $0x2, s0;
	s1 =	smul.u32 $0x7A80, s1;
	v11 =	vor.u32 $0x7, v1;
	v12 =	vor.u32 $0x8, v1;
	v13 =	vor.u32 $0x9, v1  }
0x8: {  	[smem:$0x7FF] =	sst s2;
	s7 =	sadd.s32 $0x400, s4;
	s24 =	sshrl.u32 s0, $0x1;
	v14 =	vor.u32 $0xA, v1;
	v15 =	vor.u32 $0xB, v1;
	v16 =	vor.u32 $0xC, v1  }
0x9: {  	_ =	strace $0x80000047;
	v17 =	vor.u32 $0xD, v1;
	v18 =	vor.u32 $0xE, v1;
	v19 =	vor.u32 $0xF, v1;
	s0 =	ssub.s32 s0, s24;
	s25 =	sadd.s32 s15, s1  }
0xa: {  	v20 =	vor.u32 $0x10, v1;
	v21 =	vor.u32 $0x11, v1;
	v22 =	vor.u32 $0x12, v1;
	s24 =	simm.s32 $0x1F000;
	s30 =	sadd.s32 $0xC00, s1;
	[dreg:$0x4] =	wrdreg s25  }
.Ltmp0:
0xb: {  	v23 =	vor.u32 $0x13, v1;
	v24 =	vor.u32 $0x14, v1;
	v25 =	vor.u32 $0x15, v1;
	s31 =	sadd.s32 $0xF00, s1;
	[dreg:$0x7] =	wrdreg s30;
	(pc) =	sbr.rel .LBB2_1-.Ltmp0, $4  }
0xc: {  	v26 =	vor.u32 $0x16, v1;
	v27 =	vor.u32 $0x17, v1;
	v28 =	vor.u32 $0x18, v1;
	s3 =	smin.u32 s1, $0xEC7C0;
	s0 =	smax.u32 s0, $0x1;
	[dreg:$0x8] =	wrdreg s31  }
0xd: {  	v29 =	vor.u32 $0x19, v1;
	v30 =	vor.u32 $0x1A, v1;
	v31 =	vor.u32 $0x1B, v1;
	s3 =	sadd.s32 $0x7A80, s3;
	s26 =	sadd.s32 $0x300, s25;
	[dreg:$0x9] =	wrdreg s0  }
0xe: {  	v32 =	vor.u32 $0x1C, v1;
	v33 =	vor.u32 $0x1D, v1;
	v34 =	vor.u32 $0x1E, v1;
	s2 =	sadd.s32 $0x600, s25;
	s25 =	simm.s32 $0x1E800;
	[dreg:$0x5] =	wrdreg s26  }
0xf: {  	v35 =	vor.u32 $0x1F, v1;
	v2 =	vmov s1;
	v3 =	vmov s3;
	[dreg:$0x6] =	wrdreg s2;
	s26 =	simm.s32 $0x1F080;
	s3 =	simm.s32 $0x0  }
.LBB2_45:
0x10: {  	p0 =	slt.s32 s5, $0x1  }
0x11: {  	s0 =	simm.s32 @!p0 $0x4  }
0x12: {  	_ =	swait.ge @!p0 [sflag:s0], $0x800  }
0x13: {  	p1 =	slt.s32 s4, $0x1;
	[sflag:s0] =	ssyncset.done @!p0 $0x0  }
0x14: {  	[sflag:s0] =	ssyncadd.s32 @!p0 $0xFFFFF800;
	s0 =	simm.s32 @!p1 $0x5  }
0x15: {  	_ =	swait.ge @!p1 [sflag:s0], $0x800  }
0x16: {  	s3 =	rddreg [dreg:$0xa]  }
0x17: {  	s2 =	rddreg [dreg:$0x9];
	s3 =	sadd.s32 $0x1, s3  }
0x18: {  	p0 =	sne.s32 s3, s2  }
.Ltmp1:
0x19: {  	_ = 	snop;
	(pc) =	sbr.rel @!p0 .LBB2_46-.Ltmp1, $3  }
0x1a: {  	_ =	sdelay $0x1  }
0x1b: {  	[sflag:s0] =	ssyncset.done @!p1 $0x0  }
0x1c: {  	[sflag:s0] =	ssyncadd.s32 @!p1 $0xFFFFF800  }
.LBB2_1:
0x1d: {  	[dreg:$0xa] =	wrdreg s3  }
0x1e: {  	s0 =	rddreg [dreg:$0x1];
	s2 =	simm.s32 $0x0;
	s12 =	simm.s32 $0x6  }
0x1f: {  	[tilespmem:s2], [sflag:$0x6] =	stream.linear.gather [hbm4b:s0+s2], $0x4000, $0x38;
	[tilespmem:$0x1F100] =	vst v63  }
0x20: {  	_ =	swait.ge [sflag:s12], $0x4000  }
0x21: {  	s14 =	simm.s32 $0x7A1400;
	[sflag:s12] =	ssyncset.done $0x0  }
0x22: {  	s4 =	simm.s32 $0x1800;
	s13 =	rddreg [dreg:$0x4];
	[sflag:s12] =	ssyncadd.s32 $0xFFFFC000  }
0x23: {  	[tilespmem:s16], [sflag:$0x1] =	stream.strided.gather [hbm4b:s13+s4], $0x6000, s14, s4, $0x38;
	[tilespmem:$0x1F100] =	vst v63  }
0x24: {  	s30 =	rddreg [dreg:$0x5]  }
0x25: {  	[tilespmem:s17], [sflag:$0x2] =	stream.strided.gather [hbm4b:s30+s4], $0x6000, s14, s4, $0x38;
	[tilespmem:$0x1F100] =	vst v63  }
0x26: {  	s31 =	rddreg [dreg:$0x6]  }
0x27: {  	[tilespmem:s18], [sflag:$0x3] =	stream.strided.gather [hbm4b:s31+s4], $0x6000, s14, s4, $0x38;
	[tilespmem:$0x1F100] =	vst v63  }
0x28: {  	v36 =	vld [tilespmem:s2+$0x0];
	_ =	sdelay $0x4  }
0x29: {  	vm0 =	vge.s32 v36, v2;
	vm1 =	vlt.s32 v36, v3  }
0x2a: {  	vm0 =	vmand vm0, vm1  }
0x2b: {  	v37 =	vsel vm0, $0x1, v4  }
0x2c: {  	(xrf0) =	vadd.scan.msk.s32 $0xffff, v37  }
0x2d: {  	s6 =	simm.s32 $0x20;
	s3 =	simm.s32 $0x0  }
0x2e: {  	s5 =	simm.s32 $0x0;
	s0 =	simm.s32 $0x10;
	s4 =	simm.s32 $0x0  }
.LBB2_2:
0x2f: {  	p0 =	sne.s32 s6, $0x3FF0;
	_ =	sdelay $0x1  }
0x30: {  	v37 =	vsel vm0, $0xFFFFFFFF, v4  }
0x31: {  	v37 =	vadd.s32 s3, v37;
	v38, _, _ =	vpop (xrf0)  }
0x32: {  	v37 =	vadd.s32 v38, v37;
	(v2sf) =	vpush v38, $0xF  }
0x33: {  	v36 =	vsub.s32 v36, v2  }
0x34: {  	v36 =	vshll.u32 v36, $0xE  }
0x35: {  	v36 =	vadd.s32 s5, v36;
	s5 =	smov.u32 s0;
	s0 =	smov.u32 s6  }
0x36: {  	v36 =	vor.u32 v0, v36  }
0x37: {  	s4 =	sadd.s32 $0x10, s4;
	[tilespmem:v37+s19+$0x0] =	vst.idx.msk vm0, v36  }
0x38: {  	v36 =	vld [tilespmem:s4+$0x0];
	_ =	sdelay $0x4  }
0x39: {  	vm0 =	vge.s32 v36, v2;
	vm1 =	vlt.s32 v36, v3  }
.Ltmp2:
0x3a: {  	vm0 =	vmand vm0, vm1;
	(pc) =	sbr.rel @p0 .LBB2_2-.Ltmp2, $4  }
0x3b: {  	v37 =	vsel vm0, $0x1, v4  }
0x3c: {  	(xrf0) =	vadd.scan.msk.s32 $0xffff, v37  }
0x3d: {  	s8 =	spop (v2sf)  }
0x3e: {  	s6 =	sadd.s32 $0x10, s6;
	s3 =	sadd.s32 s3, s8  }
0x3f: {  	_ =	sdelay $0x1  }
0x40: {  	v37 =	vsel vm0, $0xFFFFFFFF, v4  }
0x41: {  	v37 =	vadd.s32 s3, v37;
	v38, _, _ =	vpop (xrf0)  }
0x42: {  	v37 =	vadd.s32 v38, v37  }
0x43: {  	v36 =	vsub.s32 v36, v2  }
0x44: {  	v36 =	vshll.u32 v36, $0xE  }
0x45: {  	v36 =	vadd.s32 s5, v36  }
0x46: {  	v36 =	vor.u32 v0, v36  }
0x47: {  	s4 =	sadd.s32 $0x10, s4;
	[tilespmem:v37+s19+$0x0] =	vst.idx.msk vm0, v36  }
0x48: {  	v36 =	vld [tilespmem:s4+$0x0];
	_ =	sdelay $0x4  }
0x49: {  	vm15 =	vge.s32 v36, v2;
	vm1 =	vlt.s32 v36, v3  }
0x4a: {  	vm0 =	vmand vm15, vm1  }
0x4b: {  	v62 =	vsel vm0, $0x1, v4  }
0x4c: {  	(xrf0) =	vadd.scan.msk.s32 $0xffff, v62;
	_ =	sdelay $0x2  }
0x4d: {  	(v2sf) =	vpush v38, $0xF;
	_ =	sdelay $0x2  }
0x4e: {  	v37, _, _ =	vpop (xrf0)  }
0x4f: {  	(v2sf) =	vpush v37, $0xF;
	_ =	sdelay $0xa  }
0x50: {  	s12 =	spop (v2sf)  }
0x51: {  	v63 =	vsel vm0, $0xFFFFFFFF, v4;
	s13 =	sadd.s32 s3, s12  }
0x52: {  	v38 =	vadd.s32 s13, v63  }
0x53: {  	v37 =	vadd.s32 v37, v38  }
0x54: {  	v36 =	vsub.s32 v36, v2;
	s14 =	spop (v2sf)  }
0x55: {  	v36 =	vshll.u32 v36, $0xE;
	s3 =	sadd.s32 s13, s14  }
0x56: {  	v36 =	vadd.s32 s0, v36;
	s30 =	sadd.s32 $0xF, s3  }
0x57: {  	s5 =	simm.s32 $0x0;
	v36 =	vor.u32 v0, v36;
	s31 =	sshra.s32 s30, $0x4  }
0x58: {  	s4 =	simm.s32 $0x0;
	[tilespmem:v37+s19+$0x0] =	vst.idx.msk vm0, v36;
	v36 =	vmov s3;
	s3 =	simm.s32 $0x0;
	p0 =	slt.s32 s31, $0x1  }
.LBB2_4:
.Ltmp3:
0x59: {  	(pc) =	sbr.rel @p0 .LBB2_17-.Ltmp3, $4  }
0x5a: {  	_ = 	snop  }
0x5b: {  	_ =	swait.ge [sflag:s20], $0x6000;
	s0 =	smul.u32 $0x900, s3  }
0x5c: {  	[sflag:s20] =	ssyncset.done $0x0  }
0x5d: {  	[sflag:s20] =	ssyncadd.s32 $0xFFFFA000;
	s9 =	sadd.s32 $0x300, s0  }
0x5e: {  	p2 =	sne.s32 s31, $0x1  }
.Ltmp4:
0x5f: {  	_ = 	snop;
	(pc) =	sbr.rel @!p2 .LBB2_6-.Ltmp4, $4  }
0x60: {  	s6 =	sadd.s32 s1, s0  }
0x61: {  	s8 =	simm.s32 $0x4000;
	p1 =	slt.s32 s6, $0xF3F80  }
0x62: {  	v37 =	vld [tilespmem:s8+$0x0];
	s8 =	sadd.s32 $0xFFFFFFFF, s31;
	s6 =	simm.s32 @!p1 $0xF3F80  }
0x63: {  	v38 =	vmov s0;
	v39 =	vmov s9;
	p1 =	por $0x0, $0x0;
	s12 =	ssub.s32 s6, s1;
	s6 =	simm.s32 $0x0  }
0x64: {  	_ =	sdelay $0x2  }
0x65: {  	v41 =	vor.u32 s6, v0;
	v40 =	vshra.s32 v37, $0xE  }
0x66: {  	vm0 =	vlt.s32 v41, v36;
	vm1 =	vlt.s32 v40, v39  }
0x67: {  	vm2 =	vge.s32 v40, v38;
	vm0 =	vmand vm0, vm1  }
0x68: {  	vm0 =	vmand vm0, vm2  }
0x69: {  	v61 =	vsel vm0, $0x1, v4  }
0x6a: {  	(xrf0) =	vadd.scan.msk.s32 $0xffff, v61;
	_ =	sdelay $0x4  }
0x6b: {  	v62 =	vsel vm0, $0xFFFFFFFF, v4  }
0x6c: {  	v40 =	vadd.s32 s6, v62;
	v63, _, _ =	vpop (xrf0)  }
0x6d: {  	v40 =	vadd.s32 v63, v40;
	(v2sf) =	vpush v63, $0xF  }
0x6e: {  	p2 =	sne.s32 s8, $0x1  }
.Ltmp5:
0x6f: {  	_ = 	snop;
	(pc) =	sbr.rel @!p2 .LBB2_8-.Ltmp5, $3  }
0x70: {  	_ =	sdelay $0x1  }
0x71: {  	s14 =	simm.s32 $0x4010;
	s11 =	sadd.s32 $0xFFFFFFFF, s8;
	[tilespmem:v40+s21+$0x0] =	vst.idx.msk vm0, v37  }
0x72: {  	p1 =	por $0x1, $0x1;
	s13 =	simm.s32 $0x0;
	s8 =	simm.s32 $0x0;
	v37 =	vld [tilespmem:s14+$0x0]  }
.LBB2_9:
0x73: {  	p2 =	sne.s32 s11, $0x1;
	_ =	sdelay $0x2  }
0x74: {  	s13 =	sadd.s32 $0x10, s13  }
0x75: {  	v41 =	vor.u32 s13, v0;
	v40 =	vshra.s32 v37, $0xE  }
0x76: {  	vm0 =	vlt.s32 v41, v36;
	vm1 =	vlt.s32 v40, v39  }
0x77: {  	vm2 =	vge.s32 v40, v38;
	vm0 =	vmand vm0, vm1  }
0x78: {  	vm0 =	vmand vm0, vm2  }
0x79: {  	v40 =	vsel vm0, $0xFFFFFFFF, v4;
	v41 =	vsel vm0, $0x1, v4;
	s10 =	spop (v2sf)  }
0x7a: {  	(xrf0) =	vadd.scan.msk.s32 $0xffff, v41;
	s8 =	sadd.s32 s8, s10  }
0x7b: {  	v40 =	vadd.s32 s8, v40;
	_ =	sdelay $0x4  }
0x7c: {  	v41, _, _ =	vpop (xrf0)  }
0x7d: {  	v40 =	vadd.s32 v41, v40;
	(v2sf) =	vpush v41, $0xF;
	_ =	sdelay $0x1  }
.Ltmp6:
0x7e: {  	(pc) =	sbr.rel @p2 .LBB2_9-.Ltmp6, $3  }
0x7f: {  	_ =	sdelay $0x1  }
0x80: {  	s14 =	sadd.s32 $0x10, s14;
	[tilespmem:v40+s21+$0x0] =	vst.idx.msk vm0, v37  }
0x81: {  	s11 =	sadd.s32 $0xFFFFFFFF, s11;
	v37 =	vld [tilespmem:s14+$0x0]  }
.LBB2_10:
0x82: {  	_ =	sdelay $0x1  }
0x83: {  	s10 =	sadd.s32 @p1 $0x10, s13;
	s11 =	simm.s32 $0x0  }
0x84: {  	s11 =	smov.u32 @p1 s10  }
0x85: {  	v41 =	vor.u32 s11, v0;
	v40 =	vshra.s32 v37, $0xE  }
0x86: {  	vm0 =	vlt.s32 v41, v36;
	vm1 =	vlt.s32 v40, v39  }
0x87: {  	vm2 =	vge.s32 v40, v38;
	vm0 =	vmand vm0, vm1  }
0x88: {  	vm0 =	vmand vm0, vm2  }
0x89: {  	v62 =	vsel vm0, $0x1, v4  }
0x8a: {  	(xrf0) =	vadd.scan.msk.s32 $0xffff, v62;
	_ =	sdelay $0x5  }
0x8b: {  	v38, _, _ =	vpop (xrf0)  }
0x8c: {  	(v2sf) =	vpush v38, $0xF;
	_ =	sdelay $0xc  }
0x8d: {  	s10 =	spop @p1 (v2sf)  }
0x8e: {  	s8 =	sadd.s32 @p1 s8, s10  }
0x8f: {  	v63 =	vsel vm0, $0xFFFFFFFF, v4;
	s6 =	smov.u32 @p1 s8;
	s30 =	spop (v2sf)  }
0x90: {  	v39 =	vadd.s32 s6, v63;
	s6 =	sadd.s32 s6, s30  }
0x91: {  	s8 =	sadd.s32 $0x1F, s6  }
0x92: {  	s8 =	sshra.s32 s8, $0x5  }
0x93: {  	v38 =	vadd.s32 v38, v39;
	p1 =	slt.s32 s8, $0x1  }
.Ltmp7:
0x94: {  	_ = 	snop;
	(pc) =	sbr.rel @p1 .LBB2_17-.Ltmp7, $2  }
0x95: {  	_ =	sdelay $0x2  }
0x96: {  	[tilespmem:v38+s21+$0x0] =	vst.idx.msk vm0, v37  }
.Ltmp8:
0x97: {  	(pc) =	sbr.rel .LBB2_12-.Ltmp8, $2  }
0x98: {  	_ =	sdelay $0x2  }
0x99: {  	v37 =	vmov s6;
	v38 =	vmov s12;
	s12 =	simm.s32 $0x8010;
	s13 =	simm.s32 $0x0  }
.LBB2_16:
0x9a: {  	s8 =	sadd.s32 $0xFFFFFFFF, s8  }
0x9b: {  	p1 =	sne.s32 s8, $0x0  }
.Ltmp9:
0x9c: {  	_ = 	snop;
	(pc) =	sbr.rel @!p1 .LBB2_17-.Ltmp9, $2  }
0x9d: {  	_ =	sdelay $0x2  }
0x9e: {  	s12 =	sadd.s32 $0x20, s12;
	s13 =	sadd.s32 $0x20, s13  }
.LBB2_12:
0x9f: {  	p1 =	sge.s32 s13, s6  }
.Ltmp10:
0xa0: {  	_ = 	snop;
	(pc) =	sbr.rel @p1 .LBB2_14-.Ltmp10, $1  }
0xa1: {  	_ =	sdelay $0x3  }
0xa2: {  	v39 =	vld [tilespmem:s12+$0xFFFFFFF0];
	_ =	sdelay $0x4  }
0xa3: {  	v40 =	vor.u32 s13, v0;
	v41 =	vbroadcast v39, $0x0  }
0xa4: {  	vm0 =	vlt.s32 v40, v37  }
0xa5: {  	v39 =	vsel vm0, v39, v41  }
0xa6: {  	v52 =	vshra.s32 v39, $0xE  }
0xa7: {  	v40 =	vsub.s32 v52, v38  }
0xa8: {  	v53 =	vshll.u32 v40, $0x3  }
0xa9: {  	v40 =	vand.u32 $0x7F, v40;
	v41 =	vand.u32 $0xFFFFFC00, v53  }
0xaa: {  	p1 =	slt.s32 s5, $0x1;
	v40 =	vor.u32 v40, v41  }
0xab: {  	s5 =	simm.s32 @!p1 $0x4  }
0xac: {  	_ =	swait.ge @!p1 [sflag:s5], $0x800  }
0xad: {  	[sflag:s5] =	ssyncset.done @!p1 $0x0  }
0xae: {  	[sflag:s5] =	ssyncadd.s32 @!p1 $0xFFFFF800  }
0xaf: {  	v41 =	vld.idx.msk [tilespmem:v40+s16+$0x0], $0xffff  }
0xb0: {  	v42 =	vor.u32 $0x80, v40;
	_ =	sdelay $0x3  }
0xb1: {  	[tilespmem:v1+s22+$0x0] =	vst.idx.msk $0xffff, v41  }
0xb2: {  	v41 =	vld.idx.msk [tilespmem:v42+s16+$0x0], $0xffff  }
0xb3: {  	v54 =	vor.u32 $0x100, v40;
	_ =	sdelay $0x3  }
0xb4: {  	[tilespmem:v5+s22+$0x0] =	vst.idx.msk $0xffff, v41  }
0xb5: {  	v41 =	vld.idx.msk [tilespmem:v54+s16+$0x0], $0xffff  }
0xb6: {  	v55 =	vor.u32 $0x180, v40;
	_ =	sdelay $0x3  }
0xb7: {  	[tilespmem:v6+s22+$0x0] =	vst.idx.msk $0xffff, v41  }
0xb8: {  	v41 =	vld.idx.msk [tilespmem:v55+s16+$0x0], $0xffff  }
0xb9: {  	v56 =	vor.u32 $0x200, v40;
	_ =	sdelay $0x3  }
0xba: {  	[tilespmem:v7+s22+$0x0] =	vst.idx.msk $0xffff, v41  }
0xbb: {  	v41 =	vld.idx.msk [tilespmem:v56+s16+$0x0], $0xffff  }
0xbc: {  	v57 =	vor.u32 $0x280, v40;
	_ =	sdelay $0x3  }
0xbd: {  	[tilespmem:v8+s22+$0x0] =	vst.idx.msk $0xffff, v41  }
0xbe: {  	v41 =	vld.idx.msk [tilespmem:v57+s16+$0x0], $0xffff  }
0xbf: {  	v58 =	vor.u32 $0x300, v40;
	_ =	sdelay $0x3  }
0xc0: {  	[tilespmem:v9+s22+$0x0] =	vst.idx.msk $0xffff, v41  }
0xc1: {  	v41 =	vld.idx.msk [tilespmem:v58+s16+$0x0], $0xffff  }
0xc2: {  	v59 =	vor.u32 $0x380, v40;
	_ =	sdelay $0x3  }
0xc3: {  	[tilespmem:v10+s22+$0x0] =	vst.idx.msk $0xffff, v41  }
0xc4: {  	v41 =	vld.idx.msk [tilespmem:v59+s16+$0x0], $0xffff  }
0xc5: {  	v60 =	vadd.s32 $0x1800, v40;
	_ =	sdelay $0x3  }
0xc6: {  	[tilespmem:v11+s22+$0x0] =	vst.idx.msk $0xffff, v41  }
0xc7: {  	v41 =	vld.idx.msk [tilespmem:v60+s16+$0x0], $0xffff  }
0xc8: {  	v61 =	vadd.s32 $0x1880, v40;
	_ =	sdelay $0x3  }
0xc9: {  	[tilespmem:v12+s22+$0x0] =	vst.idx.msk $0xffff, v41  }
0xca: {  	v41 =	vld.idx.msk [tilespmem:v61+s16+$0x0], $0xffff  }
0xcb: {  	v62 =	vadd.s32 $0x1900, v40;
	_ =	sdelay $0x3  }
0xcc: {  	[tilespmem:v13+s22+$0x0] =	vst.idx.msk $0xffff, v41  }
0xcd: {  	v41 =	vld.idx.msk [tilespmem:v62+s16+$0x0], $0xffff  }
0xce: {  	v63 =	vadd.s32 $0x1980, v40;
	_ =	sdelay $0x3  }
0xcf: {  	[tilespmem:v14+s22+$0x0] =	vst.idx.msk $0xffff, v41  }
0xd0: {  	v41 =	vld.idx.msk [tilespmem:v63+s16+$0x0], $0xffff  }
0xd1: {  	v45 =	vadd.s32 $0x1A00, v40;
	_ =	sdelay $0x3  }
0xd2: {  	[tilespmem:v15+s22+$0x0] =	vst.idx.msk $0xffff, v41  }
0xd3: {  	v41 =	vld.idx.msk [tilespmem:v45+s16+$0x0], $0xffff  }
0xd4: {  	v46 =	vadd.s32 $0x1A80, v40;
	_ =	sdelay $0x3  }
0xd5: {  	[tilespmem:v16+s22+$0x0] =	vst.idx.msk $0xffff, v41  }
0xd6: {  	v41 =	vld.idx.msk [tilespmem:v46+s16+$0x0], $0xffff  }
0xd7: {  	v47 =	vadd.s32 $0x1B00, v40;
	_ =	sdelay $0x3  }
0xd8: {  	[tilespmem:v17+s22+$0x0] =	vst.idx.msk $0xffff, v41  }
0xd9: {  	v41 =	vld.idx.msk [tilespmem:v47+s16+$0x0], $0xffff  }
0xda: {  	v48 =	vadd.s32 $0x1B80, v40;
	_ =	sdelay $0x3  }
0xdb: {  	[tilespmem:v18+s22+$0x0] =	vst.idx.msk $0xffff, v41  }
0xdc: {  	v41 =	vld.idx.msk [tilespmem:v48+s16+$0x0], $0xffff  }
0xdd: {  	v49 =	vadd.s32 $0x3000, v40;
	_ =	sdelay $0x3  }
0xde: {  	[tilespmem:v19+s22+$0x0] =	vst.idx.msk $0xffff, v41  }
0xdf: {  	v41 =	vld.idx.msk [tilespmem:v49+s16+$0x0], $0xffff  }
0xe0: {  	v50 =	vadd.s32 $0x3080, v40;
	_ =	sdelay $0x3  }
0xe1: {  	[tilespmem:v20+s22+$0x0] =	vst.idx.msk $0xffff, v41  }
0xe2: {  	v41 =	vld.idx.msk [tilespmem:v50+s16+$0x0], $0xffff  }
0xe3: {  	v51 =	vadd.s32 $0x3100, v40;
	_ =	sdelay $0x3  }
0xe4: {  	[tilespmem:v21+s22+$0x0] =	vst.idx.msk $0xffff, v41  }
0xe5: {  	v41 =	vld.idx.msk [tilespmem:v51+s16+$0x0], $0xffff  }
0xe6: {  	v52 =	vadd.s32 $0x3180, v40;
	_ =	sdelay $0x3  }
0xe7: {  	[tilespmem:v22+s22+$0x0] =	vst.idx.msk $0xffff, v41  }
0xe8: {  	v41 =	vld.idx.msk [tilespmem:v52+s16+$0x0], $0xffff  }
0xe9: {  	v53 =	vadd.s32 $0x3200, v40;
	_ =	sdelay $0x3  }
0xea: {  	[tilespmem:v23+s22+$0x0] =	vst.idx.msk $0xffff, v41  }
0xeb: {  	v41 =	vld.idx.msk [tilespmem:v53+s16+$0x0], $0xffff  }
0xec: {  	v54 =	vadd.s32 $0x3280, v40;
	_ =	sdelay $0x3  }
0xed: {  	[tilespmem:v24+s22+$0x0] =	vst.idx.msk $0xffff, v41  }
0xee: {  	v41 =	vld.idx.msk [tilespmem:v54+s16+$0x0], $0xffff  }
0xef: {  	v55 =	vadd.s32 $0x3300, v40;
	_ =	sdelay $0x3  }
0xf0: {  	[tilespmem:v25+s22+$0x0] =	vst.idx.msk $0xffff, v41  }
0xf1: {  	v41 =	vld.idx.msk [tilespmem:v55+s16+$0x0], $0xffff  }
0xf2: {  	v56 =	vadd.s32 $0x3380, v40;
	_ =	sdelay $0x3  }
0xf3: {  	[tilespmem:v26+s22+$0x0] =	vst.idx.msk $0xffff, v41  }
0xf4: {  	v41 =	vld.idx.msk [tilespmem:v56+s16+$0x0], $0xffff  }
0xf5: {  	v57 =	vadd.s32 $0x4800, v40;
	_ =	sdelay $0x3  }
0xf6: {  	[tilespmem:v27+s22+$0x0] =	vst.idx.msk $0xffff, v41  }
0xf7: {  	v41 =	vld.idx.msk [tilespmem:v57+s16+$0x0], $0xffff  }
0xf8: {  	v58 =	vadd.s32 $0x4880, v40;
	_ =	sdelay $0x3  }
0xf9: {  	[tilespmem:v28+s22+$0x0] =	vst.idx.msk $0xffff, v41  }
0xfa: {  	v41 =	vld.idx.msk [tilespmem:v58+s16+$0x0], $0xffff  }
0xfb: {  	v59 =	vadd.s32 $0x4900, v40;
	_ =	sdelay $0x3  }
0xfc: {  	[tilespmem:v29+s22+$0x0] =	vst.idx.msk $0xffff, v41  }
0xfd: {  	v41 =	vld.idx.msk [tilespmem:v59+s16+$0x0], $0xffff  }
0xfe: {  	v60 =	vadd.s32 $0x4980, v40;
	_ =	sdelay $0x3  }
0xff: {  	[tilespmem:v30+s22+$0x0] =	vst.idx.msk $0xffff, v41  }
0x100: {  	v41 =	vld.idx.msk [tilespmem:v60+s16+$0x0], $0xffff  }
0x101: {  	v61 =	vadd.s32 $0x4A00, v40;
	_ =	sdelay $0x3  }
0x102: {  	[tilespmem:v31+s22+$0x0] =	vst.idx.msk $0xffff, v41  }
0x103: {  	v41 =	vld.idx.msk [tilespmem:v61+s16+$0x0], $0xffff  }
0x104: {  	v62 =	vadd.s32 $0x4A80, v40;
	_ =	sdelay $0x3  }
0x105: {  	[tilespmem:v32+s22+$0x0] =	vst.idx.msk $0xffff, v41  }
0x106: {  	v41 =	vld.idx.msk [tilespmem:v62+s16+$0x0], $0xffff  }
0x107: {  	v63 =	vadd.s32 $0x4B00, v40;
	_ =	sdelay $0x3  }
0x108: {  	[tilespmem:v33+s22+$0x0] =	vst.idx.msk $0xffff, v41  }
0x109: {  	v41 =	vld.idx.msk [tilespmem:v63+s16+$0x0], $0xffff  }
0x10a: {  	v40 =	vadd.s32 $0x4B80, v40;
	_ =	sdelay $0x3  }
0x10b: {  	[tilespmem:v34+s22+$0x0] =	vst.idx.msk $0xffff, v41  }
0x10c: {  	v40 =	vld.idx.msk [tilespmem:v40+s16+$0x0], $0xffff;
	_ =	sdelay $0x4  }
0x10d: {  	v39 =	vand.u32 $0x3FFF, v39;
	[tilespmem:v35+s22+$0x0] =	vst.idx.msk $0xffff, v40  }
0x10e: {  	s5 =	simm.s32 $0x1;
	[tilespmem:$0x1F000] =	vst v39  }
0x10f: {  	[hbm4b:s7+s23] =	stream.indirect.scatter [tilespmem:s22], [sflag:$0x4], $0x80, s24, s23, $0xb8;
	[tilespmem:$0x1F100] =	vst v63  }
.LBB2_14:
0x110: {  	s10 =	sadd.s32 $0x10, s13  }
0x111: {  	p1 =	sge.s32 s10, s6  }
.Ltmp11:
0x112: {  	_ = 	snop;
	(pc) =	sbr.rel @p1 .LBB2_16-.Ltmp11, $1  }
0x113: {  	_ =	sdelay $0x3  }
0x114: {  	v39 =	vld [tilespmem:s12+$0x0];
	_ =	sdelay $0x4  }
0x115: {  	v40 =	vor.u32 s10, v0;
	v41 =	vbroadcast v39, $0x0  }
0x116: {  	vm0 =	vlt.s32 v40, v37  }
0x117: {  	v39 =	vsel vm0, v39, v41  }
0x118: {  	v52 =	vshra.s32 v39, $0xE  }
0x119: {  	v40 =	vsub.s32 v52, v38  }
0x11a: {  	v53 =	vshll.u32 v40, $0x3  }
0x11b: {  	v40 =	vand.u32 $0x7F, v40;
	v41 =	vand.u32 $0xFFFFFC00, v53  }
0x11c: {  	p1 =	slt.s32 s4, $0x1;
	v40 =	vor.u32 v40, v41  }
0x11d: {  	s4 =	simm.s32 @!p1 $0x5  }
0x11e: {  	_ =	swait.ge @!p1 [sflag:s4], $0x800  }
0x11f: {  	[sflag:s4] =	ssyncset.done @!p1 $0x0  }
0x120: {  	[sflag:s4] =	ssyncadd.s32 @!p1 $0xFFFFF800  }
0x121: {  	v41 =	vld.idx.msk [tilespmem:v40+s16+$0x0], $0xffff  }
0x122: {  	v42 =	vor.u32 $0x80, v40;
	_ =	sdelay $0x3  }
0x123: {  	[tilespmem:v1+s25+$0x0] =	vst.idx.msk $0xffff, v41  }
0x124: {  	v41 =	vld.idx.msk [tilespmem:v42+s16+$0x0], $0xffff  }
0x125: {  	v54 =	vor.u32 $0x100, v40;
	_ =	sdelay $0x3  }
0x126: {  	[tilespmem:v5+s25+$0x0] =	vst.idx.msk $0xffff, v41  }
0x127: {  	v41 =	vld.idx.msk [tilespmem:v54+s16+$0x0], $0xffff  }
0x128: {  	v55 =	vor.u32 $0x180, v40;
	_ =	sdelay $0x3  }
0x129: {  	[tilespmem:v6+s25+$0x0] =	vst.idx.msk $0xffff, v41  }
0x12a: {  	v41 =	vld.idx.msk [tilespmem:v55+s16+$0x0], $0xffff  }
0x12b: {  	v56 =	vor.u32 $0x200, v40;
	_ =	sdelay $0x3  }
0x12c: {  	[tilespmem:v7+s25+$0x0] =	vst.idx.msk $0xffff, v41  }
0x12d: {  	v41 =	vld.idx.msk [tilespmem:v56+s16+$0x0], $0xffff  }
0x12e: {  	v57 =	vor.u32 $0x280, v40;
	_ =	sdelay $0x3  }
0x12f: {  	[tilespmem:v8+s25+$0x0] =	vst.idx.msk $0xffff, v41  }
0x130: {  	v41 =	vld.idx.msk [tilespmem:v57+s16+$0x0], $0xffff  }
0x131: {  	v58 =	vor.u32 $0x300, v40;
	_ =	sdelay $0x3  }
0x132: {  	[tilespmem:v9+s25+$0x0] =	vst.idx.msk $0xffff, v41  }
0x133: {  	v41 =	vld.idx.msk [tilespmem:v58+s16+$0x0], $0xffff  }
0x134: {  	v59 =	vor.u32 $0x380, v40;
	_ =	sdelay $0x3  }
0x135: {  	[tilespmem:v10+s25+$0x0] =	vst.idx.msk $0xffff, v41  }
0x136: {  	v41 =	vld.idx.msk [tilespmem:v59+s16+$0x0], $0xffff  }
0x137: {  	v60 =	vadd.s32 $0x1800, v40;
	_ =	sdelay $0x3  }
0x138: {  	[tilespmem:v11+s25+$0x0] =	vst.idx.msk $0xffff, v41  }
0x139: {  	v41 =	vld.idx.msk [tilespmem:v60+s16+$0x0], $0xffff  }
0x13a: {  	v61 =	vadd.s32 $0x1880, v40;
	_ =	sdelay $0x3  }
0x13b: {  	[tilespmem:v12+s25+$0x0] =	vst.idx.msk $0xffff, v41  }
0x13c: {  	v41 =	vld.idx.msk [tilespmem:v61+s16+$0x0], $0xffff  }
0x13d: {  	v62 =	vadd.s32 $0x1900, v40;
	_ =	sdelay $0x3  }
0x13e: {  	[tilespmem:v13+s25+$0x0] =	vst.idx.msk $0xffff, v41  }
0x13f: {  	v41 =	vld.idx.msk [tilespmem:v62+s16+$0x0], $0xffff  }
0x140: {  	v63 =	vadd.s32 $0x1980, v40;
	_ =	sdelay $0x3  }
0x141: {  	[tilespmem:v14+s25+$0x0] =	vst.idx.msk $0xffff, v41  }
0x142: {  	v41 =	vld.idx.msk [tilespmem:v63+s16+$0x0], $0xffff  }
0x143: {  	v45 =	vadd.s32 $0x1A00, v40;
	_ =	sdelay $0x3  }
0x144: {  	[tilespmem:v15+s25+$0x0] =	vst.idx.msk $0xffff, v41  }
0x145: {  	v41 =	vld.idx.msk [tilespmem:v45+s16+$0x0], $0xffff  }
0x146: {  	v46 =	vadd.s32 $0x1A80, v40;
	_ =	sdelay $0x3  }
0x147: {  	[tilespmem:v16+s25+$0x0] =	vst.idx.msk $0xffff, v41  }
0x148: {  	v41 =	vld.idx.msk [tilespmem:v46+s16+$0x0], $0xffff  }
0x149: {  	v47 =	vadd.s32 $0x1B00, v40;
	_ =	sdelay $0x3  }
0x14a: {  	[tilespmem:v17+s25+$0x0] =	vst.idx.msk $0xffff, v41  }
0x14b: {  	v41 =	vld.idx.msk [tilespmem:v47+s16+$0x0], $0xffff  }
0x14c: {  	v48 =	vadd.s32 $0x1B80, v40;
	_ =	sdelay $0x3  }
0x14d: {  	[tilespmem:v18+s25+$0x0] =	vst.idx.msk $0xffff, v41  }
0x14e: {  	v41 =	vld.idx.msk [tilespmem:v48+s16+$0x0], $0xffff  }
0x14f: {  	v49 =	vadd.s32 $0x3000, v40;
	_ =	sdelay $0x3  }
0x150: {  	[tilespmem:v19+s25+$0x0] =	vst.idx.msk $0xffff, v41  }
0x151: {  	v41 =	vld.idx.msk [tilespmem:v49+s16+$0x0], $0xffff  }
0x152: {  	v50 =	vadd.s32 $0x3080, v40;
	_ =	sdelay $0x3  }
0x153: {  	[tilespmem:v20+s25+$0x0] =	vst.idx.msk $0xffff, v41  }
0x154: {  	v41 =	vld.idx.msk [tilespmem:v50+s16+$0x0], $0xffff  }
0x155: {  	v51 =	vadd.s32 $0x3100, v40;
	_ =	sdelay $0x3  }
0x156: {  	[tilespmem:v21+s25+$0x0] =	vst.idx.msk $0xffff, v41  }
0x157: {  	v41 =	vld.idx.msk [tilespmem:v51+s16+$0x0], $0xffff  }
0x158: {  	v52 =	vadd.s32 $0x3180, v40;
	_ =	sdelay $0x3  }
0x159: {  	[tilespmem:v22+s25+$0x0] =	vst.idx.msk $0xffff, v41  }
0x15a: {  	v41 =	vld.idx.msk [tilespmem:v52+s16+$0x0], $0xffff  }
0x15b: {  	v53 =	vadd.s32 $0x3200, v40;
	_ =	sdelay $0x3  }
0x15c: {  	[tilespmem:v23+s25+$0x0] =	vst.idx.msk $0xffff, v41  }
0x15d: {  	v41 =	vld.idx.msk [tilespmem:v53+s16+$0x0], $0xffff  }
0x15e: {  	v54 =	vadd.s32 $0x3280, v40;
	_ =	sdelay $0x3  }
0x15f: {  	[tilespmem:v24+s25+$0x0] =	vst.idx.msk $0xffff, v41  }
0x160: {  	v41 =	vld.idx.msk [tilespmem:v54+s16+$0x0], $0xffff  }
0x161: {  	v55 =	vadd.s32 $0x3300, v40;
	_ =	sdelay $0x3  }
0x162: {  	[tilespmem:v25+s25+$0x0] =	vst.idx.msk $0xffff, v41  }
0x163: {  	v41 =	vld.idx.msk [tilespmem:v55+s16+$0x0], $0xffff  }
0x164: {  	v56 =	vadd.s32 $0x3380, v40;
	_ =	sdelay $0x3  }
0x165: {  	[tilespmem:v26+s25+$0x0] =	vst.idx.msk $0xffff, v41  }
0x166: {  	v41 =	vld.idx.msk [tilespmem:v56+s16+$0x0], $0xffff  }
0x167: {  	v57 =	vadd.s32 $0x4800, v40;
	_ =	sdelay $0x3  }
0x168: {  	[tilespmem:v27+s25+$0x0] =	vst.idx.msk $0xffff, v41  }
0x169: {  	v41 =	vld.idx.msk [tilespmem:v57+s16+$0x0], $0xffff  }
0x16a: {  	v58 =	vadd.s32 $0x4880, v40;
	_ =	sdelay $0x3  }
0x16b: {  	[tilespmem:v28+s25+$0x0] =	vst.idx.msk $0xffff, v41  }
0x16c: {  	v41 =	vld.idx.msk [tilespmem:v58+s16+$0x0], $0xffff  }
0x16d: {  	v59 =	vadd.s32 $0x4900, v40;
	_ =	sdelay $0x3  }
0x16e: {  	[tilespmem:v29+s25+$0x0] =	vst.idx.msk $0xffff, v41  }
0x16f: {  	v41 =	vld.idx.msk [tilespmem:v59+s16+$0x0], $0xffff  }
0x170: {  	v60 =	vadd.s32 $0x4980, v40;
	_ =	sdelay $0x3  }
0x171: {  	[tilespmem:v30+s25+$0x0] =	vst.idx.msk $0xffff, v41  }
0x172: {  	v41 =	vld.idx.msk [tilespmem:v60+s16+$0x0], $0xffff  }
0x173: {  	v61 =	vadd.s32 $0x4A00, v40;
	_ =	sdelay $0x3  }
0x174: {  	[tilespmem:v31+s25+$0x0] =	vst.idx.msk $0xffff, v41  }
0x175: {  	v41 =	vld.idx.msk [tilespmem:v61+s16+$0x0], $0xffff  }
0x176: {  	v62 =	vadd.s32 $0x4A80, v40;
	_ =	sdelay $0x3  }
0x177: {  	[tilespmem:v32+s25+$0x0] =	vst.idx.msk $0xffff, v41  }
0x178: {  	v41 =	vld.idx.msk [tilespmem:v62+s16+$0x0], $0xffff  }
0x179: {  	v63 =	vadd.s32 $0x4B00, v40;
	_ =	sdelay $0x3  }
0x17a: {  	[tilespmem:v33+s25+$0x0] =	vst.idx.msk $0xffff, v41  }
0x17b: {  	v41 =	vld.idx.msk [tilespmem:v63+s16+$0x0], $0xffff  }
0x17c: {  	v40 =	vadd.s32 $0x4B80, v40;
	_ =	sdelay $0x3  }
0x17d: {  	[tilespmem:v34+s25+$0x0] =	vst.idx.msk $0xffff, v41  }
0x17e: {  	v40 =	vld.idx.msk [tilespmem:v40+s16+$0x0], $0xffff;
	_ =	sdelay $0x2  }
.Ltmp12:
0x17f: {  	_ = 	snop;
	(pc) =	sbr.rel .LBB2_16-.Ltmp12, $4  }
0x180: {  	_ = 	snop  }
0x181: {  	v39 =	vand.u32 $0x3FFF, v39;
	[tilespmem:v35+s25+$0x0] =	vst.idx.msk $0xffff, v40  }
0x182: {  	s4 =	simm.s32 $0x1;
	[tilespmem:$0x1F080] =	vst v39  }
0x183: {  	[hbm4b:s7+s23] =	stream.indirect.scatter [tilespmem:s25], [sflag:$0x5], $0x80, s26, s23, $0xb8;
	[tilespmem:$0x1F100] =	vst v63  }
.LBB2_17:
0x184: {  	s6 =	smul.u32 $0x3, s3;
	_ =	sdelay $0x1  }
0x185: {  	p1 =	seq.s32 s3, $0xD;
	s8 =	sadd.s32 $0x3, s6  }
0x186: {  	s6 =	smul.u32 @!p1 $0x300, s8;
	_ =	sdelay $0x1  }
0x187: {  	s6 =	sadd.s32 @!p1 s1, s6  }
0x188: {  	p2 =	slt.s32 @!p1 s6, $0xF3F80  }
0x189: {  	p2 =	por !p2, p1  }
0x18a: {  	s13 =	simm.s32 @!p1 $0x7A1400;
	s11 =	simm.s32 @!p1 $0xC000;
	s6 =	simm.s32 @p2 $0xF3F80  }
.Ltmp13:
0x18b: {  	s10 =	sadd.s32 @!p1 s15, s6;
	s6 =	simm.s32 @!p1 $0x1800;
	(pc) =	sbr.rel @p0 .LBB2_30-.Ltmp13, $4  }
0x18c: {  	[tilespmem:s11], [sflag:$0x1] =	stream.strided.gather @!p1 [hbm4b:s10+s6], $0x6000, s13, s6, $0x38;
	[tilespmem:$0x1F100] =	vst v63  }
0x18d: {  	_ =	swait.ge [sflag:s28], $0x6000  }
0x18e: {  	[sflag:s28] =	ssyncset.done $0x0  }
0x18f: {  	s12 =	sadd.s32 $0x600, s0;
	[sflag:s28] =	ssyncadd.s32 $0xFFFFA000  }
0x190: {  	p3 =	sne.s32 s31, $0x1  }
.Ltmp14:
0x191: {  	_ = 	snop;
	(pc) =	sbr.rel @!p3 .LBB2_19-.Ltmp14, $4  }
0x192: {  	s10 =	sadd.s32 s1, s9  }
0x193: {  	p2 =	slt.s32 s10, $0xF3F80  }
0x194: {  	s30 =	simm.s32 $0x4000;
	v38 =	vmov s9;
	s9 =	simm.s32 $0x0;
	s10 =	simm.s32 @!p2 $0xF3F80  }
0x195: {  	v39 =	vmov s12;
	v37 =	vld [tilespmem:s30+$0x0];
	p2 =	por $0x0, $0x0;
	s14 =	ssub.s32 s10, s1;
	s10 =	sadd.s32 $0xFFFFFFFF, s31  }
0x196: {  	_ =	sdelay $0x3  }
0x197: {  	v41 =	vor.u32 s9, v0;
	v40 =	vshra.s32 v37, $0xE  }
0x198: {  	vm0 =	vlt.s32 v41, v36;
	vm1 =	vlt.s32 v40, v39  }
0x199: {  	vm2 =	vge.s32 v40, v38;
	vm0 =	vmand vm0, vm1  }
0x19a: {  	vm0 =	vmand vm0, vm2  }
0x19b: {  	v61 =	vsel vm0, $0x1, v4  }
0x19c: {  	(xrf0) =	vadd.scan.msk.s32 $0xffff, v61;
	_ =	sdelay $0x4  }
0x19d: {  	v62 =	vsel vm0, $0xFFFFFFFF, v4  }
0x19e: {  	v40 =	vadd.s32 s9, v62;
	v63, _, _ =	vpop (xrf0)  }
0x19f: {  	v40 =	vadd.s32 v63, v40;
	(v2sf) =	vpush v63, $0xF  }
0x1a0: {  	p3 =	sne.s32 s10, $0x1  }
.Ltmp15:
0x1a1: {  	_ = 	snop;
	(pc) =	sbr.rel @!p3 .LBB2_21-.Ltmp15, $3  }
0x1a2: {  	_ =	sdelay $0x1  }
0x1a3: {  	s11 =	simm.s32 $0x4010;
	s10 =	sadd.s32 $0xFFFFFFFF, s10;
	[tilespmem:v40+s21+$0x0] =	vst.idx.msk vm0, v37  }
0x1a4: {  	p2 =	por $0x1, $0x1;
	s30 =	simm.s32 $0x0;
	s15 =	simm.s32 $0x0;
	v37 =	vld [tilespmem:s11+$0x0]  }
.LBB2_22:
0x1a5: {  	p3 =	sne.s32 s10, $0x1;
	_ =	sdelay $0x2  }
0x1a6: {  	s30 =	sadd.s32 $0x10, s30  }
0x1a7: {  	v41 =	vor.u32 s30, v0;
	v40 =	vshra.s32 v37, $0xE  }
0x1a8: {  	vm0 =	vlt.s32 v41, v36;
	vm1 =	vlt.s32 v40, v39  }
0x1a9: {  	vm2 =	vge.s32 v40, v38;
	vm0 =	vmand vm0, vm1  }
0x1aa: {  	vm0 =	vmand vm0, vm2  }
0x1ab: {  	v40 =	vsel vm0, $0xFFFFFFFF, v4;
	v41 =	vsel vm0, $0x1, v4;
	s2 =	spop (v2sf)  }
0x1ac: {  	(xrf0) =	vadd.scan.msk.s32 $0xffff, v41;
	s15 =	sadd.s32 s15, s2  }
0x1ad: {  	v40 =	vadd.s32 s15, v40;
	_ =	sdelay $0x4  }
0x1ae: {  	v41, _, _ =	vpop (xrf0)  }
0x1af: {  	v40 =	vadd.s32 v41, v40;
	(v2sf) =	vpush v41, $0xF;
	_ =	sdelay $0x1  }
.Ltmp16:
0x1b0: {  	(pc) =	sbr.rel @p3 .LBB2_22-.Ltmp16, $3  }
0x1b1: {  	_ =	sdelay $0x1  }
0x1b2: {  	s11 =	sadd.s32 $0x10, s11;
	[tilespmem:v40+s21+$0x0] =	vst.idx.msk vm0, v37  }
0x1b3: {  	s10 =	sadd.s32 $0xFFFFFFFF, s10;
	v37 =	vld [tilespmem:s11+$0x0]  }
.LBB2_23:
0x1b4: {  	_ =	sdelay $0x1  }
0x1b5: {  	s2 =	sadd.s32 @p2 $0x10, s30;
	s10 =	simm.s32 $0x0  }
0x1b6: {  	s10 =	smov.u32 @p2 s2  }
0x1b7: {  	v41 =	vor.u32 s10, v0;
	v40 =	vshra.s32 v37, $0xE  }
0x1b8: {  	vm0 =	vlt.s32 v41, v36;
	vm1 =	vlt.s32 v40, v39  }
0x1b9: {  	vm2 =	vge.s32 v40, v38;
	vm0 =	vmand vm0, vm1  }
0x1ba: {  	vm0 =	vmand vm0, vm2  }
0x1bb: {  	v62 =	vsel vm0, $0x1, v4  }
0x1bc: {  	(xrf0) =	vadd.scan.msk.s32 $0xffff, v62;
	_ =	sdelay $0x5  }
0x1bd: {  	v38, _, _ =	vpop (xrf0)  }
0x1be: {  	(v2sf) =	vpush v38, $0xF;
	_ =	sdelay $0xc  }
0x1bf: {  	s2 =	spop @p2 (v2sf)  }
0x1c0: {  	s2 =	sadd.s32 @p2 s15, s2  }
0x1c1: {  	v63 =	vsel vm0, $0xFFFFFFFF, v4;
	s9 =	smov.u32 @p2 s2;
	s15 =	spop (v2sf)  }
0x1c2: {  	v39 =	vadd.s32 s9, v63;
	s9 =	sadd.s32 s9, s15  }
0x1c3: {  	s2 =	sadd.s32 $0x1F, s9  }
0x1c4: {  	s30 =	sshra.s32 s2, $0x5  }
0x1c5: {  	v38 =	vadd.s32 v38, v39;
	p2 =	slt.s32 s30, $0x1  }
.Ltmp17:
0x1c6: {  	_ = 	snop;
	(pc) =	sbr.rel @p2 .LBB2_30-.Ltmp17, $2  }
0x1c7: {  	_ =	sdelay $0x2  }
0x1c8: {  	[tilespmem:v38+s21+$0x0] =	vst.idx.msk vm0, v37  }
.Ltmp18:
0x1c9: {  	(pc) =	sbr.rel .LBB2_25-.Ltmp18, $2  }
0x1ca: {  	_ =	sdelay $0x2  }
0x1cb: {  	v37 =	vmov s9;
	v38 =	vmov s14;
	s14 =	simm.s32 $0x8010;
	s15 =	simm.s32 $0x0  }
.LBB2_29:
0x1cc: {  	s30 =	sadd.s32 $0xFFFFFFFF, s30  }
0x1cd: {  	p2 =	sne.s32 s30, $0x0  }
.Ltmp19:
0x1ce: {  	_ = 	snop;
	(pc) =	sbr.rel @!p2 .LBB2_30-.Ltmp19, $2  }
0x1cf: {  	_ =	sdelay $0x2  }
0x1d0: {  	s14 =	sadd.s32 $0x20, s14;
	s15 =	sadd.s32 $0x20, s15  }
.LBB2_25:
0x1d1: {  	p2 =	sge.s32 s15, s9  }
.Ltmp20:
0x1d2: {  	_ = 	snop;
	(pc) =	sbr.rel @p2 .LBB2_27-.Ltmp20, $1  }
0x1d3: {  	_ =	sdelay $0x3  }
0x1d4: {  	v39 =	vld [tilespmem:s14+$0xFFFFFFF0];
	_ =	sdelay $0x4  }
0x1d5: {  	v40 =	vor.u32 s15, v0;
	v41 =	vbroadcast v39, $0x0  }
0x1d6: {  	vm0 =	vlt.s32 v40, v37  }
0x1d7: {  	v39 =	vsel vm0, v39, v41  }
0x1d8: {  	v52 =	vshra.s32 v39, $0xE  }
0x1d9: {  	v40 =	vsub.s32 v52, v38  }
0x1da: {  	v53 =	vshll.u32 v40, $0x3  }
0x1db: {  	v40 =	vand.u32 $0x7F, v40;
	v41 =	vand.u32 $0xFFFFFC00, v53  }
0x1dc: {  	p2 =	slt.s32 s5, $0x1;
	v40 =	vor.u32 v40, v41  }
0x1dd: {  	s2 =	simm.s32 @!p2 $0x4  }
0x1de: {  	_ =	swait.ge @!p2 [sflag:s2], $0x800  }
0x1df: {  	[sflag:s2] =	ssyncset.done @!p2 $0x0  }
0x1e0: {  	[sflag:s2] =	ssyncadd.s32 @!p2 $0xFFFFF800  }
0x1e1: {  	v41 =	vld.idx.msk [tilespmem:v40+s17+$0x0], $0xffff  }
0x1e2: {  	v42 =	vor.u32 $0x80, v40;
	_ =	sdelay $0x3  }
0x1e3: {  	[tilespmem:v1+s22+$0x0] =	vst.idx.msk $0xffff, v41  }
0x1e4: {  	v41 =	vld.idx.msk [tilespmem:v42+s17+$0x0], $0xffff  }
0x1e5: {  	v54 =	vor.u32 $0x100, v40;
	_ =	sdelay $0x3  }
0x1e6: {  	[tilespmem:v5+s22+$0x0] =	vst.idx.msk $0xffff, v41  }
0x1e7: {  	v41 =	vld.idx.msk [tilespmem:v54+s17+$0x0], $0xffff  }
0x1e8: {  	v55 =	vor.u32 $0x180, v40;
	_ =	sdelay $0x3  }
0x1e9: {  	[tilespmem:v6+s22+$0x0] =	vst.idx.msk $0xffff, v41  }
0x1ea: {  	v41 =	vld.idx.msk [tilespmem:v55+s17+$0x0], $0xffff  }
0x1eb: {  	v56 =	vor.u32 $0x200, v40;
	_ =	sdelay $0x3  }
0x1ec: {  	[tilespmem:v7+s22+$0x0] =	vst.idx.msk $0xffff, v41  }
0x1ed: {  	v41 =	vld.idx.msk [tilespmem:v56+s17+$0x0], $0xffff  }
0x1ee: {  	v57 =	vor.u32 $0x280, v40;
	_ =	sdelay $0x3  }
0x1ef: {  	[tilespmem:v8+s22+$0x0] =	vst.idx.msk $0xffff, v41  }
0x1f0: {  	v41 =	vld.idx.msk [tilespmem:v57+s17+$0x0], $0xffff  }
0x1f1: {  	v58 =	vor.u32 $0x300, v40;
	_ =	sdelay $0x3  }
0x1f2: {  	[tilespmem:v9+s22+$0x0] =	vst.idx.msk $0xffff, v41  }
0x1f3: {  	v41 =	vld.idx.msk [tilespmem:v58+s17+$0x0], $0xffff  }
0x1f4: {  	v59 =	vor.u32 $0x380, v40;
	_ =	sdelay $0x3  }
0x1f5: {  	[tilespmem:v10+s22+$0x0] =	vst.idx.msk $0xffff, v41  }
0x1f6: {  	v41 =	vld.idx.msk [tilespmem:v59+s17+$0x0], $0xffff  }
0x1f7: {  	v60 =	vadd.s32 $0x1800, v40;
	_ =	sdelay $0x3  }
0x1f8: {  	[tilespmem:v11+s22+$0x0] =	vst.idx.msk $0xffff, v41  }
0x1f9: {  	v41 =	vld.idx.msk [tilespmem:v60+s17+$0x0], $0xffff  }
0x1fa: {  	v61 =	vadd.s32 $0x1880, v40;
	_ =	sdelay $0x3  }
0x1fb: {  	[tilespmem:v12+s22+$0x0] =	vst.idx.msk $0xffff, v41  }
0x1fc: {  	v41 =	vld.idx.msk [tilespmem:v61+s17+$0x0], $0xffff  }
0x1fd: {  	v62 =	vadd.s32 $0x1900, v40;
	_ =	sdelay $0x3  }
0x1fe: {  	[tilespmem:v13+s22+$0x0] =	vst.idx.msk $0xffff, v41  }
0x1ff: {  	v41 =	vld.idx.msk [tilespmem:v62+s17+$0x0], $0xffff  }
0x200: {  	v63 =	vadd.s32 $0x1980, v40;
	_ =	sdelay $0x3  }
0x201: {  	[tilespmem:v14+s22+$0x0] =	vst.idx.msk $0xffff, v41  }
0x202: {  	v41 =	vld.idx.msk [tilespmem:v63+s17+$0x0], $0xffff  }
0x203: {  	v45 =	vadd.s32 $0x1A00, v40;
	_ =	sdelay $0x3  }
0x204: {  	[tilespmem:v15+s22+$0x0] =	vst.idx.msk $0xffff, v41  }
0x205: {  	v41 =	vld.idx.msk [tilespmem:v45+s17+$0x0], $0xffff  }
0x206: {  	v46 =	vadd.s32 $0x1A80, v40;
	_ =	sdelay $0x3  }
0x207: {  	[tilespmem:v16+s22+$0x0] =	vst.idx.msk $0xffff, v41  }
0x208: {  	v41 =	vld.idx.msk [tilespmem:v46+s17+$0x0], $0xffff  }
0x209: {  	v47 =	vadd.s32 $0x1B00, v40;
	_ =	sdelay $0x3  }
0x20a: {  	[tilespmem:v17+s22+$0x0] =	vst.idx.msk $0xffff, v41  }
0x20b: {  	v41 =	vld.idx.msk [tilespmem:v47+s17+$0x0], $0xffff  }
0x20c: {  	v48 =	vadd.s32 $0x1B80, v40;
	_ =	sdelay $0x3  }
0x20d: {  	[tilespmem:v18+s22+$0x0] =	vst.idx.msk $0xffff, v41  }
0x20e: {  	v41 =	vld.idx.msk [tilespmem:v48+s17+$0x0], $0xffff  }
0x20f: {  	v49 =	vadd.s32 $0x3000, v40;
	_ =	sdelay $0x3  }
0x210: {  	[tilespmem:v19+s22+$0x0] =	vst.idx.msk $0xffff, v41  }
0x211: {  	v41 =	vld.idx.msk [tilespmem:v49+s17+$0x0], $0xffff  }
0x212: {  	v50 =	vadd.s32 $0x3080, v40;
	_ =	sdelay $0x3  }
0x213: {  	[tilespmem:v20+s22+$0x0] =	vst.idx.msk $0xffff, v41  }
0x214: {  	v41 =	vld.idx.msk [tilespmem:v50+s17+$0x0], $0xffff  }
0x215: {  	v51 =	vadd.s32 $0x3100, v40;
	_ =	sdelay $0x3  }
0x216: {  	[tilespmem:v21+s22+$0x0] =	vst.idx.msk $0xffff, v41  }
0x217: {  	v41 =	vld.idx.msk [tilespmem:v51+s17+$0x0], $0xffff  }
0x218: {  	v52 =	vadd.s32 $0x3180, v40;
	_ =	sdelay $0x3  }
0x219: {  	[tilespmem:v22+s22+$0x0] =	vst.idx.msk $0xffff, v41  }
0x21a: {  	v41 =	vld.idx.msk [tilespmem:v52+s17+$0x0], $0xffff  }
0x21b: {  	v53 =	vadd.s32 $0x3200, v40;
	_ =	sdelay $0x3  }
0x21c: {  	[tilespmem:v23+s22+$0x0] =	vst.idx.msk $0xffff, v41  }
0x21d: {  	v41 =	vld.idx.msk [tilespmem:v53+s17+$0x0], $0xffff  }
0x21e: {  	v54 =	vadd.s32 $0x3280, v40;
	_ =	sdelay $0x3  }
0x21f: {  	[tilespmem:v24+s22+$0x0] =	vst.idx.msk $0xffff, v41  }
0x220: {  	v41 =	vld.idx.msk [tilespmem:v54+s17+$0x0], $0xffff  }
0x221: {  	v55 =	vadd.s32 $0x3300, v40;
	_ =	sdelay $0x3  }
0x222: {  	[tilespmem:v25+s22+$0x0] =	vst.idx.msk $0xffff, v41  }
0x223: {  	v41 =	vld.idx.msk [tilespmem:v55+s17+$0x0], $0xffff  }
0x224: {  	v56 =	vadd.s32 $0x3380, v40;
	_ =	sdelay $0x3  }
0x225: {  	[tilespmem:v26+s22+$0x0] =	vst.idx.msk $0xffff, v41  }
0x226: {  	v41 =	vld.idx.msk [tilespmem:v56+s17+$0x0], $0xffff  }
0x227: {  	v57 =	vadd.s32 $0x4800, v40;
	_ =	sdelay $0x3  }
0x228: {  	[tilespmem:v27+s22+$0x0] =	vst.idx.msk $0xffff, v41  }
0x229: {  	v41 =	vld.idx.msk [tilespmem:v57+s17+$0x0], $0xffff  }
0x22a: {  	v58 =	vadd.s32 $0x4880, v40;
	_ =	sdelay $0x3  }
0x22b: {  	[tilespmem:v28+s22+$0x0] =	vst.idx.msk $0xffff, v41  }
0x22c: {  	v41 =	vld.idx.msk [tilespmem:v58+s17+$0x0], $0xffff  }
0x22d: {  	v59 =	vadd.s32 $0x4900, v40;
	_ =	sdelay $0x3  }
0x22e: {  	[tilespmem:v29+s22+$0x0] =	vst.idx.msk $0xffff, v41  }
0x22f: {  	v41 =	vld.idx.msk [tilespmem:v59+s17+$0x0], $0xffff  }
0x230: {  	v60 =	vadd.s32 $0x4980, v40;
	_ =	sdelay $0x3  }
0x231: {  	[tilespmem:v30+s22+$0x0] =	vst.idx.msk $0xffff, v41  }
0x232: {  	v41 =	vld.idx.msk [tilespmem:v60+s17+$0x0], $0xffff  }
0x233: {  	v61 =	vadd.s32 $0x4A00, v40;
	_ =	sdelay $0x3  }
0x234: {  	[tilespmem:v31+s22+$0x0] =	vst.idx.msk $0xffff, v41  }
0x235: {  	v41 =	vld.idx.msk [tilespmem:v61+s17+$0x0], $0xffff  }
0x236: {  	v62 =	vadd.s32 $0x4A80, v40;
	_ =	sdelay $0x3  }
0x237: {  	[tilespmem:v32+s22+$0x0] =	vst.idx.msk $0xffff, v41  }
0x238: {  	v41 =	vld.idx.msk [tilespmem:v62+s17+$0x0], $0xffff  }
0x239: {  	v63 =	vadd.s32 $0x4B00, v40;
	_ =	sdelay $0x3  }
0x23a: {  	[tilespmem:v33+s22+$0x0] =	vst.idx.msk $0xffff, v41  }
0x23b: {  	v41 =	vld.idx.msk [tilespmem:v63+s17+$0x0], $0xffff  }
0x23c: {  	v40 =	vadd.s32 $0x4B80, v40;
	_ =	sdelay $0x3  }
0x23d: {  	[tilespmem:v34+s22+$0x0] =	vst.idx.msk $0xffff, v41  }
0x23e: {  	v40 =	vld.idx.msk [tilespmem:v40+s17+$0x0], $0xffff;
	_ =	sdelay $0x4  }
0x23f: {  	v39 =	vand.u32 $0x3FFF, v39;
	[tilespmem:v35+s22+$0x0] =	vst.idx.msk $0xffff, v40  }
0x240: {  	s5 =	simm.s32 $0x1;
	[tilespmem:$0x1F000] =	vst v39  }
0x241: {  	[hbm4b:s7+s23] =	stream.indirect.scatter [tilespmem:s22], [sflag:$0x4], $0x80, s24, s23, $0xb8;
	[tilespmem:$0x1F100] =	vst v63  }
.LBB2_27:
0x242: {  	s10 =	sadd.s32 $0x10, s15  }
0x243: {  	p2 =	sge.s32 s10, s9  }
.Ltmp21:
0x244: {  	_ = 	snop;
	(pc) =	sbr.rel @p2 .LBB2_29-.Ltmp21, $1  }
0x245: {  	_ =	sdelay $0x3  }
0x246: {  	v39 =	vld [tilespmem:s14+$0x0];
	_ =	sdelay $0x4  }
0x247: {  	v40 =	vor.u32 s10, v0;
	v41 =	vbroadcast v39, $0x0  }
0x248: {  	vm0 =	vlt.s32 v40, v37  }
0x249: {  	v39 =	vsel vm0, v39, v41  }
0x24a: {  	v52 =	vshra.s32 v39, $0xE  }
0x24b: {  	v40 =	vsub.s32 v52, v38  }
0x24c: {  	v53 =	vshll.u32 v40, $0x3  }
0x24d: {  	v40 =	vand.u32 $0x7F, v40;
	v41 =	vand.u32 $0xFFFFFC00, v53  }
0x24e: {  	p2 =	slt.s32 s4, $0x1;
	v40 =	vor.u32 v40, v41  }
0x24f: {  	s2 =	simm.s32 @!p2 $0x5  }
0x250: {  	_ =	swait.ge @!p2 [sflag:s2], $0x800  }
0x251: {  	[sflag:s2] =	ssyncset.done @!p2 $0x0  }
0x252: {  	[sflag:s2] =	ssyncadd.s32 @!p2 $0xFFFFF800  }
0x253: {  	v41 =	vld.idx.msk [tilespmem:v40+s17+$0x0], $0xffff  }
0x254: {  	v42 =	vor.u32 $0x80, v40;
	_ =	sdelay $0x3  }
0x255: {  	[tilespmem:v1+s25+$0x0] =	vst.idx.msk $0xffff, v41  }
0x256: {  	v41 =	vld.idx.msk [tilespmem:v42+s17+$0x0], $0xffff  }
0x257: {  	v54 =	vor.u32 $0x100, v40;
	_ =	sdelay $0x3  }
0x258: {  	[tilespmem:v5+s25+$0x0] =	vst.idx.msk $0xffff, v41  }
0x259: {  	v41 =	vld.idx.msk [tilespmem:v54+s17+$0x0], $0xffff  }
0x25a: {  	v55 =	vor.u32 $0x180, v40;
	_ =	sdelay $0x3  }
0x25b: {  	[tilespmem:v6+s25+$0x0] =	vst.idx.msk $0xffff, v41  }
0x25c: {  	v41 =	vld.idx.msk [tilespmem:v55+s17+$0x0], $0xffff  }
0x25d: {  	v56 =	vor.u32 $0x200, v40;
	_ =	sdelay $0x3  }
0x25e: {  	[tilespmem:v7+s25+$0x0] =	vst.idx.msk $0xffff, v41  }
0x25f: {  	v41 =	vld.idx.msk [tilespmem:v56+s17+$0x0], $0xffff  }
0x260: {  	v57 =	vor.u32 $0x280, v40;
	_ =	sdelay $0x3  }
0x261: {  	[tilespmem:v8+s25+$0x0] =	vst.idx.msk $0xffff, v41  }
0x262: {  	v41 =	vld.idx.msk [tilespmem:v57+s17+$0x0], $0xffff  }
0x263: {  	v58 =	vor.u32 $0x300, v40;
	_ =	sdelay $0x3  }
0x264: {  	[tilespmem:v9+s25+$0x0] =	vst.idx.msk $0xffff, v41  }
0x265: {  	v41 =	vld.idx.msk [tilespmem:v58+s17+$0x0], $0xffff  }
0x266: {  	v59 =	vor.u32 $0x380, v40;
	_ =	sdelay $0x3  }
0x267: {  	[tilespmem:v10+s25+$0x0] =	vst.idx.msk $0xffff, v41  }
0x268: {  	v41 =	vld.idx.msk [tilespmem:v59+s17+$0x0], $0xffff  }
0x269: {  	v60 =	vadd.s32 $0x1800, v40;
	_ =	sdelay $0x3  }
0x26a: {  	[tilespmem:v11+s25+$0x0] =	vst.idx.msk $0xffff, v41  }
0x26b: {  	v41 =	vld.idx.msk [tilespmem:v60+s17+$0x0], $0xffff  }
0x26c: {  	v61 =	vadd.s32 $0x1880, v40;
	_ =	sdelay $0x3  }
0x26d: {  	[tilespmem:v12+s25+$0x0] =	vst.idx.msk $0xffff, v41  }
0x26e: {  	v41 =	vld.idx.msk [tilespmem:v61+s17+$0x0], $0xffff  }
0x26f: {  	v62 =	vadd.s32 $0x1900, v40;
	_ =	sdelay $0x3  }
0x270: {  	[tilespmem:v13+s25+$0x0] =	vst.idx.msk $0xffff, v41  }
0x271: {  	v41 =	vld.idx.msk [tilespmem:v62+s17+$0x0], $0xffff  }
0x272: {  	v63 =	vadd.s32 $0x1980, v40;
	_ =	sdelay $0x3  }
0x273: {  	[tilespmem:v14+s25+$0x0] =	vst.idx.msk $0xffff, v41  }
0x274: {  	v41 =	vld.idx.msk [tilespmem:v63+s17+$0x0], $0xffff  }
0x275: {  	v45 =	vadd.s32 $0x1A00, v40;
	_ =	sdelay $0x3  }
0x276: {  	[tilespmem:v15+s25+$0x0] =	vst.idx.msk $0xffff, v41  }
0x277: {  	v41 =	vld.idx.msk [tilespmem:v45+s17+$0x0], $0xffff  }
0x278: {  	v46 =	vadd.s32 $0x1A80, v40;
	_ =	sdelay $0x3  }
0x279: {  	[tilespmem:v16+s25+$0x0] =	vst.idx.msk $0xffff, v41  }
0x27a: {  	v41 =	vld.idx.msk [tilespmem:v46+s17+$0x0], $0xffff  }
0x27b: {  	v47 =	vadd.s32 $0x1B00, v40;
	_ =	sdelay $0x3  }
0x27c: {  	[tilespmem:v17+s25+$0x0] =	vst.idx.msk $0xffff, v41  }
0x27d: {  	v41 =	vld.idx.msk [tilespmem:v47+s17+$0x0], $0xffff  }
0x27e: {  	v48 =	vadd.s32 $0x1B80, v40;
	_ =	sdelay $0x3  }
0x27f: {  	[tilespmem:v18+s25+$0x0] =	vst.idx.msk $0xffff, v41  }
0x280: {  	v41 =	vld.idx.msk [tilespmem:v48+s17+$0x0], $0xffff  }
0x281: {  	v49 =	vadd.s32 $0x3000, v40;
	_ =	sdelay $0x3  }
0x282: {  	[tilespmem:v19+s25+$0x0] =	vst.idx.msk $0xffff, v41  }
0x283: {  	v41 =	vld.idx.msk [tilespmem:v49+s17+$0x0], $0xffff  }
0x284: {  	v50 =	vadd.s32 $0x3080, v40;
	_ =	sdelay $0x3  }
0x285: {  	[tilespmem:v20+s25+$0x0] =	vst.idx.msk $0xffff, v41  }
0x286: {  	v41 =	vld.idx.msk [tilespmem:v50+s17+$0x0], $0xffff  }
0x287: {  	v51 =	vadd.s32 $0x3100, v40;
	_ =	sdelay $0x3  }
0x288: {  	[tilespmem:v21+s25+$0x0] =	vst.idx.msk $0xffff, v41  }
0x289: {  	v41 =	vld.idx.msk [tilespmem:v51+s17+$0x0], $0xffff  }
0x28a: {  	v52 =	vadd.s32 $0x3180, v40;
	_ =	sdelay $0x3  }
0x28b: {  	[tilespmem:v22+s25+$0x0] =	vst.idx.msk $0xffff, v41  }
0x28c: {  	v41 =	vld.idx.msk [tilespmem:v52+s17+$0x0], $0xffff  }
0x28d: {  	v53 =	vadd.s32 $0x3200, v40;
	_ =	sdelay $0x3  }
0x28e: {  	[tilespmem:v23+s25+$0x0] =	vst.idx.msk $0xffff, v41  }
0x28f: {  	v41 =	vld.idx.msk [tilespmem:v53+s17+$0x0], $0xffff  }
0x290: {  	v54 =	vadd.s32 $0x3280, v40;
	_ =	sdelay $0x3  }
0x291: {  	[tilespmem:v24+s25+$0x0] =	vst.idx.msk $0xffff, v41  }
0x292: {  	v41 =	vld.idx.msk [tilespmem:v54+s17+$0x0], $0xffff  }
0x293: {  	v55 =	vadd.s32 $0x3300, v40;
	_ =	sdelay $0x3  }
0x294: {  	[tilespmem:v25+s25+$0x0] =	vst.idx.msk $0xffff, v41  }
0x295: {  	v41 =	vld.idx.msk [tilespmem:v55+s17+$0x0], $0xffff  }
0x296: {  	v56 =	vadd.s32 $0x3380, v40;
	_ =	sdelay $0x3  }
0x297: {  	[tilespmem:v26+s25+$0x0] =	vst.idx.msk $0xffff, v41  }
0x298: {  	v41 =	vld.idx.msk [tilespmem:v56+s17+$0x0], $0xffff  }
0x299: {  	v57 =	vadd.s32 $0x4800, v40;
	_ =	sdelay $0x3  }
0x29a: {  	[tilespmem:v27+s25+$0x0] =	vst.idx.msk $0xffff, v41  }
0x29b: {  	v41 =	vld.idx.msk [tilespmem:v57+s17+$0x0], $0xffff  }
0x29c: {  	v58 =	vadd.s32 $0x4880, v40;
	_ =	sdelay $0x3  }
0x29d: {  	[tilespmem:v28+s25+$0x0] =	vst.idx.msk $0xffff, v41  }
0x29e: {  	v41 =	vld.idx.msk [tilespmem:v58+s17+$0x0], $0xffff  }
0x29f: {  	v59 =	vadd.s32 $0x4900, v40;
	_ =	sdelay $0x3  }
0x2a0: {  	[tilespmem:v29+s25+$0x0] =	vst.idx.msk $0xffff, v41  }
0x2a1: {  	v41 =	vld.idx.msk [tilespmem:v59+s17+$0x0], $0xffff  }
0x2a2: {  	v60 =	vadd.s32 $0x4980, v40;
	_ =	sdelay $0x3  }
0x2a3: {  	[tilespmem:v30+s25+$0x0] =	vst.idx.msk $0xffff, v41  }
0x2a4: {  	v41 =	vld.idx.msk [tilespmem:v60+s17+$0x0], $0xffff  }
0x2a5: {  	v61 =	vadd.s32 $0x4A00, v40;
	_ =	sdelay $0x3  }
0x2a6: {  	[tilespmem:v31+s25+$0x0] =	vst.idx.msk $0xffff, v41  }
0x2a7: {  	v41 =	vld.idx.msk [tilespmem:v61+s17+$0x0], $0xffff  }
0x2a8: {  	v62 =	vadd.s32 $0x4A80, v40;
	_ =	sdelay $0x3  }
0x2a9: {  	[tilespmem:v32+s25+$0x0] =	vst.idx.msk $0xffff, v41  }
0x2aa: {  	v41 =	vld.idx.msk [tilespmem:v62+s17+$0x0], $0xffff  }
0x2ab: {  	v63 =	vadd.s32 $0x4B00, v40;
	_ =	sdelay $0x3  }
0x2ac: {  	[tilespmem:v33+s25+$0x0] =	vst.idx.msk $0xffff, v41  }
0x2ad: {  	v41 =	vld.idx.msk [tilespmem:v63+s17+$0x0], $0xffff  }
0x2ae: {  	v40 =	vadd.s32 $0x4B80, v40;
	_ =	sdelay $0x3  }
0x2af: {  	[tilespmem:v34+s25+$0x0] =	vst.idx.msk $0xffff, v41  }
0x2b0: {  	v40 =	vld.idx.msk [tilespmem:v40+s17+$0x0], $0xffff;
	_ =	sdelay $0x2  }
.Ltmp22:
0x2b1: {  	_ = 	snop;
	(pc) =	sbr.rel .LBB2_29-.Ltmp22, $4  }
0x2b2: {  	_ = 	snop  }
0x2b3: {  	v39 =	vand.u32 $0x3FFF, v39;
	[tilespmem:v35+s25+$0x0] =	vst.idx.msk $0xffff, v40  }
0x2b4: {  	s4 =	simm.s32 $0x1;
	[tilespmem:$0x1F080] =	vst v39  }
0x2b5: {  	[hbm4b:s7+s23] =	stream.indirect.scatter [tilespmem:s25], [sflag:$0x5], $0x80, s26, s23, $0xb8;
	[tilespmem:$0x1F100] =	vst v63  }
.LBB2_30:
0x2b6: {  	s2 =	rddreg [dreg:$0x7]  }
0x2b7: {  	s2 =	sadd.s32 @!p1 s0, s2  }
0x2b8: {  	p2 =	slt.s32 @!p1 s2, $0xF3F80  }
0x2b9: {  	p2 =	por !p2, p1  }
0x2ba: {  	s15 =	rddreg [dreg:$0x0];
	s2 =	simm.s32 @p2 $0xF3F80  }
.Ltmp23:
0x2bb: {  	s9 =	simm.s32 @!p1 $0x12000;
	s2 =	sadd.s32 @!p1 s15, s2;
	(pc) =	sbr.rel @p0 .LBB2_43-.Ltmp23, $4  }
0x2bc: {  	[tilespmem:s9], [sflag:$0x2] =	stream.strided.gather @!p1 [hbm4b:s2+s6], $0x6000, s13, s6, $0x38;
	[tilespmem:$0x1F100] =	vst v63  }
0x2bd: {  	_ =	swait.ge [sflag:s29], $0x6000  }
0x2be: {  	[sflag:s29] =	ssyncset.done $0x0  }
0x2bf: {  	[sflag:s29] =	ssyncadd.s32 $0xFFFFA000  }
0x2c0: {  	p3 =	sne.s32 s31, $0x1  }
.Ltmp24:
0x2c1: {  	_ = 	snop;
	(pc) =	sbr.rel @!p3 .LBB2_32-.Ltmp24, $4  }
0x2c2: {  	s2 =	sadd.s32 s1, s12  }
0x2c3: {  	s6 =	smul.u32 $0x300, s8;
	p2 =	slt.s32 s2, $0xF3F80  }
0x2c4: {  	s30 =	simm.s32 $0x4000;
	s8 =	sadd.s32 $0xFFFFFFFF, s31;
	s2 =	simm.s32 @!p2 $0xF3F80  }
0x2c5: {  	v38 =	vmov s12;
	v37 =	vld [tilespmem:s30+$0x0];
	v39 =	vmov s6;
	s6 =	simm.s32 $0x0;
	p2 =	por $0x0, $0x0;
	s9 =	ssub.s32 s2, s1  }
0x2c6: {  	_ =	sdelay $0x3  }
0x2c7: {  	v41 =	vor.u32 s6, v0;
	v40 =	vshra.s32 v37, $0xE  }
0x2c8: {  	vm0 =	vlt.s32 v41, v36;
	vm1 =	vlt.s32 v40, v39  }
0x2c9: {  	vm2 =	vge.s32 v40, v38;
	vm0 =	vmand vm0, vm1  }
0x2ca: {  	vm0 =	vmand vm0, vm2  }
0x2cb: {  	v61 =	vsel vm0, $0x1, v4  }
0x2cc: {  	(xrf0) =	vadd.scan.msk.s32 $0xffff, v61;
	_ =	sdelay $0x4  }
0x2cd: {  	v62 =	vsel vm0, $0xFFFFFFFF, v4  }
0x2ce: {  	v40 =	vadd.s32 s6, v62;
	v63, _, _ =	vpop (xrf0)  }
0x2cf: {  	v40 =	vadd.s32 v63, v40;
	(v2sf) =	vpush v63, $0xF  }
0x2d0: {  	p3 =	sne.s32 s8, $0x1  }
.Ltmp25:
0x2d1: {  	_ = 	snop;
	(pc) =	sbr.rel @!p3 .LBB2_34-.Ltmp25, $3  }
0x2d2: {  	_ =	sdelay $0x1  }
0x2d3: {  	s11 =	simm.s32 $0x4010;
	s10 =	sadd.s32 $0xFFFFFFFF, s8;
	[tilespmem:v40+s21+$0x0] =	vst.idx.msk vm0, v37  }
0x2d4: {  	p2 =	por $0x1, $0x1;
	s12 =	simm.s32 $0x0;
	s8 =	simm.s32 $0x0;
	v37 =	vld [tilespmem:s11+$0x0]  }
.LBB2_35:
0x2d5: {  	p3 =	sne.s32 s10, $0x1;
	_ =	sdelay $0x2  }
0x2d6: {  	s12 =	sadd.s32 $0x10, s12  }
0x2d7: {  	v41 =	vor.u32 s12, v0;
	v40 =	vshra.s32 v37, $0xE  }
0x2d8: {  	vm0 =	vlt.s32 v41, v36;
	vm1 =	vlt.s32 v40, v39  }
0x2d9: {  	vm2 =	vge.s32 v40, v38;
	vm0 =	vmand vm0, vm1  }
0x2da: {  	vm0 =	vmand vm0, vm2  }
0x2db: {  	v40 =	vsel vm0, $0xFFFFFFFF, v4;
	v41 =	vsel vm0, $0x1, v4;
	s2 =	spop (v2sf)  }
0x2dc: {  	(xrf0) =	vadd.scan.msk.s32 $0xffff, v41;
	s8 =	sadd.s32 s8, s2  }
0x2dd: {  	v40 =	vadd.s32 s8, v40;
	_ =	sdelay $0x4  }
0x2de: {  	v41, _, _ =	vpop (xrf0)  }
0x2df: {  	v40 =	vadd.s32 v41, v40;
	(v2sf) =	vpush v41, $0xF;
	_ =	sdelay $0x1  }
.Ltmp26:
0x2e0: {  	(pc) =	sbr.rel @p3 .LBB2_35-.Ltmp26, $3  }
0x2e1: {  	_ =	sdelay $0x1  }
0x2e2: {  	s11 =	sadd.s32 $0x10, s11;
	[tilespmem:v40+s21+$0x0] =	vst.idx.msk vm0, v37  }
0x2e3: {  	s10 =	sadd.s32 $0xFFFFFFFF, s10;
	v37 =	vld [tilespmem:s11+$0x0]  }
.LBB2_36:
0x2e4: {  	_ =	sdelay $0x1  }
0x2e5: {  	s2 =	sadd.s32 @p2 $0x10, s12;
	s10 =	simm.s32 $0x0  }
0x2e6: {  	s10 =	smov.u32 @p2 s2  }
0x2e7: {  	v41 =	vor.u32 s10, v0;
	v40 =	vshra.s32 v37, $0xE  }
0x2e8: {  	vm0 =	vlt.s32 v41, v36;
	vm1 =	vlt.s32 v40, v39  }
0x2e9: {  	vm2 =	vge.s32 v40, v38;
	vm0 =	vmand vm0, vm1  }
0x2ea: {  	vm0 =	vmand vm0, vm2  }
0x2eb: {  	v62 =	vsel vm0, $0x1, v4  }
0x2ec: {  	(xrf0) =	vadd.scan.msk.s32 $0xffff, v62;
	_ =	sdelay $0x5  }
0x2ed: {  	v38, _, _ =	vpop (xrf0)  }
0x2ee: {  	(v2sf) =	vpush v38, $0xF;
	_ =	sdelay $0xc  }
0x2ef: {  	s2 =	spop @p2 (v2sf)  }
0x2f0: {  	s2 =	sadd.s32 @p2 s8, s2  }
0x2f1: {  	v63 =	vsel vm0, $0xFFFFFFFF, v4;
	s6 =	smov.u32 @p2 s2;
	s30 =	spop (v2sf)  }
0x2f2: {  	v39 =	vadd.s32 s6, v63;
	s6 =	sadd.s32 s6, s30  }
0x2f3: {  	s2 =	sadd.s32 $0x1F, s6  }
0x2f4: {  	s8 =	sshra.s32 s2, $0x5  }
0x2f5: {  	v38 =	vadd.s32 v38, v39;
	p2 =	slt.s32 s8, $0x1  }
.Ltmp27:
0x2f6: {  	_ = 	snop;
	(pc) =	sbr.rel @p2 .LBB2_43-.Ltmp27, $2  }
0x2f7: {  	_ =	sdelay $0x2  }
0x2f8: {  	[tilespmem:v38+s21+$0x0] =	vst.idx.msk vm0, v37  }
.Ltmp28:
0x2f9: {  	(pc) =	sbr.rel .LBB2_38-.Ltmp28, $2  }
0x2fa: {  	_ =	sdelay $0x2  }
0x2fb: {  	v37 =	vmov s6;
	v38 =	vmov s9;
	s9 =	simm.s32 $0x8010;
	s12 =	simm.s32 $0x0  }
.LBB2_42:
0x2fc: {  	s8 =	sadd.s32 $0xFFFFFFFF, s8  }
0x2fd: {  	p2 =	sne.s32 s8, $0x0  }
.Ltmp29:
0x2fe: {  	_ = 	snop;
	(pc) =	sbr.rel @!p2 .LBB2_43-.Ltmp29, $2  }
0x2ff: {  	_ =	sdelay $0x2  }
0x300: {  	s9 =	sadd.s32 $0x20, s9;
	s12 =	sadd.s32 $0x20, s12  }
.LBB2_38:
0x301: {  	p2 =	sge.s32 s12, s6  }
.Ltmp30:
0x302: {  	_ = 	snop;
	(pc) =	sbr.rel @p2 .LBB2_40-.Ltmp30, $1  }
0x303: {  	_ =	sdelay $0x3  }
0x304: {  	v39 =	vld [tilespmem:s9+$0xFFFFFFF0];
	_ =	sdelay $0x4  }
0x305: {  	v40 =	vor.u32 s12, v0;
	v41 =	vbroadcast v39, $0x0  }
0x306: {  	vm0 =	vlt.s32 v40, v37  }
0x307: {  	v39 =	vsel vm0, v39, v41  }
0x308: {  	v52 =	vshra.s32 v39, $0xE  }
0x309: {  	v40 =	vsub.s32 v52, v38  }
0x30a: {  	v53 =	vshll.u32 v40, $0x3  }
0x30b: {  	v40 =	vand.u32 $0x7F, v40;
	v41 =	vand.u32 $0xFFFFFC00, v53  }
0x30c: {  	p2 =	slt.s32 s5, $0x1;
	v40 =	vor.u32 v40, v41  }
0x30d: {  	s2 =	simm.s32 @!p2 $0x4  }
0x30e: {  	_ =	swait.ge @!p2 [sflag:s2], $0x800  }
0x30f: {  	[sflag:s2] =	ssyncset.done @!p2 $0x0  }
0x310: {  	[sflag:s2] =	ssyncadd.s32 @!p2 $0xFFFFF800  }
0x311: {  	v41 =	vld.idx.msk [tilespmem:v40+s18+$0x0], $0xffff  }
0x312: {  	v42 =	vor.u32 $0x80, v40;
	_ =	sdelay $0x3  }
0x313: {  	[tilespmem:v1+s22+$0x0] =	vst.idx.msk $0xffff, v41  }
0x314: {  	v41 =	vld.idx.msk [tilespmem:v42+s18+$0x0], $0xffff  }
0x315: {  	v54 =	vor.u32 $0x100, v40;
	_ =	sdelay $0x3  }
0x316: {  	[tilespmem:v5+s22+$0x0] =	vst.idx.msk $0xffff, v41  }
0x317: {  	v41 =	vld.idx.msk [tilespmem:v54+s18+$0x0], $0xffff  }
0x318: {  	v55 =	vor.u32 $0x180, v40;
	_ =	sdelay $0x3  }
0x319: {  	[tilespmem:v6+s22+$0x0] =	vst.idx.msk $0xffff, v41  }
0x31a: {  	v41 =	vld.idx.msk [tilespmem:v55+s18+$0x0], $0xffff  }
0x31b: {  	v56 =	vor.u32 $0x200, v40;
	_ =	sdelay $0x3  }
0x31c: {  	[tilespmem:v7+s22+$0x0] =	vst.idx.msk $0xffff, v41  }
0x31d: {  	v41 =	vld.idx.msk [tilespmem:v56+s18+$0x0], $0xffff  }
0x31e: {  	v57 =	vor.u32 $0x280, v40;
	_ =	sdelay $0x3  }
0x31f: {  	[tilespmem:v8+s22+$0x0] =	vst.idx.msk $0xffff, v41  }
0x320: {  	v41 =	vld.idx.msk [tilespmem:v57+s18+$0x0], $0xffff  }
0x321: {  	v58 =	vor.u32 $0x300, v40;
	_ =	sdelay $0x3  }
0x322: {  	[tilespmem:v9+s22+$0x0] =	vst.idx.msk $0xffff, v41  }
0x323: {  	v41 =	vld.idx.msk [tilespmem:v58+s18+$0x0], $0xffff  }
0x324: {  	v59 =	vor.u32 $0x380, v40;
	_ =	sdelay $0x3  }
0x325: {  	[tilespmem:v10+s22+$0x0] =	vst.idx.msk $0xffff, v41  }
0x326: {  	v41 =	vld.idx.msk [tilespmem:v59+s18+$0x0], $0xffff  }
0x327: {  	v60 =	vadd.s32 $0x1800, v40;
	_ =	sdelay $0x3  }
0x328: {  	[tilespmem:v11+s22+$0x0] =	vst.idx.msk $0xffff, v41  }
0x329: {  	v41 =	vld.idx.msk [tilespmem:v60+s18+$0x0], $0xffff  }
0x32a: {  	v61 =	vadd.s32 $0x1880, v40;
	_ =	sdelay $0x3  }
0x32b: {  	[tilespmem:v12+s22+$0x0] =	vst.idx.msk $0xffff, v41  }
0x32c: {  	v41 =	vld.idx.msk [tilespmem:v61+s18+$0x0], $0xffff  }
0x32d: {  	v62 =	vadd.s32 $0x1900, v40;
	_ =	sdelay $0x3  }
0x32e: {  	[tilespmem:v13+s22+$0x0] =	vst.idx.msk $0xffff, v41  }
0x32f: {  	v41 =	vld.idx.msk [tilespmem:v62+s18+$0x0], $0xffff  }
0x330: {  	v63 =	vadd.s32 $0x1980, v40;
	_ =	sdelay $0x3  }
0x331: {  	[tilespmem:v14+s22+$0x0] =	vst.idx.msk $0xffff, v41  }
0x332: {  	v41 =	vld.idx.msk [tilespmem:v63+s18+$0x0], $0xffff  }
0x333: {  	v45 =	vadd.s32 $0x1A00, v40;
	_ =	sdelay $0x3  }
0x334: {  	[tilespmem:v15+s22+$0x0] =	vst.idx.msk $0xffff, v41  }
0x335: {  	v41 =	vld.idx.msk [tilespmem:v45+s18+$0x0], $0xffff  }
0x336: {  	v46 =	vadd.s32 $0x1A80, v40;
	_ =	sdelay $0x3  }
0x337: {  	[tilespmem:v16+s22+$0x0] =	vst.idx.msk $0xffff, v41  }
0x338: {  	v41 =	vld.idx.msk [tilespmem:v46+s18+$0x0], $0xffff  }
0x339: {  	v47 =	vadd.s32 $0x1B00, v40;
	_ =	sdelay $0x3  }
0x33a: {  	[tilespmem:v17+s22+$0x0] =	vst.idx.msk $0xffff, v41  }
0x33b: {  	v41 =	vld.idx.msk [tilespmem:v47+s18+$0x0], $0xffff  }
0x33c: {  	v48 =	vadd.s32 $0x1B80, v40;
	_ =	sdelay $0x3  }
0x33d: {  	[tilespmem:v18+s22+$0x0] =	vst.idx.msk $0xffff, v41  }
0x33e: {  	v41 =	vld.idx.msk [tilespmem:v48+s18+$0x0], $0xffff  }
0x33f: {  	v49 =	vadd.s32 $0x3000, v40;
	_ =	sdelay $0x3  }
0x340: {  	[tilespmem:v19+s22+$0x0] =	vst.idx.msk $0xffff, v41  }
0x341: {  	v41 =	vld.idx.msk [tilespmem:v49+s18+$0x0], $0xffff  }
0x342: {  	v50 =	vadd.s32 $0x3080, v40;
	_ =	sdelay $0x3  }
0x343: {  	[tilespmem:v20+s22+$0x0] =	vst.idx.msk $0xffff, v41  }
0x344: {  	v41 =	vld.idx.msk [tilespmem:v50+s18+$0x0], $0xffff  }
0x345: {  	v51 =	vadd.s32 $0x3100, v40;
	_ =	sdelay $0x3  }
0x346: {  	[tilespmem:v21+s22+$0x0] =	vst.idx.msk $0xffff, v41  }
0x347: {  	v41 =	vld.idx.msk [tilespmem:v51+s18+$0x0], $0xffff  }
0x348: {  	v52 =	vadd.s32 $0x3180, v40;
	_ =	sdelay $0x3  }
0x349: {  	[tilespmem:v22+s22+$0x0] =	vst.idx.msk $0xffff, v41  }
0x34a: {  	v41 =	vld.idx.msk [tilespmem:v52+s18+$0x0], $0xffff  }
0x34b: {  	v53 =	vadd.s32 $0x3200, v40;
	_ =	sdelay $0x3  }
0x34c: {  	[tilespmem:v23+s22+$0x0] =	vst.idx.msk $0xffff, v41  }
0x34d: {  	v41 =	vld.idx.msk [tilespmem:v53+s18+$0x0], $0xffff  }
0x34e: {  	v54 =	vadd.s32 $0x3280, v40;
	_ =	sdelay $0x3  }
0x34f: {  	[tilespmem:v24+s22+$0x0] =	vst.idx.msk $0xffff, v41  }
0x350: {  	v41 =	vld.idx.msk [tilespmem:v54+s18+$0x0], $0xffff  }
0x351: {  	v55 =	vadd.s32 $0x3300, v40;
	_ =	sdelay $0x3  }
0x352: {  	[tilespmem:v25+s22+$0x0] =	vst.idx.msk $0xffff, v41  }
0x353: {  	v41 =	vld.idx.msk [tilespmem:v55+s18+$0x0], $0xffff  }
0x354: {  	v56 =	vadd.s32 $0x3380, v40;
	_ =	sdelay $0x3  }
0x355: {  	[tilespmem:v26+s22+$0x0] =	vst.idx.msk $0xffff, v41  }
0x356: {  	v41 =	vld.idx.msk [tilespmem:v56+s18+$0x0], $0xffff  }
0x357: {  	v57 =	vadd.s32 $0x4800, v40;
	_ =	sdelay $0x3  }
0x358: {  	[tilespmem:v27+s22+$0x0] =	vst.idx.msk $0xffff, v41  }
0x359: {  	v41 =	vld.idx.msk [tilespmem:v57+s18+$0x0], $0xffff  }
0x35a: {  	v58 =	vadd.s32 $0x4880, v40;
	_ =	sdelay $0x3  }
0x35b: {  	[tilespmem:v28+s22+$0x0] =	vst.idx.msk $0xffff, v41  }
0x35c: {  	v41 =	vld.idx.msk [tilespmem:v58+s18+$0x0], $0xffff  }
0x35d: {  	v59 =	vadd.s32 $0x4900, v40;
	_ =	sdelay $0x3  }
0x35e: {  	[tilespmem:v29+s22+$0x0] =	vst.idx.msk $0xffff, v41  }
0x35f: {  	v41 =	vld.idx.msk [tilespmem:v59+s18+$0x0], $0xffff  }
0x360: {  	v60 =	vadd.s32 $0x4980, v40;
	_ =	sdelay $0x3  }
0x361: {  	[tilespmem:v30+s22+$0x0] =	vst.idx.msk $0xffff, v41  }
0x362: {  	v41 =	vld.idx.msk [tilespmem:v60+s18+$0x0], $0xffff  }
0x363: {  	v61 =	vadd.s32 $0x4A00, v40;
	_ =	sdelay $0x3  }
0x364: {  	[tilespmem:v31+s22+$0x0] =	vst.idx.msk $0xffff, v41  }
0x365: {  	v41 =	vld.idx.msk [tilespmem:v61+s18+$0x0], $0xffff  }
0x366: {  	v62 =	vadd.s32 $0x4A80, v40;
	_ =	sdelay $0x3  }
0x367: {  	[tilespmem:v32+s22+$0x0] =	vst.idx.msk $0xffff, v41  }
0x368: {  	v41 =	vld.idx.msk [tilespmem:v62+s18+$0x0], $0xffff  }
0x369: {  	v63 =	vadd.s32 $0x4B00, v40;
	_ =	sdelay $0x3  }
0x36a: {  	[tilespmem:v33+s22+$0x0] =	vst.idx.msk $0xffff, v41  }
0x36b: {  	v41 =	vld.idx.msk [tilespmem:v63+s18+$0x0], $0xffff  }
0x36c: {  	v40 =	vadd.s32 $0x4B80, v40;
	_ =	sdelay $0x3  }
0x36d: {  	[tilespmem:v34+s22+$0x0] =	vst.idx.msk $0xffff, v41  }
0x36e: {  	v40 =	vld.idx.msk [tilespmem:v40+s18+$0x0], $0xffff;
	_ =	sdelay $0x4  }
0x36f: {  	v39 =	vand.u32 $0x3FFF, v39;
	[tilespmem:v35+s22+$0x0] =	vst.idx.msk $0xffff, v40  }
0x370: {  	s5 =	simm.s32 $0x1;
	[tilespmem:$0x1F000] =	vst v39  }
0x371: {  	[hbm4b:s7+s23] =	stream.indirect.scatter [tilespmem:s22], [sflag:$0x4], $0x80, s24, s23, $0xb8;
	[tilespmem:$0x1F100] =	vst v63  }
.LBB2_40:
0x372: {  	s10 =	sadd.s32 $0x10, s12  }
0x373: {  	p2 =	sge.s32 s10, s6  }
.Ltmp31:
0x374: {  	_ = 	snop;
	(pc) =	sbr.rel @p2 .LBB2_42-.Ltmp31, $1  }
0x375: {  	_ =	sdelay $0x3  }
0x376: {  	v39 =	vld [tilespmem:s9+$0x0];
	_ =	sdelay $0x4  }
0x377: {  	v40 =	vor.u32 s10, v0;
	v41 =	vbroadcast v39, $0x0  }
0x378: {  	vm0 =	vlt.s32 v40, v37  }
0x379: {  	v39 =	vsel vm0, v39, v41  }
0x37a: {  	v52 =	vshra.s32 v39, $0xE  }
0x37b: {  	v40 =	vsub.s32 v52, v38  }
0x37c: {  	v53 =	vshll.u32 v40, $0x3  }
0x37d: {  	v40 =	vand.u32 $0x7F, v40;
	v41 =	vand.u32 $0xFFFFFC00, v53  }
0x37e: {  	p2 =	slt.s32 s4, $0x1;
	v40 =	vor.u32 v40, v41  }
0x37f: {  	s2 =	simm.s32 @!p2 $0x5  }
0x380: {  	_ =	swait.ge @!p2 [sflag:s2], $0x800  }
0x381: {  	[sflag:s2] =	ssyncset.done @!p2 $0x0  }
0x382: {  	[sflag:s2] =	ssyncadd.s32 @!p2 $0xFFFFF800  }
0x383: {  	v41 =	vld.idx.msk [tilespmem:v40+s18+$0x0], $0xffff  }
0x384: {  	v42 =	vor.u32 $0x80, v40;
	_ =	sdelay $0x3  }
0x385: {  	[tilespmem:v1+s25+$0x0] =	vst.idx.msk $0xffff, v41  }
0x386: {  	v41 =	vld.idx.msk [tilespmem:v42+s18+$0x0], $0xffff  }
0x387: {  	v54 =	vor.u32 $0x100, v40;
	_ =	sdelay $0x3  }
0x388: {  	[tilespmem:v5+s25+$0x0] =	vst.idx.msk $0xffff, v41  }
0x389: {  	v41 =	vld.idx.msk [tilespmem:v54+s18+$0x0], $0xffff  }
0x38a: {  	v55 =	vor.u32 $0x180, v40;
	_ =	sdelay $0x3  }
0x38b: {  	[tilespmem:v6+s25+$0x0] =	vst.idx.msk $0xffff, v41  }
0x38c: {  	v41 =	vld.idx.msk [tilespmem:v55+s18+$0x0], $0xffff  }
0x38d: {  	v56 =	vor.u32 $0x200, v40;
	_ =	sdelay $0x3  }
0x38e: {  	[tilespmem:v7+s25+$0x0] =	vst.idx.msk $0xffff, v41  }
0x38f: {  	v41 =	vld.idx.msk [tilespmem:v56+s18+$0x0], $0xffff  }
0x390: {  	v57 =	vor.u32 $0x280, v40;
	_ =	sdelay $0x3  }
0x391: {  	[tilespmem:v8+s25+$0x0] =	vst.idx.msk $0xffff, v41  }
0x392: {  	v41 =	vld.idx.msk [tilespmem:v57+s18+$0x0], $0xffff  }
0x393: {  	v58 =	vor.u32 $0x300, v40;
	_ =	sdelay $0x3  }
0x394: {  	[tilespmem:v9+s25+$0x0] =	vst.idx.msk $0xffff, v41  }
0x395: {  	v41 =	vld.idx.msk [tilespmem:v58+s18+$0x0], $0xffff  }
0x396: {  	v59 =	vor.u32 $0x380, v40;
	_ =	sdelay $0x3  }
0x397: {  	[tilespmem:v10+s25+$0x0] =	vst.idx.msk $0xffff, v41  }
0x398: {  	v41 =	vld.idx.msk [tilespmem:v59+s18+$0x0], $0xffff  }
0x399: {  	v60 =	vadd.s32 $0x1800, v40;
	_ =	sdelay $0x3  }
0x39a: {  	[tilespmem:v11+s25+$0x0] =	vst.idx.msk $0xffff, v41  }
0x39b: {  	v41 =	vld.idx.msk [tilespmem:v60+s18+$0x0], $0xffff  }
0x39c: {  	v61 =	vadd.s32 $0x1880, v40;
	_ =	sdelay $0x3  }
0x39d: {  	[tilespmem:v12+s25+$0x0] =	vst.idx.msk $0xffff, v41  }
0x39e: {  	v41 =	vld.idx.msk [tilespmem:v61+s18+$0x0], $0xffff  }
0x39f: {  	v62 =	vadd.s32 $0x1900, v40;
	_ =	sdelay $0x3  }
0x3a0: {  	[tilespmem:v13+s25+$0x0] =	vst.idx.msk $0xffff, v41  }
0x3a1: {  	v41 =	vld.idx.msk [tilespmem:v62+s18+$0x0], $0xffff  }
0x3a2: {  	v63 =	vadd.s32 $0x1980, v40;
	_ =	sdelay $0x3  }
0x3a3: {  	[tilespmem:v14+s25+$0x0] =	vst.idx.msk $0xffff, v41  }
0x3a4: {  	v41 =	vld.idx.msk [tilespmem:v63+s18+$0x0], $0xffff  }
0x3a5: {  	v45 =	vadd.s32 $0x1A00, v40;
	_ =	sdelay $0x3  }
0x3a6: {  	[tilespmem:v15+s25+$0x0] =	vst.idx.msk $0xffff, v41  }
0x3a7: {  	v41 =	vld.idx.msk [tilespmem:v45+s18+$0x0], $0xffff  }
0x3a8: {  	v46 =	vadd.s32 $0x1A80, v40;
	_ =	sdelay $0x3  }
0x3a9: {  	[tilespmem:v16+s25+$0x0] =	vst.idx.msk $0xffff, v41  }
0x3aa: {  	v41 =	vld.idx.msk [tilespmem:v46+s18+$0x0], $0xffff  }
0x3ab: {  	v47 =	vadd.s32 $0x1B00, v40;
	_ =	sdelay $0x3  }
0x3ac: {  	[tilespmem:v17+s25+$0x0] =	vst.idx.msk $0xffff, v41  }
0x3ad: {  	v41 =	vld.idx.msk [tilespmem:v47+s18+$0x0], $0xffff  }
0x3ae: {  	v48 =	vadd.s32 $0x1B80, v40;
	_ =	sdelay $0x3  }
0x3af: {  	[tilespmem:v18+s25+$0x0] =	vst.idx.msk $0xffff, v41  }
0x3b0: {  	v41 =	vld.idx.msk [tilespmem:v48+s18+$0x0], $0xffff  }
0x3b1: {  	v49 =	vadd.s32 $0x3000, v40;
	_ =	sdelay $0x3  }
0x3b2: {  	[tilespmem:v19+s25+$0x0] =	vst.idx.msk $0xffff, v41  }
0x3b3: {  	v41 =	vld.idx.msk [tilespmem:v49+s18+$0x0], $0xffff  }
0x3b4: {  	v50 =	vadd.s32 $0x3080, v40;
	_ =	sdelay $0x3  }
0x3b5: {  	[tilespmem:v20+s25+$0x0] =	vst.idx.msk $0xffff, v41  }
0x3b6: {  	v41 =	vld.idx.msk [tilespmem:v50+s18+$0x0], $0xffff  }
0x3b7: {  	v51 =	vadd.s32 $0x3100, v40;
	_ =	sdelay $0x3  }
0x3b8: {  	[tilespmem:v21+s25+$0x0] =	vst.idx.msk $0xffff, v41  }
0x3b9: {  	v41 =	vld.idx.msk [tilespmem:v51+s18+$0x0], $0xffff  }
0x3ba: {  	v52 =	vadd.s32 $0x3180, v40;
	_ =	sdelay $0x3  }
0x3bb: {  	[tilespmem:v22+s25+$0x0] =	vst.idx.msk $0xffff, v41  }
0x3bc: {  	v41 =	vld.idx.msk [tilespmem:v52+s18+$0x0], $0xffff  }
0x3bd: {  	v53 =	vadd.s32 $0x3200, v40;
	_ =	sdelay $0x3  }
0x3be: {  	[tilespmem:v23+s25+$0x0] =	vst.idx.msk $0xffff, v41  }
0x3bf: {  	v41 =	vld.idx.msk [tilespmem:v53+s18+$0x0], $0xffff  }
0x3c0: {  	v54 =	vadd.s32 $0x3280, v40;
	_ =	sdelay $0x3  }
0x3c1: {  	[tilespmem:v24+s25+$0x0] =	vst.idx.msk $0xffff, v41  }
0x3c2: {  	v41 =	vld.idx.msk [tilespmem:v54+s18+$0x0], $0xffff  }
0x3c3: {  	v55 =	vadd.s32 $0x3300, v40;
	_ =	sdelay $0x3  }
0x3c4: {  	[tilespmem:v25+s25+$0x0] =	vst.idx.msk $0xffff, v41  }
0x3c5: {  	v41 =	vld.idx.msk [tilespmem:v55+s18+$0x0], $0xffff  }
0x3c6: {  	v56 =	vadd.s32 $0x3380, v40;
	_ =	sdelay $0x3  }
0x3c7: {  	[tilespmem:v26+s25+$0x0] =	vst.idx.msk $0xffff, v41  }
0x3c8: {  	v41 =	vld.idx.msk [tilespmem:v56+s18+$0x0], $0xffff  }
0x3c9: {  	v57 =	vadd.s32 $0x4800, v40;
	_ =	sdelay $0x3  }
0x3ca: {  	[tilespmem:v27+s25+$0x0] =	vst.idx.msk $0xffff, v41  }
0x3cb: {  	v41 =	vld.idx.msk [tilespmem:v57+s18+$0x0], $0xffff  }
0x3cc: {  	v58 =	vadd.s32 $0x4880, v40;
	_ =	sdelay $0x3  }
0x3cd: {  	[tilespmem:v28+s25+$0x0] =	vst.idx.msk $0xffff, v41  }
0x3ce: {  	v41 =	vld.idx.msk [tilespmem:v58+s18+$0x0], $0xffff  }
0x3cf: {  	v59 =	vadd.s32 $0x4900, v40;
	_ =	sdelay $0x3  }
0x3d0: {  	[tilespmem:v29+s25+$0x0] =	vst.idx.msk $0xffff, v41  }
0x3d1: {  	v41 =	vld.idx.msk [tilespmem:v59+s18+$0x0], $0xffff  }
0x3d2: {  	v60 =	vadd.s32 $0x4980, v40;
	_ =	sdelay $0x3  }
0x3d3: {  	[tilespmem:v30+s25+$0x0] =	vst.idx.msk $0xffff, v41  }
0x3d4: {  	v41 =	vld.idx.msk [tilespmem:v60+s18+$0x0], $0xffff  }
0x3d5: {  	v61 =	vadd.s32 $0x4A00, v40;
	_ =	sdelay $0x3  }
0x3d6: {  	[tilespmem:v31+s25+$0x0] =	vst.idx.msk $0xffff, v41  }
0x3d7: {  	v41 =	vld.idx.msk [tilespmem:v61+s18+$0x0], $0xffff  }
0x3d8: {  	v62 =	vadd.s32 $0x4A80, v40;
	_ =	sdelay $0x3  }
0x3d9: {  	[tilespmem:v32+s25+$0x0] =	vst.idx.msk $0xffff, v41  }
0x3da: {  	v41 =	vld.idx.msk [tilespmem:v62+s18+$0x0], $0xffff  }
0x3db: {  	v63 =	vadd.s32 $0x4B00, v40;
	_ =	sdelay $0x3  }
0x3dc: {  	[tilespmem:v33+s25+$0x0] =	vst.idx.msk $0xffff, v41  }
0x3dd: {  	v41 =	vld.idx.msk [tilespmem:v63+s18+$0x0], $0xffff  }
0x3de: {  	v40 =	vadd.s32 $0x4B80, v40;
	_ =	sdelay $0x3  }
0x3df: {  	[tilespmem:v34+s25+$0x0] =	vst.idx.msk $0xffff, v41  }
0x3e0: {  	v40 =	vld.idx.msk [tilespmem:v40+s18+$0x0], $0xffff;
	_ =	sdelay $0x2  }
.Ltmp32:
0x3e1: {  	_ = 	snop;
	(pc) =	sbr.rel .LBB2_42-.Ltmp32, $4  }
0x3e2: {  	_ = 	snop  }
0x3e3: {  	v39 =	vand.u32 $0x3FFF, v39;
	[tilespmem:v35+s25+$0x0] =	vst.idx.msk $0xffff, v40  }
0x3e4: {  	s4 =	simm.s32 $0x1;
	[tilespmem:$0x1F080] =	vst v39  }
0x3e5: {  	[hbm4b:s7+s23] =	stream.indirect.scatter [tilespmem:s25], [sflag:$0x5], $0x80, s26, s23, $0xb8;
	[tilespmem:$0x1F100] =	vst v63  }
.LBB2_43:
.Ltmp33:
0x3e6: {  	(pc) =	sbr.rel @p1 .LBB2_45-.Ltmp33, $1  }
0x3e7: {  	_ =	sdelay $0x3  }
0x3e8: {  	s2 =	rddreg [dreg:$0x8]  }
.Ltmp34:
0x3e9: {  	s0 =	sadd.s32 s0, s2;
	(pc) =	sbr.rel .LBB2_4-.Ltmp34, $4  }
0x3ea: {  	p1 =	slt.s32 s0, $0xF3F80  }
0x3eb: {  	s30 =	simm.s32 $0x7A1400;
	s0 =	simm.s32 @!p1 $0xF3F80  }
0x3ec: {  	s6 =	simm.s32 $0x1800;
	s3 =	sadd.s32 $0x1, s3;
	s0 =	sadd.s32 s15, s0  }
0x3ed: {  	[tilespmem:s18], [sflag:$0x3] =	stream.strided.gather [hbm4b:s0+s6], $0x6000, s30, s6, $0x38;
	[tilespmem:$0x1F100] =	vst v63  }
.LBB2_6:
.Ltmp35:
0x3ee: {  	(pc) =	sbr.rel .LBB2_10-.Ltmp35, $2  }
0x3ef: {  	_ =	sdelay $0x2  }
0x3f0: {  	s13 =	simm.s32 $0x0;
	s8 =	simm.s32 $0x0  }
.LBB2_19:
.Ltmp36:
0x3f1: {  	(pc) =	sbr.rel .LBB2_23-.Ltmp36, $2  }
0x3f2: {  	_ =	sdelay $0x2  }
0x3f3: {  	s30 =	simm.s32 $0x0;
	s15 =	simm.s32 $0x0  }
.LBB2_32:
.Ltmp37:
0x3f4: {  	(pc) =	sbr.rel .LBB2_36-.Ltmp37, $2  }
0x3f5: {  	_ =	sdelay $0x2  }
0x3f6: {  	s12 =	simm.s32 $0x0;
	s8 =	simm.s32 $0x0  }
.LBB2_8:
.Ltmp38:
0x3f7: {  	(pc) =	sbr.rel .LBB2_10-.Ltmp38, $2  }
0x3f8: {  	_ =	sdelay $0x2  }
0x3f9: {  	s13 =	simm.s32 $0x0;
	s8 =	simm.s32 $0x0  }
.LBB2_21:
.Ltmp39:
0x3fa: {  	(pc) =	sbr.rel .LBB2_23-.Ltmp39, $2  }
0x3fb: {  	_ =	sdelay $0x2  }
0x3fc: {  	s30 =	simm.s32 $0x0;
	s15 =	simm.s32 $0x0  }
.LBB2_34:
.Ltmp40:
0x3fd: {  	(pc) =	sbr.rel .LBB2_36-.Ltmp40, $2  }
0x3fe: {  	_ =	sdelay $0x2  }
0x3ff: {  	s12 =	simm.s32 $0x0;
	s8 =	simm.s32 $0x0  }
.LBB2_46:
0x400: {  	_ =	sfence.sel $0x180000  }
0x401: {  	[bflag:$0x0] =	sbarrier.arrive $0xFFFF  }
0x402: {  	_ =	strace $0x90000047  }
0x403: {  	s0 =	stileid.u32;
	[bflag:$0x2] =	sbarrier.arrive $0xFFFF  }
0x404: {  	p0 =	sne.s32 s0, $0x0;
	s0 =	rddreg [dreg:$0x3]  }
0x405: {  	s0 =	sadd.s32 @!p0 $0x100000, s0  }
0x406: {  	[sflag:s0] =	ssyncadd.tile.s32 @!p0 $0x1;
	_ =	shalt  }
.Lfunc_end2:
_tile_overlayer_lowered:
.L_overlay_start_2:
0x407: {  	(tag) =	ssettag $0x2  }
0x408: {  	s0 =	rddreg [dreg:$0x0];
	s2 =	stileid.u32  }
0x409: {  	s1 =	rddreg [dreg:$0x1];
	p0 =	sne.s32 s2, $0x0  }
0x40a: {  	s3 =	rddreg [dreg:$0x2];
	[bflag:$0x3] =	sbarrier.arrive $0xFFFF;
	s2 =	simm.s32 @!p0 $0x1C06  }
0x40b: {  	[timem:s3], [sflag:s2] =	dma.local @!p0 [hbm:s0], s1  }
0x40c: {  	s0 =	simm.s32 @!p0 $0x6  }
0x40d: {  	_ =	swait.ge @!p0 [sflag:s0], s1  }
0x40e: {  	s1 =	ssub.s32 @!p0 $0x0, s1;
	[sflag:s0] =	ssyncset.done @!p0 $0x0  }
0x40f: {  	[sflag:s0] =	ssyncadd.s32 @!p0 s1  }
0x410: {  	[bflag:$0x3] =	sbarrier.arrive $0xFFFF  }
0x411: {  	_ =	shalt  }

</sc_bundles>
